<compile_context>
chip_gen: v7x
topology: tpu7x:2x2x1
jax: 0.10.2.dev20260603
libtpu: 0.0.44.dev20260713+nightly
codegen_flags: <defaults>
</compile_context>

<pallas_src>
import functools
import jax
import jax.numpy as jnp
from jax import lax
from jax.experimental import pallas as pl
from jax.experimental.pallas import tpu as pltpu
from jax.experimental.pallas import tpu_sc as plsc

N_NODES = 10000
N_EDGES = 320000
D = 128
NPAD = N_NODES
R = 1000
GRID = NPAD // R
NW = 32
EPW = N_EDGES // NW
CH = 80
NCH_W = EPW // CH
U = 8
NT = 15
NB = 4
NI = 8
AI = 4
RPT = 640



def _sc_body(m_hbm, src_hbm, dst_hbm, zero_hbm, out_hbm, *scr):
    sidx = list(scr[0:NI])
    didx = list(scr[NI:2 * NI])
    rows = list(scr[2 * NI:2 * NI + NB])
    acc = scr[2 * NI + NB]
    s_sems = list(scr[2 * NI + NB + 1:3 * NI + NB + 1])
    d_sems = list(scr[3 * NI + NB + 1:4 * NI + NB + 1])
    gsems = list(scr[4 * NI + NB + 1:4 * NI + 2 * NB + 1])
    cid = lax.axis_index("c")
    sid = lax.axis_index("s")
    wid = sid * 2 + cid
    crow = wid * NCH_W

    def start_idx(j, bi):
        pltpu.async_copy(src_hbm.at[crow + j], sidx[bi], s_sems[bi])
        pltpu.async_copy(dst_hbm.at[crow + j], didx[bi], d_sems[bi])

    def wait_idx_s(j, bi):
        pltpu.make_async_copy(src_hbm.at[crow + j], sidx[bi],
                              s_sems[bi]).wait()

    def wait_idx_d(j, bi):
        pltpu.make_async_copy(dst_hbm.at[crow + j], didx[bi],
                              d_sems[bi]).wait()

    def start_gather(bi, b):
        pltpu.async_copy(m_hbm.at[sidx[bi]], rows[b], gsems[b])

    def wait_gather(bi, b):
        pltpu.make_async_copy(m_hbm.at[sidx[bi]], rows[b], gsems[b]).wait()

    def scatter(bi, b):
        pltpu.sync_copy(rows[b], acc.at[didx[bi]], add=True)

    for k in range(AI):
        start_idx(k, k)
    for k in range(NB - 1):
        wait_idx_s(k, k)
        start_gather(k, k)

    r0 = sid * RPT

    @pl.when(sid < 15)
    def _():
        pltpu.sync_copy(zero_hbm, acc.at[pl.ds(r0, RPT)])

    @pl.when(sid == 15)
    def _():
        pltpu.sync_copy(zero_hbm.at[pl.ds(0, NPAD - 15 * RPT)],
                        acc.at[pl.ds(15 * RPT, NPAD - 15 * RPT)])

    plsc.subcore_barrier()

    def step(j, u, gather_next, idx_next):
        bi = u % NI
        b = u % NB
        wait_gather(bi, b)
        wait_idx_d(j, bi)
        scatter(bi, b)
        if gather_next:
            ng = (u + NB - 1) % NI
            wait_idx_s(j + NB - 1, ng)
            start_gather(ng, (u + NB - 1) % NB)
        if idx_next:
            start_idx(j + AI, (u + AI) % NI)

    def body(t, carry):
        for u in range(U):
            step(t * U + u, u, True, True)
        return carry

    lax.fori_loop(0, NT, body, 0)
    for j in range(NT * U, NCH_W):
        step(j, j % U, j + NB - 1 < NCH_W, j + AI < NCH_W)
    plsc.subcore_barrier()

    @pl.when(sid < 15)
    def _():
        pltpu.sync_copy(acc.at[pl.ds(r0, RPT)],
                        out_hbm.at[pl.ds(cid * NPAD + r0, RPT)])

    @pl.when(sid == 15)
    def _():
        pltpu.sync_copy(
            acc.at[pl.ds(15 * RPT, NPAD - 15 * RPT)],
            out_hbm.at[pl.ds(cid * NPAD + 15 * RPT, NPAD - 15 * RPT)])


def _make_sc_scatter():
    mesh = plsc.VectorSubcoreMesh(core_axis_name="c", subcore_axis_name="s")
    return functools.partial(
        pl.kernel,
        mesh=mesh,
        out_type=jax.ShapeDtypeStruct((2 * NPAD, D), jnp.float32),
        scratch_types=(
            [pltpu.VMEM((CH,), jnp.int32) for _ in range(2 * NI)]
            + [pltpu.VMEM((CH, D), jnp.float32) for _ in range(NB)]
            + [pltpu.VMEM_SHARED((NPAD, D), jnp.float32)]
            + [pltpu.SemaphoreType.DMA for _ in range(2 * NI + NB)]
        ),
    )(_sc_body)


_sc_scatter = _make_sc_scatter()



def _k_inproj(x_ref, wt_ref, b_ref, g_ref, h_ref, m_ref):
    h = jnp.dot(x_ref[...], wt_ref[...],
                preferred_element_type=jnp.float32) + b_ref[...]
    h_ref[...] = h
    m_ref[...] = jnp.dot(h, g_ref[...], preferred_element_type=jnp.float32)


def _gru(p0, p1, h, wih, whh, bih, bhh):
    agg = p0 + p1
    gi = jnp.dot(agg, wih, preferred_element_type=jnp.float32) + bih
    gh = jnp.dot(h, whh, preferred_element_type=jnp.float32) + bhh
    r = jax.nn.sigmoid(gi[:, 0:D] + gh[:, 0:D])
    z = jax.nn.sigmoid(gi[:, D:2 * D] + gh[:, D:2 * D])
    n = jnp.tanh(gi[:, 2 * D:3 * D] + r * gh[:, 2 * D:3 * D])
    return (1.0 - z) * n + z * h


def _k_gru_next(p0_ref, p1_ref, h_ref, wih_ref, whh_ref, bih_ref, bhh_ref,
                g_ref, hout_ref, mout_ref):
    h2 = _gru(p0_ref[...], p1_ref[...], h_ref[...], wih_ref[...],
              whh_ref[...], bih_ref[...], bhh_ref[...])
    hout_ref[...] = h2
    mout_ref[...] = jnp.dot(h2, g_ref[...], preferred_element_type=jnp.float32)


def _k_gru_final(p0_ref, p1_ref, h_ref, wih_ref, whh_ref, bih_ref, bhh_ref,
                 owt_ref, ob_ref, out_ref):
    h2 = _gru(p0_ref[...], p1_ref[...], h_ref[...], wih_ref[...],
              whh_ref[...], bih_ref[...], bhh_ref[...])
    h2 = jnp.maximum(h2, 0.0)
    o = jnp.dot(h2, owt_ref[...], preferred_element_type=jnp.float32) + ob_ref[...]
    mx = jnp.max(o, axis=1, keepdims=True)
    lse = jnp.log(jnp.sum(jnp.exp(o - mx), axis=1, keepdims=True)) + mx
    out_ref[...] = o - lse


def _row_spec(off=0):
    return pl.BlockSpec((R, D), lambda i, off=off: (i + off, 0))


def _full_spec(shape):
    return pl.BlockSpec(shape, lambda i: tuple(0 for _ in shape))


def _call_inproj(xp, in_wt, in_b2, g0):
    return pl.pallas_call(
        _k_inproj,
        grid=(GRID,),
        in_specs=[_row_spec(), _full_spec((D, D)), _full_spec((1, D)),
                  _full_spec((D, D))],
        out_specs=[_row_spec(), _row_spec()],
        out_shape=[jax.ShapeDtypeStruct((NPAD, D), jnp.float32),
                   jax.ShapeDtypeStruct((NPAD, D), jnp.float32)],
    )(xp, in_wt, in_b2, g0)


def _call_gru_next(part, h, wih, whh, bih, bhh, g):
    return pl.pallas_call(
        _k_gru_next,
        grid=(GRID,),
        in_specs=[_row_spec(), _row_spec(GRID), _row_spec(),
                  _full_spec((D, 3 * D)), _full_spec((D, 3 * D)),
                  _full_spec((1, 3 * D)), _full_spec((1, 3 * D)),
                  _full_spec((D, D))],
        out_specs=[_row_spec(), _row_spec()],
        out_shape=[jax.ShapeDtypeStruct((NPAD, D), jnp.float32),
                   jax.ShapeDtypeStruct((NPAD, D), jnp.float32)],
    )(part, part, h, wih, whh, bih, bhh, g)


def _call_gru_final(part, h, wih, whh, bih, bhh, owt, ob2):
    return pl.pallas_call(
        _k_gru_final,
        grid=(GRID,),
        in_specs=[_row_spec(), _row_spec(GRID), _row_spec(),
                  _full_spec((D, 3 * D)), _full_spec((D, 3 * D)),
                  _full_spec((1, 3 * D)), _full_spec((1, 3 * D)),
                  _full_spec((D, D)), _full_spec((1, D))],
        out_specs=_row_spec(),
        out_shape=jax.ShapeDtypeStruct((NPAD, D), jnp.float32),
    )(part, part, h, wih, whh, bih, bhh, owt, ob2)



def kernel(x, edge_index, in_W, in_b, gg_weight, W_ih, W_hh, b_ih, b_hh,
           out_W, out_b):
    src2 = edge_index[0].astype(jnp.int32).reshape(NW * NCH_W, CH)
    dst2 = edge_index[1].astype(jnp.int32).reshape(NW * NCH_W, CH)
    xp = x
    in_wt = in_W.T
    wih = W_ih.T
    whh = W_hh.T
    owt = out_W.T
    in_b2 = in_b.reshape(1, D)
    bih2 = b_ih.reshape(1, 3 * D)
    bhh2 = b_hh.reshape(1, 3 * D)
    ob2 = out_b.reshape(1, D)
    zeros = jnp.zeros((RPT, D), jnp.float32)

    h, m = _call_inproj(xp, in_wt, in_b2, gg_weight[0])
    for i in range(3):
        part = _sc_scatter(m, src2, dst2, zeros)
        if i < 2:
            h, m = _call_gru_next(part, h, wih, whh, bih2, bhh2,
                                  gg_weight[i + 1])
        else:
            out = _call_gru_final(part, h, wih, whh, bih2, bhh2, owt, ob2)
    return out

# --- scband reference (transcript-rebuilt; emitter-appended) ---
"""Pipeline reference for scband-gated-gcn-72859825209691 (READ-ONLY COPY).

The authoritative reference and input builder live on the scoring server;
editing this copy changes nothing except your own understanding.
"""

import jax, jax.numpy as jnp
import numpy as np

N_NODES = 10000
N_EDGES = 320000
D = 128
NUM_LAYERS = 3


def setup_inputs(seed: int = 0) -> dict:
    key = jax.random.key(seed)
    ks = jax.random.split(key, 12)
    x = jax.random.normal(ks[0], (N_NODES, D), dtype=jnp.float32)
    edge_index = jax.random.randint(ks[1], (2, N_EDGES), 0, N_NODES, dtype=jnp.int64 if jax.config.jax_enable_x64 else jnp.int32)
    s = 1.0 / np.sqrt(D)
    in_W = jax.random.uniform(ks[2], (D, D), minval=-s, maxval=s, dtype=jnp.float32)
    in_b = jax.random.uniform(ks[3], (D,), minval=-s, maxval=s, dtype=jnp.float32)
    gg_weight = jax.random.uniform(ks[4], (NUM_LAYERS, D, D), minval=-s, maxval=s, dtype=jnp.float32)
    W_ih = jax.random.uniform(ks[5], (3 * D, D), minval=-s, maxval=s, dtype=jnp.float32)
    W_hh = jax.random.uniform(ks[6], (3 * D, D), minval=-s, maxval=s, dtype=jnp.float32)
    b_ih = jax.random.uniform(ks[7], (3 * D,), minval=-s, maxval=s, dtype=jnp.float32)
    b_hh = jax.random.uniform(ks[8], (3 * D,), minval=-s, maxval=s, dtype=jnp.float32)
    out_W = jax.random.uniform(ks[9], (D, D), minval=-s, maxval=s, dtype=jnp.float32)
    out_b = jax.random.uniform(ks[10], (D,), minval=-s, maxval=s, dtype=jnp.float32)
    return {
        "x": x, "edge_index": edge_index,
        "in_W": in_W, "in_b": in_b,
        "gg_weight": gg_weight,
        "W_ih": W_ih, "W_hh": W_hh, "b_ih": b_ih, "b_hh": b_hh,
        "out_W": out_W, "out_b": out_b,
    }


def _gru_cell(m, h, W_ih, W_hh, b_ih, b_hh):
    gi = m @ W_ih.T + b_ih
    gh = h @ W_hh.T + b_hh
    i_r, i_z, i_n = jnp.split(gi, 3, axis=1)
    h_r, h_z, h_n = jnp.split(gh, 3, axis=1)
    r = jax.nn.sigmoid(i_r + h_r)
    z = jax.nn.sigmoid(i_z + h_z)
    n = jnp.tanh(i_n + r * h_n)
    return (1.0 - z) * n + z * h


def reference(x, edge_index, in_W, in_b, gg_weight, W_ih, W_hh, b_ih, b_hh, out_W, out_b):
    # eval mode: dropout is identity
    h = x @ in_W.T + in_b
    src = edge_index[0]
    dst = edge_index[1]
    for i in range(NUM_LAYERS):
        m = h @ gg_weight[i]
        # message from source, scatter-add at destination (PyG flow source_to_target)
        agg = jnp.zeros_like(h).at[dst].add(m[src])
        h = _gru_cell(agg, h, W_ih, W_hh, b_ih, b_hh)
    h = jax.nn.relu(h)
    out = h @ out_W.T + out_b
    return jax.nn.log_softmax(out, axis=1)

if __name__ == "__main__":
    import jax
    _d = setup_inputs()
    print(jax.jit(kernel)(*tuple(_d.values())))

</pallas_src>

<mosaic_0001>
#map = affine_map<(d0, d1) -> (0, 0)>
module attributes {stable_mosaic.version = 14 : i64} {
  func.func @_sc_body(%arg0: i32, %arg1: i32, %arg2: memref<10000x128xf32, #tpu.memory_space<hbm>>, %arg3: memref<4000x80xi32, #tpu.memory_space<hbm>>, %arg4: memref<4000x80xi32, #tpu.memory_space<hbm>>, %arg5: memref<640x128xf32, #tpu.memory_space<hbm>>, %arg6: memref<20000x128xf32, #tpu.memory_space<hbm>>, %arg7: memref<80xi32, #tpu.memory_space<vmem>>, %arg8: memref<80xi32, #tpu.memory_space<vmem>>, %arg9: memref<80xi32, #tpu.memory_space<vmem>>, %arg10: memref<80xi32, #tpu.memory_space<vmem>>, %arg11: memref<80xi32, #tpu.memory_space<vmem>>, %arg12: memref<80xi32, #tpu.memory_space<vmem>>, %arg13: memref<80xi32, #tpu.memory_space<vmem>>, %arg14: memref<80xi32, #tpu.memory_space<vmem>>, %arg15: memref<80xi32, #tpu.memory_space<vmem>>, %arg16: memref<80xi32, #tpu.memory_space<vmem>>, %arg17: memref<80xi32, #tpu.memory_space<vmem>>, %arg18: memref<80xi32, #tpu.memory_space<vmem>>, %arg19: memref<80xi32, #tpu.memory_space<vmem>>, %arg20: memref<80xi32, #tpu.memory_space<vmem>>, %arg21: memref<80xi32, #tpu.memory_space<vmem>>, %arg22: memref<80xi32, #tpu.memory_space<vmem>>, %arg23: memref<80x128xf32, #tpu.memory_space<vmem>>, %arg24: memref<80x128xf32, #tpu.memory_space<vmem>>, %arg25: memref<80x128xf32, #tpu.memory_space<vmem>>, %arg26: memref<80x128xf32, #tpu.memory_space<vmem>>, %arg27: memref<10000x128xf32, #tpu.memory_space<vmem_shared>>, %arg28: memref<!tpu.dma_semaphore, #tpu.memory_space<semaphore_mem>>, %arg29: memref<!tpu.dma_semaphore, #tpu.memory_space<semaphore_mem>>, %arg30: memref<!tpu.dma_semaphore, #tpu.memory_space<semaphore_mem>>, %arg31: memref<!tpu.dma_semaphore, #tpu.memory_space<semaphore_mem>>, %arg32: memref<!tpu.dma_semaphore, #tpu.memory_space<semaphore_mem>>, %arg33: memref<!tpu.dma_semaphore, #tpu.memory_space<semaphore_mem>>, %arg34: memref<!tpu.dma_semaphore, #tpu.memory_space<semaphore_mem>>, %arg35: memref<!tpu.dma_semaphore, #tpu.memory_space<semaphore_mem>>, %arg36: memref<!tpu.dma_semaphore, #tpu.memory_space<semaphore_mem>>, %arg37: memref<!tpu.dma_semaphore, #tpu.memory_space<semaphore_mem>>, %arg38: memref<!tpu.dma_semaphore, #tpu.memory_space<semaphore_mem>>, %arg39: memref<!tpu.dma_semaphore, #tpu.memory_space<semaphore_mem>>, %arg40: memref<!tpu.dma_semaphore, #tpu.memory_space<semaphore_mem>>, %arg41: memref<!tpu.dma_semaphore, #tpu.memory_space<semaphore_mem>>, %arg42: memref<!tpu.dma_semaphore, #tpu.memory_space<semaphore_mem>>, %arg43: memref<!tpu.dma_semaphore, #tpu.memory_space<semaphore_mem>>, %arg44: memref<!tpu.dma_semaphore, #tpu.memory_space<semaphore_mem>>, %arg45: memref<!tpu.dma_semaphore, #tpu.memory_space<semaphore_mem>>, %arg46: memref<!tpu.dma_semaphore, #tpu.memory_space<semaphore_mem>>, %arg47: memref<!tpu.dma_semaphore, #tpu.memory_space<semaphore_mem>>) attributes {dimension_semantics = [#tpu.dimension_semantics<core_parallel>, #tpu.dimension_semantics<subcore_parallel>], iteration_bounds = array<i64: 2, 16>, scalar_prefetch = 0 : i64, scratch_operands = 41 : i64, tpu.core_type = #tpu.core_type<sc_vector_subcore>, window_params = [{transform_indices = #map}, {transform_indices = #map}, {transform_indices = #map}, {transform_indices = #map}, {transform_indices = #map}]} {
    %mul3A = arith.constant 2 : i32
    %mul3A_0 = arith.muli %arg1, %mul3A : i32
    %add3A = arith.addi %mul3A_0, %arg0 : i32
    %mul3A_1 = arith.constant 125 : i32
    %mul3A_2 = arith.muli %add3A, %mul3A_1 : i32
    %add3A_3 = arith.constant 0 : i32
    %add3A_4 = arith.addi %mul3A_2, %add3A_3 : i32
    %dma_start3A = arith.constant 0 : i32
    %dma_start3A_5 = tpu.memref_slice %arg3[%add3A_4, %dma_start3A] : memref<4000x80xi32, #tpu.memory_space<hbm>> -> memref<1x80xi32, #tpu.memory_space<hbm>>
    %dma_start3A_6 = tpu.memref_squeeze %dma_start3A_5 : memref<1x80xi32, #tpu.memory_space<hbm>> -> memref<80xi32, #tpu.memory_space<hbm>>
    %dma_start3A_7 = arith.constant 0 : i32
    %dma_start3A_8 = tpu.memref_slice %arg3[%add3A_4, %dma_start3A_7] : memref<4000x80xi32, #tpu.memory_space<hbm>> -> memref<1x80xi32, #tpu.memory_space<hbm>>
    %dma_start3A_9 = tpu.memref_squeeze %dma_start3A_8 : memref<1x80xi32, #tpu.memory_space<hbm>> -> memref<80xi32, #tpu.memory_space<hbm>>
    tpu.enqueue_dma source(%dma_start3A_9 : memref<80xi32, #tpu.memory_space<hbm>>) target(%arg7 : memref<80xi32, #tpu.memory_space<vmem>>) target_semaphore(%arg28 : memref<!tpu.dma_semaphore, #tpu.memory_space<semaphore_mem>>)
    %add3A_10 = arith.constant 0 : i32
    %add3A_11 = arith.addi %mul3A_2, %add3A_10 : i32
    %dma_start3A_12 = arith.constant 0 : i32
    %dma_start3A_13 = tpu.memref_slice %arg4[%add3A_11, %dma_start3A_12] : memref<4000x80xi32, #tpu.memory_space<hbm>> -> memref<1x80xi32, #tpu.memory_space<hbm>>
    %dma_start3A_14 = tpu.memref_squeeze %dma_start3A_13 : memref<1x80xi32, #tpu.memory_space<hbm>> -> memref<80xi32, #tpu.memory_space<hbm>>
    %dma_start3A_15 = arith.constant 0 : i32
    %dma_start3A_16 = tpu.memref_slice %arg4[%add3A_11, %dma_start3A_15] : memref<4000x80xi32, #tpu.memory_space<hbm>> -> memref<1x80xi32, #tpu.memory_space<hbm>>
    %dma_start3A_17 = tpu.memref_squeeze %dma_start3A_16 : memref<1x80xi32, #tpu.memory_space<hbm>> -> memref<80xi32, #tpu.memory_space<hbm>>
    tpu.enqueue_dma source(%dma_start3A_17 : memref<80xi32, #tpu.memory_space<hbm>>) target(%arg15 : memref<80xi32, #tpu.memory_space<vmem>>) target_semaphore(%arg36 : memref<!tpu.dma_semaphore, #tpu.memory_space<semaphore_mem>>)
    %add3A_18 = arith.constant 1 : i32
    %add3A_19 = arith.addi %mul3A_2, %add3A_18 : i32
    %dma_start3A_20 = arith.constant 0 : i32
    %dma_start3A_21 = tpu.memref_slice %arg3[%add3A_19, %dma_start3A_20] : memref<4000x80xi32, #tpu.memory_space<hbm>> -> memref<1x80xi32, #tpu.memory_space<hbm>>
    %dma_start3A_22 = tpu.memref_squeeze %dma_start3A_21 : memref<1x80xi32, #tpu.memory_space<hbm>> -> memref<80xi32, #tpu.memory_space<hbm>>
    %dma_start3A_23 = arith.constant 0 : i32
    %dma_start3A_24 = tpu.memref_slice %arg3[%add3A_19, %dma_start3A_23] : memref<4000x80xi32, #tpu.memory_space<hbm>> -> memref<1x80xi32, #tpu.memory_space<hbm>>
    %dma_start3A_25 = tpu.memref_squeeze %dma_start3A_24 : memref<1x80xi32, #tpu.memory_space<hbm>> -> memref<80xi32, #tpu.memory_space<hbm>>
    tpu.enqueue_dma source(%dma_start3A_25 : memref<80xi32, #tpu.memory_space<hbm>>) target(%arg8 : memref<80xi32, #tpu.memory_space<vmem>>) target_semaphore(%arg29 : memref<!tpu.dma_semaphore, #tpu.memory_space<semaphore_mem>>)
    %add3A_26 = arith.constant 1 : i32
    %add3A_27 = arith.addi %mul3A_2, %add3A_26 : i32
    %dma_start3A_28 = arith.constant 0 : i32
    %dma_start3A_29 = tpu.memref_slice %arg4[%add3A_27, %dma_start3A_28] : memref<4000x80xi32, #tpu.memory_space<hbm>> -> memref<1x80xi32, #tpu.memory_space<hbm>>
    %dma_start3A_30 = tpu.memref_squeeze %dma_start3A_29 : memref<1x80xi32, #tpu.memory_space<hbm>> -> memref<80xi32, #tpu.memory_space<hbm>>
    %dma_start3A_31 = arith.constant 0 : i32
    %dma_start3A_32 = tpu.memref_slice %arg4[%add3A_27, %dma_start3A_31] : memref<4000x80xi32, #tpu.memory_space<hbm>> -> memref<1x80xi32, #tpu.memory_space<hbm>>
    %dma_start3A_33 = tpu.memref_squeeze %dma_start3A_32 : memref<1x80xi32, #tpu.memory_space<hbm>> -> memref<80xi32, #tpu.memory_space<hbm>>
    tpu.enqueue_dma source(%dma_start3A_33 : memref<80xi32, #tpu.memory_space<hbm>>) target(%arg16 : memref<80xi32, #tpu.memory_space<vmem>>) target_semaphore(%arg37 : memref<!tpu.dma_semaphore, #tpu.memory_space<semaphore_mem>>)
    %add3A_34 = arith.constant 2 : i32
    %add3A_35 = arith.addi %mul3A_2, %add3A_34 : i32
    %dma_start3A_36 = arith.constant 0 : i32
    %dma_start3A_37 = tpu.memref_slice %arg3[%add3A_35, %dma_start3A_36] : memref<4000x80xi32, #tpu.memory_space<hbm>> -> memref<1x80xi32, #tpu.memory_space<hbm>>
    %dma_start3A_38 = tpu.memref_squeeze %dma_start3A_37 : memref<1x80xi32, #tpu.memory_space<hbm>> -> memref<80xi32, #tpu.memory_space<hbm>>
    %dma_start3A_39 = arith.constant 0 : i32
    %dma_start3A_40 = tpu.memref_slice %arg3[%add3A_35, %dma_start3A_39] : memref<4000x80xi32, #tpu.memory_space<hbm>> -> memref<1x80xi32, #tpu.memory_space<hbm>>
    %dma_start3A_41 = tpu.memref_squeeze %dma_start3A_40 : memref<1x80xi32, #tpu.memory_space<hbm>> -> memref<80xi32, #tpu.memory_space<hbm>>
    tpu.enqueue_dma source(%dma_start3A_41 : memref<80xi32, #tpu.memory_space<hbm>>) target(%arg9 : memref<80xi32, #tpu.memory_space<vmem>>) target_semaphore(%arg30 : memref<!tpu.dma_semaphore, #tpu.memory_space<semaphore_mem>>)
    %add3A_42 = arith.constant 2 : i32
    %add3A_43 = arith.addi %mul3A_2, %add3A_42 : i32
    %dma_start3A_44 = arith.constant 0 : i32
    %dma_start3A_45 = tpu.memref_slice %arg4[%add3A_43, %dma_start3A_44] : memref<4000x80xi32, #tpu.memory_space<hbm>> -> memref<1x80xi32, #tpu.memory_space<hbm>>
    %dma_start3A_46 = tpu.memref_squeeze %dma_start3A_45 : memref<1x80xi32, #tpu.memory_space<hbm>> -> memref<80xi32, #tpu.memory_space<hbm>>
    %dma_start3A_47 = arith.constant 0 : i32
    %dma_start3A_48 = tpu.memref_slice %arg4[%add3A_43, %dma_start3A_47] : memref<4000x80xi32, #tpu.memory_space<hbm>> -> memref<1x80xi32, #tpu.memory_space<hbm>>
    %dma_start3A_49 = tpu.memref_squeeze %dma_start3A_48 : memref<1x80xi32, #tpu.memory_space<hbm>> -> memref<80xi32, #tpu.memory_space<hbm>>
    tpu.enqueue_dma source(%dma_start3A_49 : memref<80xi32, #tpu.memory_space<hbm>>) target(%arg17 : memref<80xi32, #tpu.memory_space<vmem>>) target_semaphore(%arg38 : memref<!tpu.dma_semaphore, #tpu.memory_space<semaphore_mem>>)
    %add3A_50 = arith.constant 3 : i32
    %add3A_51 = arith.addi %mul3A_2, %add3A_50 : i32
    %dma_start3A_52 = arith.constant 0 : i32
    %dma_start3A_53 = tpu.memref_slice %arg3[%add3A_51, %dma_start3A_52] : memref<4000x80xi32, #tpu.memory_space<hbm>> -> memref<1x80xi32, #tpu.memory_space<hbm>>
    %dma_start3A_54 = tpu.memref_squeeze %dma_start3A_53 : memref<1x80xi32, #tpu.memory_space<hbm>> -> memref<80xi32, #tpu.memory_space<hbm>>
    %dma_start3A_55 = arith.constant 0 : i32
    %dma_start3A_56 = tpu.memref_slice %arg3[%add3A_51, %dma_start3A_55] : memref<4000x80xi32, #tpu.memory_space<hbm>> -> memref<1x80xi32, #tpu.memory_space<hbm>>
    %dma_start3A_57 = tpu.memref_squeeze %dma_start3A_56 : memref<1x80xi32, #tpu.memory_space<hbm>> -> memref<80xi32, #tpu.memory_space<hbm>>
    tpu.enqueue_dma source(%dma_start3A_57 : memref<80xi32, #tpu.memory_space<hbm>>) target(%arg10 : memref<80xi32, #tpu.memory_space<vmem>>) target_semaphore(%arg31 : memref<!tpu.dma_semaphore, #tpu.memory_space<semaphore_mem>>)
    %add3A_58 = arith.constant 3 : i32
    %add3A_59 = arith.addi %mul3A_2, %add3A_58 : i32
    %dma_start3A_60 = arith.constant 0 : i32
    %dma_start3A_61 = tpu.memref_slice %arg4[%add3A_59, %dma_start3A_60] : memref<4000x80xi32, #tpu.memory_space<hbm>> -> memref<1x80xi32, #tpu.memory_space<hbm>>
    %dma_start3A_62 = tpu.memref_squeeze %dma_start3A_61 : memref<1x80xi32, #tpu.memory_space<hbm>> -> memref<80xi32, #tpu.memory_space<hbm>>
    %dma_start3A_63 = arith.constant 0 : i32
    %dma_start3A_64 = tpu.memref_slice %arg4[%add3A_59, %dma_start3A_63] : memref<4000x80xi32, #tpu.memory_space<hbm>> -> memref<1x80xi32, #tpu.memory_space<hbm>>
    %dma_start3A_65 = tpu.memref_squeeze %dma_start3A_64 : memref<1x80xi32, #tpu.memory_space<hbm>> -> memref<80xi32, #tpu.memory_space<hbm>>
    tpu.enqueue_dma source(%dma_start3A_65 : memref<80xi32, #tpu.memory_space<hbm>>) target(%arg18 : memref<80xi32, #tpu.memory_space<vmem>>) target_semaphore(%arg39 : memref<!tpu.dma_semaphore, #tpu.memory_space<semaphore_mem>>)
    %add3A_66 = arith.constant 0 : i32
    %add3A_67 = arith.addi %mul3A_2, %add3A_66 : i32
    %dma_wait3A = arith.constant 0 : i32
    %dma_wait3A_68 = tpu.memref_slice %arg3[%add3A_67, %dma_wait3A] : memref<4000x80xi32, #tpu.memory_space<hbm>> -> memref<1x80xi32, #tpu.memory_space<hbm>>
    %dma_wait3A_69 = tpu.memref_squeeze %dma_wait3A_68 : memref<1x80xi32, #tpu.memory_space<hbm>> -> memref<80xi32, #tpu.memory_space<hbm>>
    %dma_wait3A_70 = arith.constant 0 : i32
    %dma_wait3A_71 = tpu.memref_slice %arg3[%add3A_67, %dma_wait3A_70] : memref<4000x80xi32, #tpu.memory_space<hbm>> -> memref<1x80xi32, #tpu.memory_space<hbm>>
    %dma_wait3A_72 = tpu.memref_squeeze %dma_wait3A_71 : memref<1x80xi32, #tpu.memory_space<hbm>> -> memref<80xi32, #tpu.memory_space<hbm>>
    tpu.wait_dma2 semaphore(%arg28 : memref<!tpu.dma_semaphore, #tpu.memory_space<semaphore_mem>>) src(%dma_wait3A_72 : memref<80xi32, #tpu.memory_space<hbm>>) dst(%arg7 : memref<80xi32, #tpu.memory_space<vmem>>)
    %dma_start3A_73 = arith.constant 0 : i32
    %dma_start3A_74 = arith.constant 0 : i32
    %dma_start3A_75 = tpu.memref_slice %arg2[%dma_start3A_73, %dma_start3A_74] : memref<10000x128xf32, #tpu.memory_space<hbm>> -> memref<10000x128xf32, #tpu.memory_space<hbm>>
    tpu.enqueue_indirect_dma source(%dma_start3A_75 : memref<10000x128xf32, #tpu.memory_space<hbm>>) target(%arg23 : memref<80x128xf32, #tpu.memory_space<vmem>>) offsets(%arg7 : memref<80xi32, #tpu.memory_space<vmem>>) semaphore(%arg44 : memref<!tpu.dma_semaphore, #tpu.memory_space<semaphore_mem>>)
    %add3A_76 = arith.constant 1 : i32
    %add3A_77 = arith.addi %mul3A_2, %add3A_76 : i32
    %dma_wait3A_78 = arith.constant 0 : i32
    %dma_wait3A_79 = tpu.memref_slice %arg3[%add3A_77, %dma_wait3A_78] : memref<4000x80xi32, #tpu.memory_space<hbm>> -> memref<1x80xi32, #tpu.memory_space<hbm>>
    %dma_wait3A_80 = tpu.memref_squeeze %dma_wait3A_79 : memref<1x80xi32, #tpu.memory_space<hbm>> -> memref<80xi32, #tpu.memory_space<hbm>>
    %dma_wait3A_81 = arith.constant 0 : i32
    %dma_wait3A_82 = tpu.memref_slice %arg3[%add3A_77, %dma_wait3A_81] : memref<4000x80xi32, #tpu.memory_space<hbm>> -> memref<1x80xi32, #tpu.memory_space<hbm>>
    %dma_wait3A_83 = tpu.memref_squeeze %dma_wait3A_82 : memref<1x80xi32, #tpu.memory_space<hbm>> -> memref<80xi32, #tpu.memory_space<hbm>>
    tpu.wait_dma2 semaphore(%arg29 : memref<!tpu.dma_semaphore, #tpu.memory_space<semaphore_mem>>) src(%dma_wait3A_83 : memref<80xi32, #tpu.memory_space<hbm>>) dst(%arg8 : memref<80xi32, #tpu.memory_space<vmem>>)
    %dma_start3A_84 = arith.constant 0 : i32
    %dma_start3A_85 = arith.constant 0 : i32
    %dma_start3A_86 = tpu.memref_slice %arg2[%dma_start3A_84, %dma_start3A_85] : memref<10000x128xf32, #tpu.memory_space<hbm>> -> memref<10000x128xf32, #tpu.memory_space<hbm>>
    tpu.enqueue_indirect_dma source(%dma_start3A_86 : memref<10000x128xf32, #tpu.memory_space<hbm>>) target(%arg24 : memref<80x128xf32, #tpu.memory_space<vmem>>) offsets(%arg8 : memref<80xi32, #tpu.memory_space<vmem>>) semaphore(%arg45 : memref<!tpu.dma_semaphore, #tpu.memory_space<semaphore_mem>>)
    %add3A_87 = arith.constant 2 : i32
    %add3A_88 = arith.addi %mul3A_2, %add3A_87 : i32
    %dma_wait3A_89 = arith.constant 0 : i32
    %dma_wait3A_90 = tpu.memref_slice %arg3[%add3A_88, %dma_wait3A_89] : memref<4000x80xi32, #tpu.memory_space<hbm>> -> memref<1x80xi32, #tpu.memory_space<hbm>>
    %dma_wait3A_91 = tpu.memref_squeeze %dma_wait3A_90 : memref<1x80xi32, #tpu.memory_space<hbm>> -> memref<80xi32, #tpu.memory_space<hbm>>
    %dma_wait3A_92 = arith.constant 0 : i32
    %dma_wait3A_93 = tpu.memref_slice %arg3[%add3A_88, %dma_wait3A_92] : memref<4000x80xi32, #tpu.memory_space<hbm>> -> memref<1x80xi32, #tpu.memory_space<hbm>>
    %dma_wait3A_94 = tpu.memref_squeeze %dma_wait3A_93 : memref<1x80xi32, #tpu.memory_space<hbm>> -> memref<80xi32, #tpu.memory_space<hbm>>
    tpu.wait_dma2 semaphore(%arg30 : memref<!tpu.dma_semaphore, #tpu.memory_space<semaphore_mem>>) src(%dma_wait3A_94 : memref<80xi32, #tpu.memory_space<hbm>>) dst(%arg9 : memref<80xi32, #tpu.memory_space<vmem>>)
    %dma_start3A_95 = arith.constant 0 : i32
    %dma_start3A_96 = arith.constant 0 : i32
    %dma_start3A_97 = tpu.memref_slice %arg2[%dma_start3A_95, %dma_start3A_96] : memref<10000x128xf32, #tpu.memory_space<hbm>> -> memref<10000x128xf32, #tpu.memory_space<hbm>>
    tpu.enqueue_indirect_dma source(%dma_start3A_97 : memref<10000x128xf32, #tpu.memory_space<hbm>>) target(%arg25 : memref<80x128xf32, #tpu.memory_space<vmem>>) offsets(%arg9 : memref<80xi32, #tpu.memory_space<vmem>>) semaphore(%arg46 : memref<!tpu.dma_semaphore, #tpu.memory_space<semaphore_mem>>)
    %mul3A_98 = arith.constant 640 : i32
    %mul3A_99 = arith.muli %arg1, %mul3A_98 : i32
    %lt3A = arith.constant 15 : i32
    %lt3A_100 = arith.cmpi slt, %arg1, %lt3A : i32
    %convert_element_type3A = arith.extui %lt3A_100 : i1 to i32
    %cond3A = arith.constant 0 : i32
    %cond3A_101 = arith.cmpi ne, %convert_element_type3A, %cond3A : i32
    scf.if %cond3A_101 {
      "tpu.region"() ({
        %run_scoped3A = tpu.sem_alloc : memref<!tpu.dma_semaphore, #tpu.memory_space<semaphore_mem>>
        %dma_start3A_215 = arith.constant 0 : i32
        %dma_start3A_216 = tpu.memref_slice %arg27[%mul3A_99, %dma_start3A_215] : memref<10000x128xf32, #tpu.memory_space<vmem_shared>> -> memref<640x128xf32, #tpu.memory_space<vmem_shared>>
        tpu.enqueue_dma source(%arg5 : memref<640x128xf32, #tpu.memory_space<hbm>>) target(%dma_start3A_216 : memref<640x128xf32, #tpu.memory_space<vmem_shared>>) target_semaphore(%run_scoped3A : memref<!tpu.dma_semaphore, #tpu.memory_space<semaphore_mem>>)
        %dma_wait3A_217 = arith.constant 0 : i32
        %dma_wait3A_218 = tpu.memref_slice %arg27[%mul3A_99, %dma_wait3A_217] : memref<10000x128xf32, #tpu.memory_space<vmem_shared>> -> memref<640x128xf32, #tpu.memory_space<vmem_shared>>
        tpu.wait_dma2 semaphore(%run_scoped3A : memref<!tpu.dma_semaphore, #tpu.memory_space<semaphore_mem>>) src(%arg5 : memref<640x128xf32, #tpu.memory_space<hbm>>) dst(%dma_wait3A_218 : memref<640x128xf32, #tpu.memory_space<vmem_shared>>)
        tpu.yield
      }) : () -> ()
    } else {
    }
    %eq3A = arith.constant 15 : i32
    %eq3A_102 = arith.cmpi eq, %arg1, %eq3A : i32
    %convert_element_type3A_103 = arith.extui %eq3A_102 : i1 to i32
    %cond3A_104 = arith.constant 0 : i32
    %cond3A_105 = arith.cmpi ne, %convert_element_type3A_103, %cond3A_104 : i32
    scf.if %cond3A_105 {
      "tpu.region"() ({
        %run_scoped3A = tpu.sem_alloc : memref<!tpu.dma_semaphore, #tpu.memory_space<semaphore_mem>>
        %dma_start3A_215 = arith.constant 9600 : i32
        %dma_start3A_216 = arith.constant 0 : i32
        %dma_start3A_217 = tpu.memref_slice %arg27[%dma_start3A_215, %dma_start3A_216] : memref<10000x128xf32, #tpu.memory_space<vmem_shared>> -> memref<400x128xf32, #tpu.memory_space<vmem_shared>>
        %dma_start3A_218 = arith.constant 0 : i32
        %dma_start3A_219 = arith.constant 0 : i32
        %dma_start3A_220 = tpu.memref_slice %arg5[%dma_start3A_218, %dma_start3A_219] : memref<640x128xf32, #tpu.memory_space<hbm>> -> memref<400x128xf32, #tpu.memory_space<hbm>>
        tpu.enqueue_dma source(%dma_start3A_220 : memref<400x128xf32, #tpu.memory_space<hbm>>) target(%dma_start3A_217 : memref<400x128xf32, #tpu.memory_space<vmem_shared>>) target_semaphore(%run_scoped3A : memref<!tpu.dma_semaphore, #tpu.memory_space<semaphore_mem>>)
        %dma_wait3A_221 = arith.constant 9600 : i32
        %dma_wait3A_222 = arith.constant 0 : i32
        %dma_wait3A_223 = tpu.memref_slice %arg27[%dma_wait3A_221, %dma_wait3A_222] : memref<10000x128xf32, #tpu.memory_space<vmem_shared>> -> memref<400x128xf32, #tpu.memory_space<vmem_shared>>
        %dma_wait3A_224 = arith.constant 0 : i32
        %dma_wait3A_225 = arith.constant 0 : i32
        %dma_wait3A_226 = tpu.memref_slice %arg5[%dma_wait3A_224, %dma_wait3A_225] : memref<640x128xf32, #tpu.memory_space<hbm>> -> memref<400x128xf32, #tpu.memory_space<hbm>>
        tpu.wait_dma2 semaphore(%run_scoped3A : memref<!tpu.dma_semaphore, #tpu.memory_space<semaphore_mem>>) src(%dma_wait3A_226 : memref<400x128xf32, #tpu.memory_space<hbm>>) dst(%dma_wait3A_223 : memref<400x128xf32, #tpu.memory_space<vmem_shared>>)
        tpu.yield
      }) : () -> ()
    } else {
    }
    %barrier3A = arith.constant 0 : index
    tpu.barrier barrier_id(%barrier3A)
    %scan3A = arith.constant 0 : i32
    %scan3A_106 = arith.constant 0 : i32
    %scan3A_107 = arith.constant 15 : i32
    %scan3A_108 = arith.addi %scan3A_106, %scan3A_107 : i32
    %scan3A_109 = arith.constant 1 : i32
    scf.for %scan3A_215 = %scan3A_106 to %scan3A_108 step %scan3A_109  : i32 {
      %mul3A_216 = arith.constant 8 : i32
      %mul3A_217 = arith.muli %scan3A_215, %mul3A_216 : i32
      %add3A_218 = arith.constant 0 : i32
      %add3A_219 = arith.addi %mul3A_217, %add3A_218 : i32
      %dma_wait3A_220 = arith.constant 0 : i32
      %dma_wait3A_221 = arith.constant 0 : i32
      %dma_wait3A_222 = tpu.memref_slice %arg2[%dma_wait3A_220, %dma_wait3A_221] : memref<10000x128xf32, #tpu.memory_space<hbm>> -> memref<10000x128xf32, #tpu.memory_space<hbm>>
      tpu.wait_indirect_dma semaphore(%arg44 : memref<!tpu.dma_semaphore, #tpu.memory_space<semaphore_mem>>) src(%dma_wait3A_222 : memref<10000x128xf32, #tpu.memory_space<hbm>>) dst(%arg23 : memref<80x128xf32, #tpu.memory_space<vmem>>)
      %add3A_223 = arith.addi %mul3A_2, %add3A_219 : i32
      %dma_wait3A_224 = arith.constant 0 : i32
      %dma_wait3A_225 = tpu.memref_slice %arg4[%add3A_223, %dma_wait3A_224] : memref<4000x80xi32, #tpu.memory_space<hbm>> -> memref<1x80xi32, #tpu.memory_space<hbm>>
      %dma_wait3A_226 = tpu.memref_squeeze %dma_wait3A_225 : memref<1x80xi32, #tpu.memory_space<hbm>> -> memref<80xi32, #tpu.memory_space<hbm>>
      %dma_wait3A_227 = arith.constant 0 : i32
      %dma_wait3A_228 = tpu.memref_slice %arg4[%add3A_223, %dma_wait3A_227] : memref<4000x80xi32, #tpu.memory_space<hbm>> -> memref<1x80xi32, #tpu.memory_space<hbm>>
      %dma_wait3A_229 = tpu.memref_squeeze %dma_wait3A_228 : memref<1x80xi32, #tpu.memory_space<hbm>> -> memref<80xi32, #tpu.memory_space<hbm>>
      tpu.wait_dma2 semaphore(%arg36 : memref<!tpu.dma_semaphore, #tpu.memory_space<semaphore_mem>>) src(%dma_wait3A_229 : memref<80xi32, #tpu.memory_space<hbm>>) dst(%arg15 : memref<80xi32, #tpu.memory_space<vmem>>)
      "tpu.region"() ({
        %run_scoped3A = tpu.sem_alloc : memref<!tpu.dma_semaphore, #tpu.memory_space<semaphore_mem>>
        %dma_start3A_567 = arith.constant 0 : i32
        %dma_start3A_568 = arith.constant 0 : i32
        %dma_start3A_569 = tpu.memref_slice %arg27[%dma_start3A_567, %dma_start3A_568] : memref<10000x128xf32, #tpu.memory_space<vmem_shared>> -> memref<10000x128xf32, #tpu.memory_space<vmem_shared>>
        tpu.enqueue_indirect_dma source(%arg23 : memref<80x128xf32, #tpu.memory_space<vmem>>) target(%dma_start3A_569 : memref<10000x128xf32, #tpu.memory_space<vmem_shared>>) offsets(%arg15 : memref<80xi32, #tpu.memory_space<vmem>>) semaphore(%run_scoped3A : memref<!tpu.dma_semaphore, #tpu.memory_space<semaphore_mem>>) {add = true}
        %dma_wait3A_570 = arith.constant 0 : i32
        %dma_wait3A_571 = arith.constant 0 : i32
        %dma_wait3A_572 = tpu.memref_slice %arg27[%dma_wait3A_570, %dma_wait3A_571] : memref<10000x128xf32, #tpu.memory_space<vmem_shared>> -> memref<10000x128xf32, #tpu.memory_space<vmem_shared>>
        tpu.wait_indirect_dma semaphore(%run_scoped3A : memref<!tpu.dma_semaphore, #tpu.memory_space<semaphore_mem>>) src(%arg23 : memref<80x128xf32, #tpu.memory_space<vmem>>) dst(%dma_wait3A_572 : memref<10000x128xf32, #tpu.memory_space<vmem_shared>>)
        tpu.yield
      }) : () -> ()
      %add3A_230 = arith.constant 4 : i32
      %add3A_231 = arith.addi %add3A_219, %add3A_230 : i32
      %sub3A = arith.constant 1 : i32
      %sub3A_232 = arith.subi %add3A_231, %sub3A : i32
      %add3A_233 = arith.addi %mul3A_2, %sub3A_232 : i32
      %dma_wait3A_234 = arith.constant 0 : i32
      %dma_wait3A_235 = tpu.memref_slice %arg3[%add3A_233, %dma_wait3A_234] : memref<4000x80xi32, #tpu.memory_space<hbm>> -> memref<1x80xi32, #tpu.memory_space<hbm>>
      %dma_wait3A_236 = tpu.memref_squeeze %dma_wait3A_235 : memref<1x80xi32, #tpu.memory_space<hbm>> -> memref<80xi32, #tpu.memory_space<hbm>>
      %dma_wait3A_237 = arith.constant 0 : i32
      %dma_wait3A_238 = tpu.memref_slice %arg3[%add3A_233, %dma_wait3A_237] : memref<4000x80xi32, #tpu.memory_space<hbm>> -> memref<1x80xi32, #tpu.memory_space<hbm>>
      %dma_wait3A_239 = tpu.memref_squeeze %dma_wait3A_238 : memref<1x80xi32, #tpu.memory_space<hbm>> -> memref<80xi32, #tpu.memory_space<hbm>>
      tpu.wait_dma2 semaphore(%arg31 : memref<!tpu.dma_semaphore, #tpu.memory_space<semaphore_mem>>) src(%dma_wait3A_239 : memref<80xi32, #tpu.memory_space<hbm>>) dst(%arg10 : memref<80xi32, #tpu.memory_space<vmem>>)
      %dma_start3A_240 = arith.constant 0 : i32
      %dma_start3A_241 = arith.constant 0 : i32
      %dma_start3A_242 = tpu.memref_slice %arg2[%dma_start3A_240, %dma_start3A_241] : memref<10000x128xf32, #tpu.memory_space<hbm>> -> memref<10000x128xf32, #tpu.memory_space<hbm>>
      tpu.enqueue_indirect_dma source(%dma_start3A_242 : memref<10000x128xf32, #tpu.memory_space<hbm>>) target(%arg26 : memref<80x128xf32, #tpu.memory_space<vmem>>) offsets(%arg10 : memref<80xi32, #tpu.memory_space<vmem>>) semaphore(%arg47 : memref<!tpu.dma_semaphore, #tpu.memory_space<semaphore_mem>>)
      %add3A_243 = arith.constant 4 : i32
      %add3A_244 = arith.addi %add3A_219, %add3A_243 : i32
      %add3A_245 = arith.addi %mul3A_2, %add3A_244 : i32
      %dma_start3A_246 = arith.constant 0 : i32
      %dma_start3A_247 = tpu.memref_slice %arg3[%add3A_245, %dma_start3A_246] : memref<4000x80xi32, #tpu.memory_space<hbm>> -> memref<1x80xi32, #tpu.memory_space<hbm>>
      %dma_start3A_248 = tpu.memref_squeeze %dma_start3A_247 : memref<1x80xi32, #tpu.memory_space<hbm>> -> memref<80xi32, #tpu.memory_space<hbm>>
      %dma_start3A_249 = arith.constant 0 : i32
      %dma_start3A_250 = tpu.memref_slice %arg3[%add3A_245, %dma_start3A_249] : memref<4000x80xi32, #tpu.memory_space<hbm>> -> memref<1x80xi32, #tpu.memory_space<hbm>>
      %dma_start3A_251 = tpu.memref_squeeze %dma_start3A_250 : memref<1x80xi32, #tpu.memory_space<hbm>> -> memref<80xi32, #tpu.memory_space<hbm>>
      tpu.enqueue_dma source(%dma_start3A_251 : memref<80xi32, #tpu.memory_space<hbm>>) target(%arg11 : memref<80xi32, #tpu.memory_space<vmem>>) target_semaphore(%arg32 : memref<!tpu.dma_semaphore, #tpu.memory_space<semaphore_mem>>)
      %add3A_252 = arith.addi %mul3A_2, %add3A_244 : i32
      %dma_start3A_253 = arith.constant 0 : i32
      %dma_start3A_254 = tpu.memref_slice %arg4[%add3A_252, %dma_start3A_253] : memref<4000x80xi32, #tpu.memory_space<hbm>> -> memref<1x80xi32, #tpu.memory_space<hbm>>
      %dma_start3A_255 = tpu.memref_squeeze %dma_start3A_254 : memref<1x80xi32, #tpu.memory_space<hbm>> -> memref<80xi32, #tpu.memory_space<hbm>>
      %dma_start3A_256 = arith.constant 0 : i32
      %dma_start3A_257 = tpu.memref_slice %arg4[%add3A_252, %dma_start3A_256] : memref<4000x80xi32, #tpu.memory_space<hbm>> -> memref<1x80xi32, #tpu.memory_space<hbm>>
      %dma_start3A_258 = tpu.memref_squeeze %dma_start3A_257 : memref<1x80xi32, #tpu.memory_space<hbm>> -> memref<80xi32, #tpu.memory_space<hbm>>
      tpu.enqueue_dma source(%dma_start3A_258 : memref<80xi32, #tpu.memory_space<hbm>>) target(%arg19 : memref<80xi32, #tpu.memory_space<vmem>>) target_semaphore(%arg40 : memref<!tpu.dma_semaphore, #tpu.memory_space<semaphore_mem>>)
      %mul3A_259 = arith.constant 8 : i32
      %mul3A_260 = arith.muli %scan3A_215, %mul3A_259 : i32
      %add3A_261 = arith.constant 1 : i32
      %add3A_262 = arith.addi %mul3A_260, %add3A_261 : i32
      %dma_wait3A_263 = arith.constant 0 : i32
      %dma_wait3A_264 = arith.constant 0 : i32
      %dma_wait3A_265 = tpu.memref_slice %arg2[%dma_wait3A_263, %dma_wait3A_264] : memref<10000x128xf32, #tpu.memory_space<hbm>> -> memref<10000x128xf32, #tpu.memory_space<hbm>>
      tpu.wait_indirect_dma semaphore(%arg45 : memref<!tpu.dma_semaphore, #tpu.memory_space<semaphore_mem>>) src(%dma_wait3A_265 : memref<10000x128xf32, #tpu.memory_space<hbm>>) dst(%arg24 : memref<80x128xf32, #tpu.memory_space<vmem>>)
      %add3A_266 = arith.addi %mul3A_2, %add3A_262 : i32
      %dma_wait3A_267 = arith.constant 0 : i32
      %dma_wait3A_268 = tpu.memref_slice %arg4[%add3A_266, %dma_wait3A_267] : memref<4000x80xi32, #tpu.memory_space<hbm>> -> memref<1x80xi32, #tpu.memory_space<hbm>>
      %dma_wait3A_269 = tpu.memref_squeeze %dma_wait3A_268 : memref<1x80xi32, #tpu.memory_space<hbm>> -> memref<80xi32, #tpu.memory_space<hbm>>
      %dma_wait3A_270 = arith.constant 0 : i32
      %dma_wait3A_271 = tpu.memref_slice %arg4[%add3A_266, %dma_wait3A_270] : memref<4000x80xi32, #tpu.memory_space<hbm>> -> memref<1x80xi32, #tpu.memory_space<hbm>>
      %dma_wait3A_272 = tpu.memref_squeeze %dma_wait3A_271 : memref<1x80xi32, #tpu.memory_space<hbm>> -> memref<80xi32, #tpu.memory_space<hbm>>
      tpu.wait_dma2 semaphore(%arg37 : memref<!tpu.dma_semaphore, #tpu.memory_space<semaphore_mem>>) src(%dma_wait3A_272 : memref<80xi32, #tpu.memory_space<hbm>>) dst(%arg16 : memref<80xi32, #tpu.memory_space<vmem>>)
      "tpu.region"() ({
        %run_scoped3A = tpu.sem_alloc : memref<!tpu.dma_semaphore, #tpu.memory_space<semaphore_mem>>
        %dma_start3A_567 = arith.constant 0 : i32
        %dma_start3A_568 = arith.constant 0 : i32
        %dma_start3A_569 = tpu.memref_slice %arg27[%dma_start3A_567, %dma_start3A_568] : memref<10000x128xf32, #tpu.memory_space<vmem_shared>> -> memref<10000x128xf32, #tpu.memory_space<vmem_shared>>
        tpu.enqueue_indirect_dma source(%arg24 : memref<80x128xf32, #tpu.memory_space<vmem>>) target(%dma_start3A_569 : memref<10000x128xf32, #tpu.memory_space<vmem_shared>>) offsets(%arg16 : memref<80xi32, #tpu.memory_space<vmem>>) semaphore(%run_scoped3A : memref<!tpu.dma_semaphore, #tpu.memory_space<semaphore_mem>>) {add = true}
        %dma_wait3A_570 = arith.constant 0 : i32
        %dma_wait3A_571 = arith.constant 0 : i32
        %dma_wait3A_572 = tpu.memref_slice %arg27[%dma_wait3A_570, %dma_wait3A_571] : memref<10000x128xf32, #tpu.memory_space<vmem_shared>> -> memref<10000x128xf32, #tpu.memory_space<vmem_shared>>
        tpu.wait_indirect_dma semaphore(%run_scoped3A : memref<!tpu.dma_semaphore, #tpu.memory_space<semaphore_mem>>) src(%arg24 : memref<80x128xf32, #tpu.memory_space<vmem>>) dst(%dma_wait3A_572 : memref<10000x128xf32, #tpu.memory_space<vmem_shared>>)
        tpu.yield
      }) : () -> ()
      %add3A_273 = arith.constant 4 : i32
      %add3A_274 = arith.addi %add3A_262, %add3A_273 : i32
      %sub3A_275 = arith.constant 1 : i32
      %sub3A_276 = arith.subi %add3A_274, %sub3A_275 : i32
      %add3A_277 = arith.addi %mul3A_2, %sub3A_276 : i32
      %dma_wait3A_278 = arith.constant 0 : i32
      %dma_wait3A_279 = tpu.memref_slice %arg3[%add3A_277, %dma_wait3A_278] : memref<4000x80xi32, #tpu.memory_space<hbm>> -> memref<1x80xi32, #tpu.memory_space<hbm>>
      %dma_wait3A_280 = tpu.memref_squeeze %dma_wait3A_279 : memref<1x80xi32, #tpu.memory_space<hbm>> -> memref<80xi32, #tpu.memory_space<hbm>>
      %dma_wait3A_281 = arith.constant 0 : i32
      %dma_wait3A_282 = tpu.memref_slice %arg3[%add3A_277, %dma_wait3A_281] : memref<4000x80xi32, #tpu.memory_space<hbm>> -> memref<1x80xi32, #tpu.memory_space<hbm>>
      %dma_wait3A_283 = tpu.memref_squeeze %dma_wait3A_282 : memref<1x80xi32, #tpu.memory_space<hbm>> -> memref<80xi32, #tpu.memory_space<hbm>>
      tpu.wait_dma2 semaphore(%arg32 : memref<!tpu.dma_semaphore, #tpu.memory_space<semaphore_mem>>) src(%dma_wait3A_283 : memref<80xi32, #tpu.memory_space<hbm>>) dst(%arg11 : memref<80xi32, #tpu.memory_space<vmem>>)
      %dma_start3A_284 = arith.constant 0 : i32
      %dma_start3A_285 = arith.constant 0 : i32
      %dma_start3A_286 = tpu.memref_slice %arg2[%dma_start3A_284, %dma_start3A_285] : memref<10000x128xf32, #tpu.memory_space<hbm>> -> memref<10000x128xf32, #tpu.memory_space<hbm>>
      tpu.enqueue_indirect_dma source(%dma_start3A_286 : memref<10000x128xf32, #tpu.memory_space<hbm>>) target(%arg23 : memref<80x128xf32, #tpu.memory_space<vmem>>) offsets(%arg11 : memref<80xi32, #tpu.memory_space<vmem>>) semaphore(%arg44 : memref<!tpu.dma_semaphore, #tpu.memory_space<semaphore_mem>>)
      %add3A_287 = arith.constant 4 : i32
      %add3A_288 = arith.addi %add3A_262, %add3A_287 : i32
      %add3A_289 = arith.addi %mul3A_2, %add3A_288 : i32
      %dma_start3A_290 = arith.constant 0 : i32
      %dma_start3A_291 = tpu.memref_slice %arg3[%add3A_289, %dma_start3A_290] : memref<4000x80xi32, #tpu.memory_space<hbm>> -> memref<1x80xi32, #tpu.memory_space<hbm>>
      %dma_start3A_292 = tpu.memref_squeeze %dma_start3A_291 : memref<1x80xi32, #tpu.memory_space<hbm>> -> memref<80xi32, #tpu.memory_space<hbm>>
      %dma_start3A_293 = arith.constant 0 : i32
      %dma_start3A_294 = tpu.memref_slice %arg3[%add3A_289, %dma_start3A_293] : memref<4000x80xi32, #tpu.memory_space<hbm>> -> memref<1x80xi32, #tpu.memory_space<hbm>>
      %dma_start3A_295 = tpu.memref_squeeze %dma_start3A_294 : memref<1x80xi32, #tpu.memory_space<hbm>> -> memref<80xi32, #tpu.memory_space<hbm>>
      tpu.enqueue_dma source(%dma_start3A_295 : memref<80xi32, #tpu.memory_space<hbm>>) target(%arg12 : memref<80xi32, #tpu.memory_space<vmem>>) target_semaphore(%arg33 : memref<!tpu.dma_semaphore, #tpu.memory_space<semaphore_mem>>)
      %add3A_296 = arith.addi %mul3A_2, %add3A_288 : i32
      %dma_start3A_297 = arith.constant 0 : i32
      %dma_start3A_298 = tpu.memref_slice %arg4[%add3A_296, %dma_start3A_297] : memref<4000x80xi32, #tpu.memory_space<hbm>> -> memref<1x80xi32, #tpu.memory_space<hbm>>
      %dma_start3A_299 = tpu.memref_squeeze %dma_start3A_298 : memref<1x80xi32, #tpu.memory_space<hbm>> -> memref<80xi32, #tpu.memory_space<hbm>>
      %dma_start3A_300 = arith.constant 0 : i32
      %dma_start3A_301 = tpu.memref_slice %arg4[%add3A_296, %dma_start3A_300] : memref<4000x80xi32, #tpu.memory_space<hbm>> -> memref<1x80xi32, #tpu.memory_space<hbm>>
      %dma_start3A_302 = tpu.memref_squeeze %dma_start3A_301 : memref<1x80xi32, #tpu.memory_space<hbm>> -> memref<80xi32, #tpu.memory_space<hbm>>
      tpu.enqueue_dma source(%dma_start3A_302 : memref<80xi32, #tpu.memory_space<hbm>>) target(%arg20 : memref<80xi32, #tpu.memory_space<vmem>>) target_semaphore(%arg41 : memref<!tpu.dma_semaphore, #tpu.memory_space<semaphore_mem>>)
      %mul3A_303 = arith.constant 8 : i32
      %mul3A_304 = arith.muli %scan3A_215, %mul3A_303 : i32
      %add3A_305 = arith.constant 2 : i32
      %add3A_306 = arith.addi %mul3A_304, %add3A_305 : i32
      %dma_wait3A_307 = arith.constant 0 : i32
      %dma_wait3A_308 = arith.constant 0 : i32
      %dma_wait3A_309 = tpu.memref_slice %arg2[%dma_wait3A_307, %dma_wait3A_308] : memref<10000x128xf32, #tpu.memory_space<hbm>> -> memref<10000x128xf32, #tpu.memory_space<hbm>>
      tpu.wait_indirect_dma semaphore(%arg46 : memref<!tpu.dma_semaphore, #tpu.memory_space<semaphore_mem>>) src(%dma_wait3A_309 : memref<10000x128xf32, #tpu.memory_space<hbm>>) dst(%arg25 : memref<80x128xf32, #tpu.memory_space<vmem>>)
      %add3A_310 = arith.addi %mul3A_2, %add3A_306 : i32
      %dma_wait3A_311 = arith.constant 0 : i32
      %dma_wait3A_312 = tpu.memref_slice %arg4[%add3A_310, %dma_wait3A_311] : memref<4000x80xi32, #tpu.memory_space<hbm>> -> memref<1x80xi32, #tpu.memory_space<hbm>>
      %dma_wait3A_313 = tpu.memref_squeeze %dma_wait3A_312 : memref<1x80xi32, #tpu.memory_space<hbm>> -> memref<80xi32, #tpu.memory_space<hbm>>
      %dma_wait3A_314 = arith.constant 0 : i32
      %dma_wait3A_315 = tpu.memref_slice %arg4[%add3A_310, %dma_wait3A_314] : memref<4000x80xi32, #tpu.memory_space<hbm>> -> memref<1x80xi32, #tpu.memory_space<hbm>>
      %dma_wait3A_316 = tpu.memref_squeeze %dma_wait3A_315 : memref<1x80xi32, #tpu.memory_space<hbm>> -> memref<80xi32, #tpu.memory_space<hbm>>
      tpu.wait_dma2 semaphore(%arg38 : memref<!tpu.dma_semaphore, #tpu.memory_space<semaphore_mem>>) src(%dma_wait3A_316 : memref<80xi32, #tpu.memory_space<hbm>>) dst(%arg17 : memref<80xi32, #tpu.memory_space<vmem>>)
      "tpu.region"() ({
        %run_scoped3A = tpu.sem_alloc : memref<!tpu.dma_semaphore, #tpu.memory_space<semaphore_mem>>
        %dma_start3A_567 = arith.constant 0 : i32
        %dma_start3A_568 = arith.constant 0 : i32
        %dma_start3A_569 = tpu.memref_slice %arg27[%dma_start3A_567, %dma_start3A_568] : memref<10000x128xf32, #tpu.memory_space<vmem_shared>> -> memref<10000x128xf32, #tpu.memory_space<vmem_shared>>
        tpu.enqueue_indirect_dma source(%arg25 : memref<80x128xf32, #tpu.memory_space<vmem>>) target(%dma_start3A_569 : memref<10000x128xf32, #tpu.memory_space<vmem_shared>>) offsets(%arg17 : memref<80xi32, #tpu.memory_space<vmem>>) semaphore(%run_scoped3A : memref<!tpu.dma_semaphore, #tpu.memory_space<semaphore_mem>>) {add = true}
        %dma_wait3A_570 = arith.constant 0 : i32
        %dma_wait3A_571 = arith.constant 0 : i32
        %dma_wait3A_572 = tpu.memref_slice %arg27[%dma_wait3A_570, %dma_wait3A_571] : memref<10000x128xf32, #tpu.memory_space<vmem_shared>> -> memref<10000x128xf32, #tpu.memory_space<vmem_shared>>
        tpu.wait_indirect_dma semaphore(%run_scoped3A : memref<!tpu.dma_semaphore, #tpu.memory_space<semaphore_mem>>) src(%arg25 : memref<80x128xf32, #tpu.memory_space<vmem>>) dst(%dma_wait3A_572 : memref<10000x128xf32, #tpu.memory_space<vmem_shared>>)
        tpu.yield
      }) : () -> ()
      %add3A_317 = arith.constant 4 : i32
      %add3A_318 = arith.addi %add3A_306, %add3A_317 : i32
      %sub3A_319 = arith.constant 1 : i32
      %sub3A_320 = arith.subi %add3A_318, %sub3A_319 : i32
      %add3A_321 = arith.addi %mul3A_2, %sub3A_320 : i32
      %dma_wait3A_322 = arith.constant 0 : i32
      %dma_wait3A_323 = tpu.memref_slice %arg3[%add3A_321, %dma_wait3A_322] : memref<4000x80xi32, #tpu.memory_space<hbm>> -> memref<1x80xi32, #tpu.memory_space<hbm>>
      %dma_wait3A_324 = tpu.memref_squeeze %dma_wait3A_323 : memref<1x80xi32, #tpu.memory_space<hbm>> -> memref<80xi32, #tpu.memory_space<hbm>>
      %dma_wait3A_325 = arith.constant 0 : i32
      %dma_wait3A_326 = tpu.memref_slice %arg3[%add3A_321, %dma_wait3A_325] : memref<4000x80xi32, #tpu.memory_space<hbm>> -> memref<1x80xi32, #tpu.memory_space<hbm>>
      %dma_wait3A_327 = tpu.memref_squeeze %dma_wait3A_326 : memref<1x80xi32, #tpu.memory_space<hbm>> -> memref<80xi32, #tpu.memory_space<hbm>>
      tpu.wait_dma2 semaphore(%arg33 : memref<!tpu.dma_semaphore, #tpu.memory_space<semaphore_mem>>) src(%dma_wait3A_327 : memref<80xi32, #tpu.memory_space<hbm>>) dst(%arg12 : memref<80xi32, #tpu.memory_space<vmem>>)
      %dma_start3A_328 = arith.constant 0 : i32
      %dma_start3A_329 = arith.constant 0 : i32
      %dma_start3A_330 = tpu.memref_slice %arg2[%dma_start3A_328, %dma_start3A_329] : memref<10000x128xf32, #tpu.memory_space<hbm>> -> memref<10000x128xf32, #tpu.memory_space<hbm>>
      tpu.enqueue_indirect_dma source(%dma_start3A_330 : memref<10000x128xf32, #tpu.memory_space<hbm>>) target(%arg24 : memref<80x128xf32, #tpu.memory_space<vmem>>) offsets(%arg12 : memref<80xi32, #tpu.memory_space<vmem>>) semaphore(%arg45 : memref<!tpu.dma_semaphore, #tpu.memory_space<semaphore_mem>>)
      %add3A_331 = arith.constant 4 : i32
      %add3A_332 = arith.addi %add3A_306, %add3A_331 : i32
      %add3A_333 = arith.addi %mul3A_2, %add3A_332 : i32
      %dma_start3A_334 = arith.constant 0 : i32
      %dma_start3A_335 = tpu.memref_slice %arg3[%add3A_333, %dma_start3A_334] : memref<4000x80xi32, #tpu.memory_space<hbm>> -> memref<1x80xi32, #tpu.memory_space<hbm>>
      %dma_start3A_336 = tpu.memref_squeeze %dma_start3A_335 : memref<1x80xi32, #tpu.memory_space<hbm>> -> memref<80xi32, #tpu.memory_space<hbm>>
      %dma_start3A_337 = arith.constant 0 : i32
      %dma_start3A_338 = tpu.memref_slice %arg3[%add3A_333, %dma_start3A_337] : memref<4000x80xi32, #tpu.memory_space<hbm>> -> memref<1x80xi32, #tpu.memory_space<hbm>>
      %dma_start3A_339 = tpu.memref_squeeze %dma_start3A_338 : memref<1x80xi32, #tpu.memory_space<hbm>> -> memref<80xi32, #tpu.memory_space<hbm>>
      tpu.enqueue_dma source(%dma_start3A_339 : memref<80xi32, #tpu.memory_space<hbm>>) target(%arg13 : memref<80xi32, #tpu.memory_space<vmem>>) target_semaphore(%arg34 : memref<!tpu.dma_semaphore, #tpu.memory_space<semaphore_mem>>)
      %add3A_340 = arith.addi %mul3A_2, %add3A_332 : i32
      %dma_start3A_341 = arith.constant 0 : i32
      %dma_start3A_342 = tpu.memref_slice %arg4[%add3A_340, %dma_start3A_341] : memref<4000x80xi32, #tpu.memory_space<hbm>> -> memref<1x80xi32, #tpu.memory_space<hbm>>
      %dma_start3A_343 = tpu.memref_squeeze %dma_start3A_342 : memref<1x80xi32, #tpu.memory_space<hbm>> -> memref<80xi32, #tpu.memory_space<hbm>>
      %dma_start3A_344 = arith.constant 0 : i32
      %dma_start3A_345 = tpu.memref_slice %arg4[%add3A_340, %dma_start3A_344] : memref<4000x80xi32, #tpu.memory_space<hbm>> -> memref<1x80xi32, #tpu.memory_space<hbm>>
      %dma_start3A_346 = tpu.memref_squeeze %dma_start3A_345 : memref<1x80xi32, #tpu.memory_space<hbm>> -> memref<80xi32, #tpu.memory_space<hbm>>
      tpu.enqueue_dma source(%dma_start3A_346 : memref<80xi32, #tpu.memory_space<hbm>>) target(%arg21 : memref<80xi32, #tpu.memory_space<vmem>>) target_semaphore(%arg42 : memref<!tpu.dma_semaphore, #tpu.memory_space<semaphore_mem>>)
      %mul3A_347 = arith.constant 8 : i32
      %mul3A_348 = arith.muli %scan3A_215, %mul3A_347 : i32
      %add3A_349 = arith.constant 3 : i32
      %add3A_350 = arith.addi %mul3A_348, %add3A_349 : i32
      %dma_wait3A_351 = arith.constant 0 : i32
      %dma_wait3A_352 = arith.constant 0 : i32
      %dma_wait3A_353 = tpu.memref_slice %arg2[%dma_wait3A_351, %dma_wait3A_352] : memref<10000x128xf32, #tpu.memory_space<hbm>> -> memref<10000x128xf32, #tpu.memory_space<hbm>>
      tpu.wait_indirect_dma semaphore(%arg47 : memref<!tpu.dma_semaphore, #tpu.memory_space<semaphore_mem>>) src(%dma_wait3A_353 : memref<10000x128xf32, #tpu.memory_space<hbm>>) dst(%arg26 : memref<80x128xf32, #tpu.memory_space<vmem>>)
      %add3A_354 = arith.addi %mul3A_2, %add3A_350 : i32
      %dma_wait3A_355 = arith.constant 0 : i32
      %dma_wait3A_356 = tpu.memref_slice %arg4[%add3A_354, %dma_wait3A_355] : memref<4000x80xi32, #tpu.memory_space<hbm>> -> memref<1x80xi32, #tpu.memory_space<hbm>>
      %dma_wait3A_357 = tpu.memref_squeeze %dma_wait3A_356 : memref<1x80xi32, #tpu.memory_space<hbm>> -> memref<80xi32, #tpu.memory_space<hbm>>
      %dma_wait3A_358 = arith.constant 0 : i32
      %dma_wait3A_359 = tpu.memref_slice %arg4[%add3A_354, %dma_wait3A_358] : memref<4000x80xi32, #tpu.memory_space<hbm>> -> memref<1x80xi32, #tpu.memory_space<hbm>>
      %dma_wait3A_360 = tpu.memref_squeeze %dma_wait3A_359 : memref<1x80xi32, #tpu.memory_space<hbm>> -> memref<80xi32, #tpu.memory_space<hbm>>
      tpu.wait_dma2 semaphore(%arg39 : memref<!tpu.dma_semaphore, #tpu.memory_space<semaphore_mem>>) src(%dma_wait3A_360 : memref<80xi32, #tpu.memory_space<hbm>>) dst(%arg18 : memref<80xi32, #tpu.memory_space<vmem>>)
      "tpu.region"() ({
        %run_scoped3A = tpu.sem_alloc : memref<!tpu.dma_semaphore, #tpu.memory_space<semaphore_mem>>
        %dma_start3A_567 = arith.constant 0 : i32
        %dma_start3A_568 = arith.constant 0 : i32
        %dma_start3A_569 = tpu.memref_slice %arg27[%dma_start3A_567, %dma_start3A_568] : memref<10000x128xf32, #tpu.memory_space<vmem_shared>> -> memref<10000x128xf32, #tpu.memory_space<vmem_shared>>
        tpu.enqueue_indirect_dma source(%arg26 : memref<80x128xf32, #tpu.memory_space<vmem>>) target(%dma_start3A_569 : memref<10000x128xf32, #tpu.memory_space<vmem_shared>>) offsets(%arg18 : memref<80xi32, #tpu.memory_space<vmem>>) semaphore(%run_scoped3A : memref<!tpu.dma_semaphore, #tpu.memory_space<semaphore_mem>>) {add = true}
        %dma_wait3A_570 = arith.constant 0 : i32
        %dma_wait3A_571 = arith.constant 0 : i32
        %dma_wait3A_572 = tpu.memref_slice %arg27[%dma_wait3A_570, %dma_wait3A_571] : memref<10000x128xf32, #tpu.memory_space<vmem_shared>> -> memref<10000x128xf32, #tpu.memory_space<vmem_shared>>
        tpu.wait_indirect_dma semaphore(%run_scoped3A : memref<!tpu.dma_semaphore, #tpu.memory_space<semaphore_mem>>) src(%arg26 : memref<80x128xf32, #tpu.memory_space<vmem>>) dst(%dma_wait3A_572 : memref<10000x128xf32, #tpu.memory_space<vmem_shared>>)
        tpu.yield
      }) : () -> ()
      %add3A_361 = arith.constant 4 : i32
      %add3A_362 = arith.addi %add3A_350, %add3A_361 : i32
      %sub3A_363 = arith.constant 1 : i32
      %sub3A_364 = arith.subi %add3A_362, %sub3A_363 : i32
      %add3A_365 = arith.addi %mul3A_2, %sub3A_364 : i32
      %dma_wait3A_366 = arith.constant 0 : i32
      %dma_wait3A_367 = tpu.memref_slice %arg3[%add3A_365, %dma_wait3A_366] : memref<4000x80xi32, #tpu.memory_space<hbm>> -> memref<1x80xi32, #tpu.memory_space<hbm>>
      %dma_wait3A_368 = tpu.memref_squeeze %dma_wait3A_367 : memref<1x80xi32, #tpu.memory_space<hbm>> -> memref<80xi32, #tpu.memory_space<hbm>>
      %dma_wait3A_369 = arith.constant 0 : i32
      %dma_wait3A_370 = tpu.memref_slice %arg3[%add3A_365, %dma_wait3A_369] : memref<4000x80xi32, #tpu.memory_space<hbm>> -> memref<1x80xi32, #tpu.memory_space<hbm>>
      %dma_wait3A_371 = tpu.memref_squeeze %dma_wait3A_370 : memref<1x80xi32, #tpu.memory_space<hbm>> -> memref<80xi32, #tpu.memory_space<hbm>>
      tpu.wait_dma2 semaphore(%arg34 : memref<!tpu.dma_semaphore, #tpu.memory_space<semaphore_mem>>) src(%dma_wait3A_371 : memref<80xi32, #tpu.memory_space<hbm>>) dst(%arg13 : memref<80xi32, #tpu.memory_space<vmem>>)
      %dma_start3A_372 = arith.constant 0 : i32
      %dma_start3A_373 = arith.constant 0 : i32
      %dma_start3A_374 = tpu.memref_slice %arg2[%dma_start3A_372, %dma_start3A_373] : memref<10000x128xf32, #tpu.memory_space<hbm>> -> memref<10000x128xf32, #tpu.memory_space<hbm>>
      tpu.enqueue_indirect_dma source(%dma_start3A_374 : memref<10000x128xf32, #tpu.memory_space<hbm>>) target(%arg25 : memref<80x128xf32, #tpu.memory_space<vmem>>) offsets(%arg13 : memref<80xi32, #tpu.memory_space<vmem>>) semaphore(%arg46 : memref<!tpu.dma_semaphore, #tpu.memory_space<semaphore_mem>>)
      %add3A_375 = arith.constant 4 : i32
      %add3A_376 = arith.addi %add3A_350, %add3A_375 : i32
      %add3A_377 = arith.addi %mul3A_2, %add3A_376 : i32
      %dma_start3A_378 = arith.constant 0 : i32
      %dma_start3A_379 = tpu.memref_slice %arg3[%add3A_377, %dma_start3A_378] : memref<4000x80xi32, #tpu.memory_space<hbm>> -> memref<1x80xi32, #tpu.memory_space<hbm>>
      %dma_start3A_380 = tpu.memref_squeeze %dma_start3A_379 : memref<1x80xi32, #tpu.memory_space<hbm>> -> memref<80xi32, #tpu.memory_space<hbm>>
      %dma_start3A_381 = arith.constant 0 : i32
      %dma_start3A_382 = tpu.memref_slice %arg3[%add3A_377, %dma_start3A_381] : memref<4000x80xi32, #tpu.memory_space<hbm>> -> memref<1x80xi32, #tpu.memory_space<hbm>>
      %dma_start3A_383 = tpu.memref_squeeze %dma_start3A_382 : memref<1x80xi32, #tpu.memory_space<hbm>> -> memref<80xi32, #tpu.memory_space<hbm>>
      tpu.enqueue_dma source(%dma_start3A_383 : memref<80xi32, #tpu.memory_space<hbm>>) target(%arg14 : memref<80xi32, #tpu.memory_space<vmem>>) target_semaphore(%arg35 : memref<!tpu.dma_semaphore, #tpu.memory_space<semaphore_mem>>)
      %add3A_384 = arith.addi %mul3A_2, %add3A_376 : i32
      %dma_start3A_385 = arith.constant 0 : i32
      %dma_start3A_386 = tpu.memref_slice %arg4[%add3A_384, %dma_start3A_385] : memref<4000x80xi32, #tpu.memory_space<hbm>> -> memref<1x80xi32, #tpu.memory_space<hbm>>
      %dma_start3A_387 = tpu.memref_squeeze %dma_start3A_386 : memref<1x80xi32, #tpu.memory_space<hbm>> -> memref<80xi32, #tpu.memory_space<hbm>>
      %dma_start3A_388 = arith.constant 0 : i32
      %dma_start3A_389 = tpu.memref_slice %arg4[%add3A_384, %dma_start3A_388] : memref<4000x80xi32, #tpu.memory_space<hbm>> -> memref<1x80xi32, #tpu.memory_space<hbm>>
      %dma_start3A_390 = tpu.memref_squeeze %dma_start3A_389 : memref<1x80xi32, #tpu.memory_space<hbm>> -> memref<80xi32, #tpu.memory_space<hbm>>
      tpu.enqueue_dma source(%dma_start3A_390 : memref<80xi32, #tpu.memory_space<hbm>>) target(%arg22 : memref<80xi32, #tpu.memory_space<vmem>>) target_semaphore(%arg43 : memref<!tpu.dma_semaphore, #tpu.memory_space<semaphore_mem>>)
      %mul3A_391 = arith.constant 8 : i32
      %mul3A_392 = arith.muli %scan3A_215, %mul3A_391 : i32
      %add3A_393 = arith.constant 4 : i32
      %add3A_394 = arith.addi %mul3A_392, %add3A_393 : i32
      %dma_wait3A_395 = arith.constant 0 : i32
      %dma_wait3A_396 = arith.constant 0 : i32
      %dma_wait3A_397 = tpu.memref_slice %arg2[%dma_wait3A_395, %dma_wait3A_396] : memref<10000x128xf32, #tpu.memory_space<hbm>> -> memref<10000x128xf32, #tpu.memory_space<hbm>>
      tpu.wait_indirect_dma semaphore(%arg44 : memref<!tpu.dma_semaphore, #tpu.memory_space<semaphore_mem>>) src(%dma_wait3A_397 : memref<10000x128xf32, #tpu.memory_space<hbm>>) dst(%arg23 : memref<80x128xf32, #tpu.memory_space<vmem>>)
      %add3A_398 = arith.addi %mul3A_2, %add3A_394 : i32
      %dma_wait3A_399 = arith.constant 0 : i32
      %dma_wait3A_400 = tpu.memref_slice %arg4[%add3A_398, %dma_wait3A_399] : memref<4000x80xi32, #tpu.memory_space<hbm>> -> memref<1x80xi32, #tpu.memory_space<hbm>>
      %dma_wait3A_401 = tpu.memref_squeeze %dma_wait3A_400 : memref<1x80xi32, #tpu.memory_space<hbm>> -> memref<80xi32, #tpu.memory_space<hbm>>
      %dma_wait3A_402 = arith.constant 0 : i32
      %dma_wait3A_403 = tpu.memref_slice %arg4[%add3A_398, %dma_wait3A_402] : memref<4000x80xi32, #tpu.memory_space<hbm>> -> memref<1x80xi32, #tpu.memory_space<hbm>>
      %dma_wait3A_404 = tpu.memref_squeeze %dma_wait3A_403 : memref<1x80xi32, #tpu.memory_space<hbm>> -> memref<80xi32, #tpu.memory_space<hbm>>
      tpu.wait_dma2 semaphore(%arg40 : memref<!tpu.dma_semaphore, #tpu.memory_space<semaphore_mem>>) src(%dma_wait3A_404 : memref<80xi32, #tpu.memory_space<hbm>>) dst(%arg19 : memref<80xi32, #tpu.memory_space<vmem>>)
      "tpu.region"() ({
        %run_scoped3A = tpu.sem_alloc : memref<!tpu.dma_semaphore, #tpu.memory_space<semaphore_mem>>
        %dma_start3A_567 = arith.constant 0 : i32
        %dma_start3A_568 = arith.constant 0 : i32
        %dma_start3A_569 = tpu.memref_slice %arg27[%dma_start3A_567, %dma_start3A_568] : memref<10000x128xf32, #tpu.memory_space<vmem_shared>> -> memref<10000x128xf32, #tpu.memory_space<vmem_shared>>
        tpu.enqueue_indirect_dma source(%arg23 : memref<80x128xf32, #tpu.memory_space<vmem>>) target(%dma_start3A_569 : memref<10000x128xf32, #tpu.memory_space<vmem_shared>>) offsets(%arg19 : memref<80xi32, #tpu.memory_space<vmem>>) semaphore(%run_scoped3A : memref<!tpu.dma_semaphore, #tpu.memory_space<semaphore_mem>>) {add = true}
        %dma_wait3A_570 = arith.constant 0 : i32
        %dma_wait3A_571 = arith.constant 0 : i32
        %dma_wait3A_572 = tpu.memref_slice %arg27[%dma_wait3A_570, %dma_wait3A_571] : memref<10000x128xf32, #tpu.memory_space<vmem_shared>> -> memref<10000x128xf32, #tpu.memory_space<vmem_shared>>
        tpu.wait_indirect_dma semaphore(%run_scoped3A : memref<!tpu.dma_semaphore, #tpu.memory_space<semaphore_mem>>) src(%arg23 : memref<80x128xf32, #tpu.memory_space<vmem>>) dst(%dma_wait3A_572 : memref<10000x128xf32, #tpu.memory_space<vmem_shared>>)
        tpu.yield
      }) : () -> ()
      %add3A_405 = arith.constant 4 : i32
      %add3A_406 = arith.addi %add3A_394, %add3A_405 : i32
      %sub3A_407 = arith.constant 1 : i32
      %sub3A_408 = arith.subi %add3A_406, %sub3A_407 : i32
      %add3A_409 = arith.addi %mul3A_2, %sub3A_408 : i32
      %dma_wait3A_410 = arith.constant 0 : i32
      %dma_wait3A_411 = tpu.memref_slice %arg3[%add3A_409, %dma_wait3A_410] : memref<4000x80xi32, #tpu.memory_space<hbm>> -> memref<1x80xi32, #tpu.memory_space<hbm>>
      %dma_wait3A_412 = tpu.memref_squeeze %dma_wait3A_411 : memref<1x80xi32, #tpu.memory_space<hbm>> -> memref<80xi32, #tpu.memory_space<hbm>>
      %dma_wait3A_413 = arith.constant 0 : i32
      %dma_wait3A_414 = tpu.memref_slice %arg3[%add3A_409, %dma_wait3A_413] : memref<4000x80xi32, #tpu.memory_space<hbm>> -> memref<1x80xi32, #tpu.memory_space<hbm>>
      %dma_wait3A_415 = tpu.memref_squeeze %dma_wait3A_414 : memref<1x80xi32, #tpu.memory_space<hbm>> -> memref<80xi32, #tpu.memory_space<hbm>>
      tpu.wait_dma2 semaphore(%arg35 : memref<!tpu.dma_semaphore, #tpu.memory_space<semaphore_mem>>) src(%dma_wait3A_415 : memref<80xi32, #tpu.memory_space<hbm>>) dst(%arg14 : memref<80xi32, #tpu.memory_space<vmem>>)
      %dma_start3A_416 = arith.constant 0 : i32
      %dma_start3A_417 = arith.constant 0 : i32
      %dma_start3A_418 = tpu.memref_slice %arg2[%dma_start3A_416, %dma_start3A_417] : memref<10000x128xf32, #tpu.memory_space<hbm>> -> memref<10000x128xf32, #tpu.memory_space<hbm>>
      tpu.enqueue_indirect_dma source(%dma_start3A_418 : memref<10000x128xf32, #tpu.memory_space<hbm>>) target(%arg26 : memref<80x128xf32, #tpu.memory_space<vmem>>) offsets(%arg14 : memref<80xi32, #tpu.memory_space<vmem>>) semaphore(%arg47 : memref<!tpu.dma_semaphore, #tpu.memory_space<semaphore_mem>>)
      %add3A_419 = arith.constant 4 : i32
      %add3A_420 = arith.addi %add3A_394, %add3A_419 : i32
      %add3A_421 = arith.addi %mul3A_2, %add3A_420 : i32
      %dma_start3A_422 = arith.constant 0 : i32
      %dma_start3A_423 = tpu.memref_slice %arg3[%add3A_421, %dma_start3A_422] : memref<4000x80xi32, #tpu.memory_space<hbm>> -> memref<1x80xi32, #tpu.memory_space<hbm>>
      %dma_start3A_424 = tpu.memref_squeeze %dma_start3A_423 : memref<1x80xi32, #tpu.memory_space<hbm>> -> memref<80xi32, #tpu.memory_space<hbm>>
      %dma_start3A_425 = arith.constant 0 : i32
      %dma_start3A_426 = tpu.memref_slice %arg3[%add3A_421, %dma_start3A_425] : memref<4000x80xi32, #tpu.memory_space<hbm>> -> memref<1x80xi32, #tpu.memory_space<hbm>>
      %dma_start3A_427 = tpu.memref_squeeze %dma_start3A_426 : memref<1x80xi32, #tpu.memory_space<hbm>> -> memref<80xi32, #tpu.memory_space<hbm>>
      tpu.enqueue_dma source(%dma_start3A_427 : memref<80xi32, #tpu.memory_space<hbm>>) target(%arg7 : memref<80xi32, #tpu.memory_space<vmem>>) target_semaphore(%arg28 : memref<!tpu.dma_semaphore, #tpu.memory_space<semaphore_mem>>)
      %add3A_428 = arith.addi %mul3A_2, %add3A_420 : i32
      %dma_start3A_429 = arith.constant 0 : i32
      %dma_start3A_430 = tpu.memref_slice %arg4[%add3A_428, %dma_start3A_429] : memref<4000x80xi32, #tpu.memory_space<hbm>> -> memref<1x80xi32, #tpu.memory_space<hbm>>
      %dma_start3A_431 = tpu.memref_squeeze %dma_start3A_430 : memref<1x80xi32, #tpu.memory_space<hbm>> -> memref<80xi32, #tpu.memory_space<hbm>>
      %dma_start3A_432 = arith.constant 0 : i32
      %dma_start3A_433 = tpu.memref_slice %arg4[%add3A_428, %dma_start3A_432] : memref<4000x80xi32, #tpu.memory_space<hbm>> -> memref<1x80xi32, #tpu.memory_space<hbm>>
      %dma_start3A_434 = tpu.memref_squeeze %dma_start3A_433 : memref<1x80xi32, #tpu.memory_space<hbm>> -> memref<80xi32, #tpu.memory_space<hbm>>
      tpu.enqueue_dma source(%dma_start3A_434 : memref<80xi32, #tpu.memory_space<hbm>>) target(%arg15 : memref<80xi32, #tpu.memory_space<vmem>>) target_semaphore(%arg36 : memref<!tpu.dma_semaphore, #tpu.memory_space<semaphore_mem>>)
      %mul3A_435 = arith.constant 8 : i32
      %mul3A_436 = arith.muli %scan3A_215, %mul3A_435 : i32
      %add3A_437 = arith.constant 5 : i32
      %add3A_438 = arith.addi %mul3A_436, %add3A_437 : i32
      %dma_wait3A_439 = arith.constant 0 : i32
      %dma_wait3A_440 = arith.constant 0 : i32
      %dma_wait3A_441 = tpu.memref_slice %arg2[%dma_wait3A_439, %dma_wait3A_440] : memref<10000x128xf32, #tpu.memory_space<hbm>> -> memref<10000x128xf32, #tpu.memory_space<hbm>>
      tpu.wait_indirect_dma semaphore(%arg45 : memref<!tpu.dma_semaphore, #tpu.memory_space<semaphore_mem>>) src(%dma_wait3A_441 : memref<10000x128xf32, #tpu.memory_space<hbm>>) dst(%arg24 : memref<80x128xf32, #tpu.memory_space<vmem>>)
      %add3A_442 = arith.addi %mul3A_2, %add3A_438 : i32
      %dma_wait3A_443 = arith.constant 0 : i32
      %dma_wait3A_444 = tpu.memref_slice %arg4[%add3A_442, %dma_wait3A_443] : memref<4000x80xi32, #tpu.memory_space<hbm>> -> memref<1x80xi32, #tpu.memory_space<hbm>>
      %dma_wait3A_445 = tpu.memref_squeeze %dma_wait3A_444 : memref<1x80xi32, #tpu.memory_space<hbm>> -> memref<80xi32, #tpu.memory_space<hbm>>
      %dma_wait3A_446 = arith.constant 0 : i32
      %dma_wait3A_447 = tpu.memref_slice %arg4[%add3A_442, %dma_wait3A_446] : memref<4000x80xi32, #tpu.memory_space<hbm>> -> memref<1x80xi32, #tpu.memory_space<hbm>>
      %dma_wait3A_448 = tpu.memref_squeeze %dma_wait3A_447 : memref<1x80xi32, #tpu.memory_space<hbm>> -> memref<80xi32, #tpu.memory_space<hbm>>
      tpu.wait_dma2 semaphore(%arg41 : memref<!tpu.dma_semaphore, #tpu.memory_space<semaphore_mem>>) src(%dma_wait3A_448 : memref<80xi32, #tpu.memory_space<hbm>>) dst(%arg20 : memref<80xi32, #tpu.memory_space<vmem>>)
      "tpu.region"() ({
        %run_scoped3A = tpu.sem_alloc : memref<!tpu.dma_semaphore, #tpu.memory_space<semaphore_mem>>
        %dma_start3A_567 = arith.constant 0 : i32
        %dma_start3A_568 = arith.constant 0 : i32
        %dma_start3A_569 = tpu.memref_slice %arg27[%dma_start3A_567, %dma_start3A_568] : memref<10000x128xf32, #tpu.memory_space<vmem_shared>> -> memref<10000x128xf32, #tpu.memory_space<vmem_shared>>
        tpu.enqueue_indirect_dma source(%arg24 : memref<80x128xf32, #tpu.memory_space<vmem>>) target(%dma_start3A_569 : memref<10000x128xf32, #tpu.memory_space<vmem_shared>>) offsets(%arg20 : memref<80xi32, #tpu.memory_space<vmem>>) semaphore(%run_scoped3A : memref<!tpu.dma_semaphore, #tpu.memory_space<semaphore_mem>>) {add = true}
        %dma_wait3A_570 = arith.constant 0 : i32
        %dma_wait3A_571 = arith.constant 0 : i32
        %dma_wait3A_572 = tpu.memref_slice %arg27[%dma_wait3A_570, %dma_wait3A_571] : memref<10000x128xf32, #tpu.memory_space<vmem_shared>> -> memref<10000x128xf32, #tpu.memory_space<vmem_shared>>
        tpu.wait_indirect_dma semaphore(%run_scoped3A : memref<!tpu.dma_semaphore, #tpu.memory_space<semaphore_mem>>) src(%arg24 : memref<80x128xf32, #tpu.memory_space<vmem>>) dst(%dma_wait3A_572 : memref<10000x128xf32, #tpu.memory_space<vmem_shared>>)
        tpu.yield
      }) : () -> ()
      %add3A_449 = arith.constant 4 : i32
      %add3A_450 = arith.addi %add3A_438, %add3A_449 : i32
      %sub3A_451 = arith.constant 1 : i32
      %sub3A_452 = arith.subi %add3A_450, %sub3A_451 : i32
      %add3A_453 = arith.addi %mul3A_2, %sub3A_452 : i32
      %dma_wait3A_454 = arith.constant 0 : i32
      %dma_wait3A_455 = tpu.memref_slice %arg3[%add3A_453, %dma_wait3A_454] : memref<4000x80xi32, #tpu.memory_space<hbm>> -> memref<1x80xi32, #tpu.memory_space<hbm>>
      %dma_wait3A_456 = tpu.memref_squeeze %dma_wait3A_455 : memref<1x80xi32, #tpu.memory_space<hbm>> -> memref<80xi32, #tpu.memory_space<hbm>>
      %dma_wait3A_457 = arith.constant 0 : i32
      %dma_wait3A_458 = tpu.memref_slice %arg3[%add3A_453, %dma_wait3A_457] : memref<4000x80xi32, #tpu.memory_space<hbm>> -> memref<1x80xi32, #tpu.memory_space<hbm>>
      %dma_wait3A_459 = tpu.memref_squeeze %dma_wait3A_458 : memref<1x80xi32, #tpu.memory_space<hbm>> -> memref<80xi32, #tpu.memory_space<hbm>>
      tpu.wait_dma2 semaphore(%arg28 : memref<!tpu.dma_semaphore, #tpu.memory_space<semaphore_mem>>) src(%dma_wait3A_459 : memref<80xi32, #tpu.memory_space<hbm>>) dst(%arg7 : memref<80xi32, #tpu.memory_space<vmem>>)
      %dma_start3A_460 = arith.constant 0 : i32
      %dma_start3A_461 = arith.constant 0 : i32
      %dma_start3A_462 = tpu.memref_slice %arg2[%dma_start3A_460, %dma_start3A_461] : memref<10000x128xf32, #tpu.memory_space<hbm>> -> memref<10000x128xf32, #tpu.memory_space<hbm>>
      tpu.enqueue_indirect_dma source(%dma_start3A_462 : memref<10000x128xf32, #tpu.memory_space<hbm>>) target(%arg23 : memref<80x128xf32, #tpu.memory_space<vmem>>) offsets(%arg7 : memref<80xi32, #tpu.memory_space<vmem>>) semaphore(%arg44 : memref<!tpu.dma_semaphore, #tpu.memory_space<semaphore_mem>>)
      %add3A_463 = arith.constant 4 : i32
      %add3A_464 = arith.addi %add3A_438, %add3A_463 : i32
      %add3A_465 = arith.addi %mul3A_2, %add3A_464 : i32
      %dma_start3A_466 = arith.constant 0 : i32
      %dma_start3A_467 = tpu.memref_slice %arg3[%add3A_465, %dma_start3A_466] : memref<4000x80xi32, #tpu.memory_space<hbm>> -> memref<1x80xi32, #tpu.memory_space<hbm>>
      %dma_start3A_468 = tpu.memref_squeeze %dma_start3A_467 : memref<1x80xi32, #tpu.memory_space<hbm>> -> memref<80xi32, #tpu.memory_space<hbm>>
      %dma_start3A_469 = arith.constant 0 : i32
      %dma_start3A_470 = tpu.memref_slice %arg3[%add3A_465, %dma_start3A_469] : memref<4000x80xi32, #tpu.memory_space<hbm>> -> memref<1x80xi32, #tpu.memory_space<hbm>>
      %dma_start3A_471 = tpu.memref_squeeze %dma_start3A_470 : memref<1x80xi32, #tpu.memory_space<hbm>> -> memref<80xi32, #tpu.memory_space<hbm>>
      tpu.enqueue_dma source(%dma_start3A_471 : memref<80xi32, #tpu.memory_space<hbm>>) target(%arg8 : memref<80xi32, #tpu.memory_space<vmem>>) target_semaphore(%arg29 : memref<!tpu.dma_semaphore, #tpu.memory_space<semaphore_mem>>)
      %add3A_472 = arith.addi %mul3A_2, %add3A_464 : i32
      %dma_start3A_473 = arith.constant 0 : i32
      %dma_start3A_474 = tpu.memref_slice %arg4[%add3A_472, %dma_start3A_473] : memref<4000x80xi32, #tpu.memory_space<hbm>> -> memref<1x80xi32, #tpu.memory_space<hbm>>
      %dma_start3A_475 = tpu.memref_squeeze %dma_start3A_474 : memref<1x80xi32, #tpu.memory_space<hbm>> -> memref<80xi32, #tpu.memory_space<hbm>>
      %dma_start3A_476 = arith.constant 0 : i32
      %dma_start3A_477 = tpu.memref_slice %arg4[%add3A_472, %dma_start3A_476] : memref<4000x80xi32, #tpu.memory_space<hbm>> -> memref<1x80xi32, #tpu.memory_space<hbm>>
      %dma_start3A_478 = tpu.memref_squeeze %dma_start3A_477 : memref<1x80xi32, #tpu.memory_space<hbm>> -> memref<80xi32, #tpu.memory_space<hbm>>
      tpu.enqueue_dma source(%dma_start3A_478 : memref<80xi32, #tpu.memory_space<hbm>>) target(%arg16 : memref<80xi32, #tpu.memory_space<vmem>>) target_semaphore(%arg37 : memref<!tpu.dma_semaphore, #tpu.memory_space<semaphore_mem>>)
      %mul3A_479 = arith.constant 8 : i32
      %mul3A_480 = arith.muli %scan3A_215, %mul3A_479 : i32
      %add3A_481 = arith.constant 6 : i32
      %add3A_482 = arith.addi %mul3A_480, %add3A_481 : i32
      %dma_wait3A_483 = arith.constant 0 : i32
      %dma_wait3A_484 = arith.constant 0 : i32
      %dma_wait3A_485 = tpu.memref_slice %arg2[%dma_wait3A_483, %dma_wait3A_484] : memref<10000x128xf32, #tpu.memory_space<hbm>> -> memref<10000x128xf32, #tpu.memory_space<hbm>>
      tpu.wait_indirect_dma semaphore(%arg46 : memref<!tpu.dma_semaphore, #tpu.memory_space<semaphore_mem>>) src(%dma_wait3A_485 : memref<10000x128xf32, #tpu.memory_space<hbm>>) dst(%arg25 : memref<80x128xf32, #tpu.memory_space<vmem>>)
      %add3A_486 = arith.addi %mul3A_2, %add3A_482 : i32
      %dma_wait3A_487 = arith.constant 0 : i32
      %dma_wait3A_488 = tpu.memref_slice %arg4[%add3A_486, %dma_wait3A_487] : memref<4000x80xi32, #tpu.memory_space<hbm>> -> memref<1x80xi32, #tpu.memory_space<hbm>>
      %dma_wait3A_489 = tpu.memref_squeeze %dma_wait3A_488 : memref<1x80xi32, #tpu.memory_space<hbm>> -> memref<80xi32, #tpu.memory_space<hbm>>
      %dma_wait3A_490 = arith.constant 0 : i32
      %dma_wait3A_491 = tpu.memref_slice %arg4[%add3A_486, %dma_wait3A_490] : memref<4000x80xi32, #tpu.memory_space<hbm>> -> memref<1x80xi32, #tpu.memory_space<hbm>>
      %dma_wait3A_492 = tpu.memref_squeeze %dma_wait3A_491 : memref<1x80xi32, #tpu.memory_space<hbm>> -> memref<80xi32, #tpu.memory_space<hbm>>
      tpu.wait_dma2 semaphore(%arg42 : memref<!tpu.dma_semaphore, #tpu.memory_space<semaphore_mem>>) src(%dma_wait3A_492 : memref<80xi32, #tpu.memory_space<hbm>>) dst(%arg21 : memref<80xi32, #tpu.memory_space<vmem>>)
      "tpu.region"() ({
        %run_scoped3A = tpu.sem_alloc : memref<!tpu.dma_semaphore, #tpu.memory_space<semaphore_mem>>
        %dma_start3A_567 = arith.constant 0 : i32
        %dma_start3A_568 = arith.constant 0 : i32
        %dma_start3A_569 = tpu.memref_slice %arg27[%dma_start3A_567, %dma_start3A_568] : memref<10000x128xf32, #tpu.memory_space<vmem_shared>> -> memref<10000x128xf32, #tpu.memory_space<vmem_shared>>
        tpu.enqueue_indirect_dma source(%arg25 : memref<80x128xf32, #tpu.memory_space<vmem>>) target(%dma_start3A_569 : memref<10000x128xf32, #tpu.memory_space<vmem_shared>>) offsets(%arg21 : memref<80xi32, #tpu.memory_space<vmem>>) semaphore(%run_scoped3A : memref<!tpu.dma_semaphore, #tpu.memory_space<semaphore_mem>>) {add = true}
        %dma_wait3A_570 = arith.constant 0 : i32
        %dma_wait3A_571 = arith.constant 0 : i32
        %dma_wait3A_572 = tpu.memref_slice %arg27[%dma_wait3A_570, %dma_wait3A_571] : memref<10000x128xf32, #tpu.memory_space<vmem_shared>> -> memref<10000x128xf32, #tpu.memory_space<vmem_shared>>
        tpu.wait_indirect_dma semaphore(%run_scoped3A : memref<!tpu.dma_semaphore, #tpu.memory_space<semaphore_mem>>) src(%arg25 : memref<80x128xf32, #tpu.memory_space<vmem>>) dst(%dma_wait3A_572 : memref<10000x128xf32, #tpu.memory_space<vmem_shared>>)
        tpu.yield
      }) : () -> ()
      %add3A_493 = arith.constant 4 : i32
      %add3A_494 = arith.addi %add3A_482, %add3A_493 : i32
      %sub3A_495 = arith.constant 1 : i32
      %sub3A_496 = arith.subi %add3A_494, %sub3A_495 : i32
      %add3A_497 = arith.addi %mul3A_2, %sub3A_496 : i32
      %dma_wait3A_498 = arith.constant 0 : i32
      %dma_wait3A_499 = tpu.memref_slice %arg3[%add3A_497, %dma_wait3A_498] : memref<4000x80xi32, #tpu.memory_space<hbm>> -> memref<1x80xi32, #tpu.memory_space<hbm>>
      %dma_wait3A_500 = tpu.memref_squeeze %dma_wait3A_499 : memref<1x80xi32, #tpu.memory_space<hbm>> -> memref<80xi32, #tpu.memory_space<hbm>>
      %dma_wait3A_501 = arith.constant 0 : i32
      %dma_wait3A_502 = tpu.memref_slice %arg3[%add3A_497, %dma_wait3A_501] : memref<4000x80xi32, #tpu.memory_space<hbm>> -> memref<1x80xi32, #tpu.memory_space<hbm>>
      %dma_wait3A_503 = tpu.memref_squeeze %dma_wait3A_502 : memref<1x80xi32, #tpu.memory_space<hbm>> -> memref<80xi32, #tpu.memory_space<hbm>>
      tpu.wait_dma2 semaphore(%arg29 : memref<!tpu.dma_semaphore, #tpu.memory_space<semaphore_mem>>) src(%dma_wait3A_503 : memref<80xi32, #tpu.memory_space<hbm>>) dst(%arg8 : memref<80xi32, #tpu.memory_space<vmem>>)
      %dma_start3A_504 = arith.constant 0 : i32
      %dma_start3A_505 = arith.constant 0 : i32
      %dma_start3A_506 = tpu.memref_slice %arg2[%dma_start3A_504, %dma_start3A_505] : memref<10000x128xf32, #tpu.memory_space<hbm>> -> memref<10000x128xf32, #tpu.memory_space<hbm>>
      tpu.enqueue_indirect_dma source(%dma_start3A_506 : memref<10000x128xf32, #tpu.memory_space<hbm>>) target(%arg24 : memref<80x128xf32, #tpu.memory_space<vmem>>) offsets(%arg8 : memref<80xi32, #tpu.memory_space<vmem>>) semaphore(%arg45 : memref<!tpu.dma_semaphore, #tpu.memory_space<semaphore_mem>>)
      %add3A_507 = arith.constant 4 : i32
      %add3A_508 = arith.addi %add3A_482, %add3A_507 : i32
      %add3A_509 = arith.addi %mul3A_2, %add3A_508 : i32
      %dma_start3A_510 = arith.constant 0 : i32
      %dma_start3A_511 = tpu.memref_slice %arg3[%add3A_509, %dma_start3A_510] : memref<4000x80xi32, #tpu.memory_space<hbm>> -> memref<1x80xi32, #tpu.memory_space<hbm>>
      %dma_start3A_512 = tpu.memref_squeeze %dma_start3A_511 : memref<1x80xi32, #tpu.memory_space<hbm>> -> memref<80xi32, #tpu.memory_space<hbm>>
      %dma_start3A_513 = arith.constant 0 : i32
      %dma_start3A_514 = tpu.memref_slice %arg3[%add3A_509, %dma_start3A_513] : memref<4000x80xi32, #tpu.memory_space<hbm>> -> memref<1x80xi32, #tpu.memory_space<hbm>>
      %dma_start3A_515 = tpu.memref_squeeze %dma_start3A_514 : memref<1x80xi32, #tpu.memory_space<hbm>> -> memref<80xi32, #tpu.memory_space<hbm>>
      tpu.enqueue_dma source(%dma_start3A_515 : memref<80xi32, #tpu.memory_space<hbm>>) target(%arg9 : memref<80xi32, #tpu.memory_space<vmem>>) target_semaphore(%arg30 : memref<!tpu.dma_semaphore, #tpu.memory_space<semaphore_mem>>)
      %add3A_516 = arith.addi %mul3A_2, %add3A_508 : i32
      %dma_start3A_517 = arith.constant 0 : i32
      %dma_start3A_518 = tpu.memref_slice %arg4[%add3A_516, %dma_start3A_517] : memref<4000x80xi32, #tpu.memory_space<hbm>> -> memref<1x80xi32, #tpu.memory_space<hbm>>
      %dma_start3A_519 = tpu.memref_squeeze %dma_start3A_518 : memref<1x80xi32, #tpu.memory_space<hbm>> -> memref<80xi32, #tpu.memory_space<hbm>>
      %dma_start3A_520 = arith.constant 0 : i32
      %dma_start3A_521 = tpu.memref_slice %arg4[%add3A_516, %dma_start3A_520] : memref<4000x80xi32, #tpu.memory_space<hbm>> -> memref<1x80xi32, #tpu.memory_space<hbm>>
      %dma_start3A_522 = tpu.memref_squeeze %dma_start3A_521 : memref<1x80xi32, #tpu.memory_space<hbm>> -> memref<80xi32, #tpu.memory_space<hbm>>
      tpu.enqueue_dma source(%dma_start3A_522 : memref<80xi32, #tpu.memory_space<hbm>>) target(%arg17 : memref<80xi32, #tpu.memory_space<vmem>>) target_semaphore(%arg38 : memref<!tpu.dma_semaphore, #tpu.memory_space<semaphore_mem>>)
      %mul3A_523 = arith.constant 8 : i32
      %mul3A_524 = arith.muli %scan3A_215, %mul3A_523 : i32
      %add3A_525 = arith.constant 7 : i32
      %add3A_526 = arith.addi %mul3A_524, %add3A_525 : i32
      %dma_wait3A_527 = arith.constant 0 : i32
      %dma_wait3A_528 = arith.constant 0 : i32
      %dma_wait3A_529 = tpu.memref_slice %arg2[%dma_wait3A_527, %dma_wait3A_528] : memref<10000x128xf32, #tpu.memory_space<hbm>> -> memref<10000x128xf32, #tpu.memory_space<hbm>>
      tpu.wait_indirect_dma semaphore(%arg47 : memref<!tpu.dma_semaphore, #tpu.memory_space<semaphore_mem>>) src(%dma_wait3A_529 : memref<10000x128xf32, #tpu.memory_space<hbm>>) dst(%arg26 : memref<80x128xf32, #tpu.memory_space<vmem>>)
      %add3A_530 = arith.addi %mul3A_2, %add3A_526 : i32
      %dma_wait3A_531 = arith.constant 0 : i32
      %dma_wait3A_532 = tpu.memref_slice %arg4[%add3A_530, %dma_wait3A_531] : memref<4000x80xi32, #tpu.memory_space<hbm>> -> memref<1x80xi32, #tpu.memory_space<hbm>>
      %dma_wait3A_533 = tpu.memref_squeeze %dma_wait3A_532 : memref<1x80xi32, #tpu.memory_space<hbm>> -> memref<80xi32, #tpu.memory_space<hbm>>
      %dma_wait3A_534 = arith.constant 0 : i32
      %dma_wait3A_535 = tpu.memref_slice %arg4[%add3A_530, %dma_wait3A_534] : memref<4000x80xi32, #tpu.memory_space<hbm>> -> memref<1x80xi32, #tpu.memory_space<hbm>>
      %dma_wait3A_536 = tpu.memref_squeeze %dma_wait3A_535 : memref<1x80xi32, #tpu.memory_space<hbm>> -> memref<80xi32, #tpu.memory_space<hbm>>
      tpu.wait_dma2 semaphore(%arg43 : memref<!tpu.dma_semaphore, #tpu.memory_space<semaphore_mem>>) src(%dma_wait3A_536 : memref<80xi32, #tpu.memory_space<hbm>>) dst(%arg22 : memref<80xi32, #tpu.memory_space<vmem>>)
      "tpu.region"() ({
        %run_scoped3A = tpu.sem_alloc : memref<!tpu.dma_semaphore, #tpu.memory_space<semaphore_mem>>
        %dma_start3A_567 = arith.constant 0 : i32
        %dma_start3A_568 = arith.constant 0 : i32
        %dma_start3A_569 = tpu.memref_slice %arg27[%dma_start3A_567, %dma_start3A_568] : memref<10000x128xf32, #tpu.memory_space<vmem_shared>> -> memref<10000x128xf32, #tpu.memory_space<vmem_shared>>
        tpu.enqueue_indirect_dma source(%arg26 : memref<80x128xf32, #tpu.memory_space<vmem>>) target(%dma_start3A_569 : memref<10000x128xf32, #tpu.memory_space<vmem_shared>>) offsets(%arg22 : memref<80xi32, #tpu.memory_space<vmem>>) semaphore(%run_scoped3A : memref<!tpu.dma_semaphore, #tpu.memory_space<semaphore_mem>>) {add = true}
        %dma_wait3A_570 = arith.constant 0 : i32
        %dma_wait3A_571 = arith.constant 0 : i32
        %dma_wait3A_572 = tpu.memref_slice %arg27[%dma_wait3A_570, %dma_wait3A_571] : memref<10000x128xf32, #tpu.memory_space<vmem_shared>> -> memref<10000x128xf32, #tpu.memory_space<vmem_shared>>
        tpu.wait_indirect_dma semaphore(%run_scoped3A : memref<!tpu.dma_semaphore, #tpu.memory_space<semaphore_mem>>) src(%arg26 : memref<80x128xf32, #tpu.memory_space<vmem>>) dst(%dma_wait3A_572 : memref<10000x128xf32, #tpu.memory_space<vmem_shared>>)
        tpu.yield
      }) : () -> ()
      %add3A_537 = arith.constant 4 : i32
      %add3A_538 = arith.addi %add3A_526, %add3A_537 : i32
      %sub3A_539 = arith.constant 1 : i32
      %sub3A_540 = arith.subi %add3A_538, %sub3A_539 : i32
      %add3A_541 = arith.addi %mul3A_2, %sub3A_540 : i32
      %dma_wait3A_542 = arith.constant 0 : i32
      %dma_wait3A_543 = tpu.memref_slice %arg3[%add3A_541, %dma_wait3A_542] : memref<4000x80xi32, #tpu.memory_space<hbm>> -> memref<1x80xi32, #tpu.memory_space<hbm>>
      %dma_wait3A_544 = tpu.memref_squeeze %dma_wait3A_543 : memref<1x80xi32, #tpu.memory_space<hbm>> -> memref<80xi32, #tpu.memory_space<hbm>>
      %dma_wait3A_545 = arith.constant 0 : i32
      %dma_wait3A_546 = tpu.memref_slice %arg3[%add3A_541, %dma_wait3A_545] : memref<4000x80xi32, #tpu.memory_space<hbm>> -> memref<1x80xi32, #tpu.memory_space<hbm>>
      %dma_wait3A_547 = tpu.memref_squeeze %dma_wait3A_546 : memref<1x80xi32, #tpu.memory_space<hbm>> -> memref<80xi32, #tpu.memory_space<hbm>>
      tpu.wait_dma2 semaphore(%arg30 : memref<!tpu.dma_semaphore, #tpu.memory_space<semaphore_mem>>) src(%dma_wait3A_547 : memref<80xi32, #tpu.memory_space<hbm>>) dst(%arg9 : memref<80xi32, #tpu.memory_space<vmem>>)
      %dma_start3A_548 = arith.constant 0 : i32
      %dma_start3A_549 = arith.constant 0 : i32
      %dma_start3A_550 = tpu.memref_slice %arg2[%dma_start3A_548, %dma_start3A_549] : memref<10000x128xf32, #tpu.memory_space<hbm>> -> memref<10000x128xf32, #tpu.memory_space<hbm>>
      tpu.enqueue_indirect_dma source(%dma_start3A_550 : memref<10000x128xf32, #tpu.memory_space<hbm>>) target(%arg25 : memref<80x128xf32, #tpu.memory_space<vmem>>) offsets(%arg9 : memref<80xi32, #tpu.memory_space<vmem>>) semaphore(%arg46 : memref<!tpu.dma_semaphore, #tpu.memory_space<semaphore_mem>>)
      %add3A_551 = arith.constant 4 : i32
      %add3A_552 = arith.addi %add3A_526, %add3A_551 : i32
      %add3A_553 = arith.addi %mul3A_2, %add3A_552 : i32
      %dma_start3A_554 = arith.constant 0 : i32
      %dma_start3A_555 = tpu.memref_slice %arg3[%add3A_553, %dma_start3A_554] : memref<4000x80xi32, #tpu.memory_space<hbm>> -> memref<1x80xi32, #tpu.memory_space<hbm>>
      %dma_start3A_556 = tpu.memref_squeeze %dma_start3A_555 : memref<1x80xi32, #tpu.memory_space<hbm>> -> memref<80xi32, #tpu.memory_space<hbm>>
      %dma_start3A_557 = arith.constant 0 : i32
      %dma_start3A_558 = tpu.memref_slice %arg3[%add3A_553, %dma_start3A_557] : memref<4000x80xi32, #tpu.memory_space<hbm>> -> memref<1x80xi32, #tpu.memory_space<hbm>>
      %dma_start3A_559 = tpu.memref_squeeze %dma_start3A_558 : memref<1x80xi32, #tpu.memory_space<hbm>> -> memref<80xi32, #tpu.memory_space<hbm>>
      tpu.enqueue_dma source(%dma_start3A_559 : memref<80xi32, #tpu.memory_space<hbm>>) target(%arg10 : memref<80xi32, #tpu.memory_space<vmem>>) target_semaphore(%arg31 : memref<!tpu.dma_semaphore, #tpu.memory_space<semaphore_mem>>)
      %add3A_560 = arith.addi %mul3A_2, %add3A_552 : i32
      %dma_start3A_561 = arith.constant 0 : i32
      %dma_start3A_562 = tpu.memref_slice %arg4[%add3A_560, %dma_start3A_561] : memref<4000x80xi32, #tpu.memory_space<hbm>> -> memref<1x80xi32, #tpu.memory_space<hbm>>
      %dma_start3A_563 = tpu.memref_squeeze %dma_start3A_562 : memref<1x80xi32, #tpu.memory_space<hbm>> -> memref<80xi32, #tpu.memory_space<hbm>>
      %dma_start3A_564 = arith.constant 0 : i32
      %dma_start3A_565 = tpu.memref_slice %arg4[%add3A_560, %dma_start3A_564] : memref<4000x80xi32, #tpu.memory_space<hbm>> -> memref<1x80xi32, #tpu.memory_space<hbm>>
      %dma_start3A_566 = tpu.memref_squeeze %dma_start3A_565 : memref<1x80xi32, #tpu.memory_space<hbm>> -> memref<80xi32, #tpu.memory_space<hbm>>
      tpu.enqueue_dma source(%dma_start3A_566 : memref<80xi32, #tpu.memory_space<hbm>>) target(%arg18 : memref<80xi32, #tpu.memory_space<vmem>>) target_semaphore(%arg39 : memref<!tpu.dma_semaphore, #tpu.memory_space<semaphore_mem>>)
    }
    %scan3A_110 = arith.constant 15 : i32
    %dma_wait3A_111 = arith.constant 0 : i32
    %dma_wait3A_112 = arith.constant 0 : i32
    %dma_wait3A_113 = tpu.memref_slice %arg2[%dma_wait3A_111, %dma_wait3A_112] : memref<10000x128xf32, #tpu.memory_space<hbm>> -> memref<10000x128xf32, #tpu.memory_space<hbm>>
    tpu.wait_indirect_dma semaphore(%arg44 : memref<!tpu.dma_semaphore, #tpu.memory_space<semaphore_mem>>) src(%dma_wait3A_113 : memref<10000x128xf32, #tpu.memory_space<hbm>>) dst(%arg23 : memref<80x128xf32, #tpu.memory_space<vmem>>)
    %add3A_114 = arith.constant 120 : i32
    %add3A_115 = arith.addi %mul3A_2, %add3A_114 : i32
    %dma_wait3A_116 = arith.constant 0 : i32
    %dma_wait3A_117 = tpu.memref_slice %arg4[%add3A_115, %dma_wait3A_116] : memref<4000x80xi32, #tpu.memory_space<hbm>> -> memref<1x80xi32, #tpu.memory_space<hbm>>
    %dma_wait3A_118 = tpu.memref_squeeze %dma_wait3A_117 : memref<1x80xi32, #tpu.memory_space<hbm>> -> memref<80xi32, #tpu.memory_space<hbm>>
    %dma_wait3A_119 = arith.constant 0 : i32
    %dma_wait3A_120 = tpu.memref_slice %arg4[%add3A_115, %dma_wait3A_119] : memref<4000x80xi32, #tpu.memory_space<hbm>> -> memref<1x80xi32, #tpu.memory_space<hbm>>
    %dma_wait3A_121 = tpu.memref_squeeze %dma_wait3A_120 : memref<1x80xi32, #tpu.memory_space<hbm>> -> memref<80xi32, #tpu.memory_space<hbm>>
    tpu.wait_dma2 semaphore(%arg36 : memref<!tpu.dma_semaphore, #tpu.memory_space<semaphore_mem>>) src(%dma_wait3A_121 : memref<80xi32, #tpu.memory_space<hbm>>) dst(%arg15 : memref<80xi32, #tpu.memory_space<vmem>>)
    "tpu.region"() ({
      %run_scoped3A = tpu.sem_alloc : memref<!tpu.dma_semaphore, #tpu.memory_space<semaphore_mem>>
      %dma_start3A_215 = arith.constant 0 : i32
      %dma_start3A_216 = arith.constant 0 : i32
      %dma_start3A_217 = tpu.memref_slice %arg27[%dma_start3A_215, %dma_start3A_216] : memref<10000x128xf32, #tpu.memory_space<vmem_shared>> -> memref<10000x128xf32, #tpu.memory_space<vmem_shared>>
      tpu.enqueue_indirect_dma source(%arg23 : memref<80x128xf32, #tpu.memory_space<vmem>>) target(%dma_start3A_217 : memref<10000x128xf32, #tpu.memory_space<vmem_shared>>) offsets(%arg15 : memref<80xi32, #tpu.memory_space<vmem>>) semaphore(%run_scoped3A : memref<!tpu.dma_semaphore, #tpu.memory_space<semaphore_mem>>) {add = true}
      %dma_wait3A_218 = arith.constant 0 : i32
      %dma_wait3A_219 = arith.constant 0 : i32
      %dma_wait3A_220 = tpu.memref_slice %arg27[%dma_wait3A_218, %dma_wait3A_219] : memref<10000x128xf32, #tpu.memory_space<vmem_shared>> -> memref<10000x128xf32, #tpu.memory_space<vmem_shared>>
      tpu.wait_indirect_dma semaphore(%run_scoped3A : memref<!tpu.dma_semaphore, #tpu.memory_space<semaphore_mem>>) src(%arg23 : memref<80x128xf32, #tpu.memory_space<vmem>>) dst(%dma_wait3A_220 : memref<10000x128xf32, #tpu.memory_space<vmem_shared>>)
      tpu.yield
    }) : () -> ()
    %add3A_122 = arith.constant 123 : i32
    %add3A_123 = arith.addi %mul3A_2, %add3A_122 : i32
    %dma_wait3A_124 = arith.constant 0 : i32
    %dma_wait3A_125 = tpu.memref_slice %arg3[%add3A_123, %dma_wait3A_124] : memref<4000x80xi32, #tpu.memory_space<hbm>> -> memref<1x80xi32, #tpu.memory_space<hbm>>
    %dma_wait3A_126 = tpu.memref_squeeze %dma_wait3A_125 : memref<1x80xi32, #tpu.memory_space<hbm>> -> memref<80xi32, #tpu.memory_space<hbm>>
    %dma_wait3A_127 = arith.constant 0 : i32
    %dma_wait3A_128 = tpu.memref_slice %arg3[%add3A_123, %dma_wait3A_127] : memref<4000x80xi32, #tpu.memory_space<hbm>> -> memref<1x80xi32, #tpu.memory_space<hbm>>
    %dma_wait3A_129 = tpu.memref_squeeze %dma_wait3A_128 : memref<1x80xi32, #tpu.memory_space<hbm>> -> memref<80xi32, #tpu.memory_space<hbm>>
    tpu.wait_dma2 semaphore(%arg31 : memref<!tpu.dma_semaphore, #tpu.memory_space<semaphore_mem>>) src(%dma_wait3A_129 : memref<80xi32, #tpu.memory_space<hbm>>) dst(%arg10 : memref<80xi32, #tpu.memory_space<vmem>>)
    %dma_start3A_130 = arith.constant 0 : i32
    %dma_start3A_131 = arith.constant 0 : i32
    %dma_start3A_132 = tpu.memref_slice %arg2[%dma_start3A_130, %dma_start3A_131] : memref<10000x128xf32, #tpu.memory_space<hbm>> -> memref<10000x128xf32, #tpu.memory_space<hbm>>
    tpu.enqueue_indirect_dma source(%dma_start3A_132 : memref<10000x128xf32, #tpu.memory_space<hbm>>) target(%arg26 : memref<80x128xf32, #tpu.memory_space<vmem>>) offsets(%arg10 : memref<80xi32, #tpu.memory_space<vmem>>) semaphore(%arg47 : memref<!tpu.dma_semaphore, #tpu.memory_space<semaphore_mem>>)
    %add3A_133 = arith.constant 124 : i32
    %add3A_134 = arith.addi %mul3A_2, %add3A_133 : i32
    %dma_start3A_135 = arith.constant 0 : i32
    %dma_start3A_136 = tpu.memref_slice %arg3[%add3A_134, %dma_start3A_135] : memref<4000x80xi32, #tpu.memory_space<hbm>> -> memref<1x80xi32, #tpu.memory_space<hbm>>
    %dma_start3A_137 = tpu.memref_squeeze %dma_start3A_136 : memref<1x80xi32, #tpu.memory_space<hbm>> -> memref<80xi32, #tpu.memory_space<hbm>>
    %dma_start3A_138 = arith.constant 0 : i32
    %dma_start3A_139 = tpu.memref_slice %arg3[%add3A_134, %dma_start3A_138] : memref<4000x80xi32, #tpu.memory_space<hbm>> -> memref<1x80xi32, #tpu.memory_space<hbm>>
    %dma_start3A_140 = tpu.memref_squeeze %dma_start3A_139 : memref<1x80xi32, #tpu.memory_space<hbm>> -> memref<80xi32, #tpu.memory_space<hbm>>
    tpu.enqueue_dma source(%dma_start3A_140 : memref<80xi32, #tpu.memory_space<hbm>>) target(%arg11 : memref<80xi32, #tpu.memory_space<vmem>>) target_semaphore(%arg32 : memref<!tpu.dma_semaphore, #tpu.memory_space<semaphore_mem>>)
    %add3A_141 = arith.constant 124 : i32
    %add3A_142 = arith.addi %mul3A_2, %add3A_141 : i32
    %dma_start3A_143 = arith.constant 0 : i32
    %dma_start3A_144 = tpu.memref_slice %arg4[%add3A_142, %dma_start3A_143] : memref<4000x80xi32, #tpu.memory_space<hbm>> -> memref<1x80xi32, #tpu.memory_space<hbm>>
    %dma_start3A_145 = tpu.memref_squeeze %dma_start3A_144 : memref<1x80xi32, #tpu.memory_space<hbm>> -> memref<80xi32, #tpu.memory_space<hbm>>
    %dma_start3A_146 = arith.constant 0 : i32
    %dma_start3A_147 = tpu.memref_slice %arg4[%add3A_142, %dma_start3A_146] : memref<4000x80xi32, #tpu.memory_space<hbm>> -> memref<1x80xi32, #tpu.memory_space<hbm>>
    %dma_start3A_148 = tpu.memref_squeeze %dma_start3A_147 : memref<1x80xi32, #tpu.memory_space<hbm>> -> memref<80xi32, #tpu.memory_space<hbm>>
    tpu.enqueue_dma source(%dma_start3A_148 : memref<80xi32, #tpu.memory_space<hbm>>) target(%arg19 : memref<80xi32, #tpu.memory_space<vmem>>) target_semaphore(%arg40 : memref<!tpu.dma_semaphore, #tpu.memory_space<semaphore_mem>>)
    %dma_wait3A_149 = arith.constant 0 : i32
    %dma_wait3A_150 = arith.constant 0 : i32
    %dma_wait3A_151 = tpu.memref_slice %arg2[%dma_wait3A_149, %dma_wait3A_150] : memref<10000x128xf32, #tpu.memory_space<hbm>> -> memref<10000x128xf32, #tpu.memory_space<hbm>>
    tpu.wait_indirect_dma semaphore(%arg45 : memref<!tpu.dma_semaphore, #tpu.memory_space<semaphore_mem>>) src(%dma_wait3A_151 : memref<10000x128xf32, #tpu.memory_space<hbm>>) dst(%arg24 : memref<80x128xf32, #tpu.memory_space<vmem>>)
    %add3A_152 = arith.constant 121 : i32
    %add3A_153 = arith.addi %mul3A_2, %add3A_152 : i32
    %dma_wait3A_154 = arith.constant 0 : i32
    %dma_wait3A_155 = tpu.memref_slice %arg4[%add3A_153, %dma_wait3A_154] : memref<4000x80xi32, #tpu.memory_space<hbm>> -> memref<1x80xi32, #tpu.memory_space<hbm>>
    %dma_wait3A_156 = tpu.memref_squeeze %dma_wait3A_155 : memref<1x80xi32, #tpu.memory_space<hbm>> -> memref<80xi32, #tpu.memory_space<hbm>>
    %dma_wait3A_157 = arith.constant 0 : i32
    %dma_wait3A_158 = tpu.memref_slice %arg4[%add3A_153, %dma_wait3A_157] : memref<4000x80xi32, #tpu.memory_space<hbm>> -> memref<1x80xi32, #tpu.memory_space<hbm>>
    %dma_wait3A_159 = tpu.memref_squeeze %dma_wait3A_158 : memref<1x80xi32, #tpu.memory_space<hbm>> -> memref<80xi32, #tpu.memory_space<hbm>>
    tpu.wait_dma2 semaphore(%arg37 : memref<!tpu.dma_semaphore, #tpu.memory_space<semaphore_mem>>) src(%dma_wait3A_159 : memref<80xi32, #tpu.memory_space<hbm>>) dst(%arg16 : memref<80xi32, #tpu.memory_space<vmem>>)
    "tpu.region"() ({
      %run_scoped3A = tpu.sem_alloc : memref<!tpu.dma_semaphore, #tpu.memory_space<semaphore_mem>>
      %dma_start3A_215 = arith.constant 0 : i32
      %dma_start3A_216 = arith.constant 0 : i32
      %dma_start3A_217 = tpu.memref_slice %arg27[%dma_start3A_215, %dma_start3A_216] : memref<10000x128xf32, #tpu.memory_space<vmem_shared>> -> memref<10000x128xf32, #tpu.memory_space<vmem_shared>>
      tpu.enqueue_indirect_dma source(%arg24 : memref<80x128xf32, #tpu.memory_space<vmem>>) target(%dma_start3A_217 : memref<10000x128xf32, #tpu.memory_space<vmem_shared>>) offsets(%arg16 : memref<80xi32, #tpu.memory_space<vmem>>) semaphore(%run_scoped3A : memref<!tpu.dma_semaphore, #tpu.memory_space<semaphore_mem>>) {add = true}
      %dma_wait3A_218 = arith.constant 0 : i32
      %dma_wait3A_219 = arith.constant 0 : i32
      %dma_wait3A_220 = tpu.memref_slice %arg27[%dma_wait3A_218, %dma_wait3A_219] : memref<10000x128xf32, #tpu.memory_space<vmem_shared>> -> memref<10000x128xf32, #tpu.memory_space<vmem_shared>>
      tpu.wait_indirect_dma semaphore(%run_scoped3A : memref<!tpu.dma_semaphore, #tpu.memory_space<semaphore_mem>>) src(%arg24 : memref<80x128xf32, #tpu.memory_space<vmem>>) dst(%dma_wait3A_220 : memref<10000x128xf32, #tpu.memory_space<vmem_shared>>)
      tpu.yield
    }) : () -> ()
    %add3A_160 = arith.constant 124 : i32
    %add3A_161 = arith.addi %mul3A_2, %add3A_160 : i32
    %dma_wait3A_162 = arith.constant 0 : i32
    %dma_wait3A_163 = tpu.memref_slice %arg3[%add3A_161, %dma_wait3A_162] : memref<4000x80xi32, #tpu.memory_space<hbm>> -> memref<1x80xi32, #tpu.memory_space<hbm>>
    %dma_wait3A_164 = tpu.memref_squeeze %dma_wait3A_163 : memref<1x80xi32, #tpu.memory_space<hbm>> -> memref<80xi32, #tpu.memory_space<hbm>>
    %dma_wait3A_165 = arith.constant 0 : i32
    %dma_wait3A_166 = tpu.memref_slice %arg3[%add3A_161, %dma_wait3A_165] : memref<4000x80xi32, #tpu.memory_space<hbm>> -> memref<1x80xi32, #tpu.memory_space<hbm>>
    %dma_wait3A_167 = tpu.memref_squeeze %dma_wait3A_166 : memref<1x80xi32, #tpu.memory_space<hbm>> -> memref<80xi32, #tpu.memory_space<hbm>>
    tpu.wait_dma2 semaphore(%arg32 : memref<!tpu.dma_semaphore, #tpu.memory_space<semaphore_mem>>) src(%dma_wait3A_167 : memref<80xi32, #tpu.memory_space<hbm>>) dst(%arg11 : memref<80xi32, #tpu.memory_space<vmem>>)
    %dma_start3A_168 = arith.constant 0 : i32
    %dma_start3A_169 = arith.constant 0 : i32
    %dma_start3A_170 = tpu.memref_slice %arg2[%dma_start3A_168, %dma_start3A_169] : memref<10000x128xf32, #tpu.memory_space<hbm>> -> memref<10000x128xf32, #tpu.memory_space<hbm>>
    tpu.enqueue_indirect_dma source(%dma_start3A_170 : memref<10000x128xf32, #tpu.memory_space<hbm>>) target(%arg23 : memref<80x128xf32, #tpu.memory_space<vmem>>) offsets(%arg11 : memref<80xi32, #tpu.memory_space<vmem>>) semaphore(%arg44 : memref<!tpu.dma_semaphore, #tpu.memory_space<semaphore_mem>>)
    %dma_wait3A_171 = arith.constant 0 : i32
    %dma_wait3A_172 = arith.constant 0 : i32
    %dma_wait3A_173 = tpu.memref_slice %arg2[%dma_wait3A_171, %dma_wait3A_172] : memref<10000x128xf32, #tpu.memory_space<hbm>> -> memref<10000x128xf32, #tpu.memory_space<hbm>>
    tpu.wait_indirect_dma semaphore(%arg46 : memref<!tpu.dma_semaphore, #tpu.memory_space<semaphore_mem>>) src(%dma_wait3A_173 : memref<10000x128xf32, #tpu.memory_space<hbm>>) dst(%arg25 : memref<80x128xf32, #tpu.memory_space<vmem>>)
    %add3A_174 = arith.constant 122 : i32
    %add3A_175 = arith.addi %mul3A_2, %add3A_174 : i32
    %dma_wait3A_176 = arith.constant 0 : i32
    %dma_wait3A_177 = tpu.memref_slice %arg4[%add3A_175, %dma_wait3A_176] : memref<4000x80xi32, #tpu.memory_space<hbm>> -> memref<1x80xi32, #tpu.memory_space<hbm>>
    %dma_wait3A_178 = tpu.memref_squeeze %dma_wait3A_177 : memref<1x80xi32, #tpu.memory_space<hbm>> -> memref<80xi32, #tpu.memory_space<hbm>>
    %dma_wait3A_179 = arith.constant 0 : i32
    %dma_wait3A_180 = tpu.memref_slice %arg4[%add3A_175, %dma_wait3A_179] : memref<4000x80xi32, #tpu.memory_space<hbm>> -> memref<1x80xi32, #tpu.memory_space<hbm>>
    %dma_wait3A_181 = tpu.memref_squeeze %dma_wait3A_180 : memref<1x80xi32, #tpu.memory_space<hbm>> -> memref<80xi32, #tpu.memory_space<hbm>>
    tpu.wait_dma2 semaphore(%arg38 : memref<!tpu.dma_semaphore, #tpu.memory_space<semaphore_mem>>) src(%dma_wait3A_181 : memref<80xi32, #tpu.memory_space<hbm>>) dst(%arg17 : memref<80xi32, #tpu.memory_space<vmem>>)
    "tpu.region"() ({
      %run_scoped3A = tpu.sem_alloc : memref<!tpu.dma_semaphore, #tpu.memory_space<semaphore_mem>>
      %dma_start3A_215 = arith.constant 0 : i32
      %dma_start3A_216 = arith.constant 0 : i32
      %dma_start3A_217 = tpu.memref_slice %arg27[%dma_start3A_215, %dma_start3A_216] : memref<10000x128xf32, #tpu.memory_space<vmem_shared>> -> memref<10000x128xf32, #tpu.memory_space<vmem_shared>>
      tpu.enqueue_indirect_dma source(%arg25 : memref<80x128xf32, #tpu.memory_space<vmem>>) target(%dma_start3A_217 : memref<10000x128xf32, #tpu.memory_space<vmem_shared>>) offsets(%arg17 : memref<80xi32, #tpu.memory_space<vmem>>) semaphore(%run_scoped3A : memref<!tpu.dma_semaphore, #tpu.memory_space<semaphore_mem>>) {add = true}
      %dma_wait3A_218 = arith.constant 0 : i32
      %dma_wait3A_219 = arith.constant 0 : i32
      %dma_wait3A_220 = tpu.memref_slice %arg27[%dma_wait3A_218, %dma_wait3A_219] : memref<10000x128xf32, #tpu.memory_space<vmem_shared>> -> memref<10000x128xf32, #tpu.memory_space<vmem_shared>>
      tpu.wait_indirect_dma semaphore(%run_scoped3A : memref<!tpu.dma_semaphore, #tpu.memory_space<semaphore_mem>>) src(%arg25 : memref<80x128xf32, #tpu.memory_space<vmem>>) dst(%dma_wait3A_220 : memref<10000x128xf32, #tpu.memory_space<vmem_shared>>)
      tpu.yield
    }) : () -> ()
    %dma_wait3A_182 = arith.constant 0 : i32
    %dma_wait3A_183 = arith.constant 0 : i32
    %dma_wait3A_184 = tpu.memref_slice %arg2[%dma_wait3A_182, %dma_wait3A_183] : memref<10000x128xf32, #tpu.memory_space<hbm>> -> memref<10000x128xf32, #tpu.memory_space<hbm>>
    tpu.wait_indirect_dma semaphore(%arg47 : memref<!tpu.dma_semaphore, #tpu.memory_space<semaphore_mem>>) src(%dma_wait3A_184 : memref<10000x128xf32, #tpu.memory_space<hbm>>) dst(%arg26 : memref<80x128xf32, #tpu.memory_space<vmem>>)
    %add3A_185 = arith.constant 123 : i32
    %add3A_186 = arith.addi %mul3A_2, %add3A_185 : i32
    %dma_wait3A_187 = arith.constant 0 : i32
    %dma_wait3A_188 = tpu.memref_slice %arg4[%add3A_186, %dma_wait3A_187] : memref<4000x80xi32, #tpu.memory_space<hbm>> -> memref<1x80xi32, #tpu.memory_space<hbm>>
    %dma_wait3A_189 = tpu.memref_squeeze %dma_wait3A_188 : memref<1x80xi32, #tpu.memory_space<hbm>> -> memref<80xi32, #tpu.memory_space<hbm>>
    %dma_wait3A_190 = arith.constant 0 : i32
    %dma_wait3A_191 = tpu.memref_slice %arg4[%add3A_186, %dma_wait3A_190] : memref<4000x80xi32, #tpu.memory_space<hbm>> -> memref<1x80xi32, #tpu.memory_space<hbm>>
    %dma_wait3A_192 = tpu.memref_squeeze %dma_wait3A_191 : memref<1x80xi32, #tpu.memory_space<hbm>> -> memref<80xi32, #tpu.memory_space<hbm>>
    tpu.wait_dma2 semaphore(%arg39 : memref<!tpu.dma_semaphore, #tpu.memory_space<semaphore_mem>>) src(%dma_wait3A_192 : memref<80xi32, #tpu.memory_space<hbm>>) dst(%arg18 : memref<80xi32, #tpu.memory_space<vmem>>)
    "tpu.region"() ({
      %run_scoped3A = tpu.sem_alloc : memref<!tpu.dma_semaphore, #tpu.memory_space<semaphore_mem>>
      %dma_start3A_215 = arith.constant 0 : i32
      %dma_start3A_216 = arith.constant 0 : i32
      %dma_start3A_217 = tpu.memref_slice %arg27[%dma_start3A_215, %dma_start3A_216] : memref<10000x128xf32, #tpu.memory_space<vmem_shared>> -> memref<10000x128xf32, #tpu.memory_space<vmem_shared>>
      tpu.enqueue_indirect_dma source(%arg26 : memref<80x128xf32, #tpu.memory_space<vmem>>) target(%dma_start3A_217 : memref<10000x128xf32, #tpu.memory_space<vmem_shared>>) offsets(%arg18 : memref<80xi32, #tpu.memory_space<vmem>>) semaphore(%run_scoped3A : memref<!tpu.dma_semaphore, #tpu.memory_space<semaphore_mem>>) {add = true}
      %dma_wait3A_218 = arith.constant 0 : i32
      %dma_wait3A_219 = arith.constant 0 : i32
      %dma_wait3A_220 = tpu.memref_slice %arg27[%dma_wait3A_218, %dma_wait3A_219] : memref<10000x128xf32, #tpu.memory_space<vmem_shared>> -> memref<10000x128xf32, #tpu.memory_space<vmem_shared>>
      tpu.wait_indirect_dma semaphore(%run_scoped3A : memref<!tpu.dma_semaphore, #tpu.memory_space<semaphore_mem>>) src(%arg26 : memref<80x128xf32, #tpu.memory_space<vmem>>) dst(%dma_wait3A_220 : memref<10000x128xf32, #tpu.memory_space<vmem_shared>>)
      tpu.yield
    }) : () -> ()
    %dma_wait3A_193 = arith.constant 0 : i32
    %dma_wait3A_194 = arith.constant 0 : i32
    %dma_wait3A_195 = tpu.memref_slice %arg2[%dma_wait3A_193, %dma_wait3A_194] : memref<10000x128xf32, #tpu.memory_space<hbm>> -> memref<10000x128xf32, #tpu.memory_space<hbm>>
    tpu.wait_indirect_dma semaphore(%arg44 : memref<!tpu.dma_semaphore, #tpu.memory_space<semaphore_mem>>) src(%dma_wait3A_195 : memref<10000x128xf32, #tpu.memory_space<hbm>>) dst(%arg23 : memref<80x128xf32, #tpu.memory_space<vmem>>)
    %add3A_196 = arith.constant 124 : i32
    %add3A_197 = arith.addi %mul3A_2, %add3A_196 : i32
    %dma_wait3A_198 = arith.constant 0 : i32
    %dma_wait3A_199 = tpu.memref_slice %arg4[%add3A_197, %dma_wait3A_198] : memref<4000x80xi32, #tpu.memory_space<hbm>> -> memref<1x80xi32, #tpu.memory_space<hbm>>
    %dma_wait3A_200 = tpu.memref_squeeze %dma_wait3A_199 : memref<1x80xi32, #tpu.memory_space<hbm>> -> memref<80xi32, #tpu.memory_space<hbm>>
    %dma_wait3A_201 = arith.constant 0 : i32
    %dma_wait3A_202 = tpu.memref_slice %arg4[%add3A_197, %dma_wait3A_201] : memref<4000x80xi32, #tpu.memory_space<hbm>> -> memref<1x80xi32, #tpu.memory_space<hbm>>
    %dma_wait3A_203 = tpu.memref_squeeze %dma_wait3A_202 : memref<1x80xi32, #tpu.memory_space<hbm>> -> memref<80xi32, #tpu.memory_space<hbm>>
    tpu.wait_dma2 semaphore(%arg40 : memref<!tpu.dma_semaphore, #tpu.memory_space<semaphore_mem>>) src(%dma_wait3A_203 : memref<80xi32, #tpu.memory_space<hbm>>) dst(%arg19 : memref<80xi32, #tpu.memory_space<vmem>>)
    "tpu.region"() ({
      %run_scoped3A = tpu.sem_alloc : memref<!tpu.dma_semaphore, #tpu.memory_space<semaphore_mem>>
      %dma_start3A_215 = arith.constant 0 : i32
      %dma_start3A_216 = arith.constant 0 : i32
      %dma_start3A_217 = tpu.memref_slice %arg27[%dma_start3A_215, %dma_start3A_216] : memref<10000x128xf32, #tpu.memory_space<vmem_shared>> -> memref<10000x128xf32, #tpu.memory_space<vmem_shared>>
      tpu.enqueue_indirect_dma source(%arg23 : memref<80x128xf32, #tpu.memory_space<vmem>>) target(%dma_start3A_217 : memref<10000x128xf32, #tpu.memory_space<vmem_shared>>) offsets(%arg19 : memref<80xi32, #tpu.memory_space<vmem>>) semaphore(%run_scoped3A : memref<!tpu.dma_semaphore, #tpu.memory_space<semaphore_mem>>) {add = true}
      %dma_wait3A_218 = arith.constant 0 : i32
      %dma_wait3A_219 = arith.constant 0 : i32
      %dma_wait3A_220 = tpu.memref_slice %arg27[%dma_wait3A_218, %dma_wait3A_219] : memref<10000x128xf32, #tpu.memory_space<vmem_shared>> -> memref<10000x128xf32, #tpu.memory_space<vmem_shared>>
      tpu.wait_indirect_dma semaphore(%run_scoped3A : memref<!tpu.dma_semaphore, #tpu.memory_space<semaphore_mem>>) src(%arg23 : memref<80x128xf32, #tpu.memory_space<vmem>>) dst(%dma_wait3A_220 : memref<10000x128xf32, #tpu.memory_space<vmem_shared>>)
      tpu.yield
    }) : () -> ()
    %barrier3A_204 = arith.constant 0 : index
    tpu.barrier barrier_id(%barrier3A_204)
    %lt3A_205 = arith.constant 15 : i32
    %lt3A_206 = arith.cmpi slt, %arg1, %lt3A_205 : i32
    %convert_element_type3A_207 = arith.extui %lt3A_206 : i1 to i32
    %cond3A_208 = arith.constant 0 : i32
    %cond3A_209 = arith.cmpi ne, %convert_element_type3A_207, %cond3A_208 : i32
    scf.if %cond3A_209 {
      %mul3A_215 = arith.constant 10000 : i32
      %mul3A_216 = arith.muli %arg0, %mul3A_215 : i32
      %add3A_217 = arith.addi %mul3A_216, %mul3A_99 : i32
      "tpu.region"() ({
        %run_scoped3A = tpu.sem_alloc : memref<!tpu.dma_semaphore, #tpu.memory_space<semaphore_mem>>
        %dma_start3A_218 = arith.constant 0 : i32
        %dma_start3A_219 = tpu.memref_slice %arg6[%add3A_217, %dma_start3A_218] : memref<20000x128xf32, #tpu.memory_space<hbm>> -> memref<640x128xf32, #tpu.memory_space<hbm>>
        %dma_start3A_220 = arith.constant 0 : i32
        %dma_start3A_221 = tpu.memref_slice %arg27[%mul3A_99, %dma_start3A_220] : memref<10000x128xf32, #tpu.memory_space<vmem_shared>> -> memref<640x128xf32, #tpu.memory_space<vmem_shared>>
        tpu.enqueue_dma source(%dma_start3A_221 : memref<640x128xf32, #tpu.memory_space<vmem_shared>>) target(%dma_start3A_219 : memref<640x128xf32, #tpu.memory_space<hbm>>) target_semaphore(%run_scoped3A : memref<!tpu.dma_semaphore, #tpu.memory_space<semaphore_mem>>)
        %dma_wait3A_222 = arith.constant 0 : i32
        %dma_wait3A_223 = tpu.memref_slice %arg6[%add3A_217, %dma_wait3A_222] : memref<20000x128xf32, #tpu.memory_space<hbm>> -> memref<640x128xf32, #tpu.memory_space<hbm>>
        %dma_wait3A_224 = arith.constant 0 : i32
        %dma_wait3A_225 = tpu.memref_slice %arg27[%mul3A_99, %dma_wait3A_224] : memref<10000x128xf32, #tpu.memory_space<vmem_shared>> -> memref<640x128xf32, #tpu.memory_space<vmem_shared>>
        tpu.wait_dma2 semaphore(%run_scoped3A : memref<!tpu.dma_semaphore, #tpu.memory_space<semaphore_mem>>) src(%dma_wait3A_225 : memref<640x128xf32, #tpu.memory_space<vmem_shared>>) dst(%dma_wait3A_223 : memref<640x128xf32, #tpu.memory_space<hbm>>)
        tpu.yield
      }) : () -> ()
    } else {
    }
    %eq3A_210 = arith.constant 15 : i32
    %eq3A_211 = arith.cmpi eq, %arg1, %eq3A_210 : i32
    %convert_element_type3A_212 = arith.extui %eq3A_211 : i1 to i32
    %cond3A_213 = arith.constant 0 : i32
    %cond3A_214 = arith.cmpi ne, %convert_element_type3A_212, %cond3A_213 : i32
    scf.if %cond3A_214 {
      %mul3A_215 = arith.constant 10000 : i32
      %mul3A_216 = arith.muli %arg0, %mul3A_215 : i32
      %add3A_217 = arith.constant 9600 : i32
      %add3A_218 = arith.addi %mul3A_216, %add3A_217 : i32
      "tpu.region"() ({
        %run_scoped3A = tpu.sem_alloc : memref<!tpu.dma_semaphore, #tpu.memory_space<semaphore_mem>>
        %dma_start3A_219 = arith.constant 0 : i32
        %dma_start3A_220 = tpu.memref_slice %arg6[%add3A_218, %dma_start3A_219] : memref<20000x128xf32, #tpu.memory_space<hbm>> -> memref<400x128xf32, #tpu.memory_space<hbm>>
        %dma_start3A_221 = arith.constant 9600 : i32
        %dma_start3A_222 = arith.constant 0 : i32
        %dma_start3A_223 = tpu.memref_slice %arg27[%dma_start3A_221, %dma_start3A_222] : memref<10000x128xf32, #tpu.memory_space<vmem_shared>> -> memref<400x128xf32, #tpu.memory_space<vmem_shared>>
        tpu.enqueue_dma source(%dma_start3A_223 : memref<400x128xf32, #tpu.memory_space<vmem_shared>>) target(%dma_start3A_220 : memref<400x128xf32, #tpu.memory_space<hbm>>) target_semaphore(%run_scoped3A : memref<!tpu.dma_semaphore, #tpu.memory_space<semaphore_mem>>)
        %dma_wait3A_224 = arith.constant 0 : i32
        %dma_wait3A_225 = tpu.memref_slice %arg6[%add3A_218, %dma_wait3A_224] : memref<20000x128xf32, #tpu.memory_space<hbm>> -> memref<400x128xf32, #tpu.memory_space<hbm>>
        %dma_wait3A_226 = arith.constant 9600 : i32
        %dma_wait3A_227 = arith.constant 0 : i32
        %dma_wait3A_228 = tpu.memref_slice %arg27[%dma_wait3A_226, %dma_wait3A_227] : memref<10000x128xf32, #tpu.memory_space<vmem_shared>> -> memref<400x128xf32, #tpu.memory_space<vmem_shared>>
        tpu.wait_dma2 semaphore(%run_scoped3A : memref<!tpu.dma_semaphore, #tpu.memory_space<semaphore_mem>>) src(%dma_wait3A_228 : memref<400x128xf32, #tpu.memory_space<vmem_shared>>) dst(%dma_wait3A_225 : memref<400x128xf32, #tpu.memory_space<hbm>>)
        tpu.yield
      }) : () -> ()
    } else {
    }
    return
  }
}

#map = affine_map<(d0, d1) -> (0, 0)>
module attributes {stable_mosaic.version = 14 : i64} {
  func.func @_sc_body(%arg0: i32, %arg1: i32, %arg2: memref<10000x128xf32, #tpu.memory_space<hbm>>, %arg3: memref<4000x80xi32, #tpu.memory_space<hbm>>, %arg4: memref<4000x80xi32, #tpu.memory_space<hbm>>, %arg5: memref<640x128xf32, #tpu.memory_space<hbm>>, %arg6: memref<20000x128xf32, #tpu.memory_space<hbm>>, %arg7: memref<80xi32, #tpu.memory_space<vmem>>, %arg8: memref<80xi32, #tpu.memory_space<vmem>>, %arg9: memref<80xi32, #tpu.memory_space<vmem>>, %arg10: memref<80xi32, #tpu.memory_space<vmem>>, %arg11: memref<80xi32, #tpu.memory_space<vmem>>, %arg12: memref<80xi32, #tpu.memory_space<vmem>>, %arg13: memref<80xi32, #tpu.memory_space<vmem>>, %arg14: memref<80xi32, #tpu.memory_space<vmem>>, %arg15: memref<80xi32, #tpu.memory_space<vmem>>, %arg16: memref<80xi32, #tpu.memory_space<vmem>>, %arg17: memref<80xi32, #tpu.memory_space<vmem>>, %arg18: memref<80xi32, #tpu.memory_space<vmem>>, %arg19: memref<80xi32, #tpu.memory_space<vmem>>, %arg20: memref<80xi32, #tpu.memory_space<vmem>>, %arg21: memref<80xi32, #tpu.memory_space<vmem>>, %arg22: memref<80xi32, #tpu.memory_space<vmem>>, %arg23: memref<80x128xf32, #tpu.memory_space<vmem>>, %arg24: memref<80x128xf32, #tpu.memory_space<vmem>>, %arg25: memref<80x128xf32, #tpu.memory_space<vmem>>, %arg26: memref<80x128xf32, #tpu.memory_space<vmem>>, %arg27: memref<10000x128xf32, #tpu.memory_space<vmem_shared>>, %arg28: memref<!tpu.dma_semaphore, #tpu.memory_space<semaphore_mem>>, %arg29: memref<!tpu.dma_semaphore, #tpu.memory_space<semaphore_mem>>, %arg30: memref<!tpu.dma_semaphore, #tpu.memory_space<semaphore_mem>>, %arg31: memref<!tpu.dma_semaphore, #tpu.memory_space<semaphore_mem>>, %arg32: memref<!tpu.dma_semaphore, #tpu.memory_space<semaphore_mem>>, %arg33: memref<!tpu.dma_semaphore, #tpu.memory_space<semaphore_mem>>, %arg34: memref<!tpu.dma_semaphore, #tpu.memory_space<semaphore_mem>>, %arg35: memref<!tpu.dma_semaphore, #tpu.memory_space<semaphore_mem>>, %arg36: memref<!tpu.dma_semaphore, #tpu.memory_space<semaphore_mem>>, %arg37: memref<!tpu.dma_semaphore, #tpu.memory_space<semaphore_mem>>, %arg38: memref<!tpu.dma_semaphore, #tpu.memory_space<semaphore_mem>>, %arg39: memref<!tpu.dma_semaphore, #tpu.memory_space<semaphore_mem>>, %arg40: memref<!tpu.dma_semaphore, #tpu.memory_space<semaphore_mem>>, %arg41: memref<!tpu.dma_semaphore, #tpu.memory_space<semaphore_mem>>, %arg42: memref<!tpu.dma_semaphore, #tpu.memory_space<semaphore_mem>>, %arg43: memref<!tpu.dma_semaphore, #tpu.memory_space<semaphore_mem>>, %arg44: memref<!tpu.dma_semaphore, #tpu.memory_space<semaphore_mem>>, %arg45: memref<!tpu.dma_semaphore, #tpu.memory_space<semaphore_mem>>, %arg46: memref<!tpu.dma_semaphore, #tpu.memory_space<semaphore_mem>>, %arg47: memref<!tpu.dma_semaphore, #tpu.memory_space<semaphore_mem>>) attributes {dimension_semantics = [#tpu.dimension_semantics<core_parallel>, #tpu.dimension_semantics<subcore_parallel>], iteration_bounds = array<i64: 2, 16>, scalar_prefetch = 0 : i64, scratch_operands = 41 : i64, tpu.core_type = #tpu.core_type<sc_vector_subcore>, window_params = [{transform_indices = #map}, {transform_indices = #map}, {transform_indices = #map}, {transform_indices = #map}, {transform_indices = #map}]} {
    %mul3A = arith.constant 2 : i32
    %mul3A_0 = arith.muli %arg1, %mul3A : i32
    %add3A = arith.addi %mul3A_0, %arg0 : i32
    %mul3A_1 = arith.constant 125 : i32
    %mul3A_2 = arith.muli %add3A, %mul3A_1 : i32
    %add3A_3 = arith.constant 0 : i32
    %add3A_4 = arith.addi %mul3A_2, %add3A_3 : i32
    %dma_start3A = arith.constant 0 : i32
    %dma_start3A_5 = tpu.memref_slice %arg3[%add3A_4, %dma_start3A] : memref<4000x80xi32, #tpu.memory_space<hbm>> -> memref<1x80xi32, #tpu.memory_space<hbm>>
    %dma_start3A_6 = tpu.memref_squeeze %dma_start3A_5 : memref<1x80xi32, #tpu.memory_space<hbm>> -> memref<80xi32, #tpu.memory_space<hbm>>
    %dma_start3A_7 = arith.constant 0 : i32
    %dma_start3A_8 = tpu.memref_slice %arg3[%add3A_4, %dma_start3A_7] : memref<4000x80xi32, #tpu.memory_space<hbm>> -> memref<1x80xi32, #tpu.memory_space<hbm>>
    %dma_start3A_9 = tpu.memref_squeeze %dma_start3A_8 : memref<1x80xi32, #tpu.memory_space<hbm>> -> memref<80xi32, #tpu.memory_space<hbm>>
    tpu.enqueue_dma source(%dma_start3A_9 : memref<80xi32, #tpu.memory_space<hbm>>) target(%arg7 : memref<80xi32, #tpu.memory_space<vmem>>) target_semaphore(%arg28 : memref<!tpu.dma_semaphore, #tpu.memory_space<semaphore_mem>>)
    %add3A_10 = arith.constant 0 : i32
    %add3A_11 = arith.addi %mul3A_2, %add3A_10 : i32
    %dma_start3A_12 = arith.constant 0 : i32
    %dma_start3A_13 = tpu.memref_slice %arg4[%add3A_11, %dma_start3A_12] : memref<4000x80xi32, #tpu.memory_space<hbm>> -> memref<1x80xi32, #tpu.memory_space<hbm>>
    %dma_start3A_14 = tpu.memref_squeeze %dma_start3A_13 : memref<1x80xi32, #tpu.memory_space<hbm>> -> memref<80xi32, #tpu.memory_space<hbm>>
    %dma_start3A_15 = arith.constant 0 : i32
    %dma_start3A_16 = tpu.memref_slice %arg4[%add3A_11, %dma_start3A_15] : memref<4000x80xi32, #tpu.memory_space<hbm>> -> memref<1x80xi32, #tpu.memory_space<hbm>>
    %dma_start3A_17 = tpu.memref_squeeze %dma_start3A_16 : memref<1x80xi32, #tpu.memory_space<hbm>> -> memref<80xi32, #tpu.memory_space<hbm>>
    tpu.enqueue_dma source(%dma_start3A_17 : memref<80xi32, #tpu.memory_space<hbm>>) target(%arg15 : memref<80xi32, #tpu.memory_space<vmem>>) target_semaphore(%arg36 : memref<!tpu.dma_semaphore, #tpu.memory_space<semaphore_mem>>)
    %add3A_18 = arith.constant 1 : i32
    %add3A_19 = arith.addi %mul3A_2, %add3A_18 : i32
    %dma_start3A_20 = arith.constant 0 : i32
    %dma_start3A_21 = tpu.memref_slice %arg3[%add3A_19, %dma_start3A_20] : memref<4000x80xi32, #tpu.memory_space<hbm>> -> memref<1x80xi32, #tpu.memory_space<hbm>>
    %dma_start3A_22 = tpu.memref_squeeze %dma_start3A_21 : memref<1x80xi32, #tpu.memory_space<hbm>> -> memref<80xi32, #tpu.memory_space<hbm>>
    %dma_start3A_23 = arith.constant 0 : i32
    %dma_start3A_24 = tpu.memref_slice %arg3[%add3A_19, %dma_start3A_23] : memref<4000x80xi32, #tpu.memory_space<hbm>> -> memref<1x80xi32, #tpu.memory_space<hbm>>
    %dma_start3A_25 = tpu.memref_squeeze %dma_start3A_24 : memref<1x80xi32, #tpu.memory_space<hbm>> -> memref<80xi32, #tpu.memory_space<hbm>>
    tpu.enqueue_dma source(%dma_start3A_25 : memref<80xi32, #tpu.memory_space<hbm>>) target(%arg8 : memref<80xi32, #tpu.memory_space<vmem>>) target_semaphore(%arg29 : memref<!tpu.dma_semaphore, #tpu.memory_space<semaphore_mem>>)
    %add3A_26 = arith.constant 1 : i32
    %add3A_27 = arith.addi %mul3A_2, %add3A_26 : i32
    %dma_start3A_28 = arith.constant 0 : i32
    %dma_start3A_29 = tpu.memref_slice %arg4[%add3A_27, %dma_start3A_28] : memref<4000x80xi32, #tpu.memory_space<hbm>> -> memref<1x80xi32, #tpu.memory_space<hbm>>
    %dma_start3A_30 = tpu.memref_squeeze %dma_start3A_29 : memref<1x80xi32, #tpu.memory_space<hbm>> -> memref<80xi32, #tpu.memory_space<hbm>>
    %dma_start3A_31 = arith.constant 0 : i32
    %dma_start3A_32 = tpu.memref_slice %arg4[%add3A_27, %dma_start3A_31] : memref<4000x80xi32, #tpu.memory_space<hbm>> -> memref<1x80xi32, #tpu.memory_space<hbm>>
    %dma_start3A_33 = tpu.memref_squeeze %dma_start3A_32 : memref<1x80xi32, #tpu.memory_space<hbm>> -> memref<80xi32, #tpu.memory_space<hbm>>
    tpu.enqueue_dma source(%dma_start3A_33 : memref<80xi32, #tpu.memory_space<hbm>>) target(%arg16 : memref<80xi32, #tpu.memory_space<vmem>>) target_semaphore(%arg37 : memref<!tpu.dma_semaphore, #tpu.memory_space<semaphore_mem>>)
    %add3A_34 = arith.constant 2 : i32
    %add3A_35 = arith.addi %mul3A_2, %add3A_34 : i32
    %dma_start3A_36 = arith.constant 0 : i32
    %dma_start3A_37 = tpu.memref_slice %arg3[%add3A_35, %dma_start3A_36] : memref<4000x80xi32, #tpu.memory_space<hbm>> -> memref<1x80xi32, #tpu.memory_space<hbm>>
    %dma_start3A_38 = tpu.memref_squeeze %dma_start3A_37 : memref<1x80xi32, #tpu.memory_space<hbm>> -> memref<80xi32, #tpu.memory_space<hbm>>
    %dma_start3A_39 = arith.constant 0 : i32
    %dma_start3A_40 = tpu.memref_slice %arg3[%add3A_35, %dma_start3A_39] : memref<4000x80xi32, #tpu.memory_space<hbm>> -> memref<1x80xi32, #tpu.memory_space<hbm>>
    %dma_start3A_41 = tpu.memref_squeeze %dma_start3A_40 : memref<1x80xi32, #tpu.memory_space<hbm>> -> memref<80xi32, #tpu.memory_space<hbm>>
    tpu.enqueue_dma source(%dma_start3A_41 : memref<80xi32, #tpu.memory_space<hbm>>) target(%arg9 : memref<80xi32, #tpu.memory_space<vmem>>) target_semaphore(%arg30 : memref<!tpu.dma_semaphore, #tpu.memory_space<semaphore_mem>>)
    %add3A_42 = arith.constant 2 : i32
    %add3A_43 = arith.addi %mul3A_2, %add3A_42 : i32
    %dma_start3A_44 = arith.constant 0 : i32
    %dma_start3A_45 = tpu.memref_slice %arg4[%add3A_43, %dma_start3A_44] : memref<4000x80xi32, #tpu.memory_space<hbm>> -> memref<1x80xi32, #tpu.memory_space<hbm>>
    %dma_start3A_46 = tpu.memref_squeeze %dma_start3A_45 : memref<1x80xi32, #tpu.memory_space<hbm>> -> memref<80xi32, #tpu.memory_space<hbm>>
    %dma_start3A_47 = arith.constant 0 : i32
    %dma_start3A_48 = tpu.memref_slice %arg4[%add3A_43, %dma_start3A_47] : memref<4000x80xi32, #tpu.memory_space<hbm>> -> memref<1x80xi32, #tpu.memory_space<hbm>>
    %dma_start3A_49 = tpu.memref_squeeze %dma_start3A_48 : memref<1x80xi32, #tpu.memory_space<hbm>> -> memref<80xi32, #tpu.memory_space<hbm>>
    tpu.enqueue_dma source(%dma_start3A_49 : memref<80xi32, #tpu.memory_space<hbm>>) target(%arg17 : memref<80xi32, #tpu.memory_space<vmem>>) target_semaphore(%arg38 : memref<!tpu.dma_semaphore, #tpu.memory_space<semaphore_mem>>)
    %add3A_50 = arith.constant 3 : i32
    %add3A_51 = arith.addi %mul3A_2, %add3A_50 : i32
    %dma_start3A_52 = arith.constant 0 : i32
    %dma_start3A_53 = tpu.memref_slice %arg3[%add3A_51, %dma_start3A_52] : memref<4000x80xi32, #tpu.memory_space<hbm>> -> memref<1x80xi32, #tpu.memory_space<hbm>>
    %dma_start3A_54 = tpu.memref_squeeze %dma_start3A_53 : memref<1x80xi32, #tpu.memory_space<hbm>> -> memref<80xi32, #tpu.memory_space<hbm>>
    %dma_start3A_55 = arith.constant 0 : i32
    %dma_start3A_56 = tpu.memref_slice %arg3[%add3A_51, %dma_start3A_55] : memref<4000x80xi32, #tpu.memory_space<hbm>> -> memref<1x80xi32, #tpu.memory_space<hbm>>
    %dma_start3A_57 = tpu.memref_squeeze %dma_start3A_56 : memref<1x80xi32, #tpu.memory_space<hbm>> -> memref<80xi32, #tpu.memory_space<hbm>>
    tpu.enqueue_dma source(%dma_start3A_57 : memref<80xi32, #tpu.memory_space<hbm>>) target(%arg10 : memref<80xi32, #tpu.memory_space<vmem>>) target_semaphore(%arg31 : memref<!tpu.dma_semaphore, #tpu.memory_space<semaphore_mem>>)
    %add3A_58 = arith.constant 3 : i32
    %add3A_59 = arith.addi %mul3A_2, %add3A_58 : i32
    %dma_start3A_60 = arith.constant 0 : i32
    %dma_start3A_61 = tpu.memref_slice %arg4[%add3A_59, %dma_start3A_60] : memref<4000x80xi32, #tpu.memory_space<hbm>> -> memref<1x80xi32, #tpu.memory_space<hbm>>
    %dma_start3A_62 = tpu.memref_squeeze %dma_start3A_61 : memref<1x80xi32, #tpu.memory_space<hbm>> -> memref<80xi32, #tpu.memory_space<hbm>>
    %dma_start3A_63 = arith.constant 0 : i32
    %dma_start3A_64 = tpu.memref_slice %arg4[%add3A_59, %dma_start3A_63] : memref<4000x80xi32, #tpu.memory_space<hbm>> -> memref<1x80xi32, #tpu.memory_space<hbm>>
    %dma_start3A_65 = tpu.memref_squeeze %dma_start3A_64 : memref<1x80xi32, #tpu.memory_space<hbm>> -> memref<80xi32, #tpu.memory_space<hbm>>
    tpu.enqueue_dma source(%dma_start3A_65 : memref<80xi32, #tpu.memory_space<hbm>>) target(%arg18 : memref<80xi32, #tpu.memory_space<vmem>>) target_semaphore(%arg39 : memref<!tpu.dma_semaphore, #tpu.memory_space<semaphore_mem>>)
    %add3A_66 = arith.constant 0 : i32
    %add3A_67 = arith.addi %mul3A_2, %add3A_66 : i32
    %dma_wait3A = arith.constant 0 : i32
    %dma_wait3A_68 = tpu.memref_slice %arg3[%add3A_67, %dma_wait3A] : memref<4000x80xi32, #tpu.memory_space<hbm>> -> memref<1x80xi32, #tpu.memory_space<hbm>>
    %dma_wait3A_69 = tpu.memref_squeeze %dma_wait3A_68 : memref<1x80xi32, #tpu.memory_space<hbm>> -> memref<80xi32, #tpu.memory_space<hbm>>
    %dma_wait3A_70 = arith.constant 0 : i32
    %dma_wait3A_71 = tpu.memref_slice %arg3[%add3A_67, %dma_wait3A_70] : memref<4000x80xi32, #tpu.memory_space<hbm>> -> memref<1x80xi32, #tpu.memory_space<hbm>>
    %dma_wait3A_72 = tpu.memref_squeeze %dma_wait3A_71 : memref<1x80xi32, #tpu.memory_space<hbm>> -> memref<80xi32, #tpu.memory_space<hbm>>
    tpu.wait_dma2 semaphore(%arg28 : memref<!tpu.dma_semaphore, #tpu.memory_space<semaphore_mem>>) src(%dma_wait3A_72 : memref<80xi32, #tpu.memory_space<hbm>>) dst(%arg7 : memref<80xi32, #tpu.memory_space<vmem>>)
    %dma_start3A_73 = arith.constant 0 : i32
    %dma_start3A_74 = arith.constant 0 : i32
    %dma_start3A_75 = tpu.memref_slice %arg2[%dma_start3A_73, %dma_start3A_74] : memref<10000x128xf32, #tpu.memory_space<hbm>> -> memref<10000x128xf32, #tpu.memory_space<hbm>>
    tpu.enqueue_indirect_dma source(%dma_start3A_75 : memref<10000x128xf32, #tpu.memory_space<hbm>>) target(%arg23 : memref<80x128xf32, #tpu.memory_space<vmem>>) offsets(%arg7 : memref<80xi32, #tpu.memory_space<vmem>>) semaphore(%arg44 : memref<!tpu.dma_semaphore, #tpu.memory_space<semaphore_mem>>)
    %add3A_76 = arith.constant 1 : i32
    %add3A_77 = arith.addi %mul3A_2, %add3A_76 : i32
    %dma_wait3A_78 = arith.constant 0 : i32
    %dma_wait3A_79 = tpu.memref_slice %arg3[%add3A_77, %dma_wait3A_78] : memref<4000x80xi32, #tpu.memory_space<hbm>> -> memref<1x80xi32, #tpu.memory_space<hbm>>
    %dma_wait3A_80 = tpu.memref_squeeze %dma_wait3A_79 : memref<1x80xi32, #tpu.memory_space<hbm>> -> memref<80xi32, #tpu.memory_space<hbm>>
    %dma_wait3A_81 = arith.constant 0 : i32
    %dma_wait3A_82 = tpu.memref_slice %arg3[%add3A_77, %dma_wait3A_81] : memref<4000x80xi32, #tpu.memory_space<hbm>> -> memref<1x80xi32, #tpu.memory_space<hbm>>
    %dma_wait3A_83 = tpu.memref_squeeze %dma_wait3A_82 : memref<1x80xi32, #tpu.memory_space<hbm>> -> memref<80xi32, #tpu.memory_space<hbm>>
    tpu.wait_dma2 semaphore(%arg29 : memref<!tpu.dma_semaphore, #tpu.memory_space<semaphore_mem>>) src(%dma_wait3A_83 : memref<80xi32, #tpu.memory_space<hbm>>) dst(%arg8 : memref<80xi32, #tpu.memory_space<vmem>>)
    %dma_start3A_84 = arith.constant 0 : i32
    %dma_start3A_85 = arith.constant 0 : i32
    %dma_start3A_86 = tpu.memref_slice %arg2[%dma_start3A_84, %dma_start3A_85] : memref<10000x128xf32, #tpu.memory_space<hbm>> -> memref<10000x128xf32, #tpu.memory_space<hbm>>
    tpu.enqueue_indirect_dma source(%dma_start3A_86 : memref<10000x128xf32, #tpu.memory_space<hbm>>) target(%arg24 : memref<80x128xf32, #tpu.memory_space<vmem>>) offsets(%arg8 : memref<80xi32, #tpu.memory_space<vmem>>) semaphore(%arg45 : memref<!tpu.dma_semaphore, #tpu.memory_space<semaphore_mem>>)
    %add3A_87 = arith.constant 2 : i32
    %add3A_88 = arith.addi %mul3A_2, %add3A_87 : i32
    %dma_wait3A_89 = arith.constant 0 : i32
    %dma_wait3A_90 = tpu.memref_slice %arg3[%add3A_88, %dma_wait3A_89] : memref<4000x80xi32, #tpu.memory_space<hbm>> -> memref<1x80xi32, #tpu.memory_space<hbm>>
    %dma_wait3A_91 = tpu.memref_squeeze %dma_wait3A_90 : memref<1x80xi32, #tpu.memory_space<hbm>> -> memref<80xi32, #tpu.memory_space<hbm>>
    %dma_wait3A_92 = arith.constant 0 : i32
    %dma_wait3A_93 = tpu.memref_slice %arg3[%add3A_88, %dma_wait3A_92] : memref<4000x80xi32, #tpu.memory_space<hbm>> -> memref<1x80xi32, #tpu.memory_space<hbm>>
    %dma_wait3A_94 = tpu.memref_squeeze %dma_wait3A_93 : memref<1x80xi32, #tpu.memory_space<hbm>> -> memref<80xi32, #tpu.memory_space<hbm>>
    tpu.wait_dma2 semaphore(%arg30 : memref<!tpu.dma_semaphore, #tpu.memory_space<semaphore_mem>>) src(%dma_wait3A_94 : memref<80xi32, #tpu.memory_space<hbm>>) dst(%arg9 : memref<80xi32, #tpu.memory_space<vmem>>)
    %dma_start3A_95 = arith.constant 0 : i32
    %dma_start3A_96 = arith.constant 0 : i32
    %dma_start3A_97 = tpu.memref_slice %arg2[%dma_start3A_95, %dma_start3A_96] : memref<10000x128xf32, #tpu.memory_space<hbm>> -> memref<10000x128xf32, #tpu.memory_space<hbm>>
    tpu.enqueue_indirect_dma source(%dma_start3A_97 : memref<10000x128xf32, #tpu.memory_space<hbm>>) target(%arg25 : memref<80x128xf32, #tpu.memory_space<vmem>>) offsets(%arg9 : memref<80xi32, #tpu.memory_space<vmem>>) semaphore(%arg46 : memref<!tpu.dma_semaphore, #tpu.memory_space<semaphore_mem>>)
    %mul3A_98 = arith.constant 640 : i32
    %mul3A_99 = arith.muli %arg1, %mul3A_98 : i32
    %lt3A = arith.constant 15 : i32
    %lt3A_100 = arith.cmpi slt, %arg1, %lt3A : i32
    %convert_element_type3A = arith.extui %lt3A_100 : i1 to i32
    %cond3A = arith.constant 0 : i32
    %cond3A_101 = arith.cmpi ne, %convert_element_type3A, %cond3A : i32
    scf.if %cond3A_101 {
      "tpu.region"() ({
        %run_scoped3A = tpu.sem_alloc : memref<!tpu.dma_semaphore, #tpu.memory_space<semaphore_mem>>
        %dma_start3A_215 = arith.constant 0 : i32
        %dma_start3A_216 = tpu.memref_slice %arg27[%mul3A_99, %dma_start3A_215] : memref<10000x128xf32, #tpu.memory_space<vmem_shared>> -> memref<640x128xf32, #tpu.memory_space<vmem_shared>>
        tpu.enqueue_dma source(%arg5 : memref<640x128xf32, #tpu.memory_space<hbm>>) target(%dma_start3A_216 : memref<640x128xf32, #tpu.memory_space<vmem_shared>>) target_semaphore(%run_scoped3A : memref<!tpu.dma_semaphore, #tpu.memory_space<semaphore_mem>>)
        %dma_wait3A_217 = arith.constant 0 : i32
        %dma_wait3A_218 = tpu.memref_slice %arg27[%mul3A_99, %dma_wait3A_217] : memref<10000x128xf32, #tpu.memory_space<vmem_shared>> -> memref<640x128xf32, #tpu.memory_space<vmem_shared>>
        tpu.wait_dma2 semaphore(%run_scoped3A : memref<!tpu.dma_semaphore, #tpu.memory_space<semaphore_mem>>) src(%arg5 : memref<640x128xf32, #tpu.memory_space<hbm>>) dst(%dma_wait3A_218 : memref<640x128xf32, #tpu.memory_space<vmem_shared>>)
        tpu.yield
      }) : () -> ()
    } else {
    }
    %eq3A = arith.constant 15 : i32
    %eq3A_102 = arith.cmpi eq, %arg1, %eq3A : i32
    %convert_element_type3A_103 = arith.extui %eq3A_102 : i1 to i32
    %cond3A_104 = arith.constant 0 : i32
    %cond3A_105 = arith.cmpi ne, %convert_element_type3A_103, %cond3A_104 : i32
    scf.if %cond3A_105 {
      "tpu.region"() ({
        %run_scoped3A = tpu.sem_alloc : memref<!tpu.dma_semaphore, #tpu.memory_space<semaphore_mem>>
        %dma_start3A_215 = arith.constant 9600 : i32
        %dma_start3A_216 = arith.constant 0 : i32
        %dma_start3A_217 = tpu.memref_slice %arg27[%dma_start3A_215, %dma_start3A_216] : memref<10000x128xf32, #tpu.memory_space<vmem_shared>> -> memref<400x128xf32, #tpu.memory_space<vmem_shared>>
        %dma_start3A_218 = arith.constant 0 : i32
        %dma_start3A_219 = arith.constant 0 : i32
        %dma_start3A_220 = tpu.memref_slice %arg5[%dma_start3A_218, %dma_start3A_219] : memref<640x128xf32, #tpu.memory_space<hbm>> -> memref<400x128xf32, #tpu.memory_space<hbm>>
        tpu.enqueue_dma source(%dma_start3A_220 : memref<400x128xf32, #tpu.memory_space<hbm>>) target(%dma_start3A_217 : memref<400x128xf32, #tpu.memory_space<vmem_shared>>) target_semaphore(%run_scoped3A : memref<!tpu.dma_semaphore, #tpu.memory_space<semaphore_mem>>)
        %dma_wait3A_221 = arith.constant 9600 : i32
        %dma_wait3A_222 = arith.constant 0 : i32
        %dma_wait3A_223 = tpu.memref_slice %arg27[%dma_wait3A_221, %dma_wait3A_222] : memref<10000x128xf32, #tpu.memory_space<vmem_shared>> -> memref<400x128xf32, #tpu.memory_space<vmem_shared>>
        %dma_wait3A_224 = arith.constant 0 : i32
        %dma_wait3A_225 = arith.constant 0 : i32
        %dma_wait3A_226 = tpu.memref_slice %arg5[%dma_wait3A_224, %dma_wait3A_225] : memref<640x128xf32, #tpu.memory_space<hbm>> -> memref<400x128xf32, #tpu.memory_space<hbm>>
        tpu.wait_dma2 semaphore(%run_scoped3A : memref<!tpu.dma_semaphore, #tpu.memory_space<semaphore_mem>>) src(%dma_wait3A_226 : memref<400x128xf32, #tpu.memory_space<hbm>>) dst(%dma_wait3A_223 : memref<400x128xf32, #tpu.memory_space<vmem_shared>>)
        tpu.yield
      }) : () -> ()
    } else {
    }
    %barrier3A = arith.constant 0 : index
    tpu.barrier barrier_id(%barrier3A)
    %scan3A = arith.constant 0 : i32
    %scan3A_106 = arith.constant 0 : i32
    %scan3A_107 = arith.constant 15 : i32
    %scan3A_108 = arith.addi %scan3A_106, %scan3A_107 : i32
    %scan3A_109 = arith.constant 1 : i32
    scf.for %scan3A_215 = %scan3A_106 to %scan3A_108 step %scan3A_109  : i32 {
      %mul3A_216 = arith.constant 8 : i32
      %mul3A_217 = arith.muli %scan3A_215, %mul3A_216 : i32
      %add3A_218 = arith.constant 0 : i32
      %add3A_219 = arith.addi %mul3A_217, %add3A_218 : i32
      %dma_wait3A_220 = arith.constant 0 : i32
      %dma_wait3A_221 = arith.constant 0 : i32
      %dma_wait3A_222 = tpu.memref_slice %arg2[%dma_wait3A_220, %dma_wait3A_221] : memref<10000x128xf32, #tpu.memory_space<hbm>> -> memref<10000x128xf32, #tpu.memory_space<hbm>>
      tpu.wait_indirect_dma semaphore(%arg44 : memref<!tpu.dma_semaphore, #tpu.memory_space<semaphore_mem>>) src(%dma_wait3A_222 : memref<10000x128xf32, #tpu.memory_space<hbm>>) dst(%arg23 : memref<80x128xf32, #tpu.memory_space<vmem>>)
      %add3A_223 = arith.addi %mul3A_2, %add3A_219 : i32
      %dma_wait3A_224 = arith.constant 0 : i32
      %dma_wait3A_225 = tpu.memref_slice %arg4[%add3A_223, %dma_wait3A_224] : memref<4000x80xi32, #tpu.memory_space<hbm>> -> memref<1x80xi32, #tpu.memory_space<hbm>>
      %dma_wait3A_226 = tpu.memref_squeeze %dma_wait3A_225 : memref<1x80xi32, #tpu.memory_space<hbm>> -> memref<80xi32, #tpu.memory_space<hbm>>
      %dma_wait3A_227 = arith.constant 0 : i32
      %dma_wait3A_228 = tpu.memref_slice %arg4[%add3A_223, %dma_wait3A_227] : memref<4000x80xi32, #tpu.memory_space<hbm>> -> memref<1x80xi32, #tpu.memory_space<hbm>>
      %dma_wait3A_229 = tpu.memref_squeeze %dma_wait3A_228 : memref<1x80xi32, #tpu.memory_space<hbm>> -> memref<80xi32, #tpu.memory_space<hbm>>
      tpu.wait_dma2 semaphore(%arg36 : memref<!tpu.dma_semaphore, #tpu.memory_space<semaphore_mem>>) src(%dma_wait3A_229 : memref<80xi32, #tpu.memory_space<hbm>>) dst(%arg15 : memref<80xi32, #tpu.memory_space<vmem>>)
      "tpu.region"() ({
        %run_scoped3A = tpu.sem_alloc : memref<!tpu.dma_semaphore, #tpu.memory_space<semaphore_mem>>
        %dma_start3A_567 = arith.constant 0 : i32
        %dma_start3A_568 = arith.constant 0 : i32
        %dma_start3A_569 = tpu.memref_slice %arg27[%dma_start3A_567, %dma_start3A_568] : memref<10000x128xf32, #tpu.memory_space<vmem_shared>> -> memref<10000x128xf32, #tpu.memory_space<vmem_shared>>
        tpu.enqueue_indirect_dma source(%arg23 : memref<80x128xf32, #tpu.memory_space<vmem>>) target(%dma_start3A_569 : memref<10000x128xf32, #tpu.memory_space<vmem_shared>>) offsets(%arg15 : memref<80xi32, #tpu.memory_space<vmem>>) semaphore(%run_scoped3A : memref<!tpu.dma_semaphore, #tpu.memory_space<semaphore_mem>>) {add = true}
        %dma_wait3A_570 = arith.constant 0 : i32
        %dma_wait3A_571 = arith.constant 0 : i32
        %dma_wait3A_572 = tpu.memref_slice %arg27[%dma_wait3A_570, %dma_wait3A_571] : memref<10000x128xf32, #tpu.memory_space<vmem_shared>> -> memref<10000x128xf32, #tpu.memory_space<vmem_shared>>
        tpu.wait_indirect_dma semaphore(%run_scoped3A : memref<!tpu.dma_semaphore, #tpu.memory_space<semaphore_mem>>) src(%arg23 : memref<80x128xf32, #tpu.memory_space<vmem>>) dst(%dma_wait3A_572 : memref<10000x128xf32, #tpu.memory_space<vmem_shared>>)
        tpu.yield
      }) : () -> ()
      %add3A_230 = arith.constant 4 : i32
      %add3A_231 = arith.addi %add3A_219, %add3A_230 : i32
      %sub3A = arith.constant 1 : i32
      %sub3A_232 = arith.subi %add3A_231, %sub3A : i32
      %add3A_233 = arith.addi %mul3A_2, %sub3A_232 : i32
      %dma_wait3A_234 = arith.constant 0 : i32
      %dma_wait3A_235 = tpu.memref_slice %arg3[%add3A_233, %dma_wait3A_234] : memref<4000x80xi32, #tpu.memory_space<hbm>> -> memref<1x80xi32, #tpu.memory_space<hbm>>
      %dma_wait3A_236 = tpu.memref_squeeze %dma_wait3A_235 : memref<1x80xi32, #tpu.memory_space<hbm>> -> memref<80xi32, #tpu.memory_space<hbm>>
      %dma_wait3A_237 = arith.constant 0 : i32
      %dma_wait3A_238 = tpu.memref_slice %arg3[%add3A_233, %dma_wait3A_237] : memref<4000x80xi32, #tpu.memory_space<hbm>> -> memref<1x80xi32, #tpu.memory_space<hbm>>
      %dma_wait3A_239 = tpu.memref_squeeze %dma_wait3A_238 : memref<1x80xi32, #tpu.memory_space<hbm>> -> memref<80xi32, #tpu.memory_space<hbm>>
      tpu.wait_dma2 semaphore(%arg31 : memref<!tpu.dma_semaphore, #tpu.memory_space<semaphore_mem>>) src(%dma_wait3A_239 : memref<80xi32, #tpu.memory_space<hbm>>) dst(%arg10 : memref<80xi32, #tpu.memory_space<vmem>>)
      %dma_start3A_240 = arith.constant 0 : i32
      %dma_start3A_241 = arith.constant 0 : i32
      %dma_start3A_242 = tpu.memref_slice %arg2[%dma_start3A_240, %dma_start3A_241] : memref<10000x128xf32, #tpu.memory_space<hbm>> -> memref<10000x128xf32, #tpu.memory_space<hbm>>
      tpu.enqueue_indirect_dma source(%dma_start3A_242 : memref<10000x128xf32, #tpu.memory_space<hbm>>) target(%arg26 : memref<80x128xf32, #tpu.memory_space<vmem>>) offsets(%arg10 : memref<80xi32, #tpu.memory_space<vmem>>) semaphore(%arg47 : memref<!tpu.dma_semaphore, #tpu.memory_space<semaphore_mem>>)
      %add3A_243 = arith.constant 4 : i32
      %add3A_244 = arith.addi %add3A_219, %add3A_243 : i32
      %add3A_245 = arith.addi %mul3A_2, %add3A_244 : i32
      %dma_start3A_246 = arith.constant 0 : i32
      %dma_start3A_247 = tpu.memref_slice %arg3[%add3A_245, %dma_start3A_246] : memref<4000x80xi32, #tpu.memory_space<hbm>> -> memref<1x80xi32, #tpu.memory_space<hbm>>
      %dma_start3A_248 = tpu.memref_squeeze %dma_start3A_247 : memref<1x80xi32, #tpu.memory_space<hbm>> -> memref<80xi32, #tpu.memory_space<hbm>>
      %dma_start3A_249 = arith.constant 0 : i32
      %dma_start3A_250 = tpu.memref_slice %arg3[%add3A_245, %dma_start3A_249] : memref<4000x80xi32, #tpu.memory_space<hbm>> -> memref<1x80xi32, #tpu.memory_space<hbm>>
      %dma_start3A_251 = tpu.memref_squeeze %dma_start3A_250 : memref<1x80xi32, #tpu.memory_space<hbm>> -> memref<80xi32, #tpu.memory_space<hbm>>
      tpu.enqueue_dma source(%dma_start3A_251 : memref<80xi32, #tpu.memory_space<hbm>>) target(%arg11 : memref<80xi32, #tpu.memory_space<vmem>>) target_semaphore(%arg32 : memref<!tpu.dma_semaphore, #tpu.memory_space<semaphore_mem>>)
      %add3A_252 = arith.addi %mul3A_2, %add3A_244 : i32
      %dma_start3A_253 = arith.constant 0 : i32
      %dma_start3A_254 = tpu.memref_slice %arg4[%add3A_252, %dma_start3A_253] : memref<4000x80xi32, #tpu.memory_space<hbm>> -> memref<1x80xi32, #tpu.memory_space<hbm>>
      %dma_start3A_255 = tpu.memref_squeeze %dma_start3A_254 : memref<1x80xi32, #tpu.memory_space<hbm>> -> memref<80xi32, #tpu.memory_space<hbm>>
      %dma_start3A_256 = arith.constant 0 : i32
      %dma_start3A_257 = tpu.memref_slice %arg4[%add3A_252, %dma_start3A_256] : memref<4000x80xi32, #tpu.memory_space<hbm>> -> memref<1x80xi32, #tpu.memory_space<hbm>>
      %dma_start3A_258 = tpu.memref_squeeze %dma_start3A_257 : memref<1x80xi32, #tpu.memory_space<hbm>> -> memref<80xi32, #tpu.memory_space<hbm>>
      tpu.enqueue_dma source(%dma_start3A_258 : memref<80xi32, #tpu.memory_space<hbm>>) target(%arg19 : memref<80xi32, #tpu.memory_space<vmem>>) target_semaphore(%arg40 : memref<!tpu.dma_semaphore, #tpu.memory_space<semaphore_mem>>)
      %mul3A_259 = arith.constant 8 : i32
      %mul3A_260 = arith.muli %scan3A_215, %mul3A_259 : i32
      %add3A_261 = arith.constant 1 : i32
      %add3A_262 = arith.addi %mul3A_260, %add3A_261 : i32
      %dma_wait3A_263 = arith.constant 0 : i32
      %dma_wait3A_264 = arith.constant 0 : i32
      %dma_wait3A_265 = tpu.memref_slice %arg2[%dma_wait3A_263, %dma_wait3A_264] : memref<10000x128xf32, #tpu.memory_space<hbm>> -> memref<10000x128xf32, #tpu.memory_space<hbm>>
      tpu.wait_indirect_dma semaphore(%arg45 : memref<!tpu.dma_semaphore, #tpu.memory_space<semaphore_mem>>) src(%dma_wait3A_265 : memref<10000x128xf32, #tpu.memory_space<hbm>>) dst(%arg24 : memref<80x128xf32, #tpu.memory_space<vmem>>)
      %add3A_266 = arith.addi %mul3A_2, %add3A_262 : i32
      %dma_wait3A_267 = arith.constant 0 : i32
      %dma_wait3A_268 = tpu.memref_slice %arg4[%add3A_266, %dma_wait3A_267] : memref<4000x80xi32, #tpu.memory_space<hbm>> -> memref<1x80xi32, #tpu.memory_space<hbm>>
      %dma_wait3A_269 = tpu.memref_squeeze %dma_wait3A_268 : memref<1x80xi32, #tpu.memory_space<hbm>> -> memref<80xi32, #tpu.memory_space<hbm>>
      %dma_wait3A_270 = arith.constant 0 : i32
      %dma_wait3A_271 = tpu.memref_slice %arg4[%add3A_266, %dma_wait3A_270] : memref<4000x80xi32, #tpu.memory_space<hbm>> -> memref<1x80xi32, #tpu.memory_space<hbm>>
      %dma_wait3A_272 = tpu.memref_squeeze %dma_wait3A_271 : memref<1x80xi32, #tpu.memory_space<hbm>> -> memref<80xi32, #tpu.memory_space<hbm>>
      tpu.wait_dma2 semaphore(%arg37 : memref<!tpu.dma_semaphore, #tpu.memory_space<semaphore_mem>>) src(%dma_wait3A_272 : memref<80xi32, #tpu.memory_space<hbm>>) dst(%arg16 : memref<80xi32, #tpu.memory_space<vmem>>)
      "tpu.region"() ({
        %run_scoped3A = tpu.sem_alloc : memref<!tpu.dma_semaphore, #tpu.memory_space<semaphore_mem>>
        %dma_start3A_567 = arith.constant 0 : i32
        %dma_start3A_568 = arith.constant 0 : i32
        %dma_start3A_569 = tpu.memref_slice %arg27[%dma_start3A_567, %dma_start3A_568] : memref<10000x128xf32, #tpu.memory_space<vmem_shared>> -> memref<10000x128xf32, #tpu.memory_space<vmem_shared>>
        tpu.enqueue_indirect_dma source(%arg24 : memref<80x128xf32, #tpu.memory_space<vmem>>) target(%dma_start3A_569 : memref<10000x128xf32, #tpu.memory_space<vmem_shared>>) offsets(%arg16 : memref<80xi32, #tpu.memory_space<vmem>>) semaphore(%run_scoped3A : memref<!tpu.dma_semaphore, #tpu.memory_space<semaphore_mem>>) {add = true}
        %dma_wait3A_570 = arith.constant 0 : i32
        %dma_wait3A_571 = arith.constant 0 : i32
        %dma_wait3A_572 = tpu.memref_slice %arg27[%dma_wait3A_570, %dma_wait3A_571] : memref<10000x128xf32, #tpu.memory_space<vmem_shared>> -> memref<10000x128xf32, #tpu.memory_space<vmem_shared>>
        tpu.wait_indirect_dma semaphore(%run_scoped3A : memref<!tpu.dma_semaphore, #tpu.memory_space<semaphore_mem>>) src(%arg24 : memref<80x128xf32, #tpu.memory_space<vmem>>) dst(%dma_wait3A_572 : memref<10000x128xf32, #tpu.memory_space<vmem_shared>>)
        tpu.yield
      }) : () -> ()
      %add3A_273 = arith.constant 4 : i32
      %add3A_274 = arith.addi %add3A_262, %add3A_273 : i32
      %sub3A_275 = arith.constant 1 : i32
      %sub3A_276 = arith.subi %add3A_274, %sub3A_275 : i32
      %add3A_277 = arith.addi %mul3A_2, %sub3A_276 : i32
      %dma_wait3A_278 = arith.constant 0 : i32
      %dma_wait3A_279 = tpu.memref_slice %arg3[%add3A_277, %dma_wait3A_278] : memref<4000x80xi32, #tpu.memory_space<hbm>> -> memref<1x80xi32, #tpu.memory_space<hbm>>
      %dma_wait3A_280 = tpu.memref_squeeze %dma_wait3A_279 : memref<1x80xi32, #tpu.memory_space<hbm>> -> memref<80xi32, #tpu.memory_space<hbm>>
      %dma_wait3A_281 = arith.constant 0 : i32
      %dma_wait3A_282 = tpu.memref_slice %arg3[%add3A_277, %dma_wait3A_281] : memref<4000x80xi32, #tpu.memory_space<hbm>> -> memref<1x80xi32, #tpu.memory_space<hbm>>
      %dma_wait3A_283 = tpu.memref_squeeze %dma_wait3A_282 : memref<1x80xi32, #tpu.memory_space<hbm>> -> memref<80xi32, #tpu.memory_space<hbm>>
      tpu.wait_dma2 semaphore(%arg32 : memref<!tpu.dma_semaphore, #tpu.memory_space<semaphore_mem>>) src(%dma_wait3A_283 : memref<80xi32, #tpu.memory_space<hbm>>) dst(%arg11 : memref<80xi32, #tpu.memory_space<vmem>>)
      %dma_start3A_284 = arith.constant 0 : i32
      %dma_start3A_285 = arith.constant 0 : i32
      %dma_start3A_286 = tpu.memref_slice %arg2[%dma_start3A_284, %dma_start3A_285] : memref<10000x128xf32, #tpu.memory_space<hbm>> -> memref<10000x128xf32, #tpu.memory_space<hbm>>
      tpu.enqueue_indirect_dma source(%dma_start3A_286 : memref<10000x128xf32, #tpu.memory_space<hbm>>) target(%arg23 : memref<80x128xf32, #tpu.memory_space<vmem>>) offsets(%arg11 : memref<80xi32, #tpu.memory_space<vmem>>) semaphore(%arg44 : memref<!tpu.dma_semaphore, #tpu.memory_space<semaphore_mem>>)
      %add3A_287 = arith.constant 4 : i32
      %add3A_288 = arith.addi %add3A_262, %add3A_287 : i32
      %add3A_289 = arith.addi %mul3A_2, %add3A_288 : i32
      %dma_start3A_290 = arith.constant 0 : i32
      %dma_start3A_291 = tpu.memref_slice %arg3[%add3A_289, %dma_start3A_290] : memref<4000x80xi32, #tpu.memory_space<hbm>> -> memref<1x80xi32, #tpu.memory_space<hbm>>
      %dma_start3A_292 = tpu.memref_squeeze %dma_start3A_291 : memref<1x80xi32, #tpu.memory_space<hbm>> -> memref<80xi32, #tpu.memory_space<hbm>>
      %dma_start3A_293 = arith.constant 0 : i32
      %dma_start3A_294 = tpu.memref_slice %arg3[%add3A_289, %dma_start3A_293] : memref<4000x80xi32, #tpu.memory_space<hbm>> -> memref<1x80xi32, #tpu.memory_space<hbm>>
      %dma_start3A_295 = tpu.memref_squeeze %dma_start3A_294 : memref<1x80xi32, #tpu.memory_space<hbm>> -> memref<80xi32, #tpu.memory_space<hbm>>
      tpu.enqueue_dma source(%dma_start3A_295 : memref<80xi32, #tpu.memory_space<hbm>>) target(%arg12 : memref<80xi32, #tpu.memory_space<vmem>>) target_semaphore(%arg33 : memref<!tpu.dma_semaphore, #tpu.memory_space<semaphore_mem>>)
      %add3A_296 = arith.addi %mul3A_2, %add3A_288 : i32
      %dma_start3A_297 = arith.constant 0 : i32
      %dma_start3A_298 = tpu.memref_slice %arg4[%add3A_296, %dma_start3A_297] : memref<4000x80xi32, #tpu.memory_space<hbm>> -> memref<1x80xi32, #tpu.memory_space<hbm>>
      %dma_start3A_299 = tpu.memref_squeeze %dma_start3A_298 : memref<1x80xi32, #tpu.memory_space<hbm>> -> memref<80xi32, #tpu.memory_space<hbm>>
      %dma_start3A_300 = arith.constant 0 : i32
      %dma_start3A_301 = tpu.memref_slice %arg4[%add3A_296, %dma_start3A_300] : memref<4000x80xi32, #tpu.memory_space<hbm>> -> memref<1x80xi32, #tpu.memory_space<hbm>>
      %dma_start3A_302 = tpu.memref_squeeze %dma_start3A_301 : memref<1x80xi32, #tpu.memory_space<hbm>> -> memref<80xi32, #tpu.memory_space<hbm>>
      tpu.enqueue_dma source(%dma_start3A_302 : memref<80xi32, #tpu.memory_space<hbm>>) target(%arg20 : memref<80xi32, #tpu.memory_space<vmem>>) target_semaphore(%arg41 : memref<!tpu.dma_semaphore, #tpu.memory_space<semaphore_mem>>)
      %mul3A_303 = arith.constant 8 : i32
      %mul3A_304 = arith.muli %scan3A_215, %mul3A_303 : i32
      %add3A_305 = arith.constant 2 : i32
      %add3A_306 = arith.addi %mul3A_304, %add3A_305 : i32
      %dma_wait3A_307 = arith.constant 0 : i32
      %dma_wait3A_308 = arith.constant 0 : i32
      %dma_wait3A_309 = tpu.memref_slice %arg2[%dma_wait3A_307, %dma_wait3A_308] : memref<10000x128xf32, #tpu.memory_space<hbm>> -> memref<10000x128xf32, #tpu.memory_space<hbm>>
      tpu.wait_indirect_dma semaphore(%arg46 : memref<!tpu.dma_semaphore, #tpu.memory_space<semaphore_mem>>) src(%dma_wait3A_309 : memref<10000x128xf32, #tpu.memory_space<hbm>>) dst(%arg25 : memref<80x128xf32, #tpu.memory_space<vmem>>)
      %add3A_310 = arith.addi %mul3A_2, %add3A_306 : i32
      %dma_wait3A_311 = arith.constant 0 : i32
      %dma_wait3A_312 = tpu.memref_slice %arg4[%add3A_310, %dma_wait3A_311] : memref<4000x80xi32, #tpu.memory_space<hbm>> -> memref<1x80xi32, #tpu.memory_space<hbm>>
      %dma_wait3A_313 = tpu.memref_squeeze %dma_wait3A_312 : memref<1x80xi32, #tpu.memory_space<hbm>> -> memref<80xi32, #tpu.memory_space<hbm>>
      %dma_wait3A_314 = arith.constant 0 : i32
      %dma_wait3A_315 = tpu.memref_slice %arg4[%add3A_310, %dma_wait3A_314] : memref<4000x80xi32, #tpu.memory_space<hbm>> -> memref<1x80xi32, #tpu.memory_space<hbm>>
      %dma_wait3A_316 = tpu.memref_squeeze %dma_wait3A_315 : memref<1x80xi32, #tpu.memory_space<hbm>> -> memref<80xi32, #tpu.memory_space<hbm>>
      tpu.wait_dma2 semaphore(%arg38 : memref<!tpu.dma_semaphore, #tpu.memory_space<semaphore_mem>>) src(%dma_wait3A_316 : memref<80xi32, #tpu.memory_space<hbm>>) dst(%arg17 : memref<80xi32, #tpu.memory_space<vmem>>)
      "tpu.region"() ({
        %run_scoped3A = tpu.sem_alloc : memref<!tpu.dma_semaphore, #tpu.memory_space<semaphore_mem>>
        %dma_start3A_567 = arith.constant 0 : i32
        %dma_start3A_568 = arith.constant 0 : i32
        %dma_start3A_569 = tpu.memref_slice %arg27[%dma_start3A_567, %dma_start3A_568] : memref<10000x128xf32, #tpu.memory_space<vmem_shared>> -> memref<10000x128xf32, #tpu.memory_space<vmem_shared>>
        tpu.enqueue_indirect_dma source(%arg25 : memref<80x128xf32, #tpu.memory_space<vmem>>) target(%dma_start3A_569 : memref<10000x128xf32, #tpu.memory_space<vmem_shared>>) offsets(%arg17 : memref<80xi32, #tpu.memory_space<vmem>>) semaphore(%run_scoped3A : memref<!tpu.dma_semaphore, #tpu.memory_space<semaphore_mem>>) {add = true}
        %dma_wait3A_570 = arith.constant 0 : i32
        %dma_wait3A_571 = arith.constant 0 : i32
        %dma_wait3A_572 = tpu.memref_slice %arg27[%dma_wait3A_570, %dma_wait3A_571] : memref<10000x128xf32, #tpu.memory_space<vmem_shared>> -> memref<10000x128xf32, #tpu.memory_space<vmem_shared>>
        tpu.wait_indirect_dma semaphore(%run_scoped3A : memref<!tpu.dma_semaphore, #tpu.memory_space<semaphore_mem>>) src(%arg25 : memref<80x128xf32, #tpu.memory_space<vmem>>) dst(%dma_wait3A_572 : memref<10000x128xf32, #tpu.memory_space<vmem_shared>>)
        tpu.yield
      }) : () -> ()
      %add3A_317 = arith.constant 4 : i32
      %add3A_318 = arith.addi %add3A_306, %add3A_317 : i32
      %sub3A_319 = arith.constant 1 : i32
      %sub3A_320 = arith.subi %add3A_318, %sub3A_319 : i32
      %add3A_321 = arith.addi %mul3A_2, %sub3A_320 : i32
      %dma_wait3A_322 = arith.constant 0 : i32
      %dma_wait3A_323 = tpu.memref_slice %arg3[%add3A_321, %dma_wait3A_322] : memref<4000x80xi32, #tpu.memory_space<hbm>> -> memref<1x80xi32, #tpu.memory_space<hbm>>
      %dma_wait3A_324 = tpu.memref_squeeze %dma_wait3A_323 : memref<1x80xi32, #tpu.memory_space<hbm>> -> memref<80xi32, #tpu.memory_space<hbm>>
      %dma_wait3A_325 = arith.constant 0 : i32
      %dma_wait3A_326 = tpu.memref_slice %arg3[%add3A_321, %dma_wait3A_325] : memref<4000x80xi32, #tpu.memory_space<hbm>> -> memref<1x80xi32, #tpu.memory_space<hbm>>
      %dma_wait3A_327 = tpu.memref_squeeze %dma_wait3A_326 : memref<1x80xi32, #tpu.memory_space<hbm>> -> memref<80xi32, #tpu.memory_space<hbm>>
      tpu.wait_dma2 semaphore(%arg33 : memref<!tpu.dma_semaphore, #tpu.memory_space<semaphore_mem>>) src(%dma_wait3A_327 : memref<80xi32, #tpu.memory_space<hbm>>) dst(%arg12 : memref<80xi32, #tpu.memory_space<vmem>>)
      %dma_start3A_328 = arith.constant 0 : i32
      %dma_start3A_329 = arith.constant 0 : i32
      %dma_start3A_330 = tpu.memref_slice %arg2[%dma_start3A_328, %dma_start3A_329] : memref<10000x128xf32, #tpu.memory_space<hbm>> -> memref<10000x128xf32, #tpu.memory_space<hbm>>
      tpu.enqueue_indirect_dma source(%dma_start3A_330 : memref<10000x128xf32, #tpu.memory_space<hbm>>) target(%arg24 : memref<80x128xf32, #tpu.memory_space<vmem>>) offsets(%arg12 : memref<80xi32, #tpu.memory_space<vmem>>) semaphore(%arg45 : memref<!tpu.dma_semaphore, #tpu.memory_space<semaphore_mem>>)
      %add3A_331 = arith.constant 4 : i32
      %add3A_332 = arith.addi %add3A_306, %add3A_331 : i32
      %add3A_333 = arith.addi %mul3A_2, %add3A_332 : i32
      %dma_start3A_334 = arith.constant 0 : i32
      %dma_start3A_335 = tpu.memref_slice %arg3[%add3A_333, %dma_start3A_334] : memref<4000x80xi32, #tpu.memory_space<hbm>> -> memref<1x80xi32, #tpu.memory_space<hbm>>
      %dma_start3A_336 = tpu.memref_squeeze %dma_start3A_335 : memref<1x80xi32, #tpu.memory_space<hbm>> -> memref<80xi32, #tpu.memory_space<hbm>>
      %dma_start3A_337 = arith.constant 0 : i32
      %dma_start3A_338 = tpu.memref_slice %arg3[%add3A_333, %dma_start3A_337] : memref<4000x80xi32, #tpu.memory_space<hbm>> -> memref<1x80xi32, #tpu.memory_space<hbm>>
      %dma_start3A_339 = tpu.memref_squeeze %dma_start3A_338 : memref<1x80xi32, #tpu.memory_space<hbm>> -> memref<80xi32, #tpu.memory_space<hbm>>
      tpu.enqueue_dma source(%dma_start3A_339 : memref<80xi32, #tpu.memory_space<hbm>>) target(%arg13 : memref<80xi32, #tpu.memory_space<vmem>>) target_semaphore(%arg34 : memref<!tpu.dma_semaphore, #tpu.memory_space<semaphore_mem>>)
      %add3A_340 = arith.addi %mul3A_2, %add3A_332 : i32
      %dma_start3A_341 = arith.constant 0 : i32
      %dma_start3A_342 = tpu.memref_slice %arg4[%add3A_340, %dma_start3A_341] : memref<4000x80xi32, #tpu.memory_space<hbm>> -> memref<1x80xi32, #tpu.memory_space<hbm>>
      %dma_start3A_343 = tpu.memref_squeeze %dma_start3A_342 : memref<1x80xi32, #tpu.memory_space<hbm>> -> memref<80xi32, #tpu.memory_space<hbm>>
      %dma_start3A_344 = arith.constant 0 : i32
      %dma_start3A_345 = tpu.memref_slice %arg4[%add3A_340, %dma_start3A_344] : memref<4000x80xi32, #tpu.memory_space<hbm>> -> memref<1x80xi32, #tpu.memory_space<hbm>>
      %dma_start3A_346 = tpu.memref_squeeze %dma_start3A_345 : memref<1x80xi32, #tpu.memory_space<hbm>> -> memref<80xi32, #tpu.memory_space<hbm>>
      tpu.enqueue_dma source(%dma_start3A_346 : memref<80xi32, #tpu.memory_space<hbm>>) target(%arg21 : memref<80xi32, #tpu.memory_space<vmem>>) target_semaphore(%arg42 : memref<!tpu.dma_semaphore, #tpu.memory_space<semaphore_mem>>)
      %mul3A_347 = arith.constant 8 : i32
      %mul3A_348 = arith.muli %scan3A_215, %mul3A_347 : i32
      %add3A_349 = arith.constant 3 : i32
      %add3A_350 = arith.addi %mul3A_348, %add3A_349 : i32
      %dma_wait3A_351 = arith.constant 0 : i32
      %dma_wait3A_352 = arith.constant 0 : i32
      %dma_wait3A_353 = tpu.memref_slice %arg2[%dma_wait3A_351, %dma_wait3A_352] : memref<10000x128xf32, #tpu.memory_space<hbm>> -> memref<10000x128xf32, #tpu.memory_space<hbm>>
      tpu.wait_indirect_dma semaphore(%arg47 : memref<!tpu.dma_semaphore, #tpu.memory_space<semaphore_mem>>) src(%dma_wait3A_353 : memref<10000x128xf32, #tpu.memory_space<hbm>>) dst(%arg26 : memref<80x128xf32, #tpu.memory_space<vmem>>)
      %add3A_354 = arith.addi %mul3A_2, %add3A_350 : i32
      %dma_wait3A_355 = arith.constant 0 : i32
      %dma_wait3A_356 = tpu.memref_slice %arg4[%add3A_354, %dma_wait3A_355] : memref<4000x80xi32, #tpu.memory_space<hbm>> -> memref<1x80xi32, #tpu.memory_space<hbm>>
      %dma_wait3A_357 = tpu.memref_squeeze %dma_wait3A_356 : memref<1x80xi32, #tpu.memory_space<hbm>> -> memref<80xi32, #tpu.memory_space<hbm>>
      %dma_wait3A_358 = arith.constant 0 : i32
      %dma_wait3A_359 = tpu.memref_slice %arg4[%add3A_354, %dma_wait3A_358] : memref<4000x80xi32, #tpu.memory_space<hbm>> -> memref<1x80xi32, #tpu.memory_space<hbm>>
      %dma_wait3A_360 = tpu.memref_squeeze %dma_wait3A_359 : memref<1x80xi32, #tpu.memory_space<hbm>> -> memref<80xi32, #tpu.memory_space<hbm>>
      tpu.wait_dma2 semaphore(%arg39 : memref<!tpu.dma_semaphore, #tpu.memory_space<semaphore_mem>>) src(%dma_wait3A_360 : memref<80xi32, #tpu.memory_space<hbm>>) dst(%arg18 : memref<80xi32, #tpu.memory_space<vmem>>)
      "tpu.region"() ({
        %run_scoped3A = tpu.sem_alloc : memref<!tpu.dma_semaphore, #tpu.memory_space<semaphore_mem>>
        %dma_start3A_567 = arith.constant 0 : i32
        %dma_start3A_568 = arith.constant 0 : i32
        %dma_start3A_569 = tpu.memref_slice %arg27[%dma_start3A_567, %dma_start3A_568] : memref<10000x128xf32, #tpu.memory_space<vmem_shared>> -> memref<10000x128xf32, #tpu.memory_space<vmem_shared>>
        tpu.enqueue_indirect_dma source(%arg26 : memref<80x128xf32, #tpu.memory_space<vmem>>) target(%dma_start3A_569 : memref<10000x128xf32, #tpu.memory_space<vmem_shared>>) offsets(%arg18 : memref<80xi32, #tpu.memory_space<vmem>>) semaphore(%run_scoped3A : memref<!tpu.dma_semaphore, #tpu.memory_space<semaphore_mem>>) {add = true}
        %dma_wait3A_570 = arith.constant 0 : i32
        %dma_wait3A_571 = arith.constant 0 : i32
        %dma_wait3A_572 = tpu.memref_slice %arg27[%dma_wait3A_570, %dma_wait3A_571] : memref<10000x128xf32, #tpu.memory_space<vmem_shared>> -> memref<10000x128xf32, #tpu.memory_space<vmem_shared>>
        tpu.wait_indirect_dma semaphore(%run_scoped3A : memref<!tpu.dma_semaphore, #tpu.memory_space<semaphore_mem>>) src(%arg26 : memref<80x128xf32, #tpu.memory_space<vmem>>) dst(%dma_wait3A_572 : memref<10000x128xf32, #tpu.memory_space<vmem_shared>>)
        tpu.yield
      }) : () -> ()
      %add3A_361 = arith.constant 4 : i32
      %add3A_362 = arith.addi %add3A_350, %add3A_361 : i32
      %sub3A_363 = arith.constant 1 : i32
      %sub3A_364 = arith.subi %add3A_362, %sub3A_363 : i32
      %add3A_365 = arith.addi %mul3A_2, %sub3A_364 : i32
      %dma_wait3A_366 = arith.constant 0 : i32
      %dma_wait3A_367 = tpu.memref_slice %arg3[%add3A_365, %dma_wait3A_366] : memref<4000x80xi32, #tpu.memory_space<hbm>> -> memref<1x80xi32, #tpu.memory_space<hbm>>
      %dma_wait3A_368 = tpu.memref_squeeze %dma_wait3A_367 : memref<1x80xi32, #tpu.memory_space<hbm>> -> memref<80xi32, #tpu.memory_space<hbm>>
      %dma_wait3A_369 = arith.constant 0 : i32
      %dma_wait3A_370 = tpu.memref_slice %arg3[%add3A_365, %dma_wait3A_369] : memref<4000x80xi32, #tpu.memory_space<hbm>> -> memref<1x80xi32, #tpu.memory_space<hbm>>
      %dma_wait3A_371 = tpu.memref_squeeze %dma_wait3A_370 : memref<1x80xi32, #tpu.memory_space<hbm>> -> memref<80xi32, #tpu.memory_space<hbm>>
      tpu.wait_dma2 semaphore(%arg34 : memref<!tpu.dma_semaphore, #tpu.memory_space<semaphore_mem>>) src(%dma_wait3A_371 : memref<80xi32, #tpu.memory_space<hbm>>) dst(%arg13 : memref<80xi32, #tpu.memory_space<vmem>>)
      %dma_start3A_372 = arith.constant 0 : i32
      %dma_start3A_373 = arith.constant 0 : i32
      %dma_start3A_374 = tpu.memref_slice %arg2[%dma_start3A_372, %dma_start3A_373] : memref<10000x128xf32, #tpu.memory_space<hbm>> -> memref<10000x128xf32, #tpu.memory_space<hbm>>
      tpu.enqueue_indirect_dma source(%dma_start3A_374 : memref<10000x128xf32, #tpu.memory_space<hbm>>) target(%arg25 : memref<80x128xf32, #tpu.memory_space<vmem>>) offsets(%arg13 : memref<80xi32, #tpu.memory_space<vmem>>) semaphore(%arg46 : memref<!tpu.dma_semaphore, #tpu.memory_space<semaphore_mem>>)
      %add3A_375 = arith.constant 4 : i32
      %add3A_376 = arith.addi %add3A_350, %add3A_375 : i32
      %add3A_377 = arith.addi %mul3A_2, %add3A_376 : i32
      %dma_start3A_378 = arith.constant 0 : i32
      %dma_start3A_379 = tpu.memref_slice %arg3[%add3A_377, %dma_start3A_378] : memref<4000x80xi32, #tpu.memory_space<hbm>> -> memref<1x80xi32, #tpu.memory_space<hbm>>
      %dma_start3A_380 = tpu.memref_squeeze %dma_start3A_379 : memref<1x80xi32, #tpu.memory_space<hbm>> -> memref<80xi32, #tpu.memory_space<hbm>>
      %dma_start3A_381 = arith.constant 0 : i32
      %dma_start3A_382 = tpu.memref_slice %arg3[%add3A_377, %dma_start3A_381] : memref<4000x80xi32, #tpu.memory_space<hbm>> -> memref<1x80xi32, #tpu.memory_space<hbm>>
      %dma_start3A_383 = tpu.memref_squeeze %dma_start3A_382 : memref<1x80xi32, #tpu.memory_space<hbm>> -> memref<80xi32, #tpu.memory_space<hbm>>
      tpu.enqueue_dma source(%dma_start3A_383 : memref<80xi32, #tpu.memory_space<hbm>>) target(%arg14 : memref<80xi32, #tpu.memory_space<vmem>>) target_semaphore(%arg35 : memref<!tpu.dma_semaphore, #tpu.memory_space<semaphore_mem>>)
      %add3A_384 = arith.addi %mul3A_2, %add3A_376 : i32
      %dma_start3A_385 = arith.constant 0 : i32
      %dma_start3A_386 = tpu.memref_slice %arg4[%add3A_384, %dma_start3A_385] : memref<4000x80xi32, #tpu.memory_space<hbm>> -> memref<1x80xi32, #tpu.memory_space<hbm>>
      %dma_start3A_387 = tpu.memref_squeeze %dma_start3A_386 : memref<1x80xi32, #tpu.memory_space<hbm>> -> memref<80xi32, #tpu.memory_space<hbm>>
      %dma_start3A_388 = arith.constant 0 : i32
      %dma_start3A_389 = tpu.memref_slice %arg4[%add3A_384, %dma_start3A_388] : memref<4000x80xi32, #tpu.memory_space<hbm>> -> memref<1x80xi32, #tpu.memory_space<hbm>>
      %dma_start3A_390 = tpu.memref_squeeze %dma_start3A_389 : memref<1x80xi32, #tpu.memory_space<hbm>> -> memref<80xi32, #tpu.memory_space<hbm>>
      tpu.enqueue_dma source(%dma_start3A_390 : memref<80xi32, #tpu.memory_space<hbm>>) target(%arg22 : memref<80xi32, #tpu.memory_space<vmem>>) target_semaphore(%arg43 : memref<!tpu.dma_semaphore, #tpu.memory_space<semaphore_mem>>)
      %mul3A_391 = arith.constant 8 : i32
      %mul3A_392 = arith.muli %scan3A_215, %mul3A_391 : i32
      %add3A_393 = arith.constant 4 : i32
      %add3A_394 = arith.addi %mul3A_392, %add3A_393 : i32
      %dma_wait3A_395 = arith.constant 0 : i32
      %dma_wait3A_396 = arith.constant 0 : i32
      %dma_wait3A_397 = tpu.memref_slice %arg2[%dma_wait3A_395, %dma_wait3A_396] : memref<10000x128xf32, #tpu.memory_space<hbm>> -> memref<10000x128xf32, #tpu.memory_space<hbm>>
      tpu.wait_indirect_dma semaphore(%arg44 : memref<!tpu.dma_semaphore, #tpu.memory_space<semaphore_mem>>) src(%dma_wait3A_397 : memref<10000x128xf32, #tpu.memory_space<hbm>>) dst(%arg23 : memref<80x128xf32, #tpu.memory_space<vmem>>)
      %add3A_398 = arith.addi %mul3A_2, %add3A_394 : i32
      %dma_wait3A_399 = arith.constant 0 : i32
      %dma_wait3A_400 = tpu.memref_slice %arg4[%add3A_398, %dma_wait3A_399] : memref<4000x80xi32, #tpu.memory_space<hbm>> -> memref<1x80xi32, #tpu.memory_space<hbm>>
      %dma_wait3A_401 = tpu.memref_squeeze %dma_wait3A_400 : memref<1x80xi32, #tpu.memory_space<hbm>> -> memref<80xi32, #tpu.memory_space<hbm>>
      %dma_wait3A_402 = arith.constant 0 : i32
      %dma_wait3A_403 = tpu.memref_slice %arg4[%add3A_398, %dma_wait3A_402] : memref<4000x80xi32, #tpu.memory_space<hbm>> -> memref<1x80xi32, #tpu.memory_space<hbm>>
      %dma_wait3A_404 = tpu.memref_squeeze %dma_wait3A_403 : memref<1x80xi32, #tpu.memory_space<hbm>> -> memref<80xi32, #tpu.memory_space<hbm>>
      tpu.wait_dma2 semaphore(%arg40 : memref<!tpu.dma_semaphore, #tpu.memory_space<semaphore_mem>>) src(%dma_wait3A_404 : memref<80xi32, #tpu.memory_space<hbm>>) dst(%arg19 : memref<80xi32, #tpu.memory_space<vmem>>)
      "tpu.region"() ({
        %run_scoped3A = tpu.sem_alloc : memref<!tpu.dma_semaphore, #tpu.memory_space<semaphore_mem>>
        %dma_start3A_567 = arith.constant 0 : i32
        %dma_start3A_568 = arith.constant 0 : i32
        %dma_start3A_569 = tpu.memref_slice %arg27[%dma_start3A_567, %dma_start3A_568] : memref<10000x128xf32, #tpu.memory_space<vmem_shared>> -> memref<10000x128xf32, #tpu.memory_space<vmem_shared>>
        tpu.enqueue_indirect_dma source(%arg23 : memref<80x128xf32, #tpu.memory_space<vmem>>) target(%dma_start3A_569 : memref<10000x128xf32, #tpu.memory_space<vmem_shared>>) offsets(%arg19 : memref<80xi32, #tpu.memory_space<vmem>>) semaphore(%run_scoped3A : memref<!tpu.dma_semaphore, #tpu.memory_space<semaphore_mem>>) {add = true}
        %dma_wait3A_570 = arith.constant 0 : i32
        %dma_wait3A_571 = arith.constant 0 : i32
        %dma_wait3A_572 = tpu.memref_slice %arg27[%dma_wait3A_570, %dma_wait3A_571] : memref<10000x128xf32, #tpu.memory_space<vmem_shared>> -> memref<10000x128xf32, #tpu.memory_space<vmem_shared>>
        tpu.wait_indirect_dma semaphore(%run_scoped3A : memref<!tpu.dma_semaphore, #tpu.memory_space<semaphore_mem>>) src(%arg23 : memref<80x128xf32, #tpu.memory_space<vmem>>) dst(%dma_wait3A_572 : memref<10000x128xf32, #tpu.memory_space<vmem_shared>>)
        tpu.yield
      }) : () -> ()
      %add3A_405 = arith.constant 4 : i32
      %add3A_406 = arith.addi %add3A_394, %add3A_405 : i32
      %sub3A_407 = arith.constant 1 : i32
      %sub3A_408 = arith.subi %add3A_406, %sub3A_407 : i32
      %add3A_409 = arith.addi %mul3A_2, %sub3A_408 : i32
      %dma_wait3A_410 = arith.constant 0 : i32
      %dma_wait3A_411 = tpu.memref_slice %arg3[%add3A_409, %dma_wait3A_410] : memref<4000x80xi32, #tpu.memory_space<hbm>> -> memref<1x80xi32, #tpu.memory_space<hbm>>
      %dma_wait3A_412 = tpu.memref_squeeze %dma_wait3A_411 : memref<1x80xi32, #tpu.memory_space<hbm>> -> memref<80xi32, #tpu.memory_space<hbm>>
      %dma_wait3A_413 = arith.constant 0 : i32
      %dma_wait3A_414 = tpu.memref_slice %arg3[%add3A_409, %dma_wait3A_413] : memref<4000x80xi32, #tpu.memory_space<hbm>> -> memref<1x80xi32, #tpu.memory_space<hbm>>
      %dma_wait3A_415 = tpu.memref_squeeze %dma_wait3A_414 : memref<1x80xi32, #tpu.memory_space<hbm>> -> memref<80xi32, #tpu.memory_space<hbm>>
      tpu.wait_dma2 semaphore(%arg35 : memref<!tpu.dma_semaphore, #tpu.memory_space<semaphore_mem>>) src(%dma_wait3A_415 : memref<80xi32, #tpu.memory_space<hbm>>) dst(%arg14 : memref<80xi32, #tpu.memory_space<vmem>>)
      %dma_start3A_416 = arith.constant 0 : i32
      %dma_start3A_417 = arith.constant 0 : i32
      %dma_start3A_418 = tpu.memref_slice %arg2[%dma_start3A_416, %dma_start3A_417] : memref<10000x128xf32, #tpu.memory_space<hbm>> -> memref<10000x128xf32, #tpu.memory_space<hbm>>
      tpu.enqueue_indirect_dma source(%dma_start3A_418 : memref<10000x128xf32, #tpu.memory_space<hbm>>) target(%arg26 : memref<80x128xf32, #tpu.memory_space<vmem>>) offsets(%arg14 : memref<80xi32, #tpu.memory_space<vmem>>) semaphore(%arg47 : memref<!tpu.dma_semaphore, #tpu.memory_space<semaphore_mem>>)
      %add3A_419 = arith.constant 4 : i32
      %add3A_420 = arith.addi %add3A_394, %add3A_419 : i32
      %add3A_421 = arith.addi %mul3A_2, %add3A_420 : i32
      %dma_start3A_422 = arith.constant 0 : i32
      %dma_start3A_423 = tpu.memref_slice %arg3[%add3A_421, %dma_start3A_422] : memref<4000x80xi32, #tpu.memory_space<hbm>> -> memref<1x80xi32, #tpu.memory_space<hbm>>
      %dma_start3A_424 = tpu.memref_squeeze %dma_start3A_423 : memref<1x80xi32, #tpu.memory_space<hbm>> -> memref<80xi32, #tpu.memory_space<hbm>>
      %dma_start3A_425 = arith.constant 0 : i32
      %dma_start3A_426 = tpu.memref_slice %arg3[%add3A_421, %dma_start3A_425] : memref<4000x80xi32, #tpu.memory_space<hbm>> -> memref<1x80xi32, #tpu.memory_space<hbm>>
      %dma_start3A_427 = tpu.memref_squeeze %dma_start3A_426 : memref<1x80xi32, #tpu.memory_space<hbm>> -> memref<80xi32, #tpu.memory_space<hbm>>
      tpu.enqueue_dma source(%dma_start3A_427 : memref<80xi32, #tpu.memory_space<hbm>>) target(%arg7 : memref<80xi32, #tpu.memory_space<vmem>>) target_semaphore(%arg28 : memref<!tpu.dma_semaphore, #tpu.memory_space<semaphore_mem>>)
      %add3A_428 = arith.addi %mul3A_2, %add3A_420 : i32
      %dma_start3A_429 = arith.constant 0 : i32
      %dma_start3A_430 = tpu.memref_slice %arg4[%add3A_428, %dma_start3A_429] : memref<4000x80xi32, #tpu.memory_space<hbm>> -> memref<1x80xi32, #tpu.memory_space<hbm>>
      %dma_start3A_431 = tpu.memref_squeeze %dma_start3A_430 : memref<1x80xi32, #tpu.memory_space<hbm>> -> memref<80xi32, #tpu.memory_space<hbm>>
      %dma_start3A_432 = arith.constant 0 : i32
      %dma_start3A_433 = tpu.memref_slice %arg4[%add3A_428, %dma_start3A_432] : memref<4000x80xi32, #tpu.memory_space<hbm>> -> memref<1x80xi32, #tpu.memory_space<hbm>>
      %dma_start3A_434 = tpu.memref_squeeze %dma_start3A_433 : memref<1x80xi32, #tpu.memory_space<hbm>> -> memref<80xi32, #tpu.memory_space<hbm>>
      tpu.enqueue_dma source(%dma_start3A_434 : memref<80xi32, #tpu.memory_space<hbm>>) target(%arg15 : memref<80xi32, #tpu.memory_space<vmem>>) target_semaphore(%arg36 : memref<!tpu.dma_semaphore, #tpu.memory_space<semaphore_mem>>)
      %mul3A_435 = arith.constant 8 : i32
      %mul3A_436 = arith.muli %scan3A_215, %mul3A_435 : i32
      %add3A_437 = arith.constant 5 : i32
      %add3A_438 = arith.addi %mul3A_436, %add3A_437 : i32
      %dma_wait3A_439 = arith.constant 0 : i32
      %dma_wait3A_440 = arith.constant 0 : i32
      %dma_wait3A_441 = tpu.memref_slice %arg2[%dma_wait3A_439, %dma_wait3A_440] : memref<10000x128xf32, #tpu.memory_space<hbm>> -> memref<10000x128xf32, #tpu.memory_space<hbm>>
      tpu.wait_indirect_dma semaphore(%arg45 : memref<!tpu.dma_semaphore, #tpu.memory_space<semaphore_mem>>) src(%dma_wait3A_441 : memref<10000x128xf32, #tpu.memory_space<hbm>>) dst(%arg24 : memref<80x128xf32, #tpu.memory_space<vmem>>)
      %add3A_442 = arith.addi %mul3A_2, %add3A_438 : i32
      %dma_wait3A_443 = arith.constant 0 : i32
      %dma_wait3A_444 = tpu.memref_slice %arg4[%add3A_442, %dma_wait3A_443] : memref<4000x80xi32, #tpu.memory_space<hbm>> -> memref<1x80xi32, #tpu.memory_space<hbm>>
      %dma_wait3A_445 = tpu.memref_squeeze %dma_wait3A_444 : memref<1x80xi32, #tpu.memory_space<hbm>> -> memref<80xi32, #tpu.memory_space<hbm>>
      %dma_wait3A_446 = arith.constant 0 : i32
      %dma_wait3A_447 = tpu.memref_slice %arg4[%add3A_442, %dma_wait3A_446] : memref<4000x80xi32, #tpu.memory_space<hbm>> -> memref<1x80xi32, #tpu.memory_space<hbm>>
      %dma_wait3A_448 = tpu.memref_squeeze %dma_wait3A_447 : memref<1x80xi32, #tpu.memory_space<hbm>> -> memref<80xi32, #tpu.memory_space<hbm>>
      tpu.wait_dma2 semaphore(%arg41 : memref<!tpu.dma_semaphore, #tpu.memory_space<semaphore_mem>>) src(%dma_wait3A_448 : memref<80xi32, #tpu.memory_space<hbm>>) dst(%arg20 : memref<80xi32, #tpu.memory_space<vmem>>)
      "tpu.region"() ({
        %run_scoped3A = tpu.sem_alloc : memref<!tpu.dma_semaphore, #tpu.memory_space<semaphore_mem>>
        %dma_start3A_567 = arith.constant 0 : i32
        %dma_start3A_568 = arith.constant 0 : i32
        %dma_start3A_569 = tpu.memref_slice %arg27[%dma_start3A_567, %dma_start3A_568] : memref<10000x128xf32, #tpu.memory_space<vmem_shared>> -> memref<10000x128xf32, #tpu.memory_space<vmem_shared>>
        tpu.enqueue_indirect_dma source(%arg24 : memref<80x128xf32, #tpu.memory_space<vmem>>) target(%dma_start3A_569 : memref<10000x128xf32, #tpu.memory_space<vmem_shared>>) offsets(%arg20 : memref<80xi32, #tpu.memory_space<vmem>>) semaphore(%run_scoped3A : memref<!tpu.dma_semaphore, #tpu.memory_space<semaphore_mem>>) {add = true}
        %dma_wait3A_570 = arith.constant 0 : i32
        %dma_wait3A_571 = arith.constant 0 : i32
        %dma_wait3A_572 = tpu.memref_slice %arg27[%dma_wait3A_570, %dma_wait3A_571] : memref<10000x128xf32, #tpu.memory_space<vmem_shared>> -> memref<10000x128xf32, #tpu.memory_space<vmem_shared>>
        tpu.wait_indirect_dma semaphore(%run_scoped3A : memref<!tpu.dma_semaphore, #tpu.memory_space<semaphore_mem>>) src(%arg24 : memref<80x128xf32, #tpu.memory_space<vmem>>) dst(%dma_wait3A_572 : memref<10000x128xf32, #tpu.memory_space<vmem_shared>>)
        tpu.yield
      }) : () -> ()
      %add3A_449 = arith.constant 4 : i32
      %add3A_450 = arith.addi %add3A_438, %add3A_449 : i32
      %sub3A_451 = arith.constant 1 : i32
      %sub3A_452 = arith.subi %add3A_450, %sub3A_451 : i32
      %add3A_453 = arith.addi %mul3A_2, %sub3A_452 : i32
      %dma_wait3A_454 = arith.constant 0 : i32
      %dma_wait3A_455 = tpu.memref_slice %arg3[%add3A_453, %dma_wait3A_454] : memref<4000x80xi32, #tpu.memory_space<hbm>> -> memref<1x80xi32, #tpu.memory_space<hbm>>
      %dma_wait3A_456 = tpu.memref_squeeze %dma_wait3A_455 : memref<1x80xi32, #tpu.memory_space<hbm>> -> memref<80xi32, #tpu.memory_space<hbm>>
      %dma_wait3A_457 = arith.constant 0 : i32
      %dma_wait3A_458 = tpu.memref_slice %arg3[%add3A_453, %dma_wait3A_457] : memref<4000x80xi32, #tpu.memory_space<hbm>> -> memref<1x80xi32, #tpu.memory_space<hbm>>
      %dma_wait3A_459 = tpu.memref_squeeze %dma_wait3A_458 : memref<1x80xi32, #tpu.memory_space<hbm>> -> memref<80xi32, #tpu.memory_space<hbm>>
      tpu.wait_dma2 semaphore(%arg28 : memref<!tpu.dma_semaphore, #tpu.memory_space<semaphore_mem>>) src(%dma_wait3A_459 : memref<80xi32, #tpu.memory_space<hbm>>) dst(%arg7 : memref<80xi32, #tpu.memory_space<vmem>>)
      %dma_start3A_460 = arith.constant 0 : i32
      %dma_start3A_461 = arith.constant 0 : i32
      %dma_start3A_462 = tpu.memref_slice %arg2[%dma_start3A_460, %dma_start3A_461] : memref<10000x128xf32, #tpu.memory_space<hbm>> -> memref<10000x128xf32, #tpu.memory_space<hbm>>
      tpu.enqueue_indirect_dma source(%dma_start3A_462 : memref<10000x128xf32, #tpu.memory_space<hbm>>) target(%arg23 : memref<80x128xf32, #tpu.memory_space<vmem>>) offsets(%arg7 : memref<80xi32, #tpu.memory_space<vmem>>) semaphore(%arg44 : memref<!tpu.dma_semaphore, #tpu.memory_space<semaphore_mem>>)
      %add3A_463 = arith.constant 4 : i32
      %add3A_464 = arith.addi %add3A_438, %add3A_463 : i32
      %add3A_465 = arith.addi %mul3A_2, %add3A_464 : i32
      %dma_start3A_466 = arith.constant 0 : i32
      %dma_start3A_467 = tpu.memref_slice %arg3[%add3A_465, %dma_start3A_466] : memref<4000x80xi32, #tpu.memory_space<hbm>> -> memref<1x80xi32, #tpu.memory_space<hbm>>
      %dma_start3A_468 = tpu.memref_squeeze %dma_start3A_467 : memref<1x80xi32, #tpu.memory_space<hbm>> -> memref<80xi32, #tpu.memory_space<hbm>>
      %dma_start3A_469 = arith.constant 0 : i32
      %dma_start3A_470 = tpu.memref_slice %arg3[%add3A_465, %dma_start3A_469] : memref<4000x80xi32, #tpu.memory_space<hbm>> -> memref<1x80xi32, #tpu.memory_space<hbm>>
      %dma_start3A_471 = tpu.memref_squeeze %dma_start3A_470 : memref<1x80xi32, #tpu.memory_space<hbm>> -> memref<80xi32, #tpu.memory_space<hbm>>
      tpu.enqueue_dma source(%dma_start3A_471 : memref<80xi32, #tpu.memory_space<hbm>>) target(%arg8 : memref<80xi32, #tpu.memory_space<vmem>>) target_semaphore(%arg29 : memref<!tpu.dma_semaphore, #tpu.memory_space<semaphore_mem>>)
      %add3A_472 = arith.addi %mul3A_2, %add3A_464 : i32
      %dma_start3A_473 = arith.constant 0 : i32
      %dma_start3A_474 = tpu.memref_slice %arg4[%add3A_472, %dma_start3A_473] : memref<4000x80xi32, #tpu.memory_space<hbm>> -> memref<1x80xi32, #tpu.memory_space<hbm>>
      %dma_start3A_475 = tpu.memref_squeeze %dma_start3A_474 : memref<1x80xi32, #tpu.memory_space<hbm>> -> memref<80xi32, #tpu.memory_space<hbm>>
      %dma_start3A_476 = arith.constant 0 : i32
      %dma_start3A_477 = tpu.memref_slice %arg4[%add3A_472, %dma_start3A_476] : memref<4000x80xi32, #tpu.memory_space<hbm>> -> memref<1x80xi32, #tpu.memory_space<hbm>>
      %dma_start3A_478 = tpu.memref_squeeze %dma_start3A_477 : memref<1x80xi32, #tpu.memory_space<hbm>> -> memref<80xi32, #tpu.memory_space<hbm>>
      tpu.enqueue_dma source(%dma_start3A_478 : memref<80xi32, #tpu.memory_space<hbm>>) target(%arg16 : memref<80xi32, #tpu.memory_space<vmem>>) target_semaphore(%arg37 : memref<!tpu.dma_semaphore, #tpu.memory_space<semaphore_mem>>)
      %mul3A_479 = arith.constant 8 : i32
      %mul3A_480 = arith.muli %scan3A_215, %mul3A_479 : i32
      %add3A_481 = arith.constant 6 : i32
      %add3A_482 = arith.addi %mul3A_480, %add3A_481 : i32
      %dma_wait3A_483 = arith.constant 0 : i32
      %dma_wait3A_484 = arith.constant 0 : i32
      %dma_wait3A_485 = tpu.memref_slice %arg2[%dma_wait3A_483, %dma_wait3A_484] : memref<10000x128xf32, #tpu.memory_space<hbm>> -> memref<10000x128xf32, #tpu.memory_space<hbm>>
      tpu.wait_indirect_dma semaphore(%arg46 : memref<!tpu.dma_semaphore, #tpu.memory_space<semaphore_mem>>) src(%dma_wait3A_485 : memref<10000x128xf32, #tpu.memory_space<hbm>>) dst(%arg25 : memref<80x128xf32, #tpu.memory_space<vmem>>)
      %add3A_486 = arith.addi %mul3A_2, %add3A_482 : i32
      %dma_wait3A_487 = arith.constant 0 : i32
      %dma_wait3A_488 = tpu.memref_slice %arg4[%add3A_486, %dma_wait3A_487] : memref<4000x80xi32, #tpu.memory_space<hbm>> -> memref<1x80xi32, #tpu.memory_space<hbm>>
      %dma_wait3A_489 = tpu.memref_squeeze %dma_wait3A_488 : memref<1x80xi32, #tpu.memory_space<hbm>> -> memref<80xi32, #tpu.memory_space<hbm>>
      %dma_wait3A_490 = arith.constant 0 : i32
      %dma_wait3A_491 = tpu.memref_slice %arg4[%add3A_486, %dma_wait3A_490] : memref<4000x80xi32, #tpu.memory_space<hbm>> -> memref<1x80xi32, #tpu.memory_space<hbm>>
      %dma_wait3A_492 = tpu.memref_squeeze %dma_wait3A_491 : memref<1x80xi32, #tpu.memory_space<hbm>> -> memref<80xi32, #tpu.memory_space<hbm>>
      tpu.wait_dma2 semaphore(%arg42 : memref<!tpu.dma_semaphore, #tpu.memory_space<semaphore_mem>>) src(%dma_wait3A_492 : memref<80xi32, #tpu.memory_space<hbm>>) dst(%arg21 : memref<80xi32, #tpu.memory_space<vmem>>)
      "tpu.region"() ({
        %run_scoped3A = tpu.sem_alloc : memref<!tpu.dma_semaphore, #tpu.memory_space<semaphore_mem>>
        %dma_start3A_567 = arith.constant 0 : i32
        %dma_start3A_568 = arith.constant 0 : i32
        %dma_start3A_569 = tpu.memref_slice %arg27[%dma_start3A_567, %dma_start3A_568] : memref<10000x128xf32, #tpu.memory_space<vmem_shared>> -> memref<10000x128xf32, #tpu.memory_space<vmem_shared>>
        tpu.enqueue_indirect_dma source(%arg25 : memref<80x128xf32, #tpu.memory_space<vmem>>) target(%dma_start3A_569 : memref<10000x128xf32, #tpu.memory_space<vmem_shared>>) offsets(%arg21 : memref<80xi32, #tpu.memory_space<vmem>>) semaphore(%run_scoped3A : memref<!tpu.dma_semaphore, #tpu.memory_space<semaphore_mem>>) {add = true}
        %dma_wait3A_570 = arith.constant 0 : i32
        %dma_wait3A_571 = arith.constant 0 : i32
        %dma_wait3A_572 = tpu.memref_slice %arg27[%dma_wait3A_570, %dma_wait3A_571] : memref<10000x128xf32, #tpu.memory_space<vmem_shared>> -> memref<10000x128xf32, #tpu.memory_space<vmem_shared>>
        tpu.wait_indirect_dma semaphore(%run_scoped3A : memref<!tpu.dma_semaphore, #tpu.memory_space<semaphore_mem>>) src(%arg25 : memref<80x128xf32, #tpu.memory_space<vmem>>) dst(%dma_wait3A_572 : memref<10000x128xf32, #tpu.memory_space<vmem_shared>>)
        tpu.yield
      }) : () -> ()
      %add3A_493 = arith.constant 4 : i32
      %add3A_494 = arith.addi %add3A_482, %add3A_493 : i32
      %sub3A_495 = arith.constant 1 : i32
      %sub3A_496 = arith.subi %add3A_494, %sub3A_495 : i32
      %add3A_497 = arith.addi %mul3A_2, %sub3A_496 : i32
      %dma_wait3A_498 = arith.constant 0 : i32
      %dma_wait3A_499 = tpu.memref_slice %arg3[%add3A_497, %dma_wait3A_498] : memref<4000x80xi32, #tpu.memory_space<hbm>> -> memref<1x80xi32, #tpu.memory_space<hbm>>
      %dma_wait3A_500 = tpu.memref_squeeze %dma_wait3A_499 : memref<1x80xi32, #tpu.memory_space<hbm>> -> memref<80xi32, #tpu.memory_space<hbm>>
      %dma_wait3A_501 = arith.constant 0 : i32
      %dma_wait3A_502 = tpu.memref_slice %arg3[%add3A_497, %dma_wait3A_501] : memref<4000x80xi32, #tpu.memory_space<hbm>> -> memref<1x80xi32, #tpu.memory_space<hbm>>
      %dma_wait3A_503 = tpu.memref_squeeze %dma_wait3A_502 : memref<1x80xi32, #tpu.memory_space<hbm>> -> memref<80xi32, #tpu.memory_space<hbm>>
      tpu.wait_dma2 semaphore(%arg29 : memref<!tpu.dma_semaphore, #tpu.memory_space<semaphore_mem>>) src(%dma_wait3A_503 : memref<80xi32, #tpu.memory_space<hbm>>) dst(%arg8 : memref<80xi32, #tpu.memory_space<vmem>>)
      %dma_start3A_504 = arith.constant 0 : i32
      %dma_start3A_505 = arith.constant 0 : i32
      %dma_start3A_506 = tpu.memref_slice %arg2[%dma_start3A_504, %dma_start3A_505] : memref<10000x128xf32, #tpu.memory_space<hbm>> -> memref<10000x128xf32, #tpu.memory_space<hbm>>
      tpu.enqueue_indirect_dma source(%dma_start3A_506 : memref<10000x128xf32, #tpu.memory_space<hbm>>) target(%arg24 : memref<80x128xf32, #tpu.memory_space<vmem>>) offsets(%arg8 : memref<80xi32, #tpu.memory_space<vmem>>) semaphore(%arg45 : memref<!tpu.dma_semaphore, #tpu.memory_space<semaphore_mem>>)
      %add3A_507 = arith.constant 4 : i32
      %add3A_508 = arith.addi %add3A_482, %add3A_507 : i32
      %add3A_509 = arith.addi %mul3A_2, %add3A_508 : i32
      %dma_start3A_510 = arith.constant 0 : i32
      %dma_start3A_511 = tpu.memref_slice %arg3[%add3A_509, %dma_start3A_510] : memref<4000x80xi32, #tpu.memory_space<hbm>> -> memref<1x80xi32, #tpu.memory_space<hbm>>
      %dma_start3A_512 = tpu.memref_squeeze %dma_start3A_511 : memref<1x80xi32, #tpu.memory_space<hbm>> -> memref<80xi32, #tpu.memory_space<hbm>>
      %dma_start3A_513 = arith.constant 0 : i32
      %dma_start3A_514 = tpu.memref_slice %arg3[%add3A_509, %dma_start3A_513] : memref<4000x80xi32, #tpu.memory_space<hbm>> -> memref<1x80xi32, #tpu.memory_space<hbm>>
      %dma_start3A_515 = tpu.memref_squeeze %dma_start3A_514 : memref<1x80xi32, #tpu.memory_space<hbm>> -> memref<80xi32, #tpu.memory_space<hbm>>
      tpu.enqueue_dma source(%dma_start3A_515 : memref<80xi32, #tpu.memory_space<hbm>>) target(%arg9 : memref<80xi32, #tpu.memory_space<vmem>>) target_semaphore(%arg30 : memref<!tpu.dma_semaphore, #tpu.memory_space<semaphore_mem>>)
      %add3A_516 = arith.addi %mul3A_2, %add3A_508 : i32
      %dma_start3A_517 = arith.constant 0 : i32
      %dma_start3A_518 = tpu.memref_slice %arg4[%add3A_516, %dma_start3A_517] : memref<4000x80xi32, #tpu.memory_space<hbm>> -> memref<1x80xi32, #tpu.memory_space<hbm>>
      %dma_start3A_519 = tpu.memref_squeeze %dma_start3A_518 : memref<1x80xi32, #tpu.memory_space<hbm>> -> memref<80xi32, #tpu.memory_space<hbm>>
      %dma_start3A_520 = arith.constant 0 : i32
      %dma_start3A_521 = tpu.memref_slice %arg4[%add3A_516, %dma_start3A_520] : memref<4000x80xi32, #tpu.memory_space<hbm>> -> memref<1x80xi32, #tpu.memory_space<hbm>>
      %dma_start3A_522 = tpu.memref_squeeze %dma_start3A_521 : memref<1x80xi32, #tpu.memory_space<hbm>> -> memref<80xi32, #tpu.memory_space<hbm>>
      tpu.enqueue_dma source(%dma_start3A_522 : memref<80xi32, #tpu.memory_space<hbm>>) target(%arg17 : memref<80xi32, #tpu.memory_space<vmem>>) target_semaphore(%arg38 : memref<!tpu.dma_semaphore, #tpu.memory_space<semaphore_mem>>)
      %mul3A_523 = arith.constant 8 : i32
      %mul3A_524 = arith.muli %scan3A_215, %mul3A_523 : i32
      %add3A_525 = arith.constant 7 : i32
      %add3A_526 = arith.addi %mul3A_524, %add3A_525 : i32
      %dma_wait3A_527 = arith.constant 0 : i32
      %dma_wait3A_528 = arith.constant 0 : i32
      %dma_wait3A_529 = tpu.memref_slice %arg2[%dma_wait3A_527, %dma_wait3A_528] : memref<10000x128xf32, #tpu.memory_space<hbm>> -> memref<10000x128xf32, #tpu.memory_space<hbm>>
      tpu.wait_indirect_dma semaphore(%arg47 : memref<!tpu.dma_semaphore, #tpu.memory_space<semaphore_mem>>) src(%dma_wait3A_529 : memref<10000x128xf32, #tpu.memory_space<hbm>>) dst(%arg26 : memref<80x128xf32, #tpu.memory_space<vmem>>)
      %add3A_530 = arith.addi %mul3A_2, %add3A_526 : i32
      %dma_wait3A_531 = arith.constant 0 : i32
      %dma_wait3A_532 = tpu.memref_slice %arg4[%add3A_530, %dma_wait3A_531] : memref<4000x80xi32, #tpu.memory_space<hbm>> -> memref<1x80xi32, #tpu.memory_space<hbm>>
      %dma_wait3A_533 = tpu.memref_squeeze %dma_wait3A_532 : memref<1x80xi32, #tpu.memory_space<hbm>> -> memref<80xi32, #tpu.memory_space<hbm>>
      %dma_wait3A_534 = arith.constant 0 : i32
      %dma_wait3A_535 = tpu.memref_slice %arg4[%add3A_530, %dma_wait3A_534] : memref<4000x80xi32, #tpu.memory_space<hbm>> -> memref<1x80xi32, #tpu.memory_space<hbm>>
      %dma_wait3A_536 = tpu.memref_squeeze %dma_wait3A_535 : memref<1x80xi32, #tpu.memory_space<hbm>> -> memref<80xi32, #tpu.memory_space<hbm>>
      tpu.wait_dma2 semaphore(%arg43 : memref<!tpu.dma_semaphore, #tpu.memory_space<semaphore_mem>>) src(%dma_wait3A_536 : memref<80xi32, #tpu.memory_space<hbm>>) dst(%arg22 : memref<80xi32, #tpu.memory_space<vmem>>)
      "tpu.region"() ({
        %run_scoped3A = tpu.sem_alloc : memref<!tpu.dma_semaphore, #tpu.memory_space<semaphore_mem>>
        %dma_start3A_567 = arith.constant 0 : i32
        %dma_start3A_568 = arith.constant 0 : i32
        %dma_start3A_569 = tpu.memref_slice %arg27[%dma_start3A_567, %dma_start3A_568] : memref<10000x128xf32, #tpu.memory_space<vmem_shared>> -> memref<10000x128xf32, #tpu.memory_space<vmem_shared>>
        tpu.enqueue_indirect_dma source(%arg26 : memref<80x128xf32, #tpu.memory_space<vmem>>) target(%dma_start3A_569 : memref<10000x128xf32, #tpu.memory_space<vmem_shared>>) offsets(%arg22 : memref<80xi32, #tpu.memory_space<vmem>>) semaphore(%run_scoped3A : memref<!tpu.dma_semaphore, #tpu.memory_space<semaphore_mem>>) {add = true}
        %dma_wait3A_570 = arith.constant 0 : i32
        %dma_wait3A_571 = arith.constant 0 : i32
        %dma_wait3A_572 = tpu.memref_slice %arg27[%dma_wait3A_570, %dma_wait3A_571] : memref<10000x128xf32, #tpu.memory_space<vmem_shared>> -> memref<10000x128xf32, #tpu.memory_space<vmem_shared>>
        tpu.wait_indirect_dma semaphore(%run_scoped3A : memref<!tpu.dma_semaphore, #tpu.memory_space<semaphore_mem>>) src(%arg26 : memref<80x128xf32, #tpu.memory_space<vmem>>) dst(%dma_wait3A_572 : memref<10000x128xf32, #tpu.memory_space<vmem_shared>>)
        tpu.yield
      }) : () -> ()
      %add3A_537 = arith.constant 4 : i32
      %add3A_538 = arith.addi %add3A_526, %add3A_537 : i32
      %sub3A_539 = arith.constant 1 : i32
      %sub3A_540 = arith.subi %add3A_538, %sub3A_539 : i32
      %add3A_541 = arith.addi %mul3A_2, %sub3A_540 : i32
      %dma_wait3A_542 = arith.constant 0 : i32
      %dma_wait3A_543 = tpu.memref_slice %arg3[%add3A_541, %dma_wait3A_542] : memref<4000x80xi32, #tpu.memory_space<hbm>> -> memref<1x80xi32, #tpu.memory_space<hbm>>
      %dma_wait3A_544 = tpu.memref_squeeze %dma_wait3A_543 : memref<1x80xi32, #tpu.memory_space<hbm>> -> memref<80xi32, #tpu.memory_space<hbm>>
      %dma_wait3A_545 = arith.constant 0 : i32
      %dma_wait3A_546 = tpu.memref_slice %arg3[%add3A_541, %dma_wait3A_545] : memref<4000x80xi32, #tpu.memory_space<hbm>> -> memref<1x80xi32, #tpu.memory_space<hbm>>
      %dma_wait3A_547 = tpu.memref_squeeze %dma_wait3A_546 : memref<1x80xi32, #tpu.memory_space<hbm>> -> memref<80xi32, #tpu.memory_space<hbm>>
      tpu.wait_dma2 semaphore(%arg30 : memref<!tpu.dma_semaphore, #tpu.memory_space<semaphore_mem>>) src(%dma_wait3A_547 : memref<80xi32, #tpu.memory_space<hbm>>) dst(%arg9 : memref<80xi32, #tpu.memory_space<vmem>>)
      %dma_start3A_548 = arith.constant 0 : i32
      %dma_start3A_549 = arith.constant 0 : i32
      %dma_start3A_550 = tpu.memref_slice %arg2[%dma_start3A_548, %dma_start3A_549] : memref<10000x128xf32, #tpu.memory_space<hbm>> -> memref<10000x128xf32, #tpu.memory_space<hbm>>
      tpu.enqueue_indirect_dma source(%dma_start3A_550 : memref<10000x128xf32, #tpu.memory_space<hbm>>) target(%arg25 : memref<80x128xf32, #tpu.memory_space<vmem>>) offsets(%arg9 : memref<80xi32, #tpu.memory_space<vmem>>) semaphore(%arg46 : memref<!tpu.dma_semaphore, #tpu.memory_space<semaphore_mem>>)
      %add3A_551 = arith.constant 4 : i32
      %add3A_552 = arith.addi %add3A_526, %add3A_551 : i32
      %add3A_553 = arith.addi %mul3A_2, %add3A_552 : i32
      %dma_start3A_554 = arith.constant 0 : i32
      %dma_start3A_555 = tpu.memref_slice %arg3[%add3A_553, %dma_start3A_554] : memref<4000x80xi32, #tpu.memory_space<hbm>> -> memref<1x80xi32, #tpu.memory_space<hbm>>
      %dma_start3A_556 = tpu.memref_squeeze %dma_start3A_555 : memref<1x80xi32, #tpu.memory_space<hbm>> -> memref<80xi32, #tpu.memory_space<hbm>>
      %dma_start3A_557 = arith.constant 0 : i32
      %dma_start3A_558 = tpu.memref_slice %arg3[%add3A_553, %dma_start3A_557] : memref<4000x80xi32, #tpu.memory_space<hbm>> -> memref<1x80xi32, #tpu.memory_space<hbm>>
      %dma_start3A_559 = tpu.memref_squeeze %dma_start3A_558 : memref<1x80xi32, #tpu.memory_space<hbm>> -> memref<80xi32, #tpu.memory_space<hbm>>
      tpu.enqueue_dma source(%dma_start3A_559 : memref<80xi32, #tpu.memory_space<hbm>>) target(%arg10 : memref<80xi32, #tpu.memory_space<vmem>>) target_semaphore(%arg31 : memref<!tpu.dma_semaphore, #tpu.memory_space<semaphore_mem>>)
      %add3A_560 = arith.addi %mul3A_2, %add3A_552 : i32
      %dma_start3A_561 = arith.constant 0 : i32
      %dma_start3A_562 = tpu.memref_slice %arg4[%add3A_560, %dma_start3A_561] : memref<4000x80xi32, #tpu.memory_space<hbm>> -> memref<1x80xi32, #tpu.memory_space<hbm>>
      %dma_start3A_563 = tpu.memref_squeeze %dma_start3A_562 : memref<1x80xi32, #tpu.memory_space<hbm>> -> memref<80xi32, #tpu.memory_space<hbm>>
      %dma_start3A_564 = arith.constant 0 : i32
      %dma_start3A_565 = tpu.memref_slice %arg4[%add3A_560, %dma_start3A_564] : memref<4000x80xi32, #tpu.memory_space<hbm>> -> memref<1x80xi32, #tpu.memory_space<hbm>>
      %dma_start3A_566 = tpu.memref_squeeze %dma_start3A_565 : memref<1x80xi32, #tpu.memory_space<hbm>> -> memref<80xi32, #tpu.memory_space<hbm>>
      tpu.enqueue_dma source(%dma_start3A_566 : memref<80xi32, #tpu.memory_space<hbm>>) target(%arg18 : memref<80xi32, #tpu.memory_space<vmem>>) target_semaphore(%arg39 : memref<!tpu.dma_semaphore, #tpu.memory_space<semaphore_mem>>)
    }
    %scan3A_110 = arith.constant 15 : i32
    %dma_wait3A_111 = arith.constant 0 : i32
    %dma_wait3A_112 = arith.constant 0 : i32
    %dma_wait3A_113 = tpu.memref_slice %arg2[%dma_wait3A_111, %dma_wait3A_112] : memref<10000x128xf32, #tpu.memory_space<hbm>> -> memref<10000x128xf32, #tpu.memory_space<hbm>>
    tpu.wait_indirect_dma semaphore(%arg44 : memref<!tpu.dma_semaphore, #tpu.memory_space<semaphore_mem>>) src(%dma_wait3A_113 : memref<10000x128xf32, #tpu.memory_space<hbm>>) dst(%arg23 : memref<80x128xf32, #tpu.memory_space<vmem>>)
    %add3A_114 = arith.constant 120 : i32
    %add3A_115 = arith.addi %mul3A_2, %add3A_114 : i32
    %dma_wait3A_116 = arith.constant 0 : i32
    %dma_wait3A_117 = tpu.memref_slice %arg4[%add3A_115, %dma_wait3A_116] : memref<4000x80xi32, #tpu.memory_space<hbm>> -> memref<1x80xi32, #tpu.memory_space<hbm>>
    %dma_wait3A_118 = tpu.memref_squeeze %dma_wait3A_117 : memref<1x80xi32, #tpu.memory_space<hbm>> -> memref<80xi32, #tpu.memory_space<hbm>>
    %dma_wait3A_119 = arith.constant 0 : i32
    %dma_wait3A_120 = tpu.memref_slice %arg4[%add3A_115, %dma_wait3A_119] : memref<4000x80xi32, #tpu.memory_space<hbm>> -> memref<1x80xi32, #tpu.memory_space<hbm>>
    %dma_wait3A_121 = tpu.memref_squeeze %dma_wait3A_120 : memref<1x80xi32, #tpu.memory_space<hbm>> -> memref<80xi32, #tpu.memory_space<hbm>>
    tpu.wait_dma2 semaphore(%arg36 : memref<!tpu.dma_semaphore, #tpu.memory_space<semaphore_mem>>) src(%dma_wait3A_121 : memref<80xi32, #tpu.memory_space<hbm>>) dst(%arg15 : memref<80xi32, #tpu.memory_space<vmem>>)
    "tpu.region"() ({
      %run_scoped3A = tpu.sem_alloc : memref<!tpu.dma_semaphore, #tpu.memory_space<semaphore_mem>>
      %dma_start3A_215 = arith.constant 0 : i32
      %dma_start3A_216 = arith.constant 0 : i32
      %dma_start3A_217 = tpu.memref_slice %arg27[%dma_start3A_215, %dma_start3A_216] : memref<10000x128xf32, #tpu.memory_space<vmem_shared>> -> memref<10000x128xf32, #tpu.memory_space<vmem_shared>>
      tpu.enqueue_indirect_dma source(%arg23 : memref<80x128xf32, #tpu.memory_space<vmem>>) target(%dma_start3A_217 : memref<10000x128xf32, #tpu.memory_space<vmem_shared>>) offsets(%arg15 : memref<80xi32, #tpu.memory_space<vmem>>) semaphore(%run_scoped3A : memref<!tpu.dma_semaphore, #tpu.memory_space<semaphore_mem>>) {add = true}
      %dma_wait3A_218 = arith.constant 0 : i32
      %dma_wait3A_219 = arith.constant 0 : i32
      %dma_wait3A_220 = tpu.memref_slice %arg27[%dma_wait3A_218, %dma_wait3A_219] : memref<10000x128xf32, #tpu.memory_space<vmem_shared>> -> memref<10000x128xf32, #tpu.memory_space<vmem_shared>>
      tpu.wait_indirect_dma semaphore(%run_scoped3A : memref<!tpu.dma_semaphore, #tpu.memory_space<semaphore_mem>>) src(%arg23 : memref<80x128xf32, #tpu.memory_space<vmem>>) dst(%dma_wait3A_220 : memref<10000x128xf32, #tpu.memory_space<vmem_shared>>)
      tpu.yield
    }) : () -> ()
    %add3A_122 = arith.constant 123 : i32
    %add3A_123 = arith.addi %mul3A_2, %add3A_122 : i32
    %dma_wait3A_124 = arith.constant 0 : i32
    %dma_wait3A_125 = tpu.memref_slice %arg3[%add3A_123, %dma_wait3A_124] : memref<4000x80xi32, #tpu.memory_space<hbm>> -> memref<1x80xi32, #tpu.memory_space<hbm>>
    %dma_wait3A_126 = tpu.memref_squeeze %dma_wait3A_125 : memref<1x80xi32, #tpu.memory_space<hbm>> -> memref<80xi32, #tpu.memory_space<hbm>>
    %dma_wait3A_127 = arith.constant 0 : i32
    %dma_wait3A_128 = tpu.memref_slice %arg3[%add3A_123, %dma_wait3A_127] : memref<4000x80xi32, #tpu.memory_space<hbm>> -> memref<1x80xi32, #tpu.memory_space<hbm>>
    %dma_wait3A_129 = tpu.memref_squeeze %dma_wait3A_128 : memref<1x80xi32, #tpu.memory_space<hbm>> -> memref<80xi32, #tpu.memory_space<hbm>>
    tpu.wait_dma2 semaphore(%arg31 : memref<!tpu.dma_semaphore, #tpu.memory_space<semaphore_mem>>) src(%dma_wait3A_129 : memref<80xi32, #tpu.memory_space<hbm>>) dst(%arg10 : memref<80xi32, #tpu.memory_space<vmem>>)
    %dma_start3A_130 = arith.constant 0 : i32
    %dma_start3A_131 = arith.constant 0 : i32
    %dma_start3A_132 = tpu.memref_slice %arg2[%dma_start3A_130, %dma_start3A_131] : memref<10000x128xf32, #tpu.memory_space<hbm>> -> memref<10000x128xf32, #tpu.memory_space<hbm>>
    tpu.enqueue_indirect_dma source(%dma_start3A_132 : memref<10000x128xf32, #tpu.memory_space<hbm>>) target(%arg26 : memref<80x128xf32, #tpu.memory_space<vmem>>) offsets(%arg10 : memref<80xi32, #tpu.memory_space<vmem>>) semaphore(%arg47 : memref<!tpu.dma_semaphore, #tpu.memory_space<semaphore_mem>>)
    %add3A_133 = arith.constant 124 : i32
    %add3A_134 = arith.addi %mul3A_2, %add3A_133 : i32
    %dma_start3A_135 = arith.constant 0 : i32
    %dma_start3A_136 = tpu.memref_slice %arg3[%add3A_134, %dma_start3A_135] : memref<4000x80xi32, #tpu.memory_space<hbm>> -> memref<1x80xi32, #tpu.memory_space<hbm>>
    %dma_start3A_137 = tpu.memref_squeeze %dma_start3A_136 : memref<1x80xi32, #tpu.memory_space<hbm>> -> memref<80xi32, #tpu.memory_space<hbm>>
    %dma_start3A_138 = arith.constant 0 : i32
    %dma_start3A_139 = tpu.memref_slice %arg3[%add3A_134, %dma_start3A_138] : memref<4000x80xi32, #tpu.memory_space<hbm>> -> memref<1x80xi32, #tpu.memory_space<hbm>>
    %dma_start3A_140 = tpu.memref_squeeze %dma_start3A_139 : memref<1x80xi32, #tpu.memory_space<hbm>> -> memref<80xi32, #tpu.memory_space<hbm>>
    tpu.enqueue_dma source(%dma_start3A_140 : memref<80xi32, #tpu.memory_space<hbm>>) target(%arg11 : memref<80xi32, #tpu.memory_space<vmem>>) target_semaphore(%arg32 : memref<!tpu.dma_semaphore, #tpu.memory_space<semaphore_mem>>)
    %add3A_141 = arith.constant 124 : i32
    %add3A_142 = arith.addi %mul3A_2, %add3A_141 : i32
    %dma_start3A_143 = arith.constant 0 : i32
    %dma_start3A_144 = tpu.memref_slice %arg4[%add3A_142, %dma_start3A_143] : memref<4000x80xi32, #tpu.memory_space<hbm>> -> memref<1x80xi32, #tpu.memory_space<hbm>>
    %dma_start3A_145 = tpu.memref_squeeze %dma_start3A_144 : memref<1x80xi32, #tpu.memory_space<hbm>> -> memref<80xi32, #tpu.memory_space<hbm>>
    %dma_start3A_146 = arith.constant 0 : i32
    %dma_start3A_147 = tpu.memref_slice %arg4[%add3A_142, %dma_start3A_146] : memref<4000x80xi32, #tpu.memory_space<hbm>> -> memref<1x80xi32, #tpu.memory_space<hbm>>
    %dma_start3A_148 = tpu.memref_squeeze %dma_start3A_147 : memref<1x80xi32, #tpu.memory_space<hbm>> -> memref<80xi32, #tpu.memory_space<hbm>>
    tpu.enqueue_dma source(%dma_start3A_148 : memref<80xi32, #tpu.memory_space<hbm>>) target(%arg19 : memref<80xi32, #tpu.memory_space<vmem>>) target_semaphore(%arg40 : memref<!tpu.dma_semaphore, #tpu.memory_space<semaphore_mem>>)
    %dma_wait3A_149 = arith.constant 0 : i32
    %dma_wait3A_150 = arith.constant 0 : i32
    %dma_wait3A_151 = tpu.memref_slice %arg2[%dma_wait3A_149, %dma_wait3A_150] : memref<10000x128xf32, #tpu.memory_space<hbm>> -> memref<10000x128xf32, #tpu.memory_space<hbm>>
    tpu.wait_indirect_dma semaphore(%arg45 : memref<!tpu.dma_semaphore, #tpu.memory_space<semaphore_mem>>) src(%dma_wait3A_151 : memref<10000x128xf32, #tpu.memory_space<hbm>>) dst(%arg24 : memref<80x128xf32, #tpu.memory_space<vmem>>)
    %add3A_152 = arith.constant 121 : i32
    %add3A_153 = arith.addi %mul3A_2, %add3A_152 : i32
    %dma_wait3A_154 = arith.constant 0 : i32
    %dma_wait3A_155 = tpu.memref_slice %arg4[%add3A_153, %dma_wait3A_154] : memref<4000x80xi32, #tpu.memory_space<hbm>> -> memref<1x80xi32, #tpu.memory_space<hbm>>
    %dma_wait3A_156 = tpu.memref_squeeze %dma_wait3A_155 : memref<1x80xi32, #tpu.memory_space<hbm>> -> memref<80xi32, #tpu.memory_space<hbm>>
    %dma_wait3A_157 = arith.constant 0 : i32
    %dma_wait3A_158 = tpu.memref_slice %arg4[%add3A_153, %dma_wait3A_157] : memref<4000x80xi32, #tpu.memory_space<hbm>> -> memref<1x80xi32, #tpu.memory_space<hbm>>
    %dma_wait3A_159 = tpu.memref_squeeze %dma_wait3A_158 : memref<1x80xi32, #tpu.memory_space<hbm>> -> memref<80xi32, #tpu.memory_space<hbm>>
    tpu.wait_dma2 semaphore(%arg37 : memref<!tpu.dma_semaphore, #tpu.memory_space<semaphore_mem>>) src(%dma_wait3A_159 : memref<80xi32, #tpu.memory_space<hbm>>) dst(%arg16 : memref<80xi32, #tpu.memory_space<vmem>>)
    "tpu.region"() ({
      %run_scoped3A = tpu.sem_alloc : memref<!tpu.dma_semaphore, #tpu.memory_space<semaphore_mem>>
      %dma_start3A_215 = arith.constant 0 : i32
      %dma_start3A_216 = arith.constant 0 : i32
      %dma_start3A_217 = tpu.memref_slice %arg27[%dma_start3A_215, %dma_start3A_216] : memref<10000x128xf32, #tpu.memory_space<vmem_shared>> -> memref<10000x128xf32, #tpu.memory_space<vmem_shared>>
      tpu.enqueue_indirect_dma source(%arg24 : memref<80x128xf32, #tpu.memory_space<vmem>>) target(%dma_start3A_217 : memref<10000x128xf32, #tpu.memory_space<vmem_shared>>) offsets(%arg16 : memref<80xi32, #tpu.memory_space<vmem>>) semaphore(%run_scoped3A : memref<!tpu.dma_semaphore, #tpu.memory_space<semaphore_mem>>) {add = true}
      %dma_wait3A_218 = arith.constant 0 : i32
      %dma_wait3A_219 = arith.constant 0 : i32
      %dma_wait3A_220 = tpu.memref_slice %arg27[%dma_wait3A_218, %dma_wait3A_219] : memref<10000x128xf32, #tpu.memory_space<vmem_shared>> -> memref<10000x128xf32, #tpu.memory_space<vmem_shared>>
      tpu.wait_indirect_dma semaphore(%run_scoped3A : memref<!tpu.dma_semaphore, #tpu.memory_space<semaphore_mem>>) src(%arg24 : memref<80x128xf32, #tpu.memory_space<vmem>>) dst(%dma_wait3A_220 : memref<10000x128xf32, #tpu.memory_space<vmem_shared>>)
      tpu.yield
    }) : () -> ()
    %add3A_160 = arith.constant 124 : i32
    %add3A_161 = arith.addi %mul3A_2, %add3A_160 : i32
    %dma_wait3A_162 = arith.constant 0 : i32
    %dma_wait3A_163 = tpu.memref_slice %arg3[%add3A_161, %dma_wait3A_162] : memref<4000x80xi32, #tpu.memory_space<hbm>> -> memref<1x80xi32, #tpu.memory_space<hbm>>
    %dma_wait3A_164 = tpu.memref_squeeze %dma_wait3A_163 : memref<1x80xi32, #tpu.memory_space<hbm>> -> memref<80xi32, #tpu.memory_space<hbm>>
    %dma_wait3A_165 = arith.constant 0 : i32
    %dma_wait3A_166 = tpu.memref_slice %arg3[%add3A_161, %dma_wait3A_165] : memref<4000x80xi32, #tpu.memory_space<hbm>> -> memref<1x80xi32, #tpu.memory_space<hbm>>
    %dma_wait3A_167 = tpu.memref_squeeze %dma_wait3A_166 : memref<1x80xi32, #tpu.memory_space<hbm>> -> memref<80xi32, #tpu.memory_space<hbm>>
    tpu.wait_dma2 semaphore(%arg32 : memref<!tpu.dma_semaphore, #tpu.memory_space<semaphore_mem>>) src(%dma_wait3A_167 : memref<80xi32, #tpu.memory_space<hbm>>) dst(%arg11 : memref<80xi32, #tpu.memory_space<vmem>>)
    %dma_start3A_168 = arith.constant 0 : i32
    %dma_start3A_169 = arith.constant 0 : i32
    %dma_start3A_170 = tpu.memref_slice %arg2[%dma_start3A_168, %dma_start3A_169] : memref<10000x128xf32, #tpu.memory_space<hbm>> -> memref<10000x128xf32, #tpu.memory_space<hbm>>
    tpu.enqueue_indirect_dma source(%dma_start3A_170 : memref<10000x128xf32, #tpu.memory_space<hbm>>) target(%arg23 : memref<80x128xf32, #tpu.memory_space<vmem>>) offsets(%arg11 : memref<80xi32, #tpu.memory_space<vmem>>) semaphore(%arg44 : memref<!tpu.dma_semaphore, #tpu.memory_space<semaphore_mem>>)
    %dma_wait3A_171 = arith.constant 0 : i32
    %dma_wait3A_172 = arith.constant 0 : i32
    %dma_wait3A_173 = tpu.memref_slice %arg2[%dma_wait3A_171, %dma_wait3A_172] : memref<10000x128xf32, #tpu.memory_space<hbm>> -> memref<10000x128xf32, #tpu.memory_space<hbm>>
    tpu.wait_indirect_dma semaphore(%arg46 : memref<!tpu.dma_semaphore, #tpu.memory_space<semaphore_mem>>) src(%dma_wait3A_173 : memref<10000x128xf32, #tpu.memory_space<hbm>>) dst(%arg25 : memref<80x128xf32, #tpu.memory_space<vmem>>)
    %add3A_174 = arith.constant 122 : i32
    %add3A_175 = arith.addi %mul3A_2, %add3A_174 : i32
    %dma_wait3A_176 = arith.constant 0 : i32
    %dma_wait3A_177 = tpu.memref_slice %arg4[%add3A_175, %dma_wait3A_176] : memref<4000x80xi32, #tpu.memory_space<hbm>> -> memref<1x80xi32, #tpu.memory_space<hbm>>
    %dma_wait3A_178 = tpu.memref_squeeze %dma_wait3A_177 : memref<1x80xi32, #tpu.memory_space<hbm>> -> memref<80xi32, #tpu.memory_space<hbm>>
    %dma_wait3A_179 = arith.constant 0 : i32
    %dma_wait3A_180 = tpu.memref_slice %arg4[%add3A_175, %dma_wait3A_179] : memref<4000x80xi32, #tpu.memory_space<hbm>> -> memref<1x80xi32, #tpu.memory_space<hbm>>
    %dma_wait3A_181 = tpu.memref_squeeze %dma_wait3A_180 : memref<1x80xi32, #tpu.memory_space<hbm>> -> memref<80xi32, #tpu.memory_space<hbm>>
    tpu.wait_dma2 semaphore(%arg38 : memref<!tpu.dma_semaphore, #tpu.memory_space<semaphore_mem>>) src(%dma_wait3A_181 : memref<80xi32, #tpu.memory_space<hbm>>) dst(%arg17 : memref<80xi32, #tpu.memory_space<vmem>>)
    "tpu.region"() ({
      %run_scoped3A = tpu.sem_alloc : memref<!tpu.dma_semaphore, #tpu.memory_space<semaphore_mem>>
      %dma_start3A_215 = arith.constant 0 : i32
      %dma_start3A_216 = arith.constant 0 : i32
      %dma_start3A_217 = tpu.memref_slice %arg27[%dma_start3A_215, %dma_start3A_216] : memref<10000x128xf32, #tpu.memory_space<vmem_shared>> -> memref<10000x128xf32, #tpu.memory_space<vmem_shared>>
      tpu.enqueue_indirect_dma source(%arg25 : memref<80x128xf32, #tpu.memory_space<vmem>>) target(%dma_start3A_217 : memref<10000x128xf32, #tpu.memory_space<vmem_shared>>) offsets(%arg17 : memref<80xi32, #tpu.memory_space<vmem>>) semaphore(%run_scoped3A : memref<!tpu.dma_semaphore, #tpu.memory_space<semaphore_mem>>) {add = true}
      %dma_wait3A_218 = arith.constant 0 : i32
      %dma_wait3A_219 = arith.constant 0 : i32
      %dma_wait3A_220 = tpu.memref_slice %arg27[%dma_wait3A_218, %dma_wait3A_219] : memref<10000x128xf32, #tpu.memory_space<vmem_shared>> -> memref<10000x128xf32, #tpu.memory_space<vmem_shared>>
      tpu.wait_indirect_dma semaphore(%run_scoped3A : memref<!tpu.dma_semaphore, #tpu.memory_space<semaphore_mem>>) src(%arg25 : memref<80x128xf32, #tpu.memory_space<vmem>>) dst(%dma_wait3A_220 : memref<10000x128xf32, #tpu.memory_space<vmem_shared>>)
      tpu.yield
    }) : () -> ()
    %dma_wait3A_182 = arith.constant 0 : i32
    %dma_wait3A_183 = arith.constant 0 : i32
    %dma_wait3A_184 = tpu.memref_slice %arg2[%dma_wait3A_182, %dma_wait3A_183] : memref<10000x128xf32, #tpu.memory_space<hbm>> -> memref<10000x128xf32, #tpu.memory_space<hbm>>
    tpu.wait_indirect_dma semaphore(%arg47 : memref<!tpu.dma_semaphore, #tpu.memory_space<semaphore_mem>>) src(%dma_wait3A_184 : memref<10000x128xf32, #tpu.memory_space<hbm>>) dst(%arg26 : memref<80x128xf32, #tpu.memory_space<vmem>>)
    %add3A_185 = arith.constant 123 : i32
    %add3A_186 = arith.addi %mul3A_2, %add3A_185 : i32
    %dma_wait3A_187 = arith.constant 0 : i32
    %dma_wait3A_188 = tpu.memref_slice %arg4[%add3A_186, %dma_wait3A_187] : memref<4000x80xi32, #tpu.memory_space<hbm>> -> memref<1x80xi32, #tpu.memory_space<hbm>>
    %dma_wait3A_189 = tpu.memref_squeeze %dma_wait3A_188 : memref<1x80xi32, #tpu.memory_space<hbm>> -> memref<80xi32, #tpu.memory_space<hbm>>
    %dma_wait3A_190 = arith.constant 0 : i32
    %dma_wait3A_191 = tpu.memref_slice %arg4[%add3A_186, %dma_wait3A_190] : memref<4000x80xi32, #tpu.memory_space<hbm>> -> memref<1x80xi32, #tpu.memory_space<hbm>>
    %dma_wait3A_192 = tpu.memref_squeeze %dma_wait3A_191 : memref<1x80xi32, #tpu.memory_space<hbm>> -> memref<80xi32, #tpu.memory_space<hbm>>
    tpu.wait_dma2 semaphore(%arg39 : memref<!tpu.dma_semaphore, #tpu.memory_space<semaphore_mem>>) src(%dma_wait3A_192 : memref<80xi32, #tpu.memory_space<hbm>>) dst(%arg18 : memref<80xi32, #tpu.memory_space<vmem>>)
    "tpu.region"() ({
      %run_scoped3A = tpu.sem_alloc : memref<!tpu.dma_semaphore, #tpu.memory_space<semaphore_mem>>
      %dma_start3A_215 = arith.constant 0 : i32
      %dma_start3A_216 = arith.constant 0 : i32
      %dma_start3A_217 = tpu.memref_slice %arg27[%dma_start3A_215, %dma_start3A_216] : memref<10000x128xf32, #tpu.memory_space<vmem_shared>> -> memref<10000x128xf32, #tpu.memory_space<vmem_shared>>
      tpu.enqueue_indirect_dma source(%arg26 : memref<80x128xf32, #tpu.memory_space<vmem>>) target(%dma_start3A_217 : memref<10000x128xf32, #tpu.memory_space<vmem_shared>>) offsets(%arg18 : memref<80xi32, #tpu.memory_space<vmem>>) semaphore(%run_scoped3A : memref<!tpu.dma_semaphore, #tpu.memory_space<semaphore_mem>>) {add = true}
      %dma_wait3A_218 = arith.constant 0 : i32
      %dma_wait3A_219 = arith.constant 0 : i32
      %dma_wait3A_220 = tpu.memref_slice %arg27[%dma_wait3A_218, %dma_wait3A_219] : memref<10000x128xf32, #tpu.memory_space<vmem_shared>> -> memref<10000x128xf32, #tpu.memory_space<vmem_shared>>
      tpu.wait_indirect_dma semaphore(%run_scoped3A : memref<!tpu.dma_semaphore, #tpu.memory_space<semaphore_mem>>) src(%arg26 : memref<80x128xf32, #tpu.memory_space<vmem>>) dst(%dma_wait3A_220 : memref<10000x128xf32, #tpu.memory_space<vmem_shared>>)
      tpu.yield
    }) : () -> ()
    %dma_wait3A_193 = arith.constant 0 : i32
    %dma_wait3A_194 = arith.constant 0 : i32
    %dma_wait3A_195 = tpu.memref_slice %arg2[%dma_wait3A_193, %dma_wait3A_194] : memref<10000x128xf32, #tpu.memory_space<hbm>> -> memref<10000x128xf32, #tpu.memory_space<hbm>>
    tpu.wait_indirect_dma semaphore(%arg44 : memref<!tpu.dma_semaphore, #tpu.memory_space<semaphore_mem>>) src(%dma_wait3A_195 : memref<10000x128xf32, #tpu.memory_space<hbm>>) dst(%arg23 : memref<80x128xf32, #tpu.memory_space<vmem>>)
    %add3A_196 = arith.constant 124 : i32
    %add3A_197 = arith.addi %mul3A_2, %add3A_196 : i32
    %dma_wait3A_198 = arith.constant 0 : i32
    %dma_wait3A_199 = tpu.memref_slice %arg4[%add3A_197, %dma_wait3A_198] : memref<4000x80xi32, #tpu.memory_space<hbm>> -> memref<1x80xi32, #tpu.memory_space<hbm>>
    %dma_wait3A_200 = tpu.memref_squeeze %dma_wait3A_199 : memref<1x80xi32, #tpu.memory_space<hbm>> -> memref<80xi32, #tpu.memory_space<hbm>>
    %dma_wait3A_201 = arith.constant 0 : i32
    %dma_wait3A_202 = tpu.memref_slice %arg4[%add3A_197, %dma_wait3A_201] : memref<4000x80xi32, #tpu.memory_space<hbm>> -> memref<1x80xi32, #tpu.memory_space<hbm>>
    %dma_wait3A_203 = tpu.memref_squeeze %dma_wait3A_202 : memref<1x80xi32, #tpu.memory_space<hbm>> -> memref<80xi32, #tpu.memory_space<hbm>>
    tpu.wait_dma2 semaphore(%arg40 : memref<!tpu.dma_semaphore, #tpu.memory_space<semaphore_mem>>) src(%dma_wait3A_203 : memref<80xi32, #tpu.memory_space<hbm>>) dst(%arg19 : memref<80xi32, #tpu.memory_space<vmem>>)
    "tpu.region"() ({
      %run_scoped3A = tpu.sem_alloc : memref<!tpu.dma_semaphore, #tpu.memory_space<semaphore_mem>>
      %dma_start3A_215 = arith.constant 0 : i32
      %dma_start3A_216 = arith.constant 0 : i32
      %dma_start3A_217 = tpu.memref_slice %arg27[%dma_start3A_215, %dma_start3A_216] : memref<10000x128xf32, #tpu.memory_space<vmem_shared>> -> memref<10000x128xf32, #tpu.memory_space<vmem_shared>>
      tpu.enqueue_indirect_dma source(%arg23 : memref<80x128xf32, #tpu.memory_space<vmem>>) target(%dma_start3A_217 : memref<10000x128xf32, #tpu.memory_space<vmem_shared>>) offsets(%arg19 : memref<80xi32, #tpu.memory_space<vmem>>) semaphore(%run_scoped3A : memref<!tpu.dma_semaphore, #tpu.memory_space<semaphore_mem>>) {add = true}
      %dma_wait3A_218 = arith.constant 0 : i32
      %dma_wait3A_219 = arith.constant 0 : i32
      %dma_wait3A_220 = tpu.memref_slice %arg27[%dma_wait3A_218, %dma_wait3A_219] : memref<10000x128xf32, #tpu.memory_space<vmem_shared>> -> memref<10000x128xf32, #tpu.memory_space<vmem_shared>>
      tpu.wait_indirect_dma semaphore(%run_scoped3A : memref<!tpu.dma_semaphore, #tpu.memory_space<semaphore_mem>>) src(%arg23 : memref<80x128xf32, #tpu.memory_space<vmem>>) dst(%dma_wait3A_220 : memref<10000x128xf32, #tpu.memory_space<vmem_shared>>)
      tpu.yield
    }) : () -> ()
    %barrier3A_204 = arith.constant 0 : index
    tpu.barrier barrier_id(%barrier3A_204)
    %lt3A_205 = arith.constant 15 : i32
    %lt3A_206 = arith.cmpi slt, %arg1, %lt3A_205 : i32
    %convert_element_type3A_207 = arith.extui %lt3A_206 : i1 to i32
    %cond3A_208 = arith.constant 0 : i32
    %cond3A_209 = arith.cmpi ne, %convert_element_type3A_207, %cond3A_208 : i32
    scf.if %cond3A_209 {
      %mul3A_215 = arith.constant 10000 : i32
      %mul3A_216 = arith.muli %arg0, %mul3A_215 : i32
      %add3A_217 = arith.addi %mul3A_216, %mul3A_99 : i32
      "tpu.region"() ({
        %run_scoped3A = tpu.sem_alloc : memref<!tpu.dma_semaphore, #tpu.memory_space<semaphore_mem>>
        %dma_start3A_218 = arith.constant 0 : i32
        %dma_start3A_219 = tpu.memref_slice %arg6[%add3A_217, %dma_start3A_218] : memref<20000x128xf32, #tpu.memory_space<hbm>> -> memref<640x128xf32, #tpu.memory_space<hbm>>
        %dma_start3A_220 = arith.constant 0 : i32
        %dma_start3A_221 = tpu.memref_slice %arg27[%mul3A_99, %dma_start3A_220] : memref<10000x128xf32, #tpu.memory_space<vmem_shared>> -> memref<640x128xf32, #tpu.memory_space<vmem_shared>>
        tpu.enqueue_dma source(%dma_start3A_221 : memref<640x128xf32, #tpu.memory_space<vmem_shared>>) target(%dma_start3A_219 : memref<640x128xf32, #tpu.memory_space<hbm>>) target_semaphore(%run_scoped3A : memref<!tpu.dma_semaphore, #tpu.memory_space<semaphore_mem>>)
        %dma_wait3A_222 = arith.constant 0 : i32
        %dma_wait3A_223 = tpu.memref_slice %arg6[%add3A_217, %dma_wait3A_222] : memref<20000x128xf32, #tpu.memory_space<hbm>> -> memref<640x128xf32, #tpu.memory_space<hbm>>
        %dma_wait3A_224 = arith.constant 0 : i32
        %dma_wait3A_225 = tpu.memref_slice %arg27[%mul3A_99, %dma_wait3A_224] : memref<10000x128xf32, #tpu.memory_space<vmem_shared>> -> memref<640x128xf32, #tpu.memory_space<vmem_shared>>
        tpu.wait_dma2 semaphore(%run_scoped3A : memref<!tpu.dma_semaphore, #tpu.memory_space<semaphore_mem>>) src(%dma_wait3A_225 : memref<640x128xf32, #tpu.memory_space<vmem_shared>>) dst(%dma_wait3A_223 : memref<640x128xf32, #tpu.memory_space<hbm>>)
        tpu.yield
      }) : () -> ()
    } else {
    }
    %eq3A_210 = arith.constant 15 : i32
    %eq3A_211 = arith.cmpi eq, %arg1, %eq3A_210 : i32
    %convert_element_type3A_212 = arith.extui %eq3A_211 : i1 to i32
    %cond3A_213 = arith.constant 0 : i32
    %cond3A_214 = arith.cmpi ne, %convert_element_type3A_212, %cond3A_213 : i32
    scf.if %cond3A_214 {
      %mul3A_215 = arith.constant 10000 : i32
      %mul3A_216 = arith.muli %arg0, %mul3A_215 : i32
      %add3A_217 = arith.constant 9600 : i32
      %add3A_218 = arith.addi %mul3A_216, %add3A_217 : i32
      "tpu.region"() ({
        %run_scoped3A = tpu.sem_alloc : memref<!tpu.dma_semaphore, #tpu.memory_space<semaphore_mem>>
        %dma_start3A_219 = arith.constant 0 : i32
        %dma_start3A_220 = tpu.memref_slice %arg6[%add3A_218, %dma_start3A_219] : memref<20000x128xf32, #tpu.memory_space<hbm>> -> memref<400x128xf32, #tpu.memory_space<hbm>>
        %dma_start3A_221 = arith.constant 9600 : i32
        %dma_start3A_222 = arith.constant 0 : i32
        %dma_start3A_223 = tpu.memref_slice %arg27[%dma_start3A_221, %dma_start3A_222] : memref<10000x128xf32, #tpu.memory_space<vmem_shared>> -> memref<400x128xf32, #tpu.memory_space<vmem_shared>>
        tpu.enqueue_dma source(%dma_start3A_223 : memref<400x128xf32, #tpu.memory_space<vmem_shared>>) target(%dma_start3A_220 : memref<400x128xf32, #tpu.memory_space<hbm>>) target_semaphore(%run_scoped3A : memref<!tpu.dma_semaphore, #tpu.memory_space<semaphore_mem>>)
        %dma_wait3A_224 = arith.constant 0 : i32
        %dma_wait3A_225 = tpu.memref_slice %arg6[%add3A_218, %dma_wait3A_224] : memref<20000x128xf32, #tpu.memory_space<hbm>> -> memref<400x128xf32, #tpu.memory_space<hbm>>
        %dma_wait3A_226 = arith.constant 9600 : i32
        %dma_wait3A_227 = arith.constant 0 : i32
        %dma_wait3A_228 = tpu.memref_slice %arg27[%dma_wait3A_226, %dma_wait3A_227] : memref<10000x128xf32, #tpu.memory_space<vmem_shared>> -> memref<400x128xf32, #tpu.memory_space<vmem_shared>>
        tpu.wait_dma2 semaphore(%run_scoped3A : memref<!tpu.dma_semaphore, #tpu.memory_space<semaphore_mem>>) src(%dma_wait3A_228 : memref<400x128xf32, #tpu.memory_space<vmem_shared>>) dst(%dma_wait3A_225 : memref<400x128xf32, #tpu.memory_space<hbm>>)
        tpu.yield
      }) : () -> ()
    } else {
    }
    return
  }
}

#map = affine_map<(d0, d1) -> (0, 0)>
module attributes {stable_mosaic.version = 14 : i64} {
  func.func @_sc_body(%arg0: i32, %arg1: i32, %arg2: memref<10000x128xf32, #tpu.memory_space<hbm>>, %arg3: memref<4000x80xi32, #tpu.memory_space<hbm>>, %arg4: memref<4000x80xi32, #tpu.memory_space<hbm>>, %arg5: memref<640x128xf32, #tpu.memory_space<hbm>>, %arg6: memref<20000x128xf32, #tpu.memory_space<hbm>>, %arg7: memref<80xi32, #tpu.memory_space<vmem>>, %arg8: memref<80xi32, #tpu.memory_space<vmem>>, %arg9: memref<80xi32, #tpu.memory_space<vmem>>, %arg10: memref<80xi32, #tpu.memory_space<vmem>>, %arg11: memref<80xi32, #tpu.memory_space<vmem>>, %arg12: memref<80xi32, #tpu.memory_space<vmem>>, %arg13: memref<80xi32, #tpu.memory_space<vmem>>, %arg14: memref<80xi32, #tpu.memory_space<vmem>>, %arg15: memref<80xi32, #tpu.memory_space<vmem>>, %arg16: memref<80xi32, #tpu.memory_space<vmem>>, %arg17: memref<80xi32, #tpu.memory_space<vmem>>, %arg18: memref<80xi32, #tpu.memory_space<vmem>>, %arg19: memref<80xi32, #tpu.memory_space<vmem>>, %arg20: memref<80xi32, #tpu.memory_space<vmem>>, %arg21: memref<80xi32, #tpu.memory_space<vmem>>, %arg22: memref<80xi32, #tpu.memory_space<vmem>>, %arg23: memref<80x128xf32, #tpu.memory_space<vmem>>, %arg24: memref<80x128xf32, #tpu.memory_space<vmem>>, %arg25: memref<80x128xf32, #tpu.memory_space<vmem>>, %arg26: memref<80x128xf32, #tpu.memory_space<vmem>>, %arg27: memref<10000x128xf32, #tpu.memory_space<vmem_shared>>, %arg28: memref<!tpu.dma_semaphore, #tpu.memory_space<semaphore_mem>>, %arg29: memref<!tpu.dma_semaphore, #tpu.memory_space<semaphore_mem>>, %arg30: memref<!tpu.dma_semaphore, #tpu.memory_space<semaphore_mem>>, %arg31: memref<!tpu.dma_semaphore, #tpu.memory_space<semaphore_mem>>, %arg32: memref<!tpu.dma_semaphore, #tpu.memory_space<semaphore_mem>>, %arg33: memref<!tpu.dma_semaphore, #tpu.memory_space<semaphore_mem>>, %arg34: memref<!tpu.dma_semaphore, #tpu.memory_space<semaphore_mem>>, %arg35: memref<!tpu.dma_semaphore, #tpu.memory_space<semaphore_mem>>, %arg36: memref<!tpu.dma_semaphore, #tpu.memory_space<semaphore_mem>>, %arg37: memref<!tpu.dma_semaphore, #tpu.memory_space<semaphore_mem>>, %arg38: memref<!tpu.dma_semaphore, #tpu.memory_space<semaphore_mem>>, %arg39: memref<!tpu.dma_semaphore, #tpu.memory_space<semaphore_mem>>, %arg40: memref<!tpu.dma_semaphore, #tpu.memory_space<semaphore_mem>>, %arg41: memref<!tpu.dma_semaphore, #tpu.memory_space<semaphore_mem>>, %arg42: memref<!tpu.dma_semaphore, #tpu.memory_space<semaphore_mem>>, %arg43: memref<!tpu.dma_semaphore, #tpu.memory_space<semaphore_mem>>, %arg44: memref<!tpu.dma_semaphore, #tpu.memory_space<semaphore_mem>>, %arg45: memref<!tpu.dma_semaphore, #tpu.memory_space<semaphore_mem>>, %arg46: memref<!tpu.dma_semaphore, #tpu.memory_space<semaphore_mem>>, %arg47: memref<!tpu.dma_semaphore, #tpu.memory_space<semaphore_mem>>) attributes {dimension_semantics = [#tpu.dimension_semantics<core_parallel>, #tpu.dimension_semantics<subcore_parallel>], iteration_bounds = array<i64: 2, 16>, scalar_prefetch = 0 : i64, scratch_operands = 41 : i64, tpu.core_type = #tpu.core_type<sc_vector_subcore>, window_params = [{transform_indices = #map}, {transform_indices = #map}, {transform_indices = #map}, {transform_indices = #map}, {transform_indices = #map}]} {
    %mul3A = arith.constant 2 : i32
    %mul3A_0 = arith.muli %arg1, %mul3A : i32
    %add3A = arith.addi %mul3A_0, %arg0 : i32
    %mul3A_1 = arith.constant 125 : i32
    %mul3A_2 = arith.muli %add3A, %mul3A_1 : i32
    %add3A_3 = arith.constant 0 : i32
    %add3A_4 = arith.addi %mul3A_2, %add3A_3 : i32
    %dma_start3A = arith.constant 0 : i32
    %dma_start3A_5 = tpu.memref_slice %arg3[%add3A_4, %dma_start3A] : memref<4000x80xi32, #tpu.memory_space<hbm>> -> memref<1x80xi32, #tpu.memory_space<hbm>>
    %dma_start3A_6 = tpu.memref_squeeze %dma_start3A_5 : memref<1x80xi32, #tpu.memory_space<hbm>> -> memref<80xi32, #tpu.memory_space<hbm>>
    %dma_start3A_7 = arith.constant 0 : i32
    %dma_start3A_8 = tpu.memref_slice %arg3[%add3A_4, %dma_start3A_7] : memref<4000x80xi32, #tpu.memory_space<hbm>> -> memref<1x80xi32, #tpu.memory_space<hbm>>
    %dma_start3A_9 = tpu.memref_squeeze %dma_start3A_8 : memref<1x80xi32, #tpu.memory_space<hbm>> -> memref<80xi32, #tpu.memory_space<hbm>>
    tpu.enqueue_dma source(%dma_start3A_9 : memref<80xi32, #tpu.memory_space<hbm>>) target(%arg7 : memref<80xi32, #tpu.memory_space<vmem>>) target_semaphore(%arg28 : memref<!tpu.dma_semaphore, #tpu.memory_space<semaphore_mem>>)
    %add3A_10 = arith.constant 0 : i32
    %add3A_11 = arith.addi %mul3A_2, %add3A_10 : i32
    %dma_start3A_12 = arith.constant 0 : i32
    %dma_start3A_13 = tpu.memref_slice %arg4[%add3A_11, %dma_start3A_12] : memref<4000x80xi32, #tpu.memory_space<hbm>> -> memref<1x80xi32, #tpu.memory_space<hbm>>
    %dma_start3A_14 = tpu.memref_squeeze %dma_start3A_13 : memref<1x80xi32, #tpu.memory_space<hbm>> -> memref<80xi32, #tpu.memory_space<hbm>>
    %dma_start3A_15 = arith.constant 0 : i32
    %dma_start3A_16 = tpu.memref_slice %arg4[%add3A_11, %dma_start3A_15] : memref<4000x80xi32, #tpu.memory_space<hbm>> -> memref<1x80xi32, #tpu.memory_space<hbm>>
    %dma_start3A_17 = tpu.memref_squeeze %dma_start3A_16 : memref<1x80xi32, #tpu.memory_space<hbm>> -> memref<80xi32, #tpu.memory_space<hbm>>
    tpu.enqueue_dma source(%dma_start3A_17 : memref<80xi32, #tpu.memory_space<hbm>>) target(%arg15 : memref<80xi32, #tpu.memory_space<vmem>>) target_semaphore(%arg36 : memref<!tpu.dma_semaphore, #tpu.memory_space<semaphore_mem>>)
    %add3A_18 = arith.constant 1 : i32
    %add3A_19 = arith.addi %mul3A_2, %add3A_18 : i32
    %dma_start3A_20 = arith.constant 0 : i32
    %dma_start3A_21 = tpu.memref_slice %arg3[%add3A_19, %dma_start3A_20] : memref<4000x80xi32, #tpu.memory_space<hbm>> -> memref<1x80xi32, #tpu.memory_space<hbm>>
    %dma_start3A_22 = tpu.memref_squeeze %dma_start3A_21 : memref<1x80xi32, #tpu.memory_space<hbm>> -> memref<80xi32, #tpu.memory_space<hbm>>
    %dma_start3A_23 = arith.constant 0 : i32
    %dma_start3A_24 = tpu.memref_slice %arg3[%add3A_19, %dma_start3A_23] : memref<4000x80xi32, #tpu.memory_space<hbm>> -> memref<1x80xi32, #tpu.memory_space<hbm>>
    %dma_start3A_25 = tpu.memref_squeeze %dma_start3A_24 : memref<1x80xi32, #tpu.memory_space<hbm>> -> memref<80xi32, #tpu.memory_space<hbm>>
    tpu.enqueue_dma source(%dma_start3A_25 : memref<80xi32, #tpu.memory_space<hbm>>) target(%arg8 : memref<80xi32, #tpu.memory_space<vmem>>) target_semaphore(%arg29 : memref<!tpu.dma_semaphore, #tpu.memory_space<semaphore_mem>>)
    %add3A_26 = arith.constant 1 : i32
    %add3A_27 = arith.addi %mul3A_2, %add3A_26 : i32
    %dma_start3A_28 = arith.constant 0 : i32
    %dma_start3A_29 = tpu.memref_slice %arg4[%add3A_27, %dma_start3A_28] : memref<4000x80xi32, #tpu.memory_space<hbm>> -> memref<1x80xi32, #tpu.memory_space<hbm>>
    %dma_start3A_30 = tpu.memref_squeeze %dma_start3A_29 : memref<1x80xi32, #tpu.memory_space<hbm>> -> memref<80xi32, #tpu.memory_space<hbm>>
    %dma_start3A_31 = arith.constant 0 : i32
    %dma_start3A_32 = tpu.memref_slice %arg4[%add3A_27, %dma_start3A_31] : memref<4000x80xi32, #tpu.memory_space<hbm>> -> memref<1x80xi32, #tpu.memory_space<hbm>>
    %dma_start3A_33 = tpu.memref_squeeze %dma_start3A_32 : memref<1x80xi32, #tpu.memory_space<hbm>> -> memref<80xi32, #tpu.memory_space<hbm>>
    tpu.enqueue_dma source(%dma_start3A_33 : memref<80xi32, #tpu.memory_space<hbm>>) target(%arg16 : memref<80xi32, #tpu.memory_space<vmem>>) target_semaphore(%arg37 : memref<!tpu.dma_semaphore, #tpu.memory_space<semaphore_mem>>)
    %add3A_34 = arith.constant 2 : i32
    %add3A_35 = arith.addi %mul3A_2, %add3A_34 : i32
    %dma_start3A_36 = arith.constant 0 : i32
    %dma_start3A_37 = tpu.memref_slice %arg3[%add3A_35, %dma_start3A_36] : memref<4000x80xi32, #tpu.memory_space<hbm>> -> memref<1x80xi32, #tpu.memory_space<hbm>>
    %dma_start3A_38 = tpu.memref_squeeze %dma_start3A_37 : memref<1x80xi32, #tpu.memory_space<hbm>> -> memref<80xi32, #tpu.memory_space<hbm>>
    %dma_start3A_39 = arith.constant 0 : i32
    %dma_start3A_40 = tpu.memref_slice %arg3[%add3A_35, %dma_start3A_39] : memref<4000x80xi32, #tpu.memory_space<hbm>> -> memref<1x80xi32, #tpu.memory_space<hbm>>
    %dma_start3A_41 = tpu.memref_squeeze %dma_start3A_40 : memref<1x80xi32, #tpu.memory_space<hbm>> -> memref<80xi32, #tpu.memory_space<hbm>>
    tpu.enqueue_dma source(%dma_start3A_41 : memref<80xi32, #tpu.memory_space<hbm>>) target(%arg9 : memref<80xi32, #tpu.memory_space<vmem>>) target_semaphore(%arg30 : memref<!tpu.dma_semaphore, #tpu.memory_space<semaphore_mem>>)
    %add3A_42 = arith.constant 2 : i32
    %add3A_43 = arith.addi %mul3A_2, %add3A_42 : i32
    %dma_start3A_44 = arith.constant 0 : i32
    %dma_start3A_45 = tpu.memref_slice %arg4[%add3A_43, %dma_start3A_44] : memref<4000x80xi32, #tpu.memory_space<hbm>> -> memref<1x80xi32, #tpu.memory_space<hbm>>
    %dma_start3A_46 = tpu.memref_squeeze %dma_start3A_45 : memref<1x80xi32, #tpu.memory_space<hbm>> -> memref<80xi32, #tpu.memory_space<hbm>>
    %dma_start3A_47 = arith.constant 0 : i32
    %dma_start3A_48 = tpu.memref_slice %arg4[%add3A_43, %dma_start3A_47] : memref<4000x80xi32, #tpu.memory_space<hbm>> -> memref<1x80xi32, #tpu.memory_space<hbm>>
    %dma_start3A_49 = tpu.memref_squeeze %dma_start3A_48 : memref<1x80xi32, #tpu.memory_space<hbm>> -> memref<80xi32, #tpu.memory_space<hbm>>
    tpu.enqueue_dma source(%dma_start3A_49 : memref<80xi32, #tpu.memory_space<hbm>>) target(%arg17 : memref<80xi32, #tpu.memory_space<vmem>>) target_semaphore(%arg38 : memref<!tpu.dma_semaphore, #tpu.memory_space<semaphore_mem>>)
    %add3A_50 = arith.constant 3 : i32
    %add3A_51 = arith.addi %mul3A_2, %add3A_50 : i32
    %dma_start3A_52 = arith.constant 0 : i32
    %dma_start3A_53 = tpu.memref_slice %arg3[%add3A_51, %dma_start3A_52] : memref<4000x80xi32, #tpu.memory_space<hbm>> -> memref<1x80xi32, #tpu.memory_space<hbm>>
    %dma_start3A_54 = tpu.memref_squeeze %dma_start3A_53 : memref<1x80xi32, #tpu.memory_space<hbm>> -> memref<80xi32, #tpu.memory_space<hbm>>
    %dma_start3A_55 = arith.constant 0 : i32
    %dma_start3A_56 = tpu.memref_slice %arg3[%add3A_51, %dma_start3A_55] : memref<4000x80xi32, #tpu.memory_space<hbm>> -> memref<1x80xi32, #tpu.memory_space<hbm>>
    %dma_start3A_57 = tpu.memref_squeeze %dma_start3A_56 : memref<1x80xi32, #tpu.memory_space<hbm>> -> memref<80xi32, #tpu.memory_space<hbm>>
    tpu.enqueue_dma source(%dma_start3A_57 : memref<80xi32, #tpu.memory_space<hbm>>) target(%arg10 : memref<80xi32, #tpu.memory_space<vmem>>) target_semaphore(%arg31 : memref<!tpu.dma_semaphore, #tpu.memory_space<semaphore_mem>>)
    %add3A_58 = arith.constant 3 : i32
    %add3A_59 = arith.addi %mul3A_2, %add3A_58 : i32
    %dma_start3A_60 = arith.constant 0 : i32
    %dma_start3A_61 = tpu.memref_slice %arg4[%add3A_59, %dma_start3A_60] : memref<4000x80xi32, #tpu.memory_space<hbm>> -> memref<1x80xi32, #tpu.memory_space<hbm>>
    %dma_start3A_62 = tpu.memref_squeeze %dma_start3A_61 : memref<1x80xi32, #tpu.memory_space<hbm>> -> memref<80xi32, #tpu.memory_space<hbm>>
    %dma_start3A_63 = arith.constant 0 : i32
    %dma_start3A_64 = tpu.memref_slice %arg4[%add3A_59, %dma_start3A_63] : memref<4000x80xi32, #tpu.memory_space<hbm>> -> memref<1x80xi32, #tpu.memory_space<hbm>>
    %dma_start3A_65 = tpu.memref_squeeze %dma_start3A_64 : memref<1x80xi32, #tpu.memory_space<hbm>> -> memref<80xi32, #tpu.memory_space<hbm>>
    tpu.enqueue_dma source(%dma_start3A_65 : memref<80xi32, #tpu.memory_space<hbm>>) target(%arg18 : memref<80xi32, #tpu.memory_space<vmem>>) target_semaphore(%arg39 : memref<!tpu.dma_semaphore, #tpu.memory_space<semaphore_mem>>)
    %add3A_66 = arith.constant 0 : i32
    %add3A_67 = arith.addi %mul3A_2, %add3A_66 : i32
    %dma_wait3A = arith.constant 0 : i32
    %dma_wait3A_68 = tpu.memref_slice %arg3[%add3A_67, %dma_wait3A] : memref<4000x80xi32, #tpu.memory_space<hbm>> -> memref<1x80xi32, #tpu.memory_space<hbm>>
    %dma_wait3A_69 = tpu.memref_squeeze %dma_wait3A_68 : memref<1x80xi32, #tpu.memory_space<hbm>> -> memref<80xi32, #tpu.memory_space<hbm>>
    %dma_wait3A_70 = arith.constant 0 : i32
    %dma_wait3A_71 = tpu.memref_slice %arg3[%add3A_67, %dma_wait3A_70] : memref<4000x80xi32, #tpu.memory_space<hbm>> -> memref<1x80xi32, #tpu.memory_space<hbm>>
    %dma_wait3A_72 = tpu.memref_squeeze %dma_wait3A_71 : memref<1x80xi32, #tpu.memory_space<hbm>> -> memref<80xi32, #tpu.memory_space<hbm>>
    tpu.wait_dma2 semaphore(%arg28 : memref<!tpu.dma_semaphore, #tpu.memory_space<semaphore_mem>>) src(%dma_wait3A_72 : memref<80xi32, #tpu.memory_space<hbm>>) dst(%arg7 : memref<80xi32, #tpu.memory_space<vmem>>)
    %dma_start3A_73 = arith.constant 0 : i32
    %dma_start3A_74 = arith.constant 0 : i32
    %dma_start3A_75 = tpu.memref_slice %arg2[%dma_start3A_73, %dma_start3A_74] : memref<10000x128xf32, #tpu.memory_space<hbm>> -> memref<10000x128xf32, #tpu.memory_space<hbm>>
    tpu.enqueue_indirect_dma source(%dma_start3A_75 : memref<10000x128xf32, #tpu.memory_space<hbm>>) target(%arg23 : memref<80x128xf32, #tpu.memory_space<vmem>>) offsets(%arg7 : memref<80xi32, #tpu.memory_space<vmem>>) semaphore(%arg44 : memref<!tpu.dma_semaphore, #tpu.memory_space<semaphore_mem>>)
    %add3A_76 = arith.constant 1 : i32
    %add3A_77 = arith.addi %mul3A_2, %add3A_76 : i32
    %dma_wait3A_78 = arith.constant 0 : i32
    %dma_wait3A_79 = tpu.memref_slice %arg3[%add3A_77, %dma_wait3A_78] : memref<4000x80xi32, #tpu.memory_space<hbm>> -> memref<1x80xi32, #tpu.memory_space<hbm>>
    %dma_wait3A_80 = tpu.memref_squeeze %dma_wait3A_79 : memref<1x80xi32, #tpu.memory_space<hbm>> -> memref<80xi32, #tpu.memory_space<hbm>>
    %dma_wait3A_81 = arith.constant 0 : i32
    %dma_wait3A_82 = tpu.memref_slice %arg3[%add3A_77, %dma_wait3A_81] : memref<4000x80xi32, #tpu.memory_space<hbm>> -> memref<1x80xi32, #tpu.memory_space<hbm>>
    %dma_wait3A_83 = tpu.memref_squeeze %dma_wait3A_82 : memref<1x80xi32, #tpu.memory_space<hbm>> -> memref<80xi32, #tpu.memory_space<hbm>>
    tpu.wait_dma2 semaphore(%arg29 : memref<!tpu.dma_semaphore, #tpu.memory_space<semaphore_mem>>) src(%dma_wait3A_83 : memref<80xi32, #tpu.memory_space<hbm>>) dst(%arg8 : memref<80xi32, #tpu.memory_space<vmem>>)
    %dma_start3A_84 = arith.constant 0 : i32
    %dma_start3A_85 = arith.constant 0 : i32
    %dma_start3A_86 = tpu.memref_slice %arg2[%dma_start3A_84, %dma_start3A_85] : memref<10000x128xf32, #tpu.memory_space<hbm>> -> memref<10000x128xf32, #tpu.memory_space<hbm>>
    tpu.enqueue_indirect_dma source(%dma_start3A_86 : memref<10000x128xf32, #tpu.memory_space<hbm>>) target(%arg24 : memref<80x128xf32, #tpu.memory_space<vmem>>) offsets(%arg8 : memref<80xi32, #tpu.memory_space<vmem>>) semaphore(%arg45 : memref<!tpu.dma_semaphore, #tpu.memory_space<semaphore_mem>>)
    %add3A_87 = arith.constant 2 : i32
    %add3A_88 = arith.addi %mul3A_2, %add3A_87 : i32
    %dma_wait3A_89 = arith.constant 0 : i32
    %dma_wait3A_90 = tpu.memref_slice %arg3[%add3A_88, %dma_wait3A_89] : memref<4000x80xi32, #tpu.memory_space<hbm>> -> memref<1x80xi32, #tpu.memory_space<hbm>>
    %dma_wait3A_91 = tpu.memref_squeeze %dma_wait3A_90 : memref<1x80xi32, #tpu.memory_space<hbm>> -> memref<80xi32, #tpu.memory_space<hbm>>
    %dma_wait3A_92 = arith.constant 0 : i32
    %dma_wait3A_93 = tpu.memref_slice %arg3[%add3A_88, %dma_wait3A_92] : memref<4000x80xi32, #tpu.memory_space<hbm>> -> memref<1x80xi32, #tpu.memory_space<hbm>>
    %dma_wait3A_94 = tpu.memref_squeeze %dma_wait3A_93 : memref<1x80xi32, #tpu.memory_space<hbm>> -> memref<80xi32, #tpu.memory_space<hbm>>
    tpu.wait_dma2 semaphore(%arg30 : memref<!tpu.dma_semaphore, #tpu.memory_space<semaphore_mem>>) src(%dma_wait3A_94 : memref<80xi32, #tpu.memory_space<hbm>>) dst(%arg9 : memref<80xi32, #tpu.memory_space<vmem>>)
    %dma_start3A_95 = arith.constant 0 : i32
    %dma_start3A_96 = arith.constant 0 : i32
    %dma_start3A_97 = tpu.memref_slice %arg2[%dma_start3A_95, %dma_start3A_96] : memref<10000x128xf32, #tpu.memory_space<hbm>> -> memref<10000x128xf32, #tpu.memory_space<hbm>>
    tpu.enqueue_indirect_dma source(%dma_start3A_97 : memref<10000x128xf32, #tpu.memory_space<hbm>>) target(%arg25 : memref<80x128xf32, #tpu.memory_space<vmem>>) offsets(%arg9 : memref<80xi32, #tpu.memory_space<vmem>>) semaphore(%arg46 : memref<!tpu.dma_semaphore, #tpu.memory_space<semaphore_mem>>)
    %mul3A_98 = arith.constant 640 : i32
    %mul3A_99 = arith.muli %arg1, %mul3A_98 : i32
    %lt3A = arith.constant 15 : i32
    %lt3A_100 = arith.cmpi slt, %arg1, %lt3A : i32
    %convert_element_type3A = arith.extui %lt3A_100 : i1 to i32
    %cond3A = arith.constant 0 : i32
    %cond3A_101 = arith.cmpi ne, %convert_element_type3A, %cond3A : i32
    scf.if %cond3A_101 {
      "tpu.region"() ({
        %run_scoped3A = tpu.sem_alloc : memref<!tpu.dma_semaphore, #tpu.memory_space<semaphore_mem>>
        %dma_start3A_215 = arith.constant 0 : i32
        %dma_start3A_216 = tpu.memref_slice %arg27[%mul3A_99, %dma_start3A_215] : memref<10000x128xf32, #tpu.memory_space<vmem_shared>> -> memref<640x128xf32, #tpu.memory_space<vmem_shared>>
        tpu.enqueue_dma source(%arg5 : memref<640x128xf32, #tpu.memory_space<hbm>>) target(%dma_start3A_216 : memref<640x128xf32, #tpu.memory_space<vmem_shared>>) target_semaphore(%run_scoped3A : memref<!tpu.dma_semaphore, #tpu.memory_space<semaphore_mem>>)
        %dma_wait3A_217 = arith.constant 0 : i32
        %dma_wait3A_218 = tpu.memref_slice %arg27[%mul3A_99, %dma_wait3A_217] : memref<10000x128xf32, #tpu.memory_space<vmem_shared>> -> memref<640x128xf32, #tpu.memory_space<vmem_shared>>
        tpu.wait_dma2 semaphore(%run_scoped3A : memref<!tpu.dma_semaphore, #tpu.memory_space<semaphore_mem>>) src(%arg5 : memref<640x128xf32, #tpu.memory_space<hbm>>) dst(%dma_wait3A_218 : memref<640x128xf32, #tpu.memory_space<vmem_shared>>)
        tpu.yield
      }) : () -> ()
    } else {
    }
    %eq3A = arith.constant 15 : i32
    %eq3A_102 = arith.cmpi eq, %arg1, %eq3A : i32
    %convert_element_type3A_103 = arith.extui %eq3A_102 : i1 to i32
    %cond3A_104 = arith.constant 0 : i32
    %cond3A_105 = arith.cmpi ne, %convert_element_type3A_103, %cond3A_104 : i32
    scf.if %cond3A_105 {
      "tpu.region"() ({
        %run_scoped3A = tpu.sem_alloc : memref<!tpu.dma_semaphore, #tpu.memory_space<semaphore_mem>>
        %dma_start3A_215 = arith.constant 9600 : i32
        %dma_start3A_216 = arith.constant 0 : i32
        %dma_start3A_217 = tpu.memref_slice %arg27[%dma_start3A_215, %dma_start3A_216] : memref<10000x128xf32, #tpu.memory_space<vmem_shared>> -> memref<400x128xf32, #tpu.memory_space<vmem_shared>>
        %dma_start3A_218 = arith.constant 0 : i32
        %dma_start3A_219 = arith.constant 0 : i32
        %dma_start3A_220 = tpu.memref_slice %arg5[%dma_start3A_218, %dma_start3A_219] : memref<640x128xf32, #tpu.memory_space<hbm>> -> memref<400x128xf32, #tpu.memory_space<hbm>>
        tpu.enqueue_dma source(%dma_start3A_220 : memref<400x128xf32, #tpu.memory_space<hbm>>) target(%dma_start3A_217 : memref<400x128xf32, #tpu.memory_space<vmem_shared>>) target_semaphore(%run_scoped3A : memref<!tpu.dma_semaphore, #tpu.memory_space<semaphore_mem>>)
        %dma_wait3A_221 = arith.constant 9600 : i32
        %dma_wait3A_222 = arith.constant 0 : i32
        %dma_wait3A_223 = tpu.memref_slice %arg27[%dma_wait3A_221, %dma_wait3A_222] : memref<10000x128xf32, #tpu.memory_space<vmem_shared>> -> memref<400x128xf32, #tpu.memory_space<vmem_shared>>
        %dma_wait3A_224 = arith.constant 0 : i32
        %dma_wait3A_225 = arith.constant 0 : i32
        %dma_wait3A_226 = tpu.memref_slice %arg5[%dma_wait3A_224, %dma_wait3A_225] : memref<640x128xf32, #tpu.memory_space<hbm>> -> memref<400x128xf32, #tpu.memory_space<hbm>>
        tpu.wait_dma2 semaphore(%run_scoped3A : memref<!tpu.dma_semaphore, #tpu.memory_space<semaphore_mem>>) src(%dma_wait3A_226 : memref<400x128xf32, #tpu.memory_space<hbm>>) dst(%dma_wait3A_223 : memref<400x128xf32, #tpu.memory_space<vmem_shared>>)
        tpu.yield
      }) : () -> ()
    } else {
    }
    %barrier3A = arith.constant 0 : index
    tpu.barrier barrier_id(%barrier3A)
    %scan3A = arith.constant 0 : i32
    %scan3A_106 = arith.constant 0 : i32
    %scan3A_107 = arith.constant 15 : i32
    %scan3A_108 = arith.addi %scan3A_106, %scan3A_107 : i32
    %scan3A_109 = arith.constant 1 : i32
    scf.for %scan3A_215 = %scan3A_106 to %scan3A_108 step %scan3A_109  : i32 {
      %mul3A_216 = arith.constant 8 : i32
      %mul3A_217 = arith.muli %scan3A_215, %mul3A_216 : i32
      %add3A_218 = arith.constant 0 : i32
      %add3A_219 = arith.addi %mul3A_217, %add3A_218 : i32
      %dma_wait3A_220 = arith.constant 0 : i32
      %dma_wait3A_221 = arith.constant 0 : i32
      %dma_wait3A_222 = tpu.memref_slice %arg2[%dma_wait3A_220, %dma_wait3A_221] : memref<10000x128xf32, #tpu.memory_space<hbm>> -> memref<10000x128xf32, #tpu.memory_space<hbm>>
      tpu.wait_indirect_dma semaphore(%arg44 : memref<!tpu.dma_semaphore, #tpu.memory_space<semaphore_mem>>) src(%dma_wait3A_222 : memref<10000x128xf32, #tpu.memory_space<hbm>>) dst(%arg23 : memref<80x128xf32, #tpu.memory_space<vmem>>)
      %add3A_223 = arith.addi %mul3A_2, %add3A_219 : i32
      %dma_wait3A_224 = arith.constant 0 : i32
      %dma_wait3A_225 = tpu.memref_slice %arg4[%add3A_223, %dma_wait3A_224] : memref<4000x80xi32, #tpu.memory_space<hbm>> -> memref<1x80xi32, #tpu.memory_space<hbm>>
      %dma_wait3A_226 = tpu.memref_squeeze %dma_wait3A_225 : memref<1x80xi32, #tpu.memory_space<hbm>> -> memref<80xi32, #tpu.memory_space<hbm>>
      %dma_wait3A_227 = arith.constant 0 : i32
      %dma_wait3A_228 = tpu.memref_slice %arg4[%add3A_223, %dma_wait3A_227] : memref<4000x80xi32, #tpu.memory_space<hbm>> -> memref<1x80xi32, #tpu.memory_space<hbm>>
      %dma_wait3A_229 = tpu.memref_squeeze %dma_wait3A_228 : memref<1x80xi32, #tpu.memory_space<hbm>> -> memref<80xi32, #tpu.memory_space<hbm>>
      tpu.wait_dma2 semaphore(%arg36 : memref<!tpu.dma_semaphore, #tpu.memory_space<semaphore_mem>>) src(%dma_wait3A_229 : memref<80xi32, #tpu.memory_space<hbm>>) dst(%arg15 : memref<80xi32, #tpu.memory_space<vmem>>)
      "tpu.region"() ({
        %run_scoped3A = tpu.sem_alloc : memref<!tpu.dma_semaphore, #tpu.memory_space<semaphore_mem>>
        %dma_start3A_567 = arith.constant 0 : i32
        %dma_start3A_568 = arith.constant 0 : i32
        %dma_start3A_569 = tpu.memref_slice %arg27[%dma_start3A_567, %dma_start3A_568] : memref<10000x128xf32, #tpu.memory_space<vmem_shared>> -> memref<10000x128xf32, #tpu.memory_space<vmem_shared>>
        tpu.enqueue_indirect_dma source(%arg23 : memref<80x128xf32, #tpu.memory_space<vmem>>) target(%dma_start3A_569 : memref<10000x128xf32, #tpu.memory_space<vmem_shared>>) offsets(%arg15 : memref<80xi32, #tpu.memory_space<vmem>>) semaphore(%run_scoped3A : memref<!tpu.dma_semaphore, #tpu.memory_space<semaphore_mem>>) {add = true}
        %dma_wait3A_570 = arith.constant 0 : i32
        %dma_wait3A_571 = arith.constant 0 : i32
        %dma_wait3A_572 = tpu.memref_slice %arg27[%dma_wait3A_570, %dma_wait3A_571] : memref<10000x128xf32, #tpu.memory_space<vmem_shared>> -> memref<10000x128xf32, #tpu.memory_space<vmem_shared>>
        tpu.wait_indirect_dma semaphore(%run_scoped3A : memref<!tpu.dma_semaphore, #tpu.memory_space<semaphore_mem>>) src(%arg23 : memref<80x128xf32, #tpu.memory_space<vmem>>) dst(%dma_wait3A_572 : memref<10000x128xf32, #tpu.memory_space<vmem_shared>>)
        tpu.yield
      }) : () -> ()
      %add3A_230 = arith.constant 4 : i32
      %add3A_231 = arith.addi %add3A_219, %add3A_230 : i32
      %sub3A = arith.constant 1 : i32
      %sub3A_232 = arith.subi %add3A_231, %sub3A : i32
      %add3A_233 = arith.addi %mul3A_2, %sub3A_232 : i32
      %dma_wait3A_234 = arith.constant 0 : i32
      %dma_wait3A_235 = tpu.memref_slice %arg3[%add3A_233, %dma_wait3A_234] : memref<4000x80xi32, #tpu.memory_space<hbm>> -> memref<1x80xi32, #tpu.memory_space<hbm>>
      %dma_wait3A_236 = tpu.memref_squeeze %dma_wait3A_235 : memref<1x80xi32, #tpu.memory_space<hbm>> -> memref<80xi32, #tpu.memory_space<hbm>>
      %dma_wait3A_237 = arith.constant 0 : i32
      %dma_wait3A_238 = tpu.memref_slice %arg3[%add3A_233, %dma_wait3A_237] : memref<4000x80xi32, #tpu.memory_space<hbm>> -> memref<1x80xi32, #tpu.memory_space<hbm>>
      %dma_wait3A_239 = tpu.memref_squeeze %dma_wait3A_238 : memref<1x80xi32, #tpu.memory_space<hbm>> -> memref<80xi32, #tpu.memory_space<hbm>>
      tpu.wait_dma2 semaphore(%arg31 : memref<!tpu.dma_semaphore, #tpu.memory_space<semaphore_mem>>) src(%dma_wait3A_239 : memref<80xi32, #tpu.memory_space<hbm>>) dst(%arg10 : memref<80xi32, #tpu.memory_space<vmem>>)
      %dma_start3A_240 = arith.constant 0 : i32
      %dma_start3A_241 = arith.constant 0 : i32
      %dma_start3A_242 = tpu.memref_slice %arg2[%dma_start3A_240, %dma_start3A_241] : memref<10000x128xf32, #tpu.memory_space<hbm>> -> memref<10000x128xf32, #tpu.memory_space<hbm>>
      tpu.enqueue_indirect_dma source(%dma_start3A_242 : memref<10000x128xf32, #tpu.memory_space<hbm>>) target(%arg26 : memref<80x128xf32, #tpu.memory_space<vmem>>) offsets(%arg10 : memref<80xi32, #tpu.memory_space<vmem>>) semaphore(%arg47 : memref<!tpu.dma_semaphore, #tpu.memory_space<semaphore_mem>>)
      %add3A_243 = arith.constant 4 : i32
      %add3A_244 = arith.addi %add3A_219, %add3A_243 : i32
      %add3A_245 = arith.addi %mul3A_2, %add3A_244 : i32
      %dma_start3A_246 = arith.constant 0 : i32
      %dma_start3A_247 = tpu.memref_slice %arg3[%add3A_245, %dma_start3A_246] : memref<4000x80xi32, #tpu.memory_space<hbm>> -> memref<1x80xi32, #tpu.memory_space<hbm>>
      %dma_start3A_248 = tpu.memref_squeeze %dma_start3A_247 : memref<1x80xi32, #tpu.memory_space<hbm>> -> memref<80xi32, #tpu.memory_space<hbm>>
      %dma_start3A_249 = arith.constant 0 : i32
      %dma_start3A_250 = tpu.memref_slice %arg3[%add3A_245, %dma_start3A_249] : memref<4000x80xi32, #tpu.memory_space<hbm>> -> memref<1x80xi32, #tpu.memory_space<hbm>>
      %dma_start3A_251 = tpu.memref_squeeze %dma_start3A_250 : memref<1x80xi32, #tpu.memory_space<hbm>> -> memref<80xi32, #tpu.memory_space<hbm>>
      tpu.enqueue_dma source(%dma_start3A_251 : memref<80xi32, #tpu.memory_space<hbm>>) target(%arg11 : memref<80xi32, #tpu.memory_space<vmem>>) target_semaphore(%arg32 : memref<!tpu.dma_semaphore, #tpu.memory_space<semaphore_mem>>)
      %add3A_252 = arith.addi %mul3A_2, %add3A_244 : i32
      %dma_start3A_253 = arith.constant 0 : i32
      %dma_start3A_254 = tpu.memref_slice %arg4[%add3A_252, %dma_start3A_253] : memref<4000x80xi32, #tpu.memory_space<hbm>> -> memref<1x80xi32, #tpu.memory_space<hbm>>
      %dma_start3A_255 = tpu.memref_squeeze %dma_start3A_254 : memref<1x80xi32, #tpu.memory_space<hbm>> -> memref<80xi32, #tpu.memory_space<hbm>>
      %dma_start3A_256 = arith.constant 0 : i32
      %dma_start3A_257 = tpu.memref_slice %arg4[%add3A_252, %dma_start3A_256] : memref<4000x80xi32, #tpu.memory_space<hbm>> -> memref<1x80xi32, #tpu.memory_space<hbm>>
      %dma_start3A_258 = tpu.memref_squeeze %dma_start3A_257 : memref<1x80xi32, #tpu.memory_space<hbm>> -> memref<80xi32, #tpu.memory_space<hbm>>
      tpu.enqueue_dma source(%dma_start3A_258 : memref<80xi32, #tpu.memory_space<hbm>>) target(%arg19 : memref<80xi32, #tpu.memory_space<vmem>>) target_semaphore(%arg40 : memref<!tpu.dma_semaphore, #tpu.memory_space<semaphore_mem>>)
      %mul3A_259 = arith.constant 8 : i32
      %mul3A_260 = arith.muli %scan3A_215, %mul3A_259 : i32
      %add3A_261 = arith.constant 1 : i32
      %add3A_262 = arith.addi %mul3A_260, %add3A_261 : i32
      %dma_wait3A_263 = arith.constant 0 : i32
      %dma_wait3A_264 = arith.constant 0 : i32
      %dma_wait3A_265 = tpu.memref_slice %arg2[%dma_wait3A_263, %dma_wait3A_264] : memref<10000x128xf32, #tpu.memory_space<hbm>> -> memref<10000x128xf32, #tpu.memory_space<hbm>>
      tpu.wait_indirect_dma semaphore(%arg45 : memref<!tpu.dma_semaphore, #tpu.memory_space<semaphore_mem>>) src(%dma_wait3A_265 : memref<10000x128xf32, #tpu.memory_space<hbm>>) dst(%arg24 : memref<80x128xf32, #tpu.memory_space<vmem>>)
      %add3A_266 = arith.addi %mul3A_2, %add3A_262 : i32
      %dma_wait3A_267 = arith.constant 0 : i32
      %dma_wait3A_268 = tpu.memref_slice %arg4[%add3A_266, %dma_wait3A_267] : memref<4000x80xi32, #tpu.memory_space<hbm>> -> memref<1x80xi32, #tpu.memory_space<hbm>>
      %dma_wait3A_269 = tpu.memref_squeeze %dma_wait3A_268 : memref<1x80xi32, #tpu.memory_space<hbm>> -> memref<80xi32, #tpu.memory_space<hbm>>
      %dma_wait3A_270 = arith.constant 0 : i32
      %dma_wait3A_271 = tpu.memref_slice %arg4[%add3A_266, %dma_wait3A_270] : memref<4000x80xi32, #tpu.memory_space<hbm>> -> memref<1x80xi32, #tpu.memory_space<hbm>>
      %dma_wait3A_272 = tpu.memref_squeeze %dma_wait3A_271 : memref<1x80xi32, #tpu.memory_space<hbm>> -> memref<80xi32, #tpu.memory_space<hbm>>
      tpu.wait_dma2 semaphore(%arg37 : memref<!tpu.dma_semaphore, #tpu.memory_space<semaphore_mem>>) src(%dma_wait3A_272 : memref<80xi32, #tpu.memory_space<hbm>>) dst(%arg16 : memref<80xi32, #tpu.memory_space<vmem>>)
      "tpu.region"() ({
        %run_scoped3A = tpu.sem_alloc : memref<!tpu.dma_semaphore, #tpu.memory_space<semaphore_mem>>
        %dma_start3A_567 = arith.constant 0 : i32
        %dma_start3A_568 = arith.constant 0 : i32
        %dma_start3A_569 = tpu.memref_slice %arg27[%dma_start3A_567, %dma_start3A_568] : memref<10000x128xf32, #tpu.memory_space<vmem_shared>> -> memref<10000x128xf32, #tpu.memory_space<vmem_shared>>
        tpu.enqueue_indirect_dma source(%arg24 : memref<80x128xf32, #tpu.memory_space<vmem>>) target(%dma_start3A_569 : memref<10000x128xf32, #tpu.memory_space<vmem_shared>>) offsets(%arg16 : memref<80xi32, #tpu.memory_space<vmem>>) semaphore(%run_scoped3A : memref<!tpu.dma_semaphore, #tpu.memory_space<semaphore_mem>>) {add = true}
        %dma_wait3A_570 = arith.constant 0 : i32
        %dma_wait3A_571 = arith.constant 0 : i32
        %dma_wait3A_572 = tpu.memref_slice %arg27[%dma_wait3A_570, %dma_wait3A_571] : memref<10000x128xf32, #tpu.memory_space<vmem_shared>> -> memref<10000x128xf32, #tpu.memory_space<vmem_shared>>
        tpu.wait_indirect_dma semaphore(%run_scoped3A : memref<!tpu.dma_semaphore, #tpu.memory_space<semaphore_mem>>) src(%arg24 : memref<80x128xf32, #tpu.memory_space<vmem>>) dst(%dma_wait3A_572 : memref<10000x128xf32, #tpu.memory_space<vmem_shared>>)
        tpu.yield
      }) : () -> ()
      %add3A_273 = arith.constant 4 : i32
      %add3A_274 = arith.addi %add3A_262, %add3A_273 : i32
      %sub3A_275 = arith.constant 1 : i32
      %sub3A_276 = arith.subi %add3A_274, %sub3A_275 : i32
      %add3A_277 = arith.addi %mul3A_2, %sub3A_276 : i32
      %dma_wait3A_278 = arith.constant 0 : i32
      %dma_wait3A_279 = tpu.memref_slice %arg3[%add3A_277, %dma_wait3A_278] : memref<4000x80xi32, #tpu.memory_space<hbm>> -> memref<1x80xi32, #tpu.memory_space<hbm>>
      %dma_wait3A_280 = tpu.memref_squeeze %dma_wait3A_279 : memref<1x80xi32, #tpu.memory_space<hbm>> -> memref<80xi32, #tpu.memory_space<hbm>>
      %dma_wait3A_281 = arith.constant 0 : i32
      %dma_wait3A_282 = tpu.memref_slice %arg3[%add3A_277, %dma_wait3A_281] : memref<4000x80xi32, #tpu.memory_space<hbm>> -> memref<1x80xi32, #tpu.memory_space<hbm>>
      %dma_wait3A_283 = tpu.memref_squeeze %dma_wait3A_282 : memref<1x80xi32, #tpu.memory_space<hbm>> -> memref<80xi32, #tpu.memory_space<hbm>>
      tpu.wait_dma2 semaphore(%arg32 : memref<!tpu.dma_semaphore, #tpu.memory_space<semaphore_mem>>) src(%dma_wait3A_283 : memref<80xi32, #tpu.memory_space<hbm>>) dst(%arg11 : memref<80xi32, #tpu.memory_space<vmem>>)
      %dma_start3A_284 = arith.constant 0 : i32
      %dma_start3A_285 = arith.constant 0 : i32
      %dma_start3A_286 = tpu.memref_slice %arg2[%dma_start3A_284, %dma_start3A_285] : memref<10000x128xf32, #tpu.memory_space<hbm>> -> memref<10000x128xf32, #tpu.memory_space<hbm>>
      tpu.enqueue_indirect_dma source(%dma_start3A_286 : memref<10000x128xf32, #tpu.memory_space<hbm>>) target(%arg23 : memref<80x128xf32, #tpu.memory_space<vmem>>) offsets(%arg11 : memref<80xi32, #tpu.memory_space<vmem>>) semaphore(%arg44 : memref<!tpu.dma_semaphore, #tpu.memory_space<semaphore_mem>>)
      %add3A_287 = arith.constant 4 : i32
      %add3A_288 = arith.addi %add3A_262, %add3A_287 : i32
      %add3A_289 = arith.addi %mul3A_2, %add3A_288 : i32
      %dma_start3A_290 = arith.constant 0 : i32
      %dma_start3A_291 = tpu.memref_slice %arg3[%add3A_289, %dma_start3A_290] : memref<4000x80xi32, #tpu.memory_space<hbm>> -> memref<1x80xi32, #tpu.memory_space<hbm>>
      %dma_start3A_292 = tpu.memref_squeeze %dma_start3A_291 : memref<1x80xi32, #tpu.memory_space<hbm>> -> memref<80xi32, #tpu.memory_space<hbm>>
      %dma_start3A_293 = arith.constant 0 : i32
      %dma_start3A_294 = tpu.memref_slice %arg3[%add3A_289, %dma_start3A_293] : memref<4000x80xi32, #tpu.memory_space<hbm>> -> memref<1x80xi32, #tpu.memory_space<hbm>>
      %dma_start3A_295 = tpu.memref_squeeze %dma_start3A_294 : memref<1x80xi32, #tpu.memory_space<hbm>> -> memref<80xi32, #tpu.memory_space<hbm>>
      tpu.enqueue_dma source(%dma_start3A_295 : memref<80xi32, #tpu.memory_space<hbm>>) target(%arg12 : memref<80xi32, #tpu.memory_space<vmem>>) target_semaphore(%arg33 : memref<!tpu.dma_semaphore, #tpu.memory_space<semaphore_mem>>)
      %add3A_296 = arith.addi %mul3A_2, %add3A_288 : i32
      %dma_start3A_297 = arith.constant 0 : i32
      %dma_start3A_298 = tpu.memref_slice %arg4[%add3A_296, %dma_start3A_297] : memref<4000x80xi32, #tpu.memory_space<hbm>> -> memref<1x80xi32, #tpu.memory_space<hbm>>
      %dma_start3A_299 = tpu.memref_squeeze %dma_start3A_298 : memref<1x80xi32, #tpu.memory_space<hbm>> -> memref<80xi32, #tpu.memory_space<hbm>>
      %dma_start3A_300 = arith.constant 0 : i32
      %dma_start3A_301 = tpu.memref_slice %arg4[%add3A_296, %dma_start3A_300] : memref<4000x80xi32, #tpu.memory_space<hbm>> -> memref<1x80xi32, #tpu.memory_space<hbm>>
      %dma_start3A_302 = tpu.memref_squeeze %dma_start3A_301 : memref<1x80xi32, #tpu.memory_space<hbm>> -> memref<80xi32, #tpu.memory_space<hbm>>
      tpu.enqueue_dma source(%dma_start3A_302 : memref<80xi32, #tpu.memory_space<hbm>>) target(%arg20 : memref<80xi32, #tpu.memory_space<vmem>>) target_semaphore(%arg41 : memref<!tpu.dma_semaphore, #tpu.memory_space<semaphore_mem>>)
      %mul3A_303 = arith.constant 8 : i32
      %mul3A_304 = arith.muli %scan3A_215, %mul3A_303 : i32
      %add3A_305 = arith.constant 2 : i32
      %add3A_306 = arith.addi %mul3A_304, %add3A_305 : i32
      %dma_wait3A_307 = arith.constant 0 : i32
      %dma_wait3A_308 = arith.constant 0 : i32
      %dma_wait3A_309 = tpu.memref_slice %arg2[%dma_wait3A_307, %dma_wait3A_308] : memref<10000x128xf32, #tpu.memory_space<hbm>> -> memref<10000x128xf32, #tpu.memory_space<hbm>>
      tpu.wait_indirect_dma semaphore(%arg46 : memref<!tpu.dma_semaphore, #tpu.memory_space<semaphore_mem>>) src(%dma_wait3A_309 : memref<10000x128xf32, #tpu.memory_space<hbm>>) dst(%arg25 : memref<80x128xf32, #tpu.memory_space<vmem>>)
      %add3A_310 = arith.addi %mul3A_2, %add3A_306 : i32
      %dma_wait3A_311 = arith.constant 0 : i32
      %dma_wait3A_312 = tpu.memref_slice %arg4[%add3A_310, %dma_wait3A_311] : memref<4000x80xi32, #tpu.memory_space<hbm>> -> memref<1x80xi32, #tpu.memory_space<hbm>>
      %dma_wait3A_313 = tpu.memref_squeeze %dma_wait3A_312 : memref<1x80xi32, #tpu.memory_space<hbm>> -> memref<80xi32, #tpu.memory_space<hbm>>
      %dma_wait3A_314 = arith.constant 0 : i32
      %dma_wait3A_315 = tpu.memref_slice %arg4[%add3A_310, %dma_wait3A_314] : memref<4000x80xi32, #tpu.memory_space<hbm>> -> memref<1x80xi32, #tpu.memory_space<hbm>>
      %dma_wait3A_316 = tpu.memref_squeeze %dma_wait3A_315 : memref<1x80xi32, #tpu.memory_space<hbm>> -> memref<80xi32, #tpu.memory_space<hbm>>
      tpu.wait_dma2 semaphore(%arg38 : memref<!tpu.dma_semaphore, #tpu.memory_space<semaphore_mem>>) src(%dma_wait3A_316 : memref<80xi32, #tpu.memory_space<hbm>>) dst(%arg17 : memref<80xi32, #tpu.memory_space<vmem>>)
      "tpu.region"() ({
        %run_scoped3A = tpu.sem_alloc : memref<!tpu.dma_semaphore, #tpu.memory_space<semaphore_mem>>
        %dma_start3A_567 = arith.constant 0 : i32
        %dma_start3A_568 = arith.constant 0 : i32
        %dma_start3A_569 = tpu.memref_slice %arg27[%dma_start3A_567, %dma_start3A_568] : memref<10000x128xf32, #tpu.memory_space<vmem_shared>> -> memref<10000x128xf32, #tpu.memory_space<vmem_shared>>
        tpu.enqueue_indirect_dma source(%arg25 : memref<80x128xf32, #tpu.memory_space<vmem>>) target(%dma_start3A_569 : memref<10000x128xf32, #tpu.memory_space<vmem_shared>>) offsets(%arg17 : memref<80xi32, #tpu.memory_space<vmem>>) semaphore(%run_scoped3A : memref<!tpu.dma_semaphore, #tpu.memory_space<semaphore_mem>>) {add = true}
        %dma_wait3A_570 = arith.constant 0 : i32
        %dma_wait3A_571 = arith.constant 0 : i32
        %dma_wait3A_572 = tpu.memref_slice %arg27[%dma_wait3A_570, %dma_wait3A_571] : memref<10000x128xf32, #tpu.memory_space<vmem_shared>> -> memref<10000x128xf32, #tpu.memory_space<vmem_shared>>
        tpu.wait_indirect_dma semaphore(%run_scoped3A : memref<!tpu.dma_semaphore, #tpu.memory_space<semaphore_mem>>) src(%arg25 : memref<80x128xf32, #tpu.memory_space<vmem>>) dst(%dma_wait3A_572 : memref<10000x128xf32, #tpu.memory_space<vmem_shared>>)
        tpu.yield
      }) : () -> ()
      %add3A_317 = arith.constant 4 : i32
      %add3A_318 = arith.addi %add3A_306, %add3A_317 : i32
      %sub3A_319 = arith.constant 1 : i32
      %sub3A_320 = arith.subi %add3A_318, %sub3A_319 : i32
      %add3A_321 = arith.addi %mul3A_2, %sub3A_320 : i32
      %dma_wait3A_322 = arith.constant 0 : i32
      %dma_wait3A_323 = tpu.memref_slice %arg3[%add3A_321, %dma_wait3A_322] : memref<4000x80xi32, #tpu.memory_space<hbm>> -> memref<1x80xi32, #tpu.memory_space<hbm>>
      %dma_wait3A_324 = tpu.memref_squeeze %dma_wait3A_323 : memref<1x80xi32, #tpu.memory_space<hbm>> -> memref<80xi32, #tpu.memory_space<hbm>>
      %dma_wait3A_325 = arith.constant 0 : i32
      %dma_wait3A_326 = tpu.memref_slice %arg3[%add3A_321, %dma_wait3A_325] : memref<4000x80xi32, #tpu.memory_space<hbm>> -> memref<1x80xi32, #tpu.memory_space<hbm>>
      %dma_wait3A_327 = tpu.memref_squeeze %dma_wait3A_326 : memref<1x80xi32, #tpu.memory_space<hbm>> -> memref<80xi32, #tpu.memory_space<hbm>>
      tpu.wait_dma2 semaphore(%arg33 : memref<!tpu.dma_semaphore, #tpu.memory_space<semaphore_mem>>) src(%dma_wait3A_327 : memref<80xi32, #tpu.memory_space<hbm>>) dst(%arg12 : memref<80xi32, #tpu.memory_space<vmem>>)
      %dma_start3A_328 = arith.constant 0 : i32
      %dma_start3A_329 = arith.constant 0 : i32
      %dma_start3A_330 = tpu.memref_slice %arg2[%dma_start3A_328, %dma_start3A_329] : memref<10000x128xf32, #tpu.memory_space<hbm>> -> memref<10000x128xf32, #tpu.memory_space<hbm>>
      tpu.enqueue_indirect_dma source(%dma_start3A_330 : memref<10000x128xf32, #tpu.memory_space<hbm>>) target(%arg24 : memref<80x128xf32, #tpu.memory_space<vmem>>) offsets(%arg12 : memref<80xi32, #tpu.memory_space<vmem>>) semaphore(%arg45 : memref<!tpu.dma_semaphore, #tpu.memory_space<semaphore_mem>>)
      %add3A_331 = arith.constant 4 : i32
      %add3A_332 = arith.addi %add3A_306, %add3A_331 : i32
      %add3A_333 = arith.addi %mul3A_2, %add3A_332 : i32
      %dma_start3A_334 = arith.constant 0 : i32
      %dma_start3A_335 = tpu.memref_slice %arg3[%add3A_333, %dma_start3A_334] : memref<4000x80xi32, #tpu.memory_space<hbm>> -> memref<1x80xi32, #tpu.memory_space<hbm>>
      %dma_start3A_336 = tpu.memref_squeeze %dma_start3A_335 : memref<1x80xi32, #tpu.memory_space<hbm>> -> memref<80xi32, #tpu.memory_space<hbm>>
      %dma_start3A_337 = arith.constant 0 : i32
      %dma_start3A_338 = tpu.memref_slice %arg3[%add3A_333, %dma_start3A_337] : memref<4000x80xi32, #tpu.memory_space<hbm>> -> memref<1x80xi32, #tpu.memory_space<hbm>>
      %dma_start3A_339 = tpu.memref_squeeze %dma_start3A_338 : memref<1x80xi32, #tpu.memory_space<hbm>> -> memref<80xi32, #tpu.memory_space<hbm>>
      tpu.enqueue_dma source(%dma_start3A_339 : memref<80xi32, #tpu.memory_space<hbm>>) target(%arg13 : memref<80xi32, #tpu.memory_space<vmem>>) target_semaphore(%arg34 : memref<!tpu.dma_semaphore, #tpu.memory_space<semaphore_mem>>)
      %add3A_340 = arith.addi %mul3A_2, %add3A_332 : i32
      %dma_start3A_341 = arith.constant 0 : i32
      %dma_start3A_342 = tpu.memref_slice %arg4[%add3A_340, %dma_start3A_341] : memref<4000x80xi32, #tpu.memory_space<hbm>> -> memref<1x80xi32, #tpu.memory_space<hbm>>
      %dma_start3A_343 = tpu.memref_squeeze %dma_start3A_342 : memref<1x80xi32, #tpu.memory_space<hbm>> -> memref<80xi32, #tpu.memory_space<hbm>>
      %dma_start3A_344 = arith.constant 0 : i32
      %dma_start3A_345 = tpu.memref_slice %arg4[%add3A_340, %dma_start3A_344] : memref<4000x80xi32, #tpu.memory_space<hbm>> -> memref<1x80xi32, #tpu.memory_space<hbm>>
      %dma_start3A_346 = tpu.memref_squeeze %dma_start3A_345 : memref<1x80xi32, #tpu.memory_space<hbm>> -> memref<80xi32, #tpu.memory_space<hbm>>
      tpu.enqueue_dma source(%dma_start3A_346 : memref<80xi32, #tpu.memory_space<hbm>>) target(%arg21 : memref<80xi32, #tpu.memory_space<vmem>>) target_semaphore(%arg42 : memref<!tpu.dma_semaphore, #tpu.memory_space<semaphore_mem>>)
      %mul3A_347 = arith.constant 8 : i32
      %mul3A_348 = arith.muli %scan3A_215, %mul3A_347 : i32
      %add3A_349 = arith.constant 3 : i32
      %add3A_350 = arith.addi %mul3A_348, %add3A_349 : i32
      %dma_wait3A_351 = arith.constant 0 : i32
      %dma_wait3A_352 = arith.constant 0 : i32
      %dma_wait3A_353 = tpu.memref_slice %arg2[%dma_wait3A_351, %dma_wait3A_352] : memref<10000x128xf32, #tpu.memory_space<hbm>> -> memref<10000x128xf32, #tpu.memory_space<hbm>>
      tpu.wait_indirect_dma semaphore(%arg47 : memref<!tpu.dma_semaphore, #tpu.memory_space<semaphore_mem>>) src(%dma_wait3A_353 : memref<10000x128xf32, #tpu.memory_space<hbm>>) dst(%arg26 : memref<80x128xf32, #tpu.memory_space<vmem>>)
      %add3A_354 = arith.addi %mul3A_2, %add3A_350 : i32
      %dma_wait3A_355 = arith.constant 0 : i32
      %dma_wait3A_356 = tpu.memref_slice %arg4[%add3A_354, %dma_wait3A_355] : memref<4000x80xi32, #tpu.memory_space<hbm>> -> memref<1x80xi32, #tpu.memory_space<hbm>>
      %dma_wait3A_357 = tpu.memref_squeeze %dma_wait3A_356 : memref<1x80xi32, #tpu.memory_space<hbm>> -> memref<80xi32, #tpu.memory_space<hbm>>
      %dma_wait3A_358 = arith.constant 0 : i32
      %dma_wait3A_359 = tpu.memref_slice %arg4[%add3A_354, %dma_wait3A_358] : memref<4000x80xi32, #tpu.memory_space<hbm>> -> memref<1x80xi32, #tpu.memory_space<hbm>>
      %dma_wait3A_360 = tpu.memref_squeeze %dma_wait3A_359 : memref<1x80xi32, #tpu.memory_space<hbm>> -> memref<80xi32, #tpu.memory_space<hbm>>
      tpu.wait_dma2 semaphore(%arg39 : memref<!tpu.dma_semaphore, #tpu.memory_space<semaphore_mem>>) src(%dma_wait3A_360 : memref<80xi32, #tpu.memory_space<hbm>>) dst(%arg18 : memref<80xi32, #tpu.memory_space<vmem>>)
      "tpu.region"() ({
        %run_scoped3A = tpu.sem_alloc : memref<!tpu.dma_semaphore, #tpu.memory_space<semaphore_mem>>
        %dma_start3A_567 = arith.constant 0 : i32
        %dma_start3A_568 = arith.constant 0 : i32
        %dma_start3A_569 = tpu.memref_slice %arg27[%dma_start3A_567, %dma_start3A_568] : memref<10000x128xf32, #tpu.memory_space<vmem_shared>> -> memref<10000x128xf32, #tpu.memory_space<vmem_shared>>
        tpu.enqueue_indirect_dma source(%arg26 : memref<80x128xf32, #tpu.memory_space<vmem>>) target(%dma_start3A_569 : memref<10000x128xf32, #tpu.memory_space<vmem_shared>>) offsets(%arg18 : memref<80xi32, #tpu.memory_space<vmem>>) semaphore(%run_scoped3A : memref<!tpu.dma_semaphore, #tpu.memory_space<semaphore_mem>>) {add = true}
        %dma_wait3A_570 = arith.constant 0 : i32
        %dma_wait3A_571 = arith.constant 0 : i32
        %dma_wait3A_572 = tpu.memref_slice %arg27[%dma_wait3A_570, %dma_wait3A_571] : memref<10000x128xf32, #tpu.memory_space<vmem_shared>> -> memref<10000x128xf32, #tpu.memory_space<vmem_shared>>
        tpu.wait_indirect_dma semaphore(%run_scoped3A : memref<!tpu.dma_semaphore, #tpu.memory_space<semaphore_mem>>) src(%arg26 : memref<80x128xf32, #tpu.memory_space<vmem>>) dst(%dma_wait3A_572 : memref<10000x128xf32, #tpu.memory_space<vmem_shared>>)
        tpu.yield
      }) : () -> ()
      %add3A_361 = arith.constant 4 : i32
      %add3A_362 = arith.addi %add3A_350, %add3A_361 : i32
      %sub3A_363 = arith.constant 1 : i32
      %sub3A_364 = arith.subi %add3A_362, %sub3A_363 : i32
      %add3A_365 = arith.addi %mul3A_2, %sub3A_364 : i32
      %dma_wait3A_366 = arith.constant 0 : i32
      %dma_wait3A_367 = tpu.memref_slice %arg3[%add3A_365, %dma_wait3A_366] : memref<4000x80xi32, #tpu.memory_space<hbm>> -> memref<1x80xi32, #tpu.memory_space<hbm>>
      %dma_wait3A_368 = tpu.memref_squeeze %dma_wait3A_367 : memref<1x80xi32, #tpu.memory_space<hbm>> -> memref<80xi32, #tpu.memory_space<hbm>>
      %dma_wait3A_369 = arith.constant 0 : i32
      %dma_wait3A_370 = tpu.memref_slice %arg3[%add3A_365, %dma_wait3A_369] : memref<4000x80xi32, #tpu.memory_space<hbm>> -> memref<1x80xi32, #tpu.memory_space<hbm>>
      %dma_wait3A_371 = tpu.memref_squeeze %dma_wait3A_370 : memref<1x80xi32, #tpu.memory_space<hbm>> -> memref<80xi32, #tpu.memory_space<hbm>>
      tpu.wait_dma2 semaphore(%arg34 : memref<!tpu.dma_semaphore, #tpu.memory_space<semaphore_mem>>) src(%dma_wait3A_371 : memref<80xi32, #tpu.memory_space<hbm>>) dst(%arg13 : memref<80xi32, #tpu.memory_space<vmem>>)
      %dma_start3A_372 = arith.constant 0 : i32
      %dma_start3A_373 = arith.constant 0 : i32
      %dma_start3A_374 = tpu.memref_slice %arg2[%dma_start3A_372, %dma_start3A_373] : memref<10000x128xf32, #tpu.memory_space<hbm>> -> memref<10000x128xf32, #tpu.memory_space<hbm>>
      tpu.enqueue_indirect_dma source(%dma_start3A_374 : memref<10000x128xf32, #tpu.memory_space<hbm>>) target(%arg25 : memref<80x128xf32, #tpu.memory_space<vmem>>) offsets(%arg13 : memref<80xi32, #tpu.memory_space<vmem>>) semaphore(%arg46 : memref<!tpu.dma_semaphore, #tpu.memory_space<semaphore_mem>>)
      %add3A_375 = arith.constant 4 : i32
      %add3A_376 = arith.addi %add3A_350, %add3A_375 : i32
      %add3A_377 = arith.addi %mul3A_2, %add3A_376 : i32
      %dma_start3A_378 = arith.constant 0 : i32
      %dma_start3A_379 = tpu.memref_slice %arg3[%add3A_377, %dma_start3A_378] : memref<4000x80xi32, #tpu.memory_space<hbm>> -> memref<1x80xi32, #tpu.memory_space<hbm>>
      %dma_start3A_380 = tpu.memref_squeeze %dma_start3A_379 : memref<1x80xi32, #tpu.memory_space<hbm>> -> memref<80xi32, #tpu.memory_space<hbm>>
      %dma_start3A_381 = arith.constant 0 : i32
      %dma_start3A_382 = tpu.memref_slice %arg3[%add3A_377, %dma_start3A_381] : memref<4000x80xi32, #tpu.memory_space<hbm>> -> memref<1x80xi32, #tpu.memory_space<hbm>>
      %dma_start3A_383 = tpu.memref_squeeze %dma_start3A_382 : memref<1x80xi32, #tpu.memory_space<hbm>> -> memref<80xi32, #tpu.memory_space<hbm>>
      tpu.enqueue_dma source(%dma_start3A_383 : memref<80xi32, #tpu.memory_space<hbm>>) target(%arg14 : memref<80xi32, #tpu.memory_space<vmem>>) target_semaphore(%arg35 : memref<!tpu.dma_semaphore, #tpu.memory_space<semaphore_mem>>)
      %add3A_384 = arith.addi %mul3A_2, %add3A_376 : i32
      %dma_start3A_385 = arith.constant 0 : i32
      %dma_start3A_386 = tpu.memref_slice %arg4[%add3A_384, %dma_start3A_385] : memref<4000x80xi32, #tpu.memory_space<hbm>> -> memref<1x80xi32, #tpu.memory_space<hbm>>
      %dma_start3A_387 = tpu.memref_squeeze %dma_start3A_386 : memref<1x80xi32, #tpu.memory_space<hbm>> -> memref<80xi32, #tpu.memory_space<hbm>>
      %dma_start3A_388 = arith.constant 0 : i32
      %dma_start3A_389 = tpu.memref_slice %arg4[%add3A_384, %dma_start3A_388] : memref<4000x80xi32, #tpu.memory_space<hbm>> -> memref<1x80xi32, #tpu.memory_space<hbm>>
      %dma_start3A_390 = tpu.memref_squeeze %dma_start3A_389 : memref<1x80xi32, #tpu.memory_space<hbm>> -> memref<80xi32, #tpu.memory_space<hbm>>
      tpu.enqueue_dma source(%dma_start3A_390 : memref<80xi32, #tpu.memory_space<hbm>>) target(%arg22 : memref<80xi32, #tpu.memory_space<vmem>>) target_semaphore(%arg43 : memref<!tpu.dma_semaphore, #tpu.memory_space<semaphore_mem>>)
      %mul3A_391 = arith.constant 8 : i32
      %mul3A_392 = arith.muli %scan3A_215, %mul3A_391 : i32
      %add3A_393 = arith.constant 4 : i32
      %add3A_394 = arith.addi %mul3A_392, %add3A_393 : i32
      %dma_wait3A_395 = arith.constant 0 : i32
      %dma_wait3A_396 = arith.constant 0 : i32
      %dma_wait3A_397 = tpu.memref_slice %arg2[%dma_wait3A_395, %dma_wait3A_396] : memref<10000x128xf32, #tpu.memory_space<hbm>> -> memref<10000x128xf32, #tpu.memory_space<hbm>>
      tpu.wait_indirect_dma semaphore(%arg44 : memref<!tpu.dma_semaphore, #tpu.memory_space<semaphore_mem>>) src(%dma_wait3A_397 : memref<10000x128xf32, #tpu.memory_space<hbm>>) dst(%arg23 : memref<80x128xf32, #tpu.memory_space<vmem>>)
      %add3A_398 = arith.addi %mul3A_2, %add3A_394 : i32
      %dma_wait3A_399 = arith.constant 0 : i32
      %dma_wait3A_400 = tpu.memref_slice %arg4[%add3A_398, %dma_wait3A_399] : memref<4000x80xi32, #tpu.memory_space<hbm>> -> memref<1x80xi32, #tpu.memory_space<hbm>>
      %dma_wait3A_401 = tpu.memref_squeeze %dma_wait3A_400 : memref<1x80xi32, #tpu.memory_space<hbm>> -> memref<80xi32, #tpu.memory_space<hbm>>
      %dma_wait3A_402 = arith.constant 0 : i32
      %dma_wait3A_403 = tpu.memref_slice %arg4[%add3A_398, %dma_wait3A_402] : memref<4000x80xi32, #tpu.memory_space<hbm>> -> memref<1x80xi32, #tpu.memory_space<hbm>>
      %dma_wait3A_404 = tpu.memref_squeeze %dma_wait3A_403 : memref<1x80xi32, #tpu.memory_space<hbm>> -> memref<80xi32, #tpu.memory_space<hbm>>
      tpu.wait_dma2 semaphore(%arg40 : memref<!tpu.dma_semaphore, #tpu.memory_space<semaphore_mem>>) src(%dma_wait3A_404 : memref<80xi32, #tpu.memory_space<hbm>>) dst(%arg19 : memref<80xi32, #tpu.memory_space<vmem>>)
      "tpu.region"() ({
        %run_scoped3A = tpu.sem_alloc : memref<!tpu.dma_semaphore, #tpu.memory_space<semaphore_mem>>
        %dma_start3A_567 = arith.constant 0 : i32
        %dma_start3A_568 = arith.constant 0 : i32
        %dma_start3A_569 = tpu.memref_slice %arg27[%dma_start3A_567, %dma_start3A_568] : memref<10000x128xf32, #tpu.memory_space<vmem_shared>> -> memref<10000x128xf32, #tpu.memory_space<vmem_shared>>
        tpu.enqueue_indirect_dma source(%arg23 : memref<80x128xf32, #tpu.memory_space<vmem>>) target(%dma_start3A_569 : memref<10000x128xf32, #tpu.memory_space<vmem_shared>>) offsets(%arg19 : memref<80xi32, #tpu.memory_space<vmem>>) semaphore(%run_scoped3A : memref<!tpu.dma_semaphore, #tpu.memory_space<semaphore_mem>>) {add = true}
        %dma_wait3A_570 = arith.constant 0 : i32
        %dma_wait3A_571 = arith.constant 0 : i32
        %dma_wait3A_572 = tpu.memref_slice %arg27[%dma_wait3A_570, %dma_wait3A_571] : memref<10000x128xf32, #tpu.memory_space<vmem_shared>> -> memref<10000x128xf32, #tpu.memory_space<vmem_shared>>
        tpu.wait_indirect_dma semaphore(%run_scoped3A : memref<!tpu.dma_semaphore, #tpu.memory_space<semaphore_mem>>) src(%arg23 : memref<80x128xf32, #tpu.memory_space<vmem>>) dst(%dma_wait3A_572 : memref<10000x128xf32, #tpu.memory_space<vmem_shared>>)
        tpu.yield
      }) : () -> ()
      %add3A_405 = arith.constant 4 : i32
      %add3A_406 = arith.addi %add3A_394, %add3A_405 : i32
      %sub3A_407 = arith.constant 1 : i32
      %sub3A_408 = arith.subi %add3A_406, %sub3A_407 : i32
      %add3A_409 = arith.addi %mul3A_2, %sub3A_408 : i32
      %dma_wait3A_410 = arith.constant 0 : i32
      %dma_wait3A_411 = tpu.memref_slice %arg3[%add3A_409, %dma_wait3A_410] : memref<4000x80xi32, #tpu.memory_space<hbm>> -> memref<1x80xi32, #tpu.memory_space<hbm>>
      %dma_wait3A_412 = tpu.memref_squeeze %dma_wait3A_411 : memref<1x80xi32, #tpu.memory_space<hbm>> -> memref<80xi32, #tpu.memory_space<hbm>>
      %dma_wait3A_413 = arith.constant 0 : i32
      %dma_wait3A_414 = tpu.memref_slice %arg3[%add3A_409, %dma_wait3A_413] : memref<4000x80xi32, #tpu.memory_space<hbm>> -> memref<1x80xi32, #tpu.memory_space<hbm>>
      %dma_wait3A_415 = tpu.memref_squeeze %dma_wait3A_414 : memref<1x80xi32, #tpu.memory_space<hbm>> -> memref<80xi32, #tpu.memory_space<hbm>>
      tpu.wait_dma2 semaphore(%arg35 : memref<!tpu.dma_semaphore, #tpu.memory_space<semaphore_mem>>) src(%dma_wait3A_415 : memref<80xi32, #tpu.memory_space<hbm>>) dst(%arg14 : memref<80xi32, #tpu.memory_space<vmem>>)
      %dma_start3A_416 = arith.constant 0 : i32
      %dma_start3A_417 = arith.constant 0 : i32
      %dma_start3A_418 = tpu.memref_slice %arg2[%dma_start3A_416, %dma_start3A_417] : memref<10000x128xf32, #tpu.memory_space<hbm>> -> memref<10000x128xf32, #tpu.memory_space<hbm>>
      tpu.enqueue_indirect_dma source(%dma_start3A_418 : memref<10000x128xf32, #tpu.memory_space<hbm>>) target(%arg26 : memref<80x128xf32, #tpu.memory_space<vmem>>) offsets(%arg14 : memref<80xi32, #tpu.memory_space<vmem>>) semaphore(%arg47 : memref<!tpu.dma_semaphore, #tpu.memory_space<semaphore_mem>>)
      %add3A_419 = arith.constant 4 : i32
      %add3A_420 = arith.addi %add3A_394, %add3A_419 : i32
      %add3A_421 = arith.addi %mul3A_2, %add3A_420 : i32
      %dma_start3A_422 = arith.constant 0 : i32
      %dma_start3A_423 = tpu.memref_slice %arg3[%add3A_421, %dma_start3A_422] : memref<4000x80xi32, #tpu.memory_space<hbm>> -> memref<1x80xi32, #tpu.memory_space<hbm>>
      %dma_start3A_424 = tpu.memref_squeeze %dma_start3A_423 : memref<1x80xi32, #tpu.memory_space<hbm>> -> memref<80xi32, #tpu.memory_space<hbm>>
      %dma_start3A_425 = arith.constant 0 : i32
      %dma_start3A_426 = tpu.memref_slice %arg3[%add3A_421, %dma_start3A_425] : memref<4000x80xi32, #tpu.memory_space<hbm>> -> memref<1x80xi32, #tpu.memory_space<hbm>>
      %dma_start3A_427 = tpu.memref_squeeze %dma_start3A_426 : memref<1x80xi32, #tpu.memory_space<hbm>> -> memref<80xi32, #tpu.memory_space<hbm>>
      tpu.enqueue_dma source(%dma_start3A_427 : memref<80xi32, #tpu.memory_space<hbm>>) target(%arg7 : memref<80xi32, #tpu.memory_space<vmem>>) target_semaphore(%arg28 : memref<!tpu.dma_semaphore, #tpu.memory_space<semaphore_mem>>)
      %add3A_428 = arith.addi %mul3A_2, %add3A_420 : i32
      %dma_start3A_429 = arith.constant 0 : i32
      %dma_start3A_430 = tpu.memref_slice %arg4[%add3A_428, %dma_start3A_429] : memref<4000x80xi32, #tpu.memory_space<hbm>> -> memref<1x80xi32, #tpu.memory_space<hbm>>
      %dma_start3A_431 = tpu.memref_squeeze %dma_start3A_430 : memref<1x80xi32, #tpu.memory_space<hbm>> -> memref<80xi32, #tpu.memory_space<hbm>>
      %dma_start3A_432 = arith.constant 0 : i32
      %dma_start3A_433 = tpu.memref_slice %arg4[%add3A_428, %dma_start3A_432] : memref<4000x80xi32, #tpu.memory_space<hbm>> -> memref<1x80xi32, #tpu.memory_space<hbm>>
      %dma_start3A_434 = tpu.memref_squeeze %dma_start3A_433 : memref<1x80xi32, #tpu.memory_space<hbm>> -> memref<80xi32, #tpu.memory_space<hbm>>
      tpu.enqueue_dma source(%dma_start3A_434 : memref<80xi32, #tpu.memory_space<hbm>>) target(%arg15 : memref<80xi32, #tpu.memory_space<vmem>>) target_semaphore(%arg36 : memref<!tpu.dma_semaphore, #tpu.memory_space<semaphore_mem>>)
      %mul3A_435 = arith.constant 8 : i32
      %mul3A_436 = arith.muli %scan3A_215, %mul3A_435 : i32
      %add3A_437 = arith.constant 5 : i32
      %add3A_438 = arith.addi %mul3A_436, %add3A_437 : i32
      %dma_wait3A_439 = arith.constant 0 : i32
      %dma_wait3A_440 = arith.constant 0 : i32
      %dma_wait3A_441 = tpu.memref_slice %arg2[%dma_wait3A_439, %dma_wait3A_440] : memref<10000x128xf32, #tpu.memory_space<hbm>> -> memref<10000x128xf32, #tpu.memory_space<hbm>>
      tpu.wait_indirect_dma semaphore(%arg45 : memref<!tpu.dma_semaphore, #tpu.memory_space<semaphore_mem>>) src(%dma_wait3A_441 : memref<10000x128xf32, #tpu.memory_space<hbm>>) dst(%arg24 : memref<80x128xf32, #tpu.memory_space<vmem>>)
      %add3A_442 = arith.addi %mul3A_2, %add3A_438 : i32
      %dma_wait3A_443 = arith.constant 0 : i32
      %dma_wait3A_444 = tpu.memref_slice %arg4[%add3A_442, %dma_wait3A_443] : memref<4000x80xi32, #tpu.memory_space<hbm>> -> memref<1x80xi32, #tpu.memory_space<hbm>>
      %dma_wait3A_445 = tpu.memref_squeeze %dma_wait3A_444 : memref<1x80xi32, #tpu.memory_space<hbm>> -> memref<80xi32, #tpu.memory_space<hbm>>
      %dma_wait3A_446 = arith.constant 0 : i32
      %dma_wait3A_447 = tpu.memref_slice %arg4[%add3A_442, %dma_wait3A_446] : memref<4000x80xi32, #tpu.memory_space<hbm>> -> memref<1x80xi32, #tpu.memory_space<hbm>>
      %dma_wait3A_448 = tpu.memref_squeeze %dma_wait3A_447 : memref<1x80xi32, #tpu.memory_space<hbm>> -> memref<80xi32, #tpu.memory_space<hbm>>
      tpu.wait_dma2 semaphore(%arg41 : memref<!tpu.dma_semaphore, #tpu.memory_space<semaphore_mem>>) src(%dma_wait3A_448 : memref<80xi32, #tpu.memory_space<hbm>>) dst(%arg20 : memref<80xi32, #tpu.memory_space<vmem>>)
      "tpu.region"() ({
        %run_scoped3A = tpu.sem_alloc : memref<!tpu.dma_semaphore, #tpu.memory_space<semaphore_mem>>
        %dma_start3A_567 = arith.constant 0 : i32
        %dma_start3A_568 = arith.constant 0 : i32
        %dma_start3A_569 = tpu.memref_slice %arg27[%dma_start3A_567, %dma_start3A_568] : memref<10000x128xf32, #tpu.memory_space<vmem_shared>> -> memref<10000x128xf32, #tpu.memory_space<vmem_shared>>
        tpu.enqueue_indirect_dma source(%arg24 : memref<80x128xf32, #tpu.memory_space<vmem>>) target(%dma_start3A_569 : memref<10000x128xf32, #tpu.memory_space<vmem_shared>>) offsets(%arg20 : memref<80xi32, #tpu.memory_space<vmem>>) semaphore(%run_scoped3A : memref<!tpu.dma_semaphore, #tpu.memory_space<semaphore_mem>>) {add = true}
        %dma_wait3A_570 = arith.constant 0 : i32
        %dma_wait3A_571 = arith.constant 0 : i32
        %dma_wait3A_572 = tpu.memref_slice %arg27[%dma_wait3A_570, %dma_wait3A_571] : memref<10000x128xf32, #tpu.memory_space<vmem_shared>> -> memref<10000x128xf32, #tpu.memory_space<vmem_shared>>
        tpu.wait_indirect_dma semaphore(%run_scoped3A : memref<!tpu.dma_semaphore, #tpu.memory_space<semaphore_mem>>) src(%arg24 : memref<80x128xf32, #tpu.memory_space<vmem>>) dst(%dma_wait3A_572 : memref<10000x128xf32, #tpu.memory_space<vmem_shared>>)
        tpu.yield
      }) : () -> ()
      %add3A_449 = arith.constant 4 : i32
      %add3A_450 = arith.addi %add3A_438, %add3A_449 : i32
      %sub3A_451 = arith.constant 1 : i32
      %sub3A_452 = arith.subi %add3A_450, %sub3A_451 : i32
      %add3A_453 = arith.addi %mul3A_2, %sub3A_452 : i32
      %dma_wait3A_454 = arith.constant 0 : i32
      %dma_wait3A_455 = tpu.memref_slice %arg3[%add3A_453, %dma_wait3A_454] : memref<4000x80xi32, #tpu.memory_space<hbm>> -> memref<1x80xi32, #tpu.memory_space<hbm>>
      %dma_wait3A_456 = tpu.memref_squeeze %dma_wait3A_455 : memref<1x80xi32, #tpu.memory_space<hbm>> -> memref<80xi32, #tpu.memory_space<hbm>>
      %dma_wait3A_457 = arith.constant 0 : i32
      %dma_wait3A_458 = tpu.memref_slice %arg3[%add3A_453, %dma_wait3A_457] : memref<4000x80xi32, #tpu.memory_space<hbm>> -> memref<1x80xi32, #tpu.memory_space<hbm>>
      %dma_wait3A_459 = tpu.memref_squeeze %dma_wait3A_458 : memref<1x80xi32, #tpu.memory_space<hbm>> -> memref<80xi32, #tpu.memory_space<hbm>>
      tpu.wait_dma2 semaphore(%arg28 : memref<!tpu.dma_semaphore, #tpu.memory_space<semaphore_mem>>) src(%dma_wait3A_459 : memref<80xi32, #tpu.memory_space<hbm>>) dst(%arg7 : memref<80xi32, #tpu.memory_space<vmem>>)
      %dma_start3A_460 = arith.constant 0 : i32
      %dma_start3A_461 = arith.constant 0 : i32
      %dma_start3A_462 = tpu.memref_slice %arg2[%dma_start3A_460, %dma_start3A_461] : memref<10000x128xf32, #tpu.memory_space<hbm>> -> memref<10000x128xf32, #tpu.memory_space<hbm>>
      tpu.enqueue_indirect_dma source(%dma_start3A_462 : memref<10000x128xf32, #tpu.memory_space<hbm>>) target(%arg23 : memref<80x128xf32, #tpu.memory_space<vmem>>) offsets(%arg7 : memref<80xi32, #tpu.memory_space<vmem>>) semaphore(%arg44 : memref<!tpu.dma_semaphore, #tpu.memory_space<semaphore_mem>>)
      %add3A_463 = arith.constant 4 : i32
      %add3A_464 = arith.addi %add3A_438, %add3A_463 : i32
      %add3A_465 = arith.addi %mul3A_2, %add3A_464 : i32
      %dma_start3A_466 = arith.constant 0 : i32
      %dma_start3A_467 = tpu.memref_slice %arg3[%add3A_465, %dma_start3A_466] : memref<4000x80xi32, #tpu.memory_space<hbm>> -> memref<1x80xi32, #tpu.memory_space<hbm>>
      %dma_start3A_468 = tpu.memref_squeeze %dma_start3A_467 : memref<1x80xi32, #tpu.memory_space<hbm>> -> memref<80xi32, #tpu.memory_space<hbm>>
      %dma_start3A_469 = arith.constant 0 : i32
      %dma_start3A_470 = tpu.memref_slice %arg3[%add3A_465, %dma_start3A_469] : memref<4000x80xi32, #tpu.memory_space<hbm>> -> memref<1x80xi32, #tpu.memory_space<hbm>>
      %dma_start3A_471 = tpu.memref_squeeze %dma_start3A_470 : memref<1x80xi32, #tpu.memory_space<hbm>> -> memref<80xi32, #tpu.memory_space<hbm>>
      tpu.enqueue_dma source(%dma_start3A_471 : memref<80xi32, #tpu.memory_space<hbm>>) target(%arg8 : memref<80xi32, #tpu.memory_space<vmem>>) target_semaphore(%arg29 : memref<!tpu.dma_semaphore, #tpu.memory_space<semaphore_mem>>)
      %add3A_472 = arith.addi %mul3A_2, %add3A_464 : i32
      %dma_start3A_473 = arith.constant 0 : i32
      %dma_start3A_474 = tpu.memref_slice %arg4[%add3A_472, %dma_start3A_473] : memref<4000x80xi32, #tpu.memory_space<hbm>> -> memref<1x80xi32, #tpu.memory_space<hbm>>
      %dma_start3A_475 = tpu.memref_squeeze %dma_start3A_474 : memref<1x80xi32, #tpu.memory_space<hbm>> -> memref<80xi32, #tpu.memory_space<hbm>>
      %dma_start3A_476 = arith.constant 0 : i32
      %dma_start3A_477 = tpu.memref_slice %arg4[%add3A_472, %dma_start3A_476] : memref<4000x80xi32, #tpu.memory_space<hbm>> -> memref<1x80xi32, #tpu.memory_space<hbm>>
      %dma_start3A_478 = tpu.memref_squeeze %dma_start3A_477 : memref<1x80xi32, #tpu.memory_space<hbm>> -> memref<80xi32, #tpu.memory_space<hbm>>
      tpu.enqueue_dma source(%dma_start3A_478 : memref<80xi32, #tpu.memory_space<hbm>>) target(%arg16 : memref<80xi32, #tpu.memory_space<vmem>>) target_semaphore(%arg37 : memref<!tpu.dma_semaphore, #tpu.memory_space<semaphore_mem>>)
      %mul3A_479 = arith.constant 8 : i32
      %mul3A_480 = arith.muli %scan3A_215, %mul3A_479 : i32
      %add3A_481 = arith.constant 6 : i32
      %add3A_482 = arith.addi %mul3A_480, %add3A_481 : i32
      %dma_wait3A_483 = arith.constant 0 : i32
      %dma_wait3A_484 = arith.constant 0 : i32
      %dma_wait3A_485 = tpu.memref_slice %arg2[%dma_wait3A_483, %dma_wait3A_484] : memref<10000x128xf32, #tpu.memory_space<hbm>> -> memref<10000x128xf32, #tpu.memory_space<hbm>>
      tpu.wait_indirect_dma semaphore(%arg46 : memref<!tpu.dma_semaphore, #tpu.memory_space<semaphore_mem>>) src(%dma_wait3A_485 : memref<10000x128xf32, #tpu.memory_space<hbm>>) dst(%arg25 : memref<80x128xf32, #tpu.memory_space<vmem>>)
      %add3A_486 = arith.addi %mul3A_2, %add3A_482 : i32
      %dma_wait3A_487 = arith.constant 0 : i32
      %dma_wait3A_488 = tpu.memref_slice %arg4[%add3A_486, %dma_wait3A_487] : memref<4000x80xi32, #tpu.memory_space<hbm>> -> memref<1x80xi32, #tpu.memory_space<hbm>>
      %dma_wait3A_489 = tpu.memref_squeeze %dma_wait3A_488 : memref<1x80xi32, #tpu.memory_space<hbm>> -> memref<80xi32, #tpu.memory_space<hbm>>
      %dma_wait3A_490 = arith.constant 0 : i32
      %dma_wait3A_491 = tpu.memref_slice %arg4[%add3A_486, %dma_wait3A_490] : memref<4000x80xi32, #tpu.memory_space<hbm>> -> memref<1x80xi32, #tpu.memory_space<hbm>>
      %dma_wait3A_492 = tpu.memref_squeeze %dma_wait3A_491 : memref<1x80xi32, #tpu.memory_space<hbm>> -> memref<80xi32, #tpu.memory_space<hbm>>
      tpu.wait_dma2 semaphore(%arg42 : memref<!tpu.dma_semaphore, #tpu.memory_space<semaphore_mem>>) src(%dma_wait3A_492 : memref<80xi32, #tpu.memory_space<hbm>>) dst(%arg21 : memref<80xi32, #tpu.memory_space<vmem>>)
      "tpu.region"() ({
        %run_scoped3A = tpu.sem_alloc : memref<!tpu.dma_semaphore, #tpu.memory_space<semaphore_mem>>
        %dma_start3A_567 = arith.constant 0 : i32
        %dma_start3A_568 = arith.constant 0 : i32
        %dma_start3A_569 = tpu.memref_slice %arg27[%dma_start3A_567, %dma_start3A_568] : memref<10000x128xf32, #tpu.memory_space<vmem_shared>> -> memref<10000x128xf32, #tpu.memory_space<vmem_shared>>
        tpu.enqueue_indirect_dma source(%arg25 : memref<80x128xf32, #tpu.memory_space<vmem>>) target(%dma_start3A_569 : memref<10000x128xf32, #tpu.memory_space<vmem_shared>>) offsets(%arg21 : memref<80xi32, #tpu.memory_space<vmem>>) semaphore(%run_scoped3A : memref<!tpu.dma_semaphore, #tpu.memory_space<semaphore_mem>>) {add = true}
        %dma_wait3A_570 = arith.constant 0 : i32
        %dma_wait3A_571 = arith.constant 0 : i32
        %dma_wait3A_572 = tpu.memref_slice %arg27[%dma_wait3A_570, %dma_wait3A_571] : memref<10000x128xf32, #tpu.memory_space<vmem_shared>> -> memref<10000x128xf32, #tpu.memory_space<vmem_shared>>
        tpu.wait_indirect_dma semaphore(%run_scoped3A : memref<!tpu.dma_semaphore, #tpu.memory_space<semaphore_mem>>) src(%arg25 : memref<80x128xf32, #tpu.memory_space<vmem>>) dst(%dma_wait3A_572 : memref<10000x128xf32, #tpu.memory_space<vmem_shared>>)
        tpu.yield
      }) : () -> ()
      %add3A_493 = arith.constant 4 : i32
      %add3A_494 = arith.addi %add3A_482, %add3A_493 : i32
      %sub3A_495 = arith.constant 1 : i32
      %sub3A_496 = arith.subi %add3A_494, %sub3A_495 : i32
      %add3A_497 = arith.addi %mul3A_2, %sub3A_496 : i32
      %dma_wait3A_498 = arith.constant 0 : i32
      %dma_wait3A_499 = tpu.memref_slice %arg3[%add3A_497, %dma_wait3A_498] : memref<4000x80xi32, #tpu.memory_space<hbm>> -> memref<1x80xi32, #tpu.memory_space<hbm>>
      %dma_wait3A_500 = tpu.memref_squeeze %dma_wait3A_499 : memref<1x80xi32, #tpu.memory_space<hbm>> -> memref<80xi32, #tpu.memory_space<hbm>>
      %dma_wait3A_501 = arith.constant 0 : i32
      %dma_wait3A_502 = tpu.memref_slice %arg3[%add3A_497, %dma_wait3A_501] : memref<4000x80xi32, #tpu.memory_space<hbm>> -> memref<1x80xi32, #tpu.memory_space<hbm>>
      %dma_wait3A_503 = tpu.memref_squeeze %dma_wait3A_502 : memref<1x80xi32, #tpu.memory_space<hbm>> -> memref<80xi32, #tpu.memory_space<hbm>>
      tpu.wait_dma2 semaphore(%arg29 : memref<!tpu.dma_semaphore, #tpu.memory_space<semaphore_mem>>) src(%dma_wait3A_503 : memref<80xi32, #tpu.memory_space<hbm>>) dst(%arg8 : memref<80xi32, #tpu.memory_space<vmem>>)
      %dma_start3A_504 = arith.constant 0 : i32
      %dma_start3A_505 = arith.constant 0 : i32
      %dma_start3A_506 = tpu.memref_slice %arg2[%dma_start3A_504, %dma_start3A_505] : memref<10000x128xf32, #tpu.memory_space<hbm>> -> memref<10000x128xf32, #tpu.memory_space<hbm>>
      tpu.enqueue_indirect_dma source(%dma_start3A_506 : memref<10000x128xf32, #tpu.memory_space<hbm>>) target(%arg24 : memref<80x128xf32, #tpu.memory_space<vmem>>) offsets(%arg8 : memref<80xi32, #tpu.memory_space<vmem>>) semaphore(%arg45 : memref<!tpu.dma_semaphore, #tpu.memory_space<semaphore_mem>>)
      %add3A_507 = arith.constant 4 : i32
      %add3A_508 = arith.addi %add3A_482, %add3A_507 : i32
      %add3A_509 = arith.addi %mul3A_2, %add3A_508 : i32
      %dma_start3A_510 = arith.constant 0 : i32
      %dma_start3A_511 = tpu.memref_slice %arg3[%add3A_509, %dma_start3A_510] : memref<4000x80xi32, #tpu.memory_space<hbm>> -> memref<1x80xi32, #tpu.memory_space<hbm>>
      %dma_start3A_512 = tpu.memref_squeeze %dma_start3A_511 : memref<1x80xi32, #tpu.memory_space<hbm>> -> memref<80xi32, #tpu.memory_space<hbm>>
      %dma_start3A_513 = arith.constant 0 : i32
      %dma_start3A_514 = tpu.memref_slice %arg3[%add3A_509, %dma_start3A_513] : memref<4000x80xi32, #tpu.memory_space<hbm>> -> memref<1x80xi32, #tpu.memory_space<hbm>>
      %dma_start3A_515 = tpu.memref_squeeze %dma_start3A_514 : memref<1x80xi32, #tpu.memory_space<hbm>> -> memref<80xi32, #tpu.memory_space<hbm>>
      tpu.enqueue_dma source(%dma_start3A_515 : memref<80xi32, #tpu.memory_space<hbm>>) target(%arg9 : memref<80xi32, #tpu.memory_space<vmem>>) target_semaphore(%arg30 : memref<!tpu.dma_semaphore, #tpu.memory_space<semaphore_mem>>)
      %add3A_516 = arith.addi %mul3A_2, %add3A_508 : i32
      %dma_start3A_517 = arith.constant 0 : i32
      %dma_start3A_518 = tpu.memref_slice %arg4[%add3A_516, %dma_start3A_517] : memref<4000x80xi32, #tpu.memory_space<hbm>> -> memref<1x80xi32, #tpu.memory_space<hbm>>
      %dma_start3A_519 = tpu.memref_squeeze %dma_start3A_518 : memref<1x80xi32, #tpu.memory_space<hbm>> -> memref<80xi32, #tpu.memory_space<hbm>>
      %dma_start3A_520 = arith.constant 0 : i32
      %dma_start3A_521 = tpu.memref_slice %arg4[%add3A_516, %dma_start3A_520] : memref<4000x80xi32, #tpu.memory_space<hbm>> -> memref<1x80xi32, #tpu.memory_space<hbm>>
      %dma_start3A_522 = tpu.memref_squeeze %dma_start3A_521 : memref<1x80xi32, #tpu.memory_space<hbm>> -> memref<80xi32, #tpu.memory_space<hbm>>
      tpu.enqueue_dma source(%dma_start3A_522 : memref<80xi32, #tpu.memory_space<hbm>>) target(%arg17 : memref<80xi32, #tpu.memory_space<vmem>>) target_semaphore(%arg38 : memref<!tpu.dma_semaphore, #tpu.memory_space<semaphore_mem>>)
      %mul3A_523 = arith.constant 8 : i32
      %mul3A_524 = arith.muli %scan3A_215, %mul3A_523 : i32
      %add3A_525 = arith.constant 7 : i32
      %add3A_526 = arith.addi %mul3A_524, %add3A_525 : i32
      %dma_wait3A_527 = arith.constant 0 : i32
      %dma_wait3A_528 = arith.constant 0 : i32
      %dma_wait3A_529 = tpu.memref_slice %arg2[%dma_wait3A_527, %dma_wait3A_528] : memref<10000x128xf32, #tpu.memory_space<hbm>> -> memref<10000x128xf32, #tpu.memory_space<hbm>>
      tpu.wait_indirect_dma semaphore(%arg47 : memref<!tpu.dma_semaphore, #tpu.memory_space<semaphore_mem>>) src(%dma_wait3A_529 : memref<10000x128xf32, #tpu.memory_space<hbm>>) dst(%arg26 : memref<80x128xf32, #tpu.memory_space<vmem>>)
      %add3A_530 = arith.addi %mul3A_2, %add3A_526 : i32
      %dma_wait3A_531 = arith.constant 0 : i32
      %dma_wait3A_532 = tpu.memref_slice %arg4[%add3A_530, %dma_wait3A_531] : memref<4000x80xi32, #tpu.memory_space<hbm>> -> memref<1x80xi32, #tpu.memory_space<hbm>>
      %dma_wait3A_533 = tpu.memref_squeeze %dma_wait3A_532 : memref<1x80xi32, #tpu.memory_space<hbm>> -> memref<80xi32, #tpu.memory_space<hbm>>
      %dma_wait3A_534 = arith.constant 0 : i32
      %dma_wait3A_535 = tpu.memref_slice %arg4[%add3A_530, %dma_wait3A_534] : memref<4000x80xi32, #tpu.memory_space<hbm>> -> memref<1x80xi32, #tpu.memory_space<hbm>>
      %dma_wait3A_536 = tpu.memref_squeeze %dma_wait3A_535 : memref<1x80xi32, #tpu.memory_space<hbm>> -> memref<80xi32, #tpu.memory_space<hbm>>
      tpu.wait_dma2 semaphore(%arg43 : memref<!tpu.dma_semaphore, #tpu.memory_space<semaphore_mem>>) src(%dma_wait3A_536 : memref<80xi32, #tpu.memory_space<hbm>>) dst(%arg22 : memref<80xi32, #tpu.memory_space<vmem>>)
      "tpu.region"() ({
        %run_scoped3A = tpu.sem_alloc : memref<!tpu.dma_semaphore, #tpu.memory_space<semaphore_mem>>
        %dma_start3A_567 = arith.constant 0 : i32
        %dma_start3A_568 = arith.constant 0 : i32
        %dma_start3A_569 = tpu.memref_slice %arg27[%dma_start3A_567, %dma_start3A_568] : memref<10000x128xf32, #tpu.memory_space<vmem_shared>> -> memref<10000x128xf32, #tpu.memory_space<vmem_shared>>
        tpu.enqueue_indirect_dma source(%arg26 : memref<80x128xf32, #tpu.memory_space<vmem>>) target(%dma_start3A_569 : memref<10000x128xf32, #tpu.memory_space<vmem_shared>>) offsets(%arg22 : memref<80xi32, #tpu.memory_space<vmem>>) semaphore(%run_scoped3A : memref<!tpu.dma_semaphore, #tpu.memory_space<semaphore_mem>>) {add = true}
        %dma_wait3A_570 = arith.constant 0 : i32
        %dma_wait3A_571 = arith.constant 0 : i32
        %dma_wait3A_572 = tpu.memref_slice %arg27[%dma_wait3A_570, %dma_wait3A_571] : memref<10000x128xf32, #tpu.memory_space<vmem_shared>> -> memref<10000x128xf32, #tpu.memory_space<vmem_shared>>
        tpu.wait_indirect_dma semaphore(%run_scoped3A : memref<!tpu.dma_semaphore, #tpu.memory_space<semaphore_mem>>) src(%arg26 : memref<80x128xf32, #tpu.memory_space<vmem>>) dst(%dma_wait3A_572 : memref<10000x128xf32, #tpu.memory_space<vmem_shared>>)
        tpu.yield
      }) : () -> ()
      %add3A_537 = arith.constant 4 : i32
      %add3A_538 = arith.addi %add3A_526, %add3A_537 : i32
      %sub3A_539 = arith.constant 1 : i32
      %sub3A_540 = arith.subi %add3A_538, %sub3A_539 : i32
      %add3A_541 = arith.addi %mul3A_2, %sub3A_540 : i32
      %dma_wait3A_542 = arith.constant 0 : i32
      %dma_wait3A_543 = tpu.memref_slice %arg3[%add3A_541, %dma_wait3A_542] : memref<4000x80xi32, #tpu.memory_space<hbm>> -> memref<1x80xi32, #tpu.memory_space<hbm>>
      %dma_wait3A_544 = tpu.memref_squeeze %dma_wait3A_543 : memref<1x80xi32, #tpu.memory_space<hbm>> -> memref<80xi32, #tpu.memory_space<hbm>>
      %dma_wait3A_545 = arith.constant 0 : i32
      %dma_wait3A_546 = tpu.memref_slice %arg3[%add3A_541, %dma_wait3A_545] : memref<4000x80xi32, #tpu.memory_space<hbm>> -> memref<1x80xi32, #tpu.memory_space<hbm>>
      %dma_wait3A_547 = tpu.memref_squeeze %dma_wait3A_546 : memref<1x80xi32, #tpu.memory_space<hbm>> -> memref<80xi32, #tpu.memory_space<hbm>>
      tpu.wait_dma2 semaphore(%arg30 : memref<!tpu.dma_semaphore, #tpu.memory_space<semaphore_mem>>) src(%dma_wait3A_547 : memref<80xi32, #tpu.memory_space<hbm>>) dst(%arg9 : memref<80xi32, #tpu.memory_space<vmem>>)
      %dma_start3A_548 = arith.constant 0 : i32
      %dma_start3A_549 = arith.constant 0 : i32
      %dma_start3A_550 = tpu.memref_slice %arg2[%dma_start3A_548, %dma_start3A_549] : memref<10000x128xf32, #tpu.memory_space<hbm>> -> memref<10000x128xf32, #tpu.memory_space<hbm>>
      tpu.enqueue_indirect_dma source(%dma_start3A_550 : memref<10000x128xf32, #tpu.memory_space<hbm>>) target(%arg25 : memref<80x128xf32, #tpu.memory_space<vmem>>) offsets(%arg9 : memref<80xi32, #tpu.memory_space<vmem>>) semaphore(%arg46 : memref<!tpu.dma_semaphore, #tpu.memory_space<semaphore_mem>>)
      %add3A_551 = arith.constant 4 : i32
      %add3A_552 = arith.addi %add3A_526, %add3A_551 : i32
      %add3A_553 = arith.addi %mul3A_2, %add3A_552 : i32
      %dma_start3A_554 = arith.constant 0 : i32
      %dma_start3A_555 = tpu.memref_slice %arg3[%add3A_553, %dma_start3A_554] : memref<4000x80xi32, #tpu.memory_space<hbm>> -> memref<1x80xi32, #tpu.memory_space<hbm>>
      %dma_start3A_556 = tpu.memref_squeeze %dma_start3A_555 : memref<1x80xi32, #tpu.memory_space<hbm>> -> memref<80xi32, #tpu.memory_space<hbm>>
      %dma_start3A_557 = arith.constant 0 : i32
      %dma_start3A_558 = tpu.memref_slice %arg3[%add3A_553, %dma_start3A_557] : memref<4000x80xi32, #tpu.memory_space<hbm>> -> memref<1x80xi32, #tpu.memory_space<hbm>>
      %dma_start3A_559 = tpu.memref_squeeze %dma_start3A_558 : memref<1x80xi32, #tpu.memory_space<hbm>> -> memref<80xi32, #tpu.memory_space<hbm>>
      tpu.enqueue_dma source(%dma_start3A_559 : memref<80xi32, #tpu.memory_space<hbm>>) target(%arg10 : memref<80xi32, #tpu.memory_space<vmem>>) target_semaphore(%arg31 : memref<!tpu.dma_semaphore, #tpu.memory_space<semaphore_mem>>)
      %add3A_560 = arith.addi %mul3A_2, %add3A_552 : i32
      %dma_start3A_561 = arith.constant 0 : i32
      %dma_start3A_562 = tpu.memref_slice %arg4[%add3A_560, %dma_start3A_561] : memref<4000x80xi32, #tpu.memory_space<hbm>> -> memref<1x80xi32, #tpu.memory_space<hbm>>
      %dma_start3A_563 = tpu.memref_squeeze %dma_start3A_562 : memref<1x80xi32, #tpu.memory_space<hbm>> -> memref<80xi32, #tpu.memory_space<hbm>>
      %dma_start3A_564 = arith.constant 0 : i32
      %dma_start3A_565 = tpu.memref_slice %arg4[%add3A_560, %dma_start3A_564] : memref<4000x80xi32, #tpu.memory_space<hbm>> -> memref<1x80xi32, #tpu.memory_space<hbm>>
      %dma_start3A_566 = tpu.memref_squeeze %dma_start3A_565 : memref<1x80xi32, #tpu.memory_space<hbm>> -> memref<80xi32, #tpu.memory_space<hbm>>
      tpu.enqueue_dma source(%dma_start3A_566 : memref<80xi32, #tpu.memory_space<hbm>>) target(%arg18 : memref<80xi32, #tpu.memory_space<vmem>>) target_semaphore(%arg39 : memref<!tpu.dma_semaphore, #tpu.memory_space<semaphore_mem>>)
    }
    %scan3A_110 = arith.constant 15 : i32
    %dma_wait3A_111 = arith.constant 0 : i32
    %dma_wait3A_112 = arith.constant 0 : i32
    %dma_wait3A_113 = tpu.memref_slice %arg2[%dma_wait3A_111, %dma_wait3A_112] : memref<10000x128xf32, #tpu.memory_space<hbm>> -> memref<10000x128xf32, #tpu.memory_space<hbm>>
    tpu.wait_indirect_dma semaphore(%arg44 : memref<!tpu.dma_semaphore, #tpu.memory_space<semaphore_mem>>) src(%dma_wait3A_113 : memref<10000x128xf32, #tpu.memory_space<hbm>>) dst(%arg23 : memref<80x128xf32, #tpu.memory_space<vmem>>)
    %add3A_114 = arith.constant 120 : i32
    %add3A_115 = arith.addi %mul3A_2, %add3A_114 : i32
    %dma_wait3A_116 = arith.constant 0 : i32
    %dma_wait3A_117 = tpu.memref_slice %arg4[%add3A_115, %dma_wait3A_116] : memref<4000x80xi32, #tpu.memory_space<hbm>> -> memref<1x80xi32, #tpu.memory_space<hbm>>
    %dma_wait3A_118 = tpu.memref_squeeze %dma_wait3A_117 : memref<1x80xi32, #tpu.memory_space<hbm>> -> memref<80xi32, #tpu.memory_space<hbm>>
    %dma_wait3A_119 = arith.constant 0 : i32
    %dma_wait3A_120 = tpu.memref_slice %arg4[%add3A_115, %dma_wait3A_119] : memref<4000x80xi32, #tpu.memory_space<hbm>> -> memref<1x80xi32, #tpu.memory_space<hbm>>
    %dma_wait3A_121 = tpu.memref_squeeze %dma_wait3A_120 : memref<1x80xi32, #tpu.memory_space<hbm>> -> memref<80xi32, #tpu.memory_space<hbm>>
    tpu.wait_dma2 semaphore(%arg36 : memref<!tpu.dma_semaphore, #tpu.memory_space<semaphore_mem>>) src(%dma_wait3A_121 : memref<80xi32, #tpu.memory_space<hbm>>) dst(%arg15 : memref<80xi32, #tpu.memory_space<vmem>>)
    "tpu.region"() ({
      %run_scoped3A = tpu.sem_alloc : memref<!tpu.dma_semaphore, #tpu.memory_space<semaphore_mem>>
      %dma_start3A_215 = arith.constant 0 : i32
      %dma_start3A_216 = arith.constant 0 : i32
      %dma_start3A_217 = tpu.memref_slice %arg27[%dma_start3A_215, %dma_start3A_216] : memref<10000x128xf32, #tpu.memory_space<vmem_shared>> -> memref<10000x128xf32, #tpu.memory_space<vmem_shared>>
      tpu.enqueue_indirect_dma source(%arg23 : memref<80x128xf32, #tpu.memory_space<vmem>>) target(%dma_start3A_217 : memref<10000x128xf32, #tpu.memory_space<vmem_shared>>) offsets(%arg15 : memref<80xi32, #tpu.memory_space<vmem>>) semaphore(%run_scoped3A : memref<!tpu.dma_semaphore, #tpu.memory_space<semaphore_mem>>) {add = true}
      %dma_wait3A_218 = arith.constant 0 : i32
      %dma_wait3A_219 = arith.constant 0 : i32
      %dma_wait3A_220 = tpu.memref_slice %arg27[%dma_wait3A_218, %dma_wait3A_219] : memref<10000x128xf32, #tpu.memory_space<vmem_shared>> -> memref<10000x128xf32, #tpu.memory_space<vmem_shared>>
      tpu.wait_indirect_dma semaphore(%run_scoped3A : memref<!tpu.dma_semaphore, #tpu.memory_space<semaphore_mem>>) src(%arg23 : memref<80x128xf32, #tpu.memory_space<vmem>>) dst(%dma_wait3A_220 : memref<10000x128xf32, #tpu.memory_space<vmem_shared>>)
      tpu.yield
    }) : () -> ()
    %add3A_122 = arith.constant 123 : i32
    %add3A_123 = arith.addi %mul3A_2, %add3A_122 : i32
    %dma_wait3A_124 = arith.constant 0 : i32
    %dma_wait3A_125 = tpu.memref_slice %arg3[%add3A_123, %dma_wait3A_124] : memref<4000x80xi32, #tpu.memory_space<hbm>> -> memref<1x80xi32, #tpu.memory_space<hbm>>
    %dma_wait3A_126 = tpu.memref_squeeze %dma_wait3A_125 : memref<1x80xi32, #tpu.memory_space<hbm>> -> memref<80xi32, #tpu.memory_space<hbm>>
    %dma_wait3A_127 = arith.constant 0 : i32
    %dma_wait3A_128 = tpu.memref_slice %arg3[%add3A_123, %dma_wait3A_127] : memref<4000x80xi32, #tpu.memory_space<hbm>> -> memref<1x80xi32, #tpu.memory_space<hbm>>
    %dma_wait3A_129 = tpu.memref_squeeze %dma_wait3A_128 : memref<1x80xi32, #tpu.memory_space<hbm>> -> memref<80xi32, #tpu.memory_space<hbm>>
    tpu.wait_dma2 semaphore(%arg31 : memref<!tpu.dma_semaphore, #tpu.memory_space<semaphore_mem>>) src(%dma_wait3A_129 : memref<80xi32, #tpu.memory_space<hbm>>) dst(%arg10 : memref<80xi32, #tpu.memory_space<vmem>>)
    %dma_start3A_130 = arith.constant 0 : i32
    %dma_start3A_131 = arith.constant 0 : i32
    %dma_start3A_132 = tpu.memref_slice %arg2[%dma_start3A_130, %dma_start3A_131] : memref<10000x128xf32, #tpu.memory_space<hbm>> -> memref<10000x128xf32, #tpu.memory_space<hbm>>
    tpu.enqueue_indirect_dma source(%dma_start3A_132 : memref<10000x128xf32, #tpu.memory_space<hbm>>) target(%arg26 : memref<80x128xf32, #tpu.memory_space<vmem>>) offsets(%arg10 : memref<80xi32, #tpu.memory_space<vmem>>) semaphore(%arg47 : memref<!tpu.dma_semaphore, #tpu.memory_space<semaphore_mem>>)
    %add3A_133 = arith.constant 124 : i32
    %add3A_134 = arith.addi %mul3A_2, %add3A_133 : i32
    %dma_start3A_135 = arith.constant 0 : i32
    %dma_start3A_136 = tpu.memref_slice %arg3[%add3A_134, %dma_start3A_135] : memref<4000x80xi32, #tpu.memory_space<hbm>> -> memref<1x80xi32, #tpu.memory_space<hbm>>
    %dma_start3A_137 = tpu.memref_squeeze %dma_start3A_136 : memref<1x80xi32, #tpu.memory_space<hbm>> -> memref<80xi32, #tpu.memory_space<hbm>>
    %dma_start3A_138 = arith.constant 0 : i32
    %dma_start3A_139 = tpu.memref_slice %arg3[%add3A_134, %dma_start3A_138] : memref<4000x80xi32, #tpu.memory_space<hbm>> -> memref<1x80xi32, #tpu.memory_space<hbm>>
    %dma_start3A_140 = tpu.memref_squeeze %dma_start3A_139 : memref<1x80xi32, #tpu.memory_space<hbm>> -> memref<80xi32, #tpu.memory_space<hbm>>
    tpu.enqueue_dma source(%dma_start3A_140 : memref<80xi32, #tpu.memory_space<hbm>>) target(%arg11 : memref<80xi32, #tpu.memory_space<vmem>>) target_semaphore(%arg32 : memref<!tpu.dma_semaphore, #tpu.memory_space<semaphore_mem>>)
    %add3A_141 = arith.constant 124 : i32
    %add3A_142 = arith.addi %mul3A_2, %add3A_141 : i32
    %dma_start3A_143 = arith.constant 0 : i32
    %dma_start3A_144 = tpu.memref_slice %arg4[%add3A_142, %dma_start3A_143] : memref<4000x80xi32, #tpu.memory_space<hbm>> -> memref<1x80xi32, #tpu.memory_space<hbm>>
    %dma_start3A_145 = tpu.memref_squeeze %dma_start3A_144 : memref<1x80xi32, #tpu.memory_space<hbm>> -> memref<80xi32, #tpu.memory_space<hbm>>
    %dma_start3A_146 = arith.constant 0 : i32
    %dma_start3A_147 = tpu.memref_slice %arg4[%add3A_142, %dma_start3A_146] : memref<4000x80xi32, #tpu.memory_space<hbm>> -> memref<1x80xi32, #tpu.memory_space<hbm>>
    %dma_start3A_148 = tpu.memref_squeeze %dma_start3A_147 : memref<1x80xi32, #tpu.memory_space<hbm>> -> memref<80xi32, #tpu.memory_space<hbm>>
    tpu.enqueue_dma source(%dma_start3A_148 : memref<80xi32, #tpu.memory_space<hbm>>) target(%arg19 : memref<80xi32, #tpu.memory_space<vmem>>) target_semaphore(%arg40 : memref<!tpu.dma_semaphore, #tpu.memory_space<semaphore_mem>>)
    %dma_wait3A_149 = arith.constant 0 : i32
    %dma_wait3A_150 = arith.constant 0 : i32
    %dma_wait3A_151 = tpu.memref_slice %arg2[%dma_wait3A_149, %dma_wait3A_150] : memref<10000x128xf32, #tpu.memory_space<hbm>> -> memref<10000x128xf32, #tpu.memory_space<hbm>>
    tpu.wait_indirect_dma semaphore(%arg45 : memref<!tpu.dma_semaphore, #tpu.memory_space<semaphore_mem>>) src(%dma_wait3A_151 : memref<10000x128xf32, #tpu.memory_space<hbm>>) dst(%arg24 : memref<80x128xf32, #tpu.memory_space<vmem>>)
    %add3A_152 = arith.constant 121 : i32
    %add3A_153 = arith.addi %mul3A_2, %add3A_152 : i32
    %dma_wait3A_154 = arith.constant 0 : i32
    %dma_wait3A_155 = tpu.memref_slice %arg4[%add3A_153, %dma_wait3A_154] : memref<4000x80xi32, #tpu.memory_space<hbm>> -> memref<1x80xi32, #tpu.memory_space<hbm>>
    %dma_wait3A_156 = tpu.memref_squeeze %dma_wait3A_155 : memref<1x80xi32, #tpu.memory_space<hbm>> -> memref<80xi32, #tpu.memory_space<hbm>>
    %dma_wait3A_157 = arith.constant 0 : i32
    %dma_wait3A_158 = tpu.memref_slice %arg4[%add3A_153, %dma_wait3A_157] : memref<4000x80xi32, #tpu.memory_space<hbm>> -> memref<1x80xi32, #tpu.memory_space<hbm>>
    %dma_wait3A_159 = tpu.memref_squeeze %dma_wait3A_158 : memref<1x80xi32, #tpu.memory_space<hbm>> -> memref<80xi32, #tpu.memory_space<hbm>>
    tpu.wait_dma2 semaphore(%arg37 : memref<!tpu.dma_semaphore, #tpu.memory_space<semaphore_mem>>) src(%dma_wait3A_159 : memref<80xi32, #tpu.memory_space<hbm>>) dst(%arg16 : memref<80xi32, #tpu.memory_space<vmem>>)
    "tpu.region"() ({
      %run_scoped3A = tpu.sem_alloc : memref<!tpu.dma_semaphore, #tpu.memory_space<semaphore_mem>>
      %dma_start3A_215 = arith.constant 0 : i32
      %dma_start3A_216 = arith.constant 0 : i32
      %dma_start3A_217 = tpu.memref_slice %arg27[%dma_start3A_215, %dma_start3A_216] : memref<10000x128xf32, #tpu.memory_space<vmem_shared>> -> memref<10000x128xf32, #tpu.memory_space<vmem_shared>>
      tpu.enqueue_indirect_dma source(%arg24 : memref<80x128xf32, #tpu.memory_space<vmem>>) target(%dma_start3A_217 : memref<10000x128xf32, #tpu.memory_space<vmem_shared>>) offsets(%arg16 : memref<80xi32, #tpu.memory_space<vmem>>) semaphore(%run_scoped3A : memref<!tpu.dma_semaphore, #tpu.memory_space<semaphore_mem>>) {add = true}
      %dma_wait3A_218 = arith.constant 0 : i32
      %dma_wait3A_219 = arith.constant 0 : i32
      %dma_wait3A_220 = tpu.memref_slice %arg27[%dma_wait3A_218, %dma_wait3A_219] : memref<10000x128xf32, #tpu.memory_space<vmem_shared>> -> memref<10000x128xf32, #tpu.memory_space<vmem_shared>>
      tpu.wait_indirect_dma semaphore(%run_scoped3A : memref<!tpu.dma_semaphore, #tpu.memory_space<semaphore_mem>>) src(%arg24 : memref<80x128xf32, #tpu.memory_space<vmem>>) dst(%dma_wait3A_220 : memref<10000x128xf32, #tpu.memory_space<vmem_shared>>)
      tpu.yield
    }) : () -> ()
    %add3A_160 = arith.constant 124 : i32
    %add3A_161 = arith.addi %mul3A_2, %add3A_160 : i32
    %dma_wait3A_162 = arith.constant 0 : i32
    %dma_wait3A_163 = tpu.memref_slice %arg3[%add3A_161, %dma_wait3A_162] : memref<4000x80xi32, #tpu.memory_space<hbm>> -> memref<1x80xi32, #tpu.memory_space<hbm>>
    %dma_wait3A_164 = tpu.memref_squeeze %dma_wait3A_163 : memref<1x80xi32, #tpu.memory_space<hbm>> -> memref<80xi32, #tpu.memory_space<hbm>>
    %dma_wait3A_165 = arith.constant 0 : i32
    %dma_wait3A_166 = tpu.memref_slice %arg3[%add3A_161, %dma_wait3A_165] : memref<4000x80xi32, #tpu.memory_space<hbm>> -> memref<1x80xi32, #tpu.memory_space<hbm>>
    %dma_wait3A_167 = tpu.memref_squeeze %dma_wait3A_166 : memref<1x80xi32, #tpu.memory_space<hbm>> -> memref<80xi32, #tpu.memory_space<hbm>>
    tpu.wait_dma2 semaphore(%arg32 : memref<!tpu.dma_semaphore, #tpu.memory_space<semaphore_mem>>) src(%dma_wait3A_167 : memref<80xi32, #tpu.memory_space<hbm>>) dst(%arg11 : memref<80xi32, #tpu.memory_space<vmem>>)
    %dma_start3A_168 = arith.constant 0 : i32
    %dma_start3A_169 = arith.constant 0 : i32
    %dma_start3A_170 = tpu.memref_slice %arg2[%dma_start3A_168, %dma_start3A_169] : memref<10000x128xf32, #tpu.memory_space<hbm>> -> memref<10000x128xf32, #tpu.memory_space<hbm>>
    tpu.enqueue_indirect_dma source(%dma_start3A_170 : memref<10000x128xf32, #tpu.memory_space<hbm>>) target(%arg23 : memref<80x128xf32, #tpu.memory_space<vmem>>) offsets(%arg11 : memref<80xi32, #tpu.memory_space<vmem>>) semaphore(%arg44 : memref<!tpu.dma_semaphore, #tpu.memory_space<semaphore_mem>>)
    %dma_wait3A_171 = arith.constant 0 : i32
    %dma_wait3A_172 = arith.constant 0 : i32
    %dma_wait3A_173 = tpu.memref_slice %arg2[%dma_wait3A_171, %dma_wait3A_172] : memref<10000x128xf32, #tpu.memory_space<hbm>> -> memref<10000x128xf32, #tpu.memory_space<hbm>>
    tpu.wait_indirect_dma semaphore(%arg46 : memref<!tpu.dma_semaphore, #tpu.memory_space<semaphore_mem>>) src(%dma_wait3A_173 : memref<10000x128xf32, #tpu.memory_space<hbm>>) dst(%arg25 : memref<80x128xf32, #tpu.memory_space<vmem>>)
    %add3A_174 = arith.constant 122 : i32
    %add3A_175 = arith.addi %mul3A_2, %add3A_174 : i32
    %dma_wait3A_176 = arith.constant 0 : i32
    %dma_wait3A_177 = tpu.memref_slice %arg4[%add3A_175, %dma_wait3A_176] : memref<4000x80xi32, #tpu.memory_space<hbm>> -> memref<1x80xi32, #tpu.memory_space<hbm>>
    %dma_wait3A_178 = tpu.memref_squeeze %dma_wait3A_177 : memref<1x80xi32, #tpu.memory_space<hbm>> -> memref<80xi32, #tpu.memory_space<hbm>>
    %dma_wait3A_179 = arith.constant 0 : i32
    %dma_wait3A_180 = tpu.memref_slice %arg4[%add3A_175, %dma_wait3A_179] : memref<4000x80xi32, #tpu.memory_space<hbm>> -> memref<1x80xi32, #tpu.memory_space<hbm>>
    %dma_wait3A_181 = tpu.memref_squeeze %dma_wait3A_180 : memref<1x80xi32, #tpu.memory_space<hbm>> -> memref<80xi32, #tpu.memory_space<hbm>>
    tpu.wait_dma2 semaphore(%arg38 : memref<!tpu.dma_semaphore, #tpu.memory_space<semaphore_mem>>) src(%dma_wait3A_181 : memref<80xi32, #tpu.memory_space<hbm>>) dst(%arg17 : memref<80xi32, #tpu.memory_space<vmem>>)
    "tpu.region"() ({
      %run_scoped3A = tpu.sem_alloc : memref<!tpu.dma_semaphore, #tpu.memory_space<semaphore_mem>>
      %dma_start3A_215 = arith.constant 0 : i32
      %dma_start3A_216 = arith.constant 0 : i32
      %dma_start3A_217 = tpu.memref_slice %arg27[%dma_start3A_215, %dma_start3A_216] : memref<10000x128xf32, #tpu.memory_space<vmem_shared>> -> memref<10000x128xf32, #tpu.memory_space<vmem_shared>>
      tpu.enqueue_indirect_dma source(%arg25 : memref<80x128xf32, #tpu.memory_space<vmem>>) target(%dma_start3A_217 : memref<10000x128xf32, #tpu.memory_space<vmem_shared>>) offsets(%arg17 : memref<80xi32, #tpu.memory_space<vmem>>) semaphore(%run_scoped3A : memref<!tpu.dma_semaphore, #tpu.memory_space<semaphore_mem>>) {add = true}
      %dma_wait3A_218 = arith.constant 0 : i32
      %dma_wait3A_219 = arith.constant 0 : i32
      %dma_wait3A_220 = tpu.memref_slice %arg27[%dma_wait3A_218, %dma_wait3A_219] : memref<10000x128xf32, #tpu.memory_space<vmem_shared>> -> memref<10000x128xf32, #tpu.memory_space<vmem_shared>>
      tpu.wait_indirect_dma semaphore(%run_scoped3A : memref<!tpu.dma_semaphore, #tpu.memory_space<semaphore_mem>>) src(%arg25 : memref<80x128xf32, #tpu.memory_space<vmem>>) dst(%dma_wait3A_220 : memref<10000x128xf32, #tpu.memory_space<vmem_shared>>)
      tpu.yield
    }) : () -> ()
    %dma_wait3A_182 = arith.constant 0 : i32
    %dma_wait3A_183 = arith.constant 0 : i32
    %dma_wait3A_184 = tpu.memref_slice %arg2[%dma_wait3A_182, %dma_wait3A_183] : memref<10000x128xf32, #tpu.memory_space<hbm>> -> memref<10000x128xf32, #tpu.memory_space<hbm>>
    tpu.wait_indirect_dma semaphore(%arg47 : memref<!tpu.dma_semaphore, #tpu.memory_space<semaphore_mem>>) src(%dma_wait3A_184 : memref<10000x128xf32, #tpu.memory_space<hbm>>) dst(%arg26 : memref<80x128xf32, #tpu.memory_space<vmem>>)
    %add3A_185 = arith.constant 123 : i32
    %add3A_186 = arith.addi %mul3A_2, %add3A_185 : i32
    %dma_wait3A_187 = arith.constant 0 : i32
    %dma_wait3A_188 = tpu.memref_slice %arg4[%add3A_186, %dma_wait3A_187] : memref<4000x80xi32, #tpu.memory_space<hbm>> -> memref<1x80xi32, #tpu.memory_space<hbm>>
    %dma_wait3A_189 = tpu.memref_squeeze %dma_wait3A_188 : memref<1x80xi32, #tpu.memory_space<hbm>> -> memref<80xi32, #tpu.memory_space<hbm>>
    %dma_wait3A_190 = arith.constant 0 : i32
    %dma_wait3A_191 = tpu.memref_slice %arg4[%add3A_186, %dma_wait3A_190] : memref<4000x80xi32, #tpu.memory_space<hbm>> -> memref<1x80xi32, #tpu.memory_space<hbm>>
    %dma_wait3A_192 = tpu.memref_squeeze %dma_wait3A_191 : memref<1x80xi32, #tpu.memory_space<hbm>> -> memref<80xi32, #tpu.memory_space<hbm>>
    tpu.wait_dma2 semaphore(%arg39 : memref<!tpu.dma_semaphore, #tpu.memory_space<semaphore_mem>>) src(%dma_wait3A_192 : memref<80xi32, #tpu.memory_space<hbm>>) dst(%arg18 : memref<80xi32, #tpu.memory_space<vmem>>)
    "tpu.region"() ({
      %run_scoped3A = tpu.sem_alloc : memref<!tpu.dma_semaphore, #tpu.memory_space<semaphore_mem>>
      %dma_start3A_215 = arith.constant 0 : i32
      %dma_start3A_216 = arith.constant 0 : i32
      %dma_start3A_217 = tpu.memref_slice %arg27[%dma_start3A_215, %dma_start3A_216] : memref<10000x128xf32, #tpu.memory_space<vmem_shared>> -> memref<10000x128xf32, #tpu.memory_space<vmem_shared>>
      tpu.enqueue_indirect_dma source(%arg26 : memref<80x128xf32, #tpu.memory_space<vmem>>) target(%dma_start3A_217 : memref<10000x128xf32, #tpu.memory_space<vmem_shared>>) offsets(%arg18 : memref<80xi32, #tpu.memory_space<vmem>>) semaphore(%run_scoped3A : memref<!tpu.dma_semaphore, #tpu.memory_space<semaphore_mem>>) {add = true}
      %dma_wait3A_218 = arith.constant 0 : i32
      %dma_wait3A_219 = arith.constant 0 : i32
      %dma_wait3A_220 = tpu.memref_slice %arg27[%dma_wait3A_218, %dma_wait3A_219] : memref<10000x128xf32, #tpu.memory_space<vmem_shared>> -> memref<10000x128xf32, #tpu.memory_space<vmem_shared>>
      tpu.wait_indirect_dma semaphore(%run_scoped3A : memref<!tpu.dma_semaphore, #tpu.memory_space<semaphore_mem>>) src(%arg26 : memref<80x128xf32, #tpu.memory_space<vmem>>) dst(%dma_wait3A_220 : memref<10000x128xf32, #tpu.memory_space<vmem_shared>>)
      tpu.yield
    }) : () -> ()
    %dma_wait3A_193 = arith.constant 0 : i32
    %dma_wait3A_194 = arith.constant 0 : i32
    %dma_wait3A_195 = tpu.memref_slice %arg2[%dma_wait3A_193, %dma_wait3A_194] : memref<10000x128xf32, #tpu.memory_space<hbm>> -> memref<10000x128xf32, #tpu.memory_space<hbm>>
    tpu.wait_indirect_dma semaphore(%arg44 : memref<!tpu.dma_semaphore, #tpu.memory_space<semaphore_mem>>) src(%dma_wait3A_195 : memref<10000x128xf32, #tpu.memory_space<hbm>>) dst(%arg23 : memref<80x128xf32, #tpu.memory_space<vmem>>)
    %add3A_196 = arith.constant 124 : i32
    %add3A_197 = arith.addi %mul3A_2, %add3A_196 : i32
    %dma_wait3A_198 = arith.constant 0 : i32
    %dma_wait3A_199 = tpu.memref_slice %arg4[%add3A_197, %dma_wait3A_198] : memref<4000x80xi32, #tpu.memory_space<hbm>> -> memref<1x80xi32, #tpu.memory_space<hbm>>
    %dma_wait3A_200 = tpu.memref_squeeze %dma_wait3A_199 : memref<1x80xi32, #tpu.memory_space<hbm>> -> memref<80xi32, #tpu.memory_space<hbm>>
    %dma_wait3A_201 = arith.constant 0 : i32
    %dma_wait3A_202 = tpu.memref_slice %arg4[%add3A_197, %dma_wait3A_201] : memref<4000x80xi32, #tpu.memory_space<hbm>> -> memref<1x80xi32, #tpu.memory_space<hbm>>
    %dma_wait3A_203 = tpu.memref_squeeze %dma_wait3A_202 : memref<1x80xi32, #tpu.memory_space<hbm>> -> memref<80xi32, #tpu.memory_space<hbm>>
    tpu.wait_dma2 semaphore(%arg40 : memref<!tpu.dma_semaphore, #tpu.memory_space<semaphore_mem>>) src(%dma_wait3A_203 : memref<80xi32, #tpu.memory_space<hbm>>) dst(%arg19 : memref<80xi32, #tpu.memory_space<vmem>>)
    "tpu.region"() ({
      %run_scoped3A = tpu.sem_alloc : memref<!tpu.dma_semaphore, #tpu.memory_space<semaphore_mem>>
      %dma_start3A_215 = arith.constant 0 : i32
      %dma_start3A_216 = arith.constant 0 : i32
      %dma_start3A_217 = tpu.memref_slice %arg27[%dma_start3A_215, %dma_start3A_216] : memref<10000x128xf32, #tpu.memory_space<vmem_shared>> -> memref<10000x128xf32, #tpu.memory_space<vmem_shared>>
      tpu.enqueue_indirect_dma source(%arg23 : memref<80x128xf32, #tpu.memory_space<vmem>>) target(%dma_start3A_217 : memref<10000x128xf32, #tpu.memory_space<vmem_shared>>) offsets(%arg19 : memref<80xi32, #tpu.memory_space<vmem>>) semaphore(%run_scoped3A : memref<!tpu.dma_semaphore, #tpu.memory_space<semaphore_mem>>) {add = true}
      %dma_wait3A_218 = arith.constant 0 : i32
      %dma_wait3A_219 = arith.constant 0 : i32
      %dma_wait3A_220 = tpu.memref_slice %arg27[%dma_wait3A_218, %dma_wait3A_219] : memref<10000x128xf32, #tpu.memory_space<vmem_shared>> -> memref<10000x128xf32, #tpu.memory_space<vmem_shared>>
      tpu.wait_indirect_dma semaphore(%run_scoped3A : memref<!tpu.dma_semaphore, #tpu.memory_space<semaphore_mem>>) src(%arg23 : memref<80x128xf32, #tpu.memory_space<vmem>>) dst(%dma_wait3A_220 : memref<10000x128xf32, #tpu.memory_space<vmem_shared>>)
      tpu.yield
    }) : () -> ()
    %barrier3A_204 = arith.constant 0 : index
    tpu.barrier barrier_id(%barrier3A_204)
    %lt3A_205 = arith.constant 15 : i32
    %lt3A_206 = arith.cmpi slt, %arg1, %lt3A_205 : i32
    %convert_element_type3A_207 = arith.extui %lt3A_206 : i1 to i32
    %cond3A_208 = arith.constant 0 : i32
    %cond3A_209 = arith.cmpi ne, %convert_element_type3A_207, %cond3A_208 : i32
    scf.if %cond3A_209 {
      %mul3A_215 = arith.constant 10000 : i32
      %mul3A_216 = arith.muli %arg0, %mul3A_215 : i32
      %add3A_217 = arith.addi %mul3A_216, %mul3A_99 : i32
      "tpu.region"() ({
        %run_scoped3A = tpu.sem_alloc : memref<!tpu.dma_semaphore, #tpu.memory_space<semaphore_mem>>
        %dma_start3A_218 = arith.constant 0 : i32
        %dma_start3A_219 = tpu.memref_slice %arg6[%add3A_217, %dma_start3A_218] : memref<20000x128xf32, #tpu.memory_space<hbm>> -> memref<640x128xf32, #tpu.memory_space<hbm>>
        %dma_start3A_220 = arith.constant 0 : i32
        %dma_start3A_221 = tpu.memref_slice %arg27[%mul3A_99, %dma_start3A_220] : memref<10000x128xf32, #tpu.memory_space<vmem_shared>> -> memref<640x128xf32, #tpu.memory_space<vmem_shared>>
        tpu.enqueue_dma source(%dma_start3A_221 : memref<640x128xf32, #tpu.memory_space<vmem_shared>>) target(%dma_start3A_219 : memref<640x128xf32, #tpu.memory_space<hbm>>) target_semaphore(%run_scoped3A : memref<!tpu.dma_semaphore, #tpu.memory_space<semaphore_mem>>)
        %dma_wait3A_222 = arith.constant 0 : i32
        %dma_wait3A_223 = tpu.memref_slice %arg6[%add3A_217, %dma_wait3A_222] : memref<20000x128xf32, #tpu.memory_space<hbm>> -> memref<640x128xf32, #tpu.memory_space<hbm>>
        %dma_wait3A_224 = arith.constant 0 : i32
        %dma_wait3A_225 = tpu.memref_slice %arg27[%mul3A_99, %dma_wait3A_224] : memref<10000x128xf32, #tpu.memory_space<vmem_shared>> -> memref<640x128xf32, #tpu.memory_space<vmem_shared>>
        tpu.wait_dma2 semaphore(%run_scoped3A : memref<!tpu.dma_semaphore, #tpu.memory_space<semaphore_mem>>) src(%dma_wait3A_225 : memref<640x128xf32, #tpu.memory_space<vmem_shared>>) dst(%dma_wait3A_223 : memref<640x128xf32, #tpu.memory_space<hbm>>)
        tpu.yield
      }) : () -> ()
    } else {
    }
    %eq3A_210 = arith.constant 15 : i32
    %eq3A_211 = arith.cmpi eq, %arg1, %eq3A_210 : i32
    %convert_element_type3A_212 = arith.extui %eq3A_211 : i1 to i32
    %cond3A_213 = arith.constant 0 : i32
    %cond3A_214 = arith.cmpi ne, %convert_element_type3A_212, %cond3A_213 : i32
    scf.if %cond3A_214 {
      %mul3A_215 = arith.constant 10000 : i32
      %mul3A_216 = arith.muli %arg0, %mul3A_215 : i32
      %add3A_217 = arith.constant 9600 : i32
      %add3A_218 = arith.addi %mul3A_216, %add3A_217 : i32
      "tpu.region"() ({
        %run_scoped3A = tpu.sem_alloc : memref<!tpu.dma_semaphore, #tpu.memory_space<semaphore_mem>>
        %dma_start3A_219 = arith.constant 0 : i32
        %dma_start3A_220 = tpu.memref_slice %arg6[%add3A_218, %dma_start3A_219] : memref<20000x128xf32, #tpu.memory_space<hbm>> -> memref<400x128xf32, #tpu.memory_space<hbm>>
        %dma_start3A_221 = arith.constant 9600 : i32
        %dma_start3A_222 = arith.constant 0 : i32
        %dma_start3A_223 = tpu.memref_slice %arg27[%dma_start3A_221, %dma_start3A_222] : memref<10000x128xf32, #tpu.memory_space<vmem_shared>> -> memref<400x128xf32, #tpu.memory_space<vmem_shared>>
        tpu.enqueue_dma source(%dma_start3A_223 : memref<400x128xf32, #tpu.memory_space<vmem_shared>>) target(%dma_start3A_220 : memref<400x128xf32, #tpu.memory_space<hbm>>) target_semaphore(%run_scoped3A : memref<!tpu.dma_semaphore, #tpu.memory_space<semaphore_mem>>)
        %dma_wait3A_224 = arith.constant 0 : i32
        %dma_wait3A_225 = tpu.memref_slice %arg6[%add3A_218, %dma_wait3A_224] : memref<20000x128xf32, #tpu.memory_space<hbm>> -> memref<400x128xf32, #tpu.memory_space<hbm>>
        %dma_wait3A_226 = arith.constant 9600 : i32
        %dma_wait3A_227 = arith.constant 0 : i32
        %dma_wait3A_228 = tpu.memref_slice %arg27[%dma_wait3A_226, %dma_wait3A_227] : memref<10000x128xf32, #tpu.memory_space<vmem_shared>> -> memref<400x128xf32, #tpu.memory_space<vmem_shared>>
        tpu.wait_dma2 semaphore(%run_scoped3A : memref<!tpu.dma_semaphore, #tpu.memory_space<semaphore_mem>>) src(%dma_wait3A_228 : memref<400x128xf32, #tpu.memory_space<vmem_shared>>) dst(%dma_wait3A_225 : memref<400x128xf32, #tpu.memory_space<hbm>>)
        tpu.yield
      }) : () -> ()
    } else {
    }
    return
  }
}

module attributes {stable_mosaic.version = 14 : i64} {
  func.func @_k_inproj(%arg0: i32, %arg1: memref<1000x128xf32, #tpu.memory_space<vmem>>, %arg2: memref<128x128xf32, #tpu.memory_space<vmem>>, %arg3: memref<1x128xf32, #tpu.memory_space<vmem>>, %arg4: memref<128x128xf32, #tpu.memory_space<vmem>>, %arg5: memref<1000x128xf32, #tpu.memory_space<vmem>>, %arg6: memref<1000x128xf32, #tpu.memory_space<vmem>>) attributes {dimension_semantics = [#tpu.dimension_semantics<arbitrary>], iteration_bounds = array<i64: 10>, scalar_prefetch = 0 : i64, scratch_operands = 0 : i64, tpu.core_type = #tpu.core_type<tc>, window_params = [{transform_indices = @transform_0, window_bounds = array<i64: 1000, 128>}, {pipeline_mode = #tpu.pipeline_mode<synchronous>, transform_indices = @transform_1, window_bounds = array<i64: 128, 128>}, {pipeline_mode = #tpu.pipeline_mode<synchronous>, transform_indices = @transform_2, window_bounds = array<i64: 1, 128>}, {pipeline_mode = #tpu.pipeline_mode<synchronous>, transform_indices = @transform_3, window_bounds = array<i64: 128, 128>}, {transform_indices = @transform_4, window_bounds = array<i64: 1000, 128>}, {transform_indices = @transform_5, window_bounds = array<i64: 1000, 128>}]} {
    %get3A = arith.constant 0 : index
    %get3A_0 = arith.constant 0 : index
    %get3A_1 = vector.load %arg1[%get3A, %get3A_0] : memref<1000x128xf32, #tpu.memory_space<vmem>>, vector<1000x128xf32>
    %get3A_2 = arith.constant 0 : index
    %get3A_3 = arith.constant 0 : index
    %get3A_4 = vector.load %arg2[%get3A_2, %get3A_3] : memref<128x128xf32, #tpu.memory_space<vmem>>, vector<128x128xf32>
    %dot_general3A = arith.constant dense<0.000000e+00> : vector<1000x128xf32>
    %dot_general3A_5 = tpu.matmul %get3A_1, %get3A_4, %dot_general3A {dimension_numbers = #tpu.dot_dimension_numbers<[1], [0], [0], [1], [0, 0, 1, 1], [], []>, transpose_lhs_hint = false} : vector<1000x128xf32>, vector<128x128xf32>, vector<1000x128xf32> -> vector<1000x128xf32>
    %get3A_6 = arith.constant 0 : index
    %get3A_7 = arith.constant 0 : index
    %get3A_8 = vector.load %arg3[%get3A_6, %get3A_7] : memref<1x128xf32, #tpu.memory_space<vmem>>, vector<1x128xf32>
    %add3A = vector.broadcast %get3A_8 : vector<1x128xf32> to vector<1000x128xf32>
    %add3A_9 = arith.addf %dot_general3A_5, %add3A : vector<1000x128xf32>
    %swap3A = arith.constant 0 : index
    %swap3A_10 = arith.constant 0 : index
    %swap3A_11 = vector.load %arg5[%swap3A, %swap3A_10] : memref<1000x128xf32, #tpu.memory_space<vmem>>, vector<1000x128xf32>
    tpu.vector_store %arg5[%swap3A, %swap3A_10], %add3A_9 {strides = array<i32>} : memref<1000x128xf32, #tpu.memory_space<vmem>>, vector<1000x128xf32>,
    %get3A_12 = arith.constant 0 : index
    %get3A_13 = arith.constant 0 : index
    %get3A_14 = vector.load %arg4[%get3A_12, %get3A_13] : memref<128x128xf32, #tpu.memory_space<vmem>>, vector<128x128xf32>
    %dot_general3A_15 = arith.constant dense<0.000000e+00> : vector<1000x128xf32>
    %dot_general3A_16 = tpu.matmul %add3A_9, %get3A_14, %dot_general3A_15 {dimension_numbers = #tpu.dot_dimension_numbers<[1], [0], [0], [1], [0, 0, 1, 1], [], []>, transpose_lhs_hint = false} : vector<1000x128xf32>, vector<128x128xf32>, vector<1000x128xf32> -> vector<1000x128xf32>
    %swap3A_17 = arith.constant 0 : index
    %swap3A_18 = arith.constant 0 : index
    %swap3A_19 = vector.load %arg6[%swap3A_17, %swap3A_18] : memref<1000x128xf32, #tpu.memory_space<vmem>>, vector<1000x128xf32>
    tpu.vector_store %arg6[%swap3A_17, %swap3A_18], %dot_general3A_16 {strides = array<i32>} : memref<1000x128xf32, #tpu.memory_space<vmem>>, vector<1000x128xf32>,
    return
  }
  func.func @transform_0(%arg0: i32) -> (i32, i32) {
    %add3A = arith.constant 0 : i32
    %add3A_0 = arith.addi %arg0, %add3A : i32
    %c0_i32 = arith.constant 0 : i32
    %c0_i32_1 = arith.constant 0 : i32
    return %add3A_0, %c0_i32 : i32, i32
  }
  func.func @transform_1(%arg0: i32) -> (i32, i32) {
    %c0_i32 = arith.constant 0 : i32
    %c0_i32_0 = arith.constant 0 : i32
    %c0_i32_1 = arith.constant 0 : i32
    return %c0_i32, %c0_i32_0 : i32, i32
  }
  func.func @transform_2(%arg0: i32) -> (i32, i32) {
    %c0_i32 = arith.constant 0 : i32
    %c0_i32_0 = arith.constant 0 : i32
    %c0_i32_1 = arith.constant 0 : i32
    return %c0_i32, %c0_i32_0 : i32, i32
  }
  func.func @transform_3(%arg0: i32) -> (i32, i32) {
    %c0_i32 = arith.constant 0 : i32
    %c0_i32_0 = arith.constant 0 : i32
    %c0_i32_1 = arith.constant 0 : i32
    return %c0_i32, %c0_i32_0 : i32, i32
  }
  func.func @transform_4(%arg0: i32) -> (i32, i32) {
    %add3A = arith.constant 0 : i32
    %add3A_0 = arith.addi %arg0, %add3A : i32
    %c0_i32 = arith.constant 0 : i32
    %c0_i32_1 = arith.constant 0 : i32
    return %add3A_0, %c0_i32 : i32, i32
  }
  func.func @transform_5(%arg0: i32) -> (i32, i32) {
    %add3A = arith.constant 0 : i32
    %add3A_0 = arith.addi %arg0, %add3A : i32
    %c0_i32 = arith.constant 0 : i32
    %c0_i32_1 = arith.constant 0 : i32
    return %add3A_0, %c0_i32 : i32, i32
  }
}

module attributes {stable_mosaic.version = 14 : i64} {
  func.func @_k_gru_next(%arg0: i32, %arg1: memref<1000x128xf32, #tpu.memory_space<vmem>>, %arg2: memref<1000x128xf32, #tpu.memory_space<vmem>>, %arg3: memref<1000x128xf32, #tpu.memory_space<vmem>>, %arg4: memref<128x384xf32, #tpu.memory_space<vmem>>, %arg5: memref<128x384xf32, #tpu.memory_space<vmem>>, %arg6: memref<1x384xf32, #tpu.memory_space<vmem>>, %arg7: memref<1x384xf32, #tpu.memory_space<vmem>>, %arg8: memref<128x128xf32, #tpu.memory_space<vmem>>, %arg9: memref<1000x128xf32, #tpu.memory_space<vmem>>, %arg10: memref<1000x128xf32, #tpu.memory_space<vmem>>) attributes {dimension_semantics = [#tpu.dimension_semantics<arbitrary>], iteration_bounds = array<i64: 10>, scalar_prefetch = 0 : i64, scratch_operands = 0 : i64, tpu.core_type = #tpu.core_type<tc>, window_params = [{transform_indices = @transform_0, window_bounds = array<i64: 1000, 128>}, {transform_indices = @transform_1, window_bounds = array<i64: 1000, 128>}, {transform_indices = @transform_2, window_bounds = array<i64: 1000, 128>}, {pipeline_mode = #tpu.pipeline_mode<synchronous>, transform_indices = @transform_3, window_bounds = array<i64: 128, 384>}, {pipeline_mode = #tpu.pipeline_mode<synchronous>, transform_indices = @transform_4, window_bounds = array<i64: 128, 384>}, {pipeline_mode = #tpu.pipeline_mode<synchronous>, transform_indices = @transform_5, window_bounds = array<i64: 1, 384>}, {pipeline_mode = #tpu.pipeline_mode<synchronous>, transform_indices = @transform_6, window_bounds = array<i64: 1, 384>}, {pipeline_mode = #tpu.pipeline_mode<synchronous>, transform_indices = @transform_7, window_bounds = array<i64: 128, 128>}, {transform_indices = @transform_8, window_bounds = array<i64: 1000, 128>}, {transform_indices = @transform_9, window_bounds = array<i64: 1000, 128>}]} {
    %get3A = arith.constant 0 : index
    %get3A_0 = arith.constant 0 : index
    %get3A_1 = vector.load %arg1[%get3A, %get3A_0] : memref<1000x128xf32, #tpu.memory_space<vmem>>, vector<1000x128xf32>
    %get3A_2 = arith.constant 0 : index
    %get3A_3 = arith.constant 0 : index
    %get3A_4 = vector.load %arg2[%get3A_2, %get3A_3] : memref<1000x128xf32, #tpu.memory_space<vmem>>, vector<1000x128xf32>
    %get3A_5 = arith.constant 0 : index
    %get3A_6 = arith.constant 0 : index
    %get3A_7 = vector.load %arg3[%get3A_5, %get3A_6] : memref<1000x128xf32, #tpu.memory_space<vmem>>, vector<1000x128xf32>
    %get3A_8 = arith.constant 0 : index
    %get3A_9 = arith.constant 0 : index
    %get3A_10 = vector.load %arg4[%get3A_8, %get3A_9] : memref<128x384xf32, #tpu.memory_space<vmem>>, vector<128x384xf32>
    %get3A_11 = arith.constant 0 : index
    %get3A_12 = arith.constant 0 : index
    %get3A_13 = vector.load %arg5[%get3A_11, %get3A_12] : memref<128x384xf32, #tpu.memory_space<vmem>>, vector<128x384xf32>
    %get3A_14 = arith.constant 0 : index
    %get3A_15 = arith.constant 0 : index
    %get3A_16 = vector.load %arg6[%get3A_14, %get3A_15] : memref<1x384xf32, #tpu.memory_space<vmem>>, vector<1x384xf32>
    %get3A_17 = arith.constant 0 : index
    %get3A_18 = arith.constant 0 : index
    %get3A_19 = vector.load %arg7[%get3A_17, %get3A_18] : memref<1x384xf32, #tpu.memory_space<vmem>>, vector<1x384xf32>
    %add3A = arith.addf %get3A_1, %get3A_4 : vector<1000x128xf32>
    %dot_general3A = arith.constant dense<0.000000e+00> : vector<1000x384xf32>
    %dot_general3A_20 = tpu.matmul %add3A, %get3A_10, %dot_general3A {dimension_numbers = #tpu.dot_dimension_numbers<[1], [0], [0], [1], [0, 0, 1, 1], [], []>, transpose_lhs_hint = false} : vector<1000x128xf32>, vector<128x384xf32>, vector<1000x384xf32> -> vector<1000x384xf32>
    %add3A_21 = vector.broadcast %get3A_16 : vector<1x384xf32> to vector<1000x384xf32>
    %add3A_22 = arith.addf %dot_general3A_20, %add3A_21 : vector<1000x384xf32>
    %dot_general3A_23 = arith.constant dense<0.000000e+00> : vector<1000x384xf32>
    %dot_general3A_24 = tpu.matmul %get3A_7, %get3A_13, %dot_general3A_23 {dimension_numbers = #tpu.dot_dimension_numbers<[1], [0], [0], [1], [0, 0, 1, 1], [], []>, transpose_lhs_hint = false} : vector<1000x128xf32>, vector<128x384xf32>, vector<1000x384xf32> -> vector<1000x384xf32>
    %add3A_25 = vector.broadcast %get3A_19 : vector<1x384xf32> to vector<1000x384xf32>
    %add3A_26 = arith.addf %dot_general3A_24, %add3A_25 : vector<1000x384xf32>
    %slice3A = vector.extract_strided_slice %add3A_22 {offsets = [0, 0], sizes = [1000, 128], strides = [1, 1]} : vector<1000x384xf32> to vector<1000x128xf32>
    %slice3A_27 = vector.extract_strided_slice %add3A_26 {offsets = [0, 0], sizes = [1000, 128], strides = [1, 1]} : vector<1000x384xf32> to vector<1000x128xf32>
    %add3A_28 = arith.addf %slice3A, %slice3A_27 : vector<1000x128xf32>
    %logistic3A = arith.negf %add3A_28 : vector<1000x128xf32>
    %logistic3A_29 = math.exp %logistic3A : vector<1000x128xf32>
    %logistic3A_30 = arith.constant 1.000000e+00 : f32
    %logistic3A_31 = vector.broadcast %logistic3A_30 : f32 to vector<1000x128xf32>
    %logistic3A_32 = arith.addf %logistic3A_31, %logistic3A_29 : vector<1000x128xf32>
    %logistic3A_33 = arith.divf %logistic3A_31, %logistic3A_32 : vector<1000x128xf32>
    %slice3A_34 = vector.extract_strided_slice %add3A_22 {offsets = [0, 128], sizes = [1000, 128], strides = [1, 1]} : vector<1000x384xf32> to vector<1000x128xf32>
    %slice3A_35 = vector.extract_strided_slice %add3A_26 {offsets = [0, 128], sizes = [1000, 128], strides = [1, 1]} : vector<1000x384xf32> to vector<1000x128xf32>
    %add3A_36 = arith.addf %slice3A_34, %slice3A_35 : vector<1000x128xf32>
    %logistic3A_37 = arith.negf %add3A_36 : vector<1000x128xf32>
    %logistic3A_38 = math.exp %logistic3A_37 : vector<1000x128xf32>
    %logistic3A_39 = arith.constant 1.000000e+00 : f32
    %logistic3A_40 = vector.broadcast %logistic3A_39 : f32 to vector<1000x128xf32>
    %logistic3A_41 = arith.addf %logistic3A_40, %logistic3A_38 : vector<1000x128xf32>
    %logistic3A_42 = arith.divf %logistic3A_40, %logistic3A_41 : vector<1000x128xf32>
    %slice3A_43 = vector.extract_strided_slice %add3A_22 {offsets = [0, 256], sizes = [1000, 128], strides = [1, 1]} : vector<1000x384xf32> to vector<1000x128xf32>
    %slice3A_44 = vector.extract_strided_slice %add3A_26 {offsets = [0, 256], sizes = [1000, 128], strides = [1, 1]} : vector<1000x384xf32> to vector<1000x128xf32>
    %mul3A = arith.mulf %logistic3A_33, %slice3A_44 : vector<1000x128xf32>
    %add3A_45 = arith.addf %slice3A_43, %mul3A : vector<1000x128xf32>
    %tanh3A = math.tanh %add3A_45 : vector<1000x128xf32>
    %sub3A = arith.constant 1.000000e+00 : f32
    %sub3A_46 = vector.broadcast %sub3A : f32 to vector<1000x128xf32>
    %sub3A_47 = arith.subf %sub3A_46, %logistic3A_42 : vector<1000x128xf32>
    %mul3A_48 = arith.mulf %sub3A_47, %tanh3A : vector<1000x128xf32>
    %mul3A_49 = arith.mulf %logistic3A_42, %get3A_7 : vector<1000x128xf32>
    %add3A_50 = arith.addf %mul3A_48, %mul3A_49 : vector<1000x128xf32>
    %swap3A = arith.constant 0 : index
    %swap3A_51 = arith.constant 0 : index
    %swap3A_52 = vector.load %arg9[%swap3A, %swap3A_51] : memref<1000x128xf32, #tpu.memory_space<vmem>>, vector<1000x128xf32>
    tpu.vector_store %arg9[%swap3A, %swap3A_51], %add3A_50 {strides = array<i32>} : memref<1000x128xf32, #tpu.memory_space<vmem>>, vector<1000x128xf32>,
    %get3A_53 = arith.constant 0 : index
    %get3A_54 = arith.constant 0 : index
    %get3A_55 = vector.load %arg8[%get3A_53, %get3A_54] : memref<128x128xf32, #tpu.memory_space<vmem>>, vector<128x128xf32>
    %dot_general3A_56 = arith.constant dense<0.000000e+00> : vector<1000x128xf32>
    %dot_general3A_57 = tpu.matmul %add3A_50, %get3A_55, %dot_general3A_56 {dimension_numbers = #tpu.dot_dimension_numbers<[1], [0], [0], [1], [0, 0, 1, 1], [], []>, transpose_lhs_hint = false} : vector<1000x128xf32>, vector<128x128xf32>, vector<1000x128xf32> -> vector<1000x128xf32>
    %swap3A_58 = arith.constant 0 : index
    %swap3A_59 = arith.constant 0 : index
    %swap3A_60 = vector.load %arg10[%swap3A_58, %swap3A_59] : memref<1000x128xf32, #tpu.memory_space<vmem>>, vector<1000x128xf32>
    tpu.vector_store %arg10[%swap3A_58, %swap3A_59], %dot_general3A_57 {strides = array<i32>} : memref<1000x128xf32, #tpu.memory_space<vmem>>, vector<1000x128xf32>,
    return
  }
  func.func @transform_0(%arg0: i32) -> (i32, i32) {
    %add3A = arith.constant 0 : i32
    %add3A_0 = arith.addi %arg0, %add3A : i32
    %c0_i32 = arith.constant 0 : i32
    %c0_i32_1 = arith.constant 0 : i32
    return %add3A_0, %c0_i32 : i32, i32
  }
  func.func @transform_1(%arg0: i32) -> (i32, i32) {
    %add3A = arith.constant 10 : i32
    %add3A_0 = arith.addi %arg0, %add3A : i32
    %c0_i32 = arith.constant 0 : i32
    %c0_i32_1 = arith.constant 0 : i32
    return %add3A_0, %c0_i32 : i32, i32
  }
  func.func @transform_2(%arg0: i32) -> (i32, i32) {
    %add3A = arith.constant 0 : i32
    %add3A_0 = arith.addi %arg0, %add3A : i32
    %c0_i32 = arith.constant 0 : i32
    %c0_i32_1 = arith.constant 0 : i32
    return %add3A_0, %c0_i32 : i32, i32
  }
  func.func @transform_3(%arg0: i32) -> (i32, i32) {
    %c0_i32 = arith.constant 0 : i32
    %c0_i32_0 = arith.constant 0 : i32
    %c0_i32_1 = arith.constant 0 : i32
    return %c0_i32, %c0_i32_0 : i32, i32
  }
  func.func @transform_4(%arg0: i32) -> (i32, i32) {
    %c0_i32 = arith.constant 0 : i32
    %c0_i32_0 = arith.constant 0 : i32
    %c0_i32_1 = arith.constant 0 : i32
    return %c0_i32, %c0_i32_0 : i32, i32
  }
  func.func @transform_5(%arg0: i32) -> (i32, i32) {
    %c0_i32 = arith.constant 0 : i32
    %c0_i32_0 = arith.constant 0 : i32
    %c0_i32_1 = arith.constant 0 : i32
    return %c0_i32, %c0_i32_0 : i32, i32
  }
  func.func @transform_6(%arg0: i32) -> (i32, i32) {
    %c0_i32 = arith.constant 0 : i32
    %c0_i32_0 = arith.constant 0 : i32
    %c0_i32_1 = arith.constant 0 : i32
    return %c0_i32, %c0_i32_0 : i32, i32
  }
  func.func @transform_7(%arg0: i32) -> (i32, i32) {
    %c0_i32 = arith.constant 0 : i32
    %c0_i32_0 = arith.constant 0 : i32
    %c0_i32_1 = arith.constant 0 : i32
    return %c0_i32, %c0_i32_0 : i32, i32
  }
  func.func @transform_8(%arg0: i32) -> (i32, i32) {
    %add3A = arith.constant 0 : i32
    %add3A_0 = arith.addi %arg0, %add3A : i32
    %c0_i32 = arith.constant 0 : i32
    %c0_i32_1 = arith.constant 0 : i32
    return %add3A_0, %c0_i32 : i32, i32
  }
  func.func @transform_9(%arg0: i32) -> (i32, i32) {
    %add3A = arith.constant 0 : i32
    %add3A_0 = arith.addi %arg0, %add3A : i32
    %c0_i32 = arith.constant 0 : i32
    %c0_i32_1 = arith.constant 0 : i32
    return %add3A_0, %c0_i32 : i32, i32
  }
}

module attributes {stable_mosaic.version = 14 : i64} {
  func.func @_k_gru_final(%arg0: i32, %arg1: memref<1000x128xf32, #tpu.memory_space<vmem>>, %arg2: memref<1000x128xf32, #tpu.memory_space<vmem>>, %arg3: memref<1000x128xf32, #tpu.memory_space<vmem>>, %arg4: memref<128x384xf32, #tpu.memory_space<vmem>>, %arg5: memref<128x384xf32, #tpu.memory_space<vmem>>, %arg6: memref<1x384xf32, #tpu.memory_space<vmem>>, %arg7: memref<1x384xf32, #tpu.memory_space<vmem>>, %arg8: memref<128x128xf32, #tpu.memory_space<vmem>>, %arg9: memref<1x128xf32, #tpu.memory_space<vmem>>, %arg10: memref<1000x128xf32, #tpu.memory_space<vmem>>) attributes {dimension_semantics = [#tpu.dimension_semantics<arbitrary>], iteration_bounds = array<i64: 10>, scalar_prefetch = 0 : i64, scratch_operands = 0 : i64, tpu.core_type = #tpu.core_type<tc>, window_params = [{transform_indices = @transform_0, window_bounds = array<i64: 1000, 128>}, {transform_indices = @transform_1, window_bounds = array<i64: 1000, 128>}, {transform_indices = @transform_2, window_bounds = array<i64: 1000, 128>}, {pipeline_mode = #tpu.pipeline_mode<synchronous>, transform_indices = @transform_3, window_bounds = array<i64: 128, 384>}, {pipeline_mode = #tpu.pipeline_mode<synchronous>, transform_indices = @transform_4, window_bounds = array<i64: 128, 384>}, {pipeline_mode = #tpu.pipeline_mode<synchronous>, transform_indices = @transform_5, window_bounds = array<i64: 1, 384>}, {pipeline_mode = #tpu.pipeline_mode<synchronous>, transform_indices = @transform_6, window_bounds = array<i64: 1, 384>}, {pipeline_mode = #tpu.pipeline_mode<synchronous>, transform_indices = @transform_7, window_bounds = array<i64: 128, 128>}, {pipeline_mode = #tpu.pipeline_mode<synchronous>, transform_indices = @transform_8, window_bounds = array<i64: 1, 128>}, {transform_indices = @transform_9, window_bounds = array<i64: 1000, 128>}]} {
    %get3A = arith.constant 0 : index
    %get3A_0 = arith.constant 0 : index
    %get3A_1 = vector.load %arg1[%get3A, %get3A_0] : memref<1000x128xf32, #tpu.memory_space<vmem>>, vector<1000x128xf32>
    %get3A_2 = arith.constant 0 : index
    %get3A_3 = arith.constant 0 : index
    %get3A_4 = vector.load %arg2[%get3A_2, %get3A_3] : memref<1000x128xf32, #tpu.memory_space<vmem>>, vector<1000x128xf32>
    %get3A_5 = arith.constant 0 : index
    %get3A_6 = arith.constant 0 : index
    %get3A_7 = vector.load %arg3[%get3A_5, %get3A_6] : memref<1000x128xf32, #tpu.memory_space<vmem>>, vector<1000x128xf32>
    %get3A_8 = arith.constant 0 : index
    %get3A_9 = arith.constant 0 : index
    %get3A_10 = vector.load %arg4[%get3A_8, %get3A_9] : memref<128x384xf32, #tpu.memory_space<vmem>>, vector<128x384xf32>
    %get3A_11 = arith.constant 0 : index
    %get3A_12 = arith.constant 0 : index
    %get3A_13 = vector.load %arg5[%get3A_11, %get3A_12] : memref<128x384xf32, #tpu.memory_space<vmem>>, vector<128x384xf32>
    %get3A_14 = arith.constant 0 : index
    %get3A_15 = arith.constant 0 : index
    %get3A_16 = vector.load %arg6[%get3A_14, %get3A_15] : memref<1x384xf32, #tpu.memory_space<vmem>>, vector<1x384xf32>
    %get3A_17 = arith.constant 0 : index
    %get3A_18 = arith.constant 0 : index
    %get3A_19 = vector.load %arg7[%get3A_17, %get3A_18] : memref<1x384xf32, #tpu.memory_space<vmem>>, vector<1x384xf32>
    %add3A = arith.addf %get3A_1, %get3A_4 : vector<1000x128xf32>
    %dot_general3A = arith.constant dense<0.000000e+00> : vector<1000x384xf32>
    %dot_general3A_20 = tpu.matmul %add3A, %get3A_10, %dot_general3A {dimension_numbers = #tpu.dot_dimension_numbers<[1], [0], [0], [1], [0, 0, 1, 1], [], []>, transpose_lhs_hint = false} : vector<1000x128xf32>, vector<128x384xf32>, vector<1000x384xf32> -> vector<1000x384xf32>
    %add3A_21 = vector.broadcast %get3A_16 : vector<1x384xf32> to vector<1000x384xf32>
    %add3A_22 = arith.addf %dot_general3A_20, %add3A_21 : vector<1000x384xf32>
    %dot_general3A_23 = arith.constant dense<0.000000e+00> : vector<1000x384xf32>
    %dot_general3A_24 = tpu.matmul %get3A_7, %get3A_13, %dot_general3A_23 {dimension_numbers = #tpu.dot_dimension_numbers<[1], [0], [0], [1], [0, 0, 1, 1], [], []>, transpose_lhs_hint = false} : vector<1000x128xf32>, vector<128x384xf32>, vector<1000x384xf32> -> vector<1000x384xf32>
    %add3A_25 = vector.broadcast %get3A_19 : vector<1x384xf32> to vector<1000x384xf32>
    %add3A_26 = arith.addf %dot_general3A_24, %add3A_25 : vector<1000x384xf32>
    %slice3A = vector.extract_strided_slice %add3A_22 {offsets = [0, 0], sizes = [1000, 128], strides = [1, 1]} : vector<1000x384xf32> to vector<1000x128xf32>
    %slice3A_27 = vector.extract_strided_slice %add3A_26 {offsets = [0, 0], sizes = [1000, 128], strides = [1, 1]} : vector<1000x384xf32> to vector<1000x128xf32>
    %add3A_28 = arith.addf %slice3A, %slice3A_27 : vector<1000x128xf32>
    %logistic3A = arith.negf %add3A_28 : vector<1000x128xf32>
    %logistic3A_29 = math.exp %logistic3A : vector<1000x128xf32>
    %logistic3A_30 = arith.constant 1.000000e+00 : f32
    %logistic3A_31 = vector.broadcast %logistic3A_30 : f32 to vector<1000x128xf32>
    %logistic3A_32 = arith.addf %logistic3A_31, %logistic3A_29 : vector<1000x128xf32>
    %logistic3A_33 = arith.divf %logistic3A_31, %logistic3A_32 : vector<1000x128xf32>
    %slice3A_34 = vector.extract_strided_slice %add3A_22 {offsets = [0, 128], sizes = [1000, 128], strides = [1, 1]} : vector<1000x384xf32> to vector<1000x128xf32>
    %slice3A_35 = vector.extract_strided_slice %add3A_26 {offsets = [0, 128], sizes = [1000, 128], strides = [1, 1]} : vector<1000x384xf32> to vector<1000x128xf32>
    %add3A_36 = arith.addf %slice3A_34, %slice3A_35 : vector<1000x128xf32>
    %logistic3A_37 = arith.negf %add3A_36 : vector<1000x128xf32>
    %logistic3A_38 = math.exp %logistic3A_37 : vector<1000x128xf32>
    %logistic3A_39 = arith.constant 1.000000e+00 : f32
    %logistic3A_40 = vector.broadcast %logistic3A_39 : f32 to vector<1000x128xf32>
    %logistic3A_41 = arith.addf %logistic3A_40, %logistic3A_38 : vector<1000x128xf32>
    %logistic3A_42 = arith.divf %logistic3A_40, %logistic3A_41 : vector<1000x128xf32>
    %slice3A_43 = vector.extract_strided_slice %add3A_22 {offsets = [0, 256], sizes = [1000, 128], strides = [1, 1]} : vector<1000x384xf32> to vector<1000x128xf32>
    %slice3A_44 = vector.extract_strided_slice %add3A_26 {offsets = [0, 256], sizes = [1000, 128], strides = [1, 1]} : vector<1000x384xf32> to vector<1000x128xf32>
    %mul3A = arith.mulf %logistic3A_33, %slice3A_44 : vector<1000x128xf32>
    %add3A_45 = arith.addf %slice3A_43, %mul3A : vector<1000x128xf32>
    %tanh3A = math.tanh %add3A_45 : vector<1000x128xf32>
    %sub3A = arith.constant 1.000000e+00 : f32
    %sub3A_46 = vector.broadcast %sub3A : f32 to vector<1000x128xf32>
    %sub3A_47 = arith.subf %sub3A_46, %logistic3A_42 : vector<1000x128xf32>
    %mul3A_48 = arith.mulf %sub3A_47, %tanh3A : vector<1000x128xf32>
    %mul3A_49 = arith.mulf %logistic3A_42, %get3A_7 : vector<1000x128xf32>
    %add3A_50 = arith.addf %mul3A_48, %mul3A_49 : vector<1000x128xf32>
    %max3A = arith.constant 0.000000e+00 : f32
    %max3A_51 = vector.broadcast %max3A : f32 to vector<1000x128xf32>
    %max3A_52 = arith.maximumf %add3A_50, %max3A_51 : vector<1000x128xf32>
    %get3A_53 = arith.constant 0 : index
    %get3A_54 = arith.constant 0 : index
    %get3A_55 = vector.load %arg8[%get3A_53, %get3A_54] : memref<128x128xf32, #tpu.memory_space<vmem>>, vector<128x128xf32>
    %dot_general3A_56 = arith.constant dense<0.000000e+00> : vector<1000x128xf32>
    %dot_general3A_57 = tpu.matmul %max3A_52, %get3A_55, %dot_general3A_56 {dimension_numbers = #tpu.dot_dimension_numbers<[1], [0], [0], [1], [0, 0, 1, 1], [], []>, transpose_lhs_hint = false} : vector<1000x128xf32>, vector<128x128xf32>, vector<1000x128xf32> -> vector<1000x128xf32>
    %get3A_58 = arith.constant 0 : index
    %get3A_59 = arith.constant 0 : index
    %get3A_60 = vector.load %arg9[%get3A_58, %get3A_59] : memref<1x128xf32, #tpu.memory_space<vmem>>, vector<1x128xf32>
    %add3A_61 = vector.broadcast %get3A_60 : vector<1x128xf32> to vector<1000x128xf32>
    %add3A_62 = arith.addf %dot_general3A_57, %add3A_61 : vector<1000x128xf32>
    %reduce_max3A = arith.constant dense<0xFF800000> : vector<1000xf32>
    %reduce_max3A_63 = vector.multi_reduction <maximumf>, %add3A_62, %reduce_max3A [1] : vector<1000x128xf32> to vector<1000xf32>
    %broadcast_in_dim3A = vector.shape_cast %reduce_max3A_63 : vector<1000xf32> to vector<1000x1xf32>
    %sub3A_64 = vector.broadcast %broadcast_in_dim3A : vector<1000x1xf32> to vector<1000x128xf32>
    %sub3A_65 = arith.subf %add3A_62, %sub3A_64 : vector<1000x128xf32>
    %exp3A = math.exp %sub3A_65 : vector<1000x128xf32>
    %reduce_sum3A = arith.constant dense<0.000000e+00> : vector<1000xf32>
    %reduce_sum3A_66 = vector.multi_reduction <add>, %exp3A, %reduce_sum3A [1] : vector<1000x128xf32> to vector<1000xf32>
    %broadcast_in_dim3A_67 = vector.shape_cast %reduce_sum3A_66 : vector<1000xf32> to vector<1000x1xf32>
    %log3A = math.log %broadcast_in_dim3A_67 : vector<1000x1xf32>
    %add3A_68 = arith.addf %log3A, %broadcast_in_dim3A : vector<1000x1xf32>
    %sub3A_69 = vector.broadcast %add3A_68 : vector<1000x1xf32> to vector<1000x128xf32>
    %sub3A_70 = arith.subf %add3A_62, %sub3A_69 : vector<1000x128xf32>
    %swap3A = arith.constant 0 : index
    %swap3A_71 = arith.constant 0 : index
    %swap3A_72 = vector.load %arg10[%swap3A, %swap3A_71] : memref<1000x128xf32, #tpu.memory_space<vmem>>, vector<1000x128xf32>
    tpu.vector_store %arg10[%swap3A, %swap3A_71], %sub3A_70 {strides = array<i32>} : memref<1000x128xf32, #tpu.memory_space<vmem>>, vector<1000x128xf32>,
    return
  }
  func.func @transform_0(%arg0: i32) -> (i32, i32) {
    %add3A = arith.constant 0 : i32
    %add3A_0 = arith.addi %arg0, %add3A : i32
    %c0_i32 = arith.constant 0 : i32
    %c0_i32_1 = arith.constant 0 : i32
    return %add3A_0, %c0_i32 : i32, i32
  }
  func.func @transform_1(%arg0: i32) -> (i32, i32) {
    %add3A = arith.constant 10 : i32
    %add3A_0 = arith.addi %arg0, %add3A : i32
    %c0_i32 = arith.constant 0 : i32
    %c0_i32_1 = arith.constant 0 : i32
    return %add3A_0, %c0_i32 : i32, i32
  }
  func.func @transform_2(%arg0: i32) -> (i32, i32) {
    %add3A = arith.constant 0 : i32
    %add3A_0 = arith.addi %arg0, %add3A : i32
    %c0_i32 = arith.constant 0 : i32
    %c0_i32_1 = arith.constant 0 : i32
    return %add3A_0, %c0_i32 : i32, i32
  }
  func.func @transform_3(%arg0: i32) -> (i32, i32) {
    %c0_i32 = arith.constant 0 : i32
    %c0_i32_0 = arith.constant 0 : i32
    %c0_i32_1 = arith.constant 0 : i32
    return %c0_i32, %c0_i32_0 : i32, i32
  }
  func.func @transform_4(%arg0: i32) -> (i32, i32) {
    %c0_i32 = arith.constant 0 : i32
    %c0_i32_0 = arith.constant 0 : i32
    %c0_i32_1 = arith.constant 0 : i32
    return %c0_i32, %c0_i32_0 : i32, i32
  }
  func.func @transform_5(%arg0: i32) -> (i32, i32) {
    %c0_i32 = arith.constant 0 : i32
    %c0_i32_0 = arith.constant 0 : i32
    %c0_i32_1 = arith.constant 0 : i32
    return %c0_i32, %c0_i32_0 : i32, i32
  }
  func.func @transform_6(%arg0: i32) -> (i32, i32) {
    %c0_i32 = arith.constant 0 : i32
    %c0_i32_0 = arith.constant 0 : i32
    %c0_i32_1 = arith.constant 0 : i32
    return %c0_i32, %c0_i32_0 : i32, i32
  }
  func.func @transform_7(%arg0: i32) -> (i32, i32) {
    %c0_i32 = arith.constant 0 : i32
    %c0_i32_0 = arith.constant 0 : i32
    %c0_i32_1 = arith.constant 0 : i32
    return %c0_i32, %c0_i32_0 : i32, i32
  }
  func.func @transform_8(%arg0: i32) -> (i32, i32) {
    %c0_i32 = arith.constant 0 : i32
    %c0_i32_0 = arith.constant 0 : i32
    %c0_i32_1 = arith.constant 0 : i32
    return %c0_i32, %c0_i32_0 : i32, i32
  }
  func.func @transform_9(%arg0: i32) -> (i32, i32) {
    %add3A = arith.constant 0 : i32
    %add3A_0 = arith.addi %arg0, %add3A : i32
    %c0_i32 = arith.constant 0 : i32
    %c0_i32_1 = arith.constant 0 : i32
    return %add3A_0, %c0_i32 : i32, i32
  }
}

</mosaic_0001>

<sc_bundles>
// kernel: kernel.12.cloned.1.call-start
scs
__scs_entry_jumppad:
0x0: {  	(pc) =	sbr.rel $0x88, $3  }
0x1: {  	(tag) =	ssettag $0x0;
	lr =	simm.s32 $0x1  }
0x2: {  	[smem:$0x3F96] =	sst lr;
	_ =	strace $0xD0000000  }
0x3: {  	_ = 	snop  }
0x4: {  	_ = 	snop  }
0x5: {  	_ = 	snop  }
0x6: {  	_ = 	snop  }
0x7: {  	_ = 	snop  }
__scs_overlays_trampoline_lowered:
0x8: {  	[smem:$0x3FA5] =	sst s0  }
0x9: {  	[smem:$0x3FA6] =	sst s1  }
0xa: {  	[smem:$0x3FA7] =	sst s2  }
0xb: {  	[smem:$0x3FA8] =	sst s3  }
0xc: {  	[smem:$0x3FA9] =	sst s4  }
0xd: {  	[smem:$0x3FAA] =	sst s5  }
0xe: {  	[smem:$0x3FAB] =	sst s6  }
0xf: {  	[smem:$0x3FAC] =	sst s7  }
0x10: {  	[smem:$0x3FAD] =	sst s8  }
0x11: {  	[smem:$0x3FAE] =	sst s9;
	s0 =	simm.s32 @!p0 $0x0  }
0x12: {  	s1 =	sld [smem:$0x3F94];
	s0 =	simm.s32 @p0 $0x1  }
0x13: {  	[smem:$0x3FAF] =	sst s0;
	s0 =	simm.s32 @!p1 $0x0  }
0x14: {  	s2 =	sld [smem:$0x3F93];
	s0 =	simm.s32 @p1 $0x1  }
0x15: {  	[smem:$0x3FB0] =	sst s0;
	s0 =	simm.s32 @!p2 $0x0  }
0x16: {  	s3 =	sld [smem:$0x3FDB];
	s0 =	simm.s32 @p2 $0x1  }
0x17: {  	s4 =	simm.s32 $0x1BF5;
	[smem:$0x3FB2] =	sst s0  }
0x18: {  	s0 =	sld [smem:$0x3F95];
	_ =	swait.ge [sflag:s4], $0x0  }
0x19: {  	s7 =	sld [smem:$0x3F96]  }
0x1a: {  	s8 =	sadd.s32 $0xFFFFE003, lr  }
0x1b: {  	s9 =	sadd.s32 $0xFFFFFEF7, lr;
	s5 =	simm.s32 $0xFFFFFFFF;
	p2 =	slt.u32 s8, $0xFFFFF086  }
0x1c: {  	p1 =	slt.u32 s9, $0xF7A;
	s5 =	simm.s32 @!p2 $0x0  }
0x1d: {  	s5 =	simm.s32 @p1 $0x1;
	p0 =	seq.s32 s7, s2  }
0x1e: {  	s7 =	smul.u32 @!p0 $0xF7A, s2;
	p2 =	seq.s32 @!p0 s5, $0x0  }
0x1f: {  	s9 =	smul.u32 $0xF7A, s1;
	s8 =	simm.s32 @!p0 $0x1BF5;
	p2 =	por !p2, p0  }
0x20: {  	[sflag:s8] =	ssyncset.s32 @!p0 $0xFFFFF086;
	s6 =	sadd.s32 @!p0 s3, s7;
	s7 =	simm.s32 @!p0 $0x108  }
0x21: {  	s3 =	sadd.s32 s3, s9;
	s6 =	sadd.s32 @!p0 $0x88, s6;
	s7 =	simm.s32 @p2 $0x1082  }
0x22: {  	[simem:s7], [sflag:s8] =	dma.local @!p0 [hbm:s6], $0xF7A  }
0x23: {  	s9 =	sor.u32 $0xD0000000, s2;
	s6 =	simm.s32 $0x108;
	_ =	swait.ge @!p0 [sflag:s8], $0x0  }
0x24: {  	s3 =	sadd.s32 $0x88, s3;
	s6 =	simm.s32 @!p1 $0x1082;
	[sflag:s4] =	ssyncset.s32 $0xFFFFF086  }
0x25: {  	[simem:s6], [sflag:s4] =	dma.local [hbm:s3], $0xF7A  }
0x26: {  	[smem:$0x3F96] =	sst s1;
	(tag) =	ssettag s2;
	_ =	strace s9  }
0x27: {  	s1 =	sld [smem:$0x3FA6]  }
0x28: {  	s2 =	sld [smem:$0x3FA7]  }
0x29: {  	s4 =	sld [smem:$0x3FA9]  }
0x2a: {  	p0 =	seq.s32 s5, $0x0;
	s5 =	sld [smem:$0x3FAA]  }
0x2b: {  	s6 =	sld [smem:$0x3FAB]  }
0x2c: {  	s7 =	sld [smem:$0x3FAC]  }
0x2d: {  	s3 =	simm.s32 $0x108;
	s8 =	sld [smem:$0x3FAD]  }
0x2e: {  	s3 =	simm.s32 @!p0 $0x1082;
	s9 =	sld [smem:$0x3FAE]  }
0x2f: {  	lr =	sadd.s32 s0, s3;
	s0 =	sld [smem:$0x3FA5]  }
0x30: {  	s3 =	sld [smem:$0x3FA8]  }
0x31: {  	[smem:$0x3FB1] =	sst s10  }
0x32: {  	s10 =	sld [smem:$0x3FAF];
	_ =	sdelay $0x3  }
0x33: {  	p0 =	seq.s32 s10, $0x1;
	s10 =	sld [smem:$0x3FB1];
	_ =	sdelay $0x3  }
0x34: {  	[smem:$0x3FB1] =	sst s10  }
0x35: {  	s10 =	sld [smem:$0x3FB0];
	_ =	sdelay $0x3  }
0x36: {  	p1 =	seq.s32 s10, $0x1;
	s10 =	sld [smem:$0x3FB1];
	_ =	sdelay $0x3  }
0x37: {  	[smem:$0x3FB1] =	sst s10  }
0x38: {  	s10 =	sld [smem:$0x3FB2]  }
0x39: {  	_ = 	snop;
	(pc) =	sbr.ind lr, $3  }
0x3a: {  	_ = 	snop  }
0x3b: {  	_ = 	snop  }
0x3c: {  	p2 =	seq.s32 s10, $0x1;
	s10 =	sld [smem:$0x3FB1]  }
0x3d: {  	_ =	shalt  }
0x3e: {  	_ =	shalt  }
0x3f: {  	_ =	shalt  }
0x40: {  	_ =	shalt  }
0x41: {  	_ =	shalt  }
0x42: {  	_ =	shalt  }
0x43: {  	_ =	shalt  }
0x44: {  	_ =	shalt  }
0x45: {  	_ =	shalt  }
0x46: {  	_ =	shalt  }
0x47: {  	_ =	shalt  }
0x48: {  	_ =	shalt  }
0x49: {  	_ =	shalt  }
0x4a: {  	_ =	shalt  }
0x4b: {  	_ =	shalt  }
0x4c: {  	_ =	shalt  }
0x4d: {  	_ =	shalt  }
0x4e: {  	_ =	shalt  }
0x4f: {  	_ =	shalt  }
0x50: {  	_ =	shalt  }
0x51: {  	_ =	shalt  }
0x52: {  	_ =	shalt  }
0x53: {  	_ =	shalt  }
0x54: {  	_ =	shalt  }
0x55: {  	_ =	shalt  }
0x56: {  	_ =	shalt  }
0x57: {  	_ =	shalt  }
0x58: {  	_ =	shalt  }
0x59: {  	_ =	shalt  }
0x5a: {  	_ =	shalt  }
0x5b: {  	_ =	shalt  }
0x5c: {  	_ =	shalt  }
0x5d: {  	_ =	shalt  }
0x5e: {  	_ =	shalt  }
0x5f: {  	_ =	shalt  }
0x60: {  	_ =	shalt  }
0x61: {  	_ =	shalt  }
0x62: {  	_ =	shalt  }
0x63: {  	_ =	shalt  }
0x64: {  	_ =	shalt  }
0x65: {  	_ =	shalt  }
0x66: {  	_ =	shalt  }
0x67: {  	_ =	shalt  }
0x68: {  	_ =	shalt  }
0x69: {  	_ =	shalt  }
0x6a: {  	_ =	shalt  }
0x6b: {  	_ =	shalt  }
0x6c: {  	_ =	shalt  }
0x6d: {  	_ =	shalt  }
0x6e: {  	_ =	shalt  }
0x6f: {  	_ =	shalt  }
0x70: {  	_ =	shalt  }
0x71: {  	_ =	shalt  }
0x72: {  	_ =	shalt  }
0x73: {  	_ =	shalt  }
0x74: {  	_ =	shalt  }
0x75: {  	_ =	shalt  }
0x76: {  	_ =	shalt  }
0x77: {  	_ =	shalt  }
0x78: {  	_ =	shalt  }
0x79: {  	_ =	shalt  }
0x7a: {  	_ =	shalt  }
0x7b: {  	_ =	shalt  }
0x7c: {  	_ =	shalt  }
0x7d: {  	_ =	shalt  }
0x7e: {  	_ =	shalt  }
0x7f: {  	_ =	shalt  }
0x80: {  	_ =	shalt  }
0x81: {  	_ =	shalt  }
0x82: {  	_ =	shalt  }
0x83: {  	_ =	shalt  }
0x84: {  	_ =	shalt  }
0x85: {  	_ =	shalt  }
0x86: {  	_ =	shalt  }
0x87: {  	_ =	shalt  }
.Lfunc_end0:
.L_simem_size_0:
called_computation.1_lowered:
.L_overlay_start_0:
0x88: {  	s2 =	sld [smem:$0x3FD9]  }
0x89: {  	s3 =	sld [smem:$0x3FFE];
	_ =	sdelay $0x1  }
0x8a: {  	s1 =	srdreg.scid  }
0x8b: {  	s0 =	sand.u32 $0x1, s1  }
0x8c: {  	s17 =	sshll.u32 s0, $0xA;
	s2 =	sadd.s32 s3, s2  }
0x8d: {  	s2 =	sadd.s32 s2, s17  }
0x8e: {  	[smem:$0x3FBD] =	sst s2  }
0x8f: {  	_ = 	snop  }
0x90: {  	s2 =	sld [smem:$0x3FD0];
	(tm) =	ssettm $0x1  }
0x91: {  	s18 =	sld [smem:$0x3FFB];
	_ =	sdelay $0x3  }
0x92: {  	_ =	strace s18  }
0x93: {  	s3 =	sld [smem:$0x3FFC];
	_ =	sdelay $0x3  }
0x94: {  	_ =	strace s3  }
0x95: {  	s3 =	sld [smem:$0x3FFD];
	_ =	sdelay $0x3  }
0x96: {  	_ =	strace s3  }
0x97: {  	_ =	strace $0x8FFFFFFF  }
0x98: {  	s19 =	sld [smem:$0x3FDB];
	_ =	sdelay $0x1  }
0x99: {  	s4 =	simm.s32 $_scs_section_size  }
0x9a: {  	s5 =	simm.s32 $_size__tile_overlayer_lowered;
	s6 =	simm.s32 $_tile_overlayer_lowered  }
0x9b: {  	s22 =	simm.s32 $0x1BFF;
	s21 =	sshll.u32 s6, $0x1;
	s3 =	sadd.s32 s4, s19  }
0x9c: {  	s7 =	simm.s32 $0x0;
	s20 =	sshll.u32 s5, $0x1;
	s5 =	sadd.s32 s21, s3  }
0x9d: {  	[timem:s7], [sflag:s22] =	dma.local [hbm:s5], s20  }
0x9e: {  	_ =	swait.ge [sflag:s22], s20  }
0x9f: {  	s4 =	ssub.s32 $0x0, s20;
	[sflag:s22] =	ssyncset.done $0x0  }
0xa0: {  	[sflag:s22] =	ssyncadd.s32 s4;
	_ =	sdelay $0x1  }
0xa1: {  	s23 =	simm.s32 $0x1B8B  }
0xa2: {  	_ =	swait.ge [sflag:s23], $0x1  }
0xa3: {  	[sflag:s23] =	ssyncset.done $0x0  }
0xa4: {  	s25 =	simm.s32 $0x1B8E;
	s24 =	sld [smem:$0x3FFE];
	[sflag:s23] =	ssyncadd.s32 $0xFFFFFFFF  }
0xa5: {  	s26 =	simm.s32 $execute0_lowered;
	[smem:$0x3FD2] =	sst s25  }
0xa6: {  	s5 =	sshll.u32 s26, $0x1;
	_ =	strace $0x80000049;
	[dreg:$0x1] =	wrdreg $0xFFFFFFFF  }
0xa7: {  	s28 =	simm.s32 $_size_execute0_lowered;
	s3 =	sadd.s32 s3, s5;
	[dreg:$0x0] =	wrdreg $0x0  }
0xa8: {  	s5 =	sshll.u32 s28, $0x1;
	[dreg:$0x2] =	wrdreg s3  }
0xa9: {  	[dreg:$0x3] =	wrdreg s5  }
0xaa: {  	[dreg:$0x4] =	wrdreg $0xC0  }
0xab: {  	_ =	task [dreg:s7], $0x5FFFF  }
0xac: {  	[dreg:$0x1] =	wrdreg $0xFFFFFFFF  }
0xad: {  	[dreg:$0x0] =	wrdreg $0x60  }
0xae: {  	[dreg:$0x2] =	wrdreg s2  }
0xaf: {  	[dreg:$0x3] =	wrdreg s24  }
0xb0: {  	[dreg:$0x4] =	wrdreg $0xA8000  }
0xb1: {  	[dreg:$0x5] =	wrdreg $0x9  }
0xb2: {  	_ =	task.clear_ibuf [dreg:s7], $0x6FFFF;
	_ =	strace $0x90000049  }
0xb3: {  	s29 =	simm.s32 $0x9;
	_ =	strace $0x8000004B  }
0xb4: {  	_ =	swait.ge [sflag:s29], $0x1  }
0xb5: {  	[sflag:s29] =	ssyncadd.s32 $0xFFFFFFFF  }
0xb6: {  	_ =	strace $0x9000004B  }
0xb7: {  	_ =	sfence  }
0xb8: {  	s30 =	sld [smem:$0x0];
	_ =	sdelay $0x2  }
0xb9: {  	s31 =	sshll.u32 s1, $0xD;
	s1 =	sshrl.u32 s1, $0x2  }
0xba: {  	s3 =	sand.u32 $0x4000, s31;
	s1 =	sadd.s32 s1, s30  }
0xbb: {  	s0 =	sor.u32 s3, s0;
	s1 =	sshll.u32 s1, $0x11  }
0xbc: {  	s0 =	sor.u32 s1, s0  }
0xbd: {  	s0 =	sadd.s32 $0x8F2B, s0  }
0xbe: {  	[sflag:s0] =	ssyncadd.remote.s32 $0x1  }
0xbf: {  	_ =	sfence.sel $0xFFFF  }
0xc0: {  	[dreg:$0x0] =	wrdreg $0xFFFFFFFF;
	(pc) =	sbr.abs _section_cstart, $3  }
0xc1: {  	[dreg:$0x1] =	wrdreg $0xFFFFFFFF  }
0xc2: {  	_ =	task.clear_ibuf [dreg:s7], $0x2FFFF;
	_ =	strace $0x9FFFFFFF  }
0xc3: {  	(tm) =	ssettm $0x7FFFFFFF  }
tec
execute0_lowered:
.L_overlay_start_1:
0x0: {  	(tag) =	ssettag $0x1  }
0x1: {  	s1 =	rddreg [dreg:$0x0]  }
0x2: {  	s6 =	rddreg [dreg:$0x1]  }
0x3: {  	s3 =	rddreg [dreg:$0x2]  }
0x4: {  	s0 =	srdreg.scid;
	s15 =	stileid.u32  }
0x5: {  	s4 =	simm.s32 $0x0;
	s30 =	simm.s32 $0x50;
	s5 =	sand.u32 $0x1, s0  }
0x6: {  	s23 =	sshll.u32 s15, $0x1;
	[smem:$0x7FF] =	sst s4;
	s26 =	smul.u32 $0xFA, s15  }
0x7: {  	s0 =	sadd.s32 $0x2400, s6;
	s2 =	sadd.s32 $0x11E00, s6;
	s28 =	smul.u32 $0x7D, s5  }
0x8: {  	s24 =	sadd.s32 $0x21800, s6;
	s7 =	sor.u32 s5, s23;
	s23 =	smul.u32 $0x500, s15  }
0x9: {  	p0 =	seq.s32 s15, $0xF;
	s25 =	ssub.s32 $0x2, s5;
	s8 =	smul.u32 $0x3E80, s7  }
0xa: {  	_ =	strace $0x8000004A;
	s9 =	smul.u32 $0x280, s7;
	s10 =	sshrl.u32 s25, $0x1  }
0xb: {  	s7 =	sadd.s32 $0x24000, s6;
	s6 =	ssub.s32 s25, s10;
	s25 =	smul.u32 $0x280, s5  }
0xc: {  	[dreg:$0x14] =	wrdreg s24;
	s10 =	sadd.s32 s28, s26;
	s26 =	smul.u32 $0x50000, s15  }
0xd: {  	s11 =	sand.u32 $0x7FC00, s8;
	s9 =	sand.u32 $0x380, s9;
	s8 =	sshrl.u32 s8, $0x3  }
0xe: {  	s9 =	sor.u32 s9, s11;
	s29 =	sadd.s32 $0x10, s8;
	s13 =	sadd.s32 $0x20, s8  }
0xf: {  	s17 =	sadd.s32 $0x30, s8;
	s8 =	sadd.s32 $0x7C0, s8;
	s31 =	sadd.s32 s0, s29  }
0x10: {  	s9 =	sshrl.u32 s9, $0x3;
	s14 =	sadd.s32 s0, s13;
	[dreg:$0x17] =	wrdreg s31  }
0x11: {  	s16 =	sadd.s32 s2, s13;
	s13 =	sadd.s32 s0, s17;
	[dreg:$0x19] =	wrdreg s14  }
0x12: {  	s11 =	sadd.s32 s2, s17;
	s17 =	smul.u32 $0x27100, s5;
	[dreg:$0x1a] =	wrdreg s16  }
0x13: {  	s5 =	smul.u32 $0x138800, s5;
	s12 =	sadd.s32 s0, s9;
	[dreg:$0x1b] =	wrdreg s13  }
0x14: {  	s9 =	sadd.s32 s2, s9;
	[dreg:$0x1c] =	wrdreg s11;
	s14 =	smul.u32 $0x2800, s15  }
0x15: {  	s11 =	sshrl.u32 s26, $0x2;
	s26 =	sadd.s32 s0, s8;
	[dreg:$0x15] =	wrdreg s12  }
0x16: {  	s8 =	sadd.s32 s2, s8;
	s15 =	simm.s32 $0x12;
	[dreg:$0x16] =	wrdreg s9  }
0x17: {  	s9 =	sadd.s32 s2, s29;
	s12 =	sadd.s32 s25, s23;
	[dreg:$0x1f] =	wrdreg s26  }
0x18: {  	s11 =	sadd.s32 s11, s3;
	[smem:$0x7FA] =	sst s8;
	s5 =	sshrl.u32 s5, $0x3  }
0x19: {  	s8 =	simm.s32 $0x11;
	s26 =	simm.s32 $0xE;
	[dreg:$0x18] =	wrdreg s9  }
0x1a: {  	s9 =	sshll.u32 s10, $0x4;
	s10 =	sshll.u32 s10, $0x7;
	s5 =	sadd.s32 s7, s5  }
0x1b: {  	[dreg:$0x1d] =	wrdreg s11;
	s18 =	sadd.s32 $0xB0, s9;
	s5 =	sadd.s32 $0x25800, s5  }
0x1c: {  	s12 =	sand.u32 $0x380, s12;
	s19 =	sadd.s32 s18, s2;
	[smem:$0x7FC] =	sst s5  }
0x1d: {  	s21 =	sadd.s32 $0xA0, s9;
	s20 =	sadd.s32 s18, s0;
	[dreg:$0x4] =	wrdreg s19  }
0x1e: {  	s10 =	sadd.s32 $0x400, s10;
	s22 =	sadd.s32 s21, s2;
	[dreg:$0x5] =	wrdreg s20  }
0x1f: {  	s28 =	sadd.s32 $0x90, s9;
	s24 =	sadd.s32 s21, s0;
	[dreg:$0x6] =	wrdreg s22  }
0x20: {  	s16 =	sadd.s32 $0x70, s9;
	s29 =	sadd.s32 s28, s2;
	[dreg:$0x7] =	wrdreg s24  }
0x21: {  	s23 =	sadd.s32 $0x50, s9;
	s31 =	sadd.s32 s28, s0;
	[dreg:$0x8] =	wrdreg s29  }
0x22: {  	s10 =	sand.u32 $0x1FFC00, s10;
	s18 =	sadd.s32 s16, s2;
	[dreg:$0x9] =	wrdreg s31  }
0x23: {  	s25 =	sadd.s32 s23, s2;
	s5 =	simm.s32 $0x0;
	[dreg:$0xc] =	wrdreg s18  }
0x24: {  	s10 =	sor.u32 s12, s10;
	s19 =	sadd.s32 s16, s0;
	[dreg:$0x10] =	wrdreg s25  }
0x25: {  	s20 =	sadd.s32 $0x60, s9;
	s24 =	sadd.s32 $0x12C000, s3;
	[dreg:$0xd] =	wrdreg s19  }
0x26: {  	s12 =	sadd.s32 s14, s17;
	s29 =	sadd.s32 s23, s0;
	[dreg:$0x1e] =	wrdreg s24  }
0x27: {  	s9 =	sadd.s32 $0x40, s9;
	s31 =	smax.u32 s6, $0x1;
	[dreg:$0x11] =	wrdreg s29  }
0x28: {  	s16 =	simm.s32 $0x100;
	s21 =	sadd.s32 s20, s2;
	[smem:$0x7FD] =	sst s31  }
0x29: {  	s25 =	simm.s32 $0x2;
	s22 =	sadd.s32 s20, s0;
	[dreg:$0xe] =	wrdreg s21  }
0x2a: {  	s10 =	sshrl.u32 s10, $0x3;
	s28 =	sadd.s32 s7, s12;
	[dreg:$0xf] =	wrdreg s22  }
0x2b: {  	s14 =	simm.s32 $0x3;
	s13 =	sadd.s32 s10, s2;
	[smem:$0x7FB] =	sst s28  }
0x2c: {  	s20 =	simm.s32 $0x13;
	s10 =	sadd.s32 s10, s0;
	[dreg:$0xa] =	wrdreg s13  }
0x2d: {  	s24 =	simm.s32 $0x14;
	s2 =	sadd.s32 s9, s2;
	[dreg:$0xb] =	wrdreg s10  }
0x2e: {  	s0 =	sadd.s32 s9, s0;
	s9 =	simm.s32 $0x80;
	[dreg:$0x12] =	wrdreg s2  }
0x2f: {  	[dreg:$0x13] =	wrdreg s0;
	s13 =	simm.s32 $0x1;
	s10 =	simm.s32 $0x15  }
.LBB2_1:
0x30: {  	[smem:$0x7F6] =	sst s5  }
0x31: {  	s0 =	rddreg [dreg:$0x15]  }
0x32: {  	[tilespmem:s4], [sflag:$0x1] =	stream.linear.gather [hbm4b:s0+s4], $0x80, $0x38;
	[tilespmem:$0x1E080] =	vst v63  }
0x33: {  	s11 =	rddreg [dreg:$0x16];
	s6 =	simm.s32 $0x400  }
0x34: {  	[tilespmem:s6], [sflag:$0x9] =	stream.linear.gather [hbm4b:s11+s4], $0x80, $0x38;
	[tilespmem:$0x1E080] =	vst v63  }
0x35: {  	s12 =	rddreg [dreg:$0x17]  }
0x36: {  	[tilespmem:s9], [sflag:$0x2] =	stream.linear.gather [hbm4b:s12+s4], $0x80, $0x38;
	[tilespmem:$0x1E080] =	vst v63  }
0x37: {  	s17 =	rddreg [dreg:$0x18];
	s11 =	simm.s32 $0x480  }
0x38: {  	[tilespmem:s11], [sflag:$0xA] =	stream.linear.gather [hbm4b:s17+s4], $0x80, $0x38;
	[tilespmem:$0x1E080] =	vst v63  }
0x39: {  	s18 =	rddreg [dreg:$0x19]  }
0x3a: {  	[tilespmem:s16], [sflag:$0x3] =	stream.linear.gather [hbm4b:s18+s4], $0x80, $0x38;
	[tilespmem:$0x1E080] =	vst v63  }
0x3b: {  	s19 =	rddreg [dreg:$0x1a];
	s17 =	simm.s32 $0x500  }
0x3c: {  	[tilespmem:s17], [sflag:$0xB] =	stream.linear.gather [hbm4b:s19+s4], $0x80, $0x38;
	[tilespmem:$0x1E080] =	vst v63  }
0x3d: {  	s21 =	rddreg [dreg:$0x1b];
	s2 =	simm.s32 $0x180  }
0x3e: {  	[tilespmem:s2], [sflag:$0x4] =	stream.linear.gather [hbm4b:s21+s4], $0x80, $0x38;
	[tilespmem:$0x1E080] =	vst v63  }
0x3f: {  	s22 =	rddreg [dreg:$0x1c];
	s21 =	simm.s32 $0x580  }
0x40: {  	[tilespmem:s21], [sflag:$0xC] =	stream.linear.gather [hbm4b:s22+s4], $0x80, $0x38;
	[tilespmem:$0x1E080] =	vst v63  }
0x41: {  	_ =	swait.ge [sflag:s13], $0x80  }
0x42: {  	[sflag:s13] =	ssyncset.done $0x0  }
0x43: {  	s2 =	simm.s32 $0x800;
	[sflag:s13] =	ssyncadd.s32 $0xFFFFFF80  }
0x44: {  	[tilespmem:s2], [sflag:$0x11] =	stream.indirect.gather [hbm4b:s1+s30], $0x80, s4, s30, $0xb8;
	[tilespmem:$0x1E080] =	vst v63  }
0x45: {  	_ =	swait.ge [sflag:s25], $0x80  }
0x46: {  	[sflag:s25] =	ssyncset.done $0x0  }
0x47: {  	s7 =	simm.s32 $0x3000;
	[sflag:s25] =	ssyncadd.s32 $0xFFFFFF80  }
0x48: {  	[tilespmem:s7], [sflag:$0x12] =	stream.indirect.gather [hbm4b:s1+s30], $0x80, s9, s30, $0xb8;
	[tilespmem:$0x1E080] =	vst v63  }
0x49: {  	_ =	swait.ge [sflag:s14], $0x80  }
0x4a: {  	s12 =	simm.s32 $0x5800;
	[sflag:s14] =	ssyncset.done $0x0;
	s0 =	rddreg [dreg:$0x1e]  }
0x4b: {  	s29 =	rddreg [dreg:$0x14];
	[sflag:s14] =	ssyncadd.s32 $0xFFFFFF80;
	s0 =	sshrl.u32 @p0 s0, $0x3  }
0x4c: {  	[tilespmem:s12], [sflag:$0x13] =	stream.indirect.gather [hbm4b:s1+s30], $0x80, s16, s30, $0xb8;
	[tilespmem:$0x1E080] =	vst v63  }
0x4d: {  	s13 =	simm.s32 @p0 $0x1FD5;
	[smem:$0x7F7] =	sst s0  }
0x4e: {  	[spmem:s0], [sflag:s13] =	dma.local @p0 [hbm:s29], $0x1900  }
0x4f: {  	s13 =	simm.s32 @p0 $0x15  }
0x50: {  	s0 =	stileid.u32;
	_ =	swait.ge @p0 [sflag:s13], $0x1900  }
0x51: {  	s28 =	sshll.u32 @!p0 s0, $0x6;
	[sflag:s13] =	ssyncset.done @p0 $0x0  }
0x52: {  	s0 =	rddreg [dreg:$0x1d];
	[sflag:s13] =	ssyncadd.s32 @p0 $0xFFFFE700;
	s13 =	sor.u32 @!p0 $0x1C15, s28  }
0x53: {  	s0 =	sshrl.u32 @!p0 s0, $0x3;
	[smem:$0x7F8] =	sst s13  }
0x54: {  	[smem:$0x7F9] =	sst s0  }
0x55: {  	[spmem:s0], [sflag:s13] =	dma.local @!p0 [hbm:s29], $0x2800  }
0x56: {  	s13 =	simm.s32 @!p0 $0x15  }
0x57: {  	_ =	swait.ge @!p0 [sflag:s13], $0x2800  }
0x58: {  	[sflag:s13] =	ssyncset.done @!p0 $0x0  }
0x59: {  	[sflag:s13] =	ssyncadd.s32 @!p0 $0xFFFFD800  }
0x5a: {  	[bflag:$0x0] =	sbarrier.arrive $0xFFFF  }
0x5b: {  	_ =	swait.ge [sflag:s8], $0x2800  }
0x5c: {  	[sflag:s8] =	ssyncset.done $0x0  }
0x5d: {  	s23 =	simm.s32 $0x9;
	[sflag:s8] =	ssyncadd.s32 $0xFFFFD800  }
0x5e: {  	_ =	swait.ge [sflag:s23], $0x80  }
0x5f: {  	[sflag:s23] =	ssyncset.done $0x0  }
0x60: {  	[sflag:s23] =	ssyncadd.s32 $0xFFFFFF80  }
0x61: {  	[spmem:s3] =	stream.indirect.scatter.add.f32 [tilespmem:s2], [sflag:$0x15], $0x80, s6, s30, $0xb8;
	[tilespmem:$0x1E080] =	vst v63  }
0x62: {  	_ =	swait.ge [sflag:s10], $0x2800  }
0x63: {  	[sflag:s10] =	ssyncset.done $0x0  }
0x64: {  	s29 =	simm.s32 $0x4;
	[sflag:s10] =	ssyncadd.s32 $0xFFFFD800  }
0x65: {  	_ =	swait.ge [sflag:s29], $0x80  }
0x66: {  	s18 =	simm.s32 $0x180;
	[sflag:s29] =	ssyncset.done $0x0  }
0x67: {  	s19 =	simm.s32 $0x8000;
	s31 =	rddreg [dreg:$0x13];
	[sflag:s29] =	ssyncadd.s32 $0xFFFFFF80  }
0x68: {  	[tilespmem:s19], [sflag:$0x14] =	stream.indirect.gather [hbm4b:s1+s30], $0x80, s18, s30, $0xb8;
	[tilespmem:$0x1E080] =	vst v63  }
0x69: {  	s22 =	simm.s32 $0x200;
	s28 =	rddreg [dreg:$0x12];
	s13 =	sadd.s32 $0x0, s31  }
0x6a: {  	[tilespmem:s22], [sflag:$0x5] =	stream.linear.gather [hbm4b:s13+s4], $0x80, $0x38;
	[tilespmem:$0x1E080] =	vst v63  }
0x6b: {  	s23 =	sadd.s32 $0x0, s28;
	s18 =	simm.s32 $0x600  }
0x6c: {  	[tilespmem:s18], [sflag:$0xD] =	stream.linear.gather [hbm4b:s23+s4], $0x80, $0x38;
	[tilespmem:$0x1E080] =	vst v63  }
0x6d: {  	_ =	swait.ge [sflag:s15], $0x2800  }
0x6e: {  	[sflag:s15] =	ssyncset.done $0x0  }
0x6f: {  	s29 =	simm.s32 $0xA;
	[sflag:s15] =	ssyncadd.s32 $0xFFFFD800  }
0x70: {  	_ =	swait.ge [sflag:s29], $0x80  }
0x71: {  	[sflag:s29] =	ssyncset.done $0x0  }
0x72: {  	[sflag:s29] =	ssyncadd.s32 $0xFFFFFF80  }
0x73: {  	[spmem:s3] =	stream.indirect.scatter.add.f32 [tilespmem:s7], [sflag:$0x15], $0x80, s11, s30, $0xb8;
	[tilespmem:$0x1E080] =	vst v63  }
0x74: {  	_ =	swait.ge [sflag:s10], $0x2800  }
0x75: {  	[sflag:s10] =	ssyncset.done $0x0  }
0x76: {  	s28 =	simm.s32 $0x5;
	[sflag:s10] =	ssyncadd.s32 $0xFFFFD800  }
0x77: {  	_ =	swait.ge [sflag:s28], $0x80  }
0x78: {  	[sflag:s28] =	ssyncset.done $0x0  }
0x79: {  	s31 =	rddreg [dreg:$0x11];
	[sflag:s28] =	ssyncadd.s32 $0xFFFFFF80  }
0x7a: {  	[tilespmem:s2], [sflag:$0x11] =	stream.indirect.gather [hbm4b:s1+s30], $0x80, s22, s30, $0xb8;
	[tilespmem:$0x1E080] =	vst v63  }
0x7b: {  	s28 =	rddreg [dreg:$0x10];
	s13 =	sadd.s32 $0x0, s31;
	s22 =	simm.s32 $0x280  }
0x7c: {  	[tilespmem:s22], [sflag:$0x6] =	stream.linear.gather [hbm4b:s13+s4], $0x80, $0x38;
	[tilespmem:$0x1E080] =	vst v63  }
0x7d: {  	s29 =	simm.s32 $0x680;
	s0 =	sadd.s32 $0x0, s28  }
0x7e: {  	[tilespmem:s29], [sflag:$0xE] =	stream.linear.gather [hbm4b:s0+s4], $0x80, $0x38;
	[tilespmem:$0x1E080] =	vst v63  }
0x7f: {  	_ =	swait.ge [sflag:s20], $0x2800  }
0x80: {  	[sflag:s20] =	ssyncset.done $0x0  }
0x81: {  	s13 =	simm.s32 $0xB;
	[sflag:s20] =	ssyncadd.s32 $0xFFFFD800  }
0x82: {  	_ =	swait.ge [sflag:s13], $0x80  }
0x83: {  	[sflag:s13] =	ssyncset.done $0x0  }
0x84: {  	[sflag:s13] =	ssyncadd.s32 $0xFFFFFF80  }
0x85: {  	[spmem:s3] =	stream.indirect.scatter.add.f32 [tilespmem:s12], [sflag:$0x15], $0x80, s17, s30, $0xb8;
	[tilespmem:$0x1E080] =	vst v63  }
0x86: {  	_ =	swait.ge [sflag:s10], $0x2800  }
0x87: {  	[sflag:s10] =	ssyncset.done $0x0  }
0x88: {  	s23 =	simm.s32 $0x6;
	[sflag:s10] =	ssyncadd.s32 $0xFFFFD800  }
0x89: {  	_ =	swait.ge [sflag:s23], $0x80  }
0x8a: {  	[sflag:s23] =	ssyncset.done $0x0  }
0x8b: {  	s31 =	rddreg [dreg:$0xf];
	[sflag:s23] =	ssyncadd.s32 $0xFFFFFF80  }
0x8c: {  	[tilespmem:s7], [sflag:$0x12] =	stream.indirect.gather [hbm4b:s1+s30], $0x80, s22, s30, $0xb8;
	[tilespmem:$0x1E080] =	vst v63  }
0x8d: {  	s28 =	rddreg [dreg:$0xe];
	s13 =	sadd.s32 $0x0, s31;
	s23 =	simm.s32 $0x300  }
0x8e: {  	[tilespmem:s23], [sflag:$0x7] =	stream.linear.gather [hbm4b:s13+s4], $0x80, $0x38;
	[tilespmem:$0x1E080] =	vst v63  }
0x8f: {  	s0 =	sadd.s32 $0x0, s28;
	s31 =	simm.s32 $0x700  }
0x90: {  	[tilespmem:s31], [sflag:$0xF] =	stream.linear.gather [hbm4b:s0+s4], $0x80, $0x38;
	[tilespmem:$0x1E080] =	vst v63  }
0x91: {  	_ =	swait.ge [sflag:s24], $0x2800  }
0x92: {  	[sflag:s24] =	ssyncset.done $0x0  }
0x93: {  	s13 =	simm.s32 $0xC;
	[sflag:s24] =	ssyncadd.s32 $0xFFFFD800  }
0x94: {  	_ =	swait.ge [sflag:s13], $0x80  }
0x95: {  	[sflag:s13] =	ssyncset.done $0x0  }
0x96: {  	[sflag:s13] =	ssyncadd.s32 $0xFFFFFF80  }
0x97: {  	[spmem:s3] =	stream.indirect.scatter.add.f32 [tilespmem:s19], [sflag:$0x15], $0x80, s21, s30, $0xb8;
	[tilespmem:$0x1E080] =	vst v63  }
0x98: {  	_ =	swait.ge [sflag:s10], $0x2800  }
0x99: {  	[sflag:s10] =	ssyncset.done $0x0  }
0x9a: {  	s21 =	simm.s32 $0x7;
	[sflag:s10] =	ssyncadd.s32 $0xFFFFD800  }
0x9b: {  	_ =	swait.ge [sflag:s21], $0x80  }
0x9c: {  	[sflag:s21] =	ssyncset.done $0x0  }
0x9d: {  	s22 =	rddreg [dreg:$0xd];
	[sflag:s21] =	ssyncadd.s32 $0xFFFFFF80  }
0x9e: {  	[tilespmem:s12], [sflag:$0x13] =	stream.indirect.gather [hbm4b:s1+s30], $0x80, s23, s30, $0xb8;
	[tilespmem:$0x1E080] =	vst v63  }
0x9f: {  	s28 =	rddreg [dreg:$0xc];
	s13 =	sadd.s32 $0x0, s22;
	s21 =	simm.s32 $0x380  }
0xa0: {  	[tilespmem:s21], [sflag:$0x8] =	stream.linear.gather [hbm4b:s13+s4], $0x80, $0x38;
	[tilespmem:$0x1E080] =	vst v63  }
0xa1: {  	s0 =	sadd.s32 $0x0, s28;
	s22 =	simm.s32 $0x780  }
0xa2: {  	[tilespmem:s22], [sflag:$0x10] =	stream.linear.gather [hbm4b:s0+s4], $0x80, $0x38;
	[tilespmem:$0x1E080] =	vst v63  }
0xa3: {  	_ =	swait.ge [sflag:s8], $0x2800  }
0xa4: {  	[sflag:s8] =	ssyncset.done $0x0  }
0xa5: {  	s13 =	simm.s32 $0xD;
	[sflag:s8] =	ssyncadd.s32 $0xFFFFD800  }
0xa6: {  	_ =	swait.ge [sflag:s13], $0x80  }
0xa7: {  	[sflag:s13] =	ssyncset.done $0x0  }
0xa8: {  	[sflag:s13] =	ssyncadd.s32 $0xFFFFFF80  }
0xa9: {  	[spmem:s3] =	stream.indirect.scatter.add.f32 [tilespmem:s2], [sflag:$0x15], $0x80, s18, s30, $0xb8;
	[tilespmem:$0x1E080] =	vst v63  }
0xaa: {  	_ =	swait.ge [sflag:s10], $0x2800  }
0xab: {  	[sflag:s10] =	ssyncset.done $0x0  }
0xac: {  	s23 =	simm.s32 $0x8;
	[sflag:s10] =	ssyncadd.s32 $0xFFFFD800  }
0xad: {  	_ =	swait.ge [sflag:s23], $0x80  }
0xae: {  	[sflag:s23] =	ssyncset.done $0x0  }
0xaf: {  	s18 =	rddreg [dreg:$0xb];
	[sflag:s23] =	ssyncadd.s32 $0xFFFFFF80  }
0xb0: {  	[tilespmem:s19], [sflag:$0x14] =	stream.indirect.gather [hbm4b:s1+s30], $0x80, s21, s30, $0xb8;
	[tilespmem:$0x1E080] =	vst v63  }
0xb1: {  	s28 =	rddreg [dreg:$0xa];
	s13 =	sadd.s32 $0x0, s18  }
0xb2: {  	[tilespmem:s4], [sflag:$0x1] =	stream.linear.gather [hbm4b:s13+s4], $0x80, $0x38;
	[tilespmem:$0x1E080] =	vst v63  }
0xb3: {  	s0 =	sadd.s32 $0x0, s28  }
0xb4: {  	[tilespmem:s6], [sflag:$0x9] =	stream.linear.gather [hbm4b:s0+s4], $0x80, $0x38;
	[tilespmem:$0x1E080] =	vst v63  }
0xb5: {  	_ =	swait.ge [sflag:s15], $0x2800  }
0xb6: {  	[sflag:s15] =	ssyncset.done $0x0  }
0xb7: {  	[sflag:s15] =	ssyncadd.s32 $0xFFFFD800  }
0xb8: {  	_ =	swait.ge [sflag:s26], $0x80  }
0xb9: {  	[sflag:s26] =	ssyncset.done $0x0  }
0xba: {  	[sflag:s26] =	ssyncadd.s32 $0xFFFFFF80  }
0xbb: {  	[spmem:s3] =	stream.indirect.scatter.add.f32 [tilespmem:s7], [sflag:$0x15], $0x80, s29, s30, $0xb8;
	[tilespmem:$0x1E080] =	vst v63  }
0xbc: {  	_ =	swait.ge [sflag:s10], $0x2800  }
0xbd: {  	[sflag:s10] =	ssyncset.done $0x0  }
0xbe: {  	s14 =	simm.s32 $0x1;
	[sflag:s10] =	ssyncadd.s32 $0xFFFFD800  }
0xbf: {  	_ =	swait.ge [sflag:s14], $0x80  }
0xc0: {  	[sflag:s14] =	ssyncset.done $0x0  }
0xc1: {  	s6 =	rddreg [dreg:$0x9];
	[sflag:s14] =	ssyncadd.s32 $0xFFFFFF80  }
0xc2: {  	[tilespmem:s2], [sflag:$0x11] =	stream.indirect.gather [hbm4b:s1+s30], $0x80, s4, s30, $0xb8;
	[tilespmem:$0x1E080] =	vst v63  }
0xc3: {  	s28 =	rddreg [dreg:$0x8];
	s13 =	sadd.s32 $0x0, s6  }
0xc4: {  	[tilespmem:s9], [sflag:$0x2] =	stream.linear.gather [hbm4b:s13+s4], $0x80, $0x38;
	[tilespmem:$0x1E080] =	vst v63  }
0xc5: {  	s14 =	sadd.s32 $0x0, s28  }
0xc6: {  	[tilespmem:s11], [sflag:$0xA] =	stream.linear.gather [hbm4b:s14+s4], $0x80, $0x38;
	[tilespmem:$0x1E080] =	vst v63  }
0xc7: {  	_ =	swait.ge [sflag:s20], $0x2800  }
0xc8: {  	[sflag:s20] =	ssyncset.done $0x0  }
0xc9: {  	s14 =	simm.s32 $0xF;
	[sflag:s20] =	ssyncadd.s32 $0xFFFFD800  }
0xca: {  	_ =	swait.ge [sflag:s14], $0x80  }
0xcb: {  	[sflag:s14] =	ssyncset.done $0x0  }
0xcc: {  	[sflag:s14] =	ssyncadd.s32 $0xFFFFFF80  }
0xcd: {  	[spmem:s3] =	stream.indirect.scatter.add.f32 [tilespmem:s12], [sflag:$0x15], $0x80, s31, s30, $0xb8;
	[tilespmem:$0x1E080] =	vst v63  }
0xce: {  	_ =	swait.ge [sflag:s10], $0x2800  }
0xcf: {  	[sflag:s10] =	ssyncset.done $0x0  }
0xd0: {  	s25 =	simm.s32 $0x2;
	[sflag:s10] =	ssyncadd.s32 $0xFFFFD800  }
0xd1: {  	_ =	swait.ge [sflag:s25], $0x80  }
0xd2: {  	[sflag:s25] =	ssyncset.done $0x0  }
0xd3: {  	s18 =	rddreg [dreg:$0x7];
	[sflag:s25] =	ssyncadd.s32 $0xFFFFFF80  }
0xd4: {  	[tilespmem:s7], [sflag:$0x12] =	stream.indirect.gather [hbm4b:s1+s30], $0x80, s9, s30, $0xb8;
	[tilespmem:$0x1E080] =	vst v63  }
0xd5: {  	s28 =	rddreg [dreg:$0x6];
	s13 =	sadd.s32 $0x0, s18  }
0xd6: {  	[tilespmem:s16], [sflag:$0x3] =	stream.linear.gather [hbm4b:s13+s4], $0x80, $0x38;
	[tilespmem:$0x1E080] =	vst v63  }
0xd7: {  	s21 =	sadd.s32 $0x0, s28  }
0xd8: {  	[tilespmem:s17], [sflag:$0xB] =	stream.linear.gather [hbm4b:s21+s4], $0x80, $0x38;
	[tilespmem:$0x1E080] =	vst v63  }
0xd9: {  	_ =	swait.ge [sflag:s24], $0x2800  }
0xda: {  	[sflag:s24] =	ssyncset.done $0x0  }
0xdb: {  	s25 =	simm.s32 $0x10;
	[sflag:s24] =	ssyncadd.s32 $0xFFFFD800  }
0xdc: {  	_ =	swait.ge [sflag:s25], $0x80  }
0xdd: {  	[sflag:s25] =	ssyncset.done $0x0  }
0xde: {  	[sflag:s25] =	ssyncadd.s32 $0xFFFFFF80  }
0xdf: {  	[spmem:s3] =	stream.indirect.scatter.add.f32 [tilespmem:s19], [sflag:$0x15], $0x80, s22, s30, $0xb8;
	[tilespmem:$0x1E080] =	vst v63  }
0xe0: {  	_ =	swait.ge [sflag:s10], $0x2800  }
0xe1: {  	[sflag:s10] =	ssyncset.done $0x0  }
0xe2: {  	s5 =	simm.s32 $0x3;
	[sflag:s10] =	ssyncadd.s32 $0xFFFFD800  }
0xe3: {  	_ =	swait.ge [sflag:s5], $0x80  }
0xe4: {  	[sflag:s5] =	ssyncset.done $0x0  }
0xe5: {  	s22 =	rddreg [dreg:$0x5];
	[sflag:s5] =	ssyncadd.s32 $0xFFFFFF80  }
0xe6: {  	[tilespmem:s12], [sflag:$0x13] =	stream.indirect.gather [hbm4b:s1+s30], $0x80, s16, s30, $0xb8;
	[tilespmem:$0x1E080] =	vst v63  }
0xe7: {  	s31 =	simm.s32 $0x180;
	s29 =	rddreg [dreg:$0x4];
	s13 =	sadd.s32 $0x0, s22  }
0xe8: {  	[tilespmem:s31], [sflag:$0x4] =	stream.linear.gather [hbm4b:s13+s4], $0x80, $0x38;
	[tilespmem:$0x1E080] =	vst v63  }
0xe9: {  	s28 =	simm.s32 $0x80;
	s13 =	sadd.s32 $0x0, s29  }
.LBB2_2:
0xea: {  	s5 =	simm.s32 $0x580  }
0xeb: {  	[tilespmem:s5], [sflag:$0xC] =	stream.linear.gather [hbm4b:s13+s4], $0x80, $0x38;
	[tilespmem:$0x1E080] =	vst v63  }
0xec: {  	_ =	swait.ge [sflag:s8], $0x2800  }
0xed: {  	[sflag:s8] =	ssyncset.done $0x0  }
0xee: {  	s0 =	simm.s32 $0x9;
	[sflag:s8] =	ssyncadd.s32 $0xFFFFD800  }
0xef: {  	_ =	swait.ge [sflag:s0], $0x80  }
0xf0: {  	[sflag:s0] =	ssyncset.done $0x0  }
0xf1: {  	s6 =	simm.s32 $0x400;
	s2 =	simm.s32 $0x800;
	[sflag:s0] =	ssyncadd.s32 $0xFFFFFF80  }
0xf2: {  	[spmem:s3] =	stream.indirect.scatter.add.f32 [tilespmem:s2], [sflag:$0x15], $0x80, s6, s30, $0xb8;
	[tilespmem:$0x1E080] =	vst v63  }
0xf3: {  	_ =	swait.ge [sflag:s10], $0x2800  }
0xf4: {  	[sflag:s10] =	ssyncset.done $0x0  }
0xf5: {  	s21 =	simm.s32 $0x4;
	[sflag:s10] =	ssyncadd.s32 $0xFFFFD800  }
0xf6: {  	_ =	swait.ge [sflag:s21], $0x80  }
0xf7: {  	s19 =	simm.s32 $0x8000;
	s13 =	smov.u32 s28;
	[sflag:s21] =	ssyncset.done $0x0  }
0xf8: {  	s29 =	rddreg [dreg:$0x13];
	[sflag:s21] =	ssyncadd.s32 $0xFFFFFF80;
	s21 =	simm.s32 $0x180  }
0xf9: {  	[tilespmem:s19], [sflag:$0x14] =	stream.indirect.gather [hbm4b:s1+s30], $0x80, s21, s30, $0xb8;
	[tilespmem:$0x1E080] =	vst v63  }
0xfa: {  	s9 =	simm.s32 $0x200;
	s22 =	rddreg [dreg:$0x12];
	s29 =	sadd.s32 s13, s29  }
0xfb: {  	[tilespmem:s9], [sflag:$0x5] =	stream.linear.gather [hbm4b:s29+s4], $0x80, $0x38;
	[tilespmem:$0x1E080] =	vst v63  }
0xfc: {  	s18 =	simm.s32 $0x600;
	s0 =	sadd.s32 s13, s22  }
0xfd: {  	[tilespmem:s18], [sflag:$0xD] =	stream.linear.gather [hbm4b:s0+s4], $0x80, $0x38;
	[tilespmem:$0x1E080] =	vst v63  }
0xfe: {  	_ =	swait.ge [sflag:s15], $0x2800  }
0xff: {  	[sflag:s15] =	ssyncset.done $0x0  }
0x100: {  	s29 =	simm.s32 $0xA;
	[sflag:s15] =	ssyncadd.s32 $0xFFFFD800  }
0x101: {  	_ =	swait.ge [sflag:s29], $0x80  }
0x102: {  	[sflag:s29] =	ssyncset.done $0x0  }
0x103: {  	s16 =	simm.s32 $0x480;
	s7 =	simm.s32 $0x3000;
	[sflag:s29] =	ssyncadd.s32 $0xFFFFFF80  }
0x104: {  	[spmem:s3] =	stream.indirect.scatter.add.f32 [tilespmem:s7], [sflag:$0x15], $0x80, s16, s30, $0xb8;
	[tilespmem:$0x1E080] =	vst v63  }
0x105: {  	_ =	swait.ge [sflag:s10], $0x2800  }
0x106: {  	[sflag:s10] =	ssyncset.done $0x0  }
0x107: {  	s17 =	simm.s32 $0x5;
	[sflag:s10] =	ssyncadd.s32 $0xFFFFD800  }
0x108: {  	_ =	swait.ge [sflag:s17], $0x80  }
0x109: {  	[sflag:s17] =	ssyncset.done $0x0  }
0x10a: {  	s31 =	rddreg [dreg:$0x11];
	[sflag:s17] =	ssyncadd.s32 $0xFFFFFF80  }
0x10b: {  	[tilespmem:s2], [sflag:$0x11] =	stream.indirect.gather [hbm4b:s1+s30], $0x80, s9, s30, $0xb8;
	[tilespmem:$0x1E080] =	vst v63  }
0x10c: {  	s11 =	rddreg [dreg:$0x10];
	s0 =	sadd.s32 s13, s31;
	s9 =	simm.s32 $0x280  }
0x10d: {  	[tilespmem:s9], [sflag:$0x6] =	stream.linear.gather [hbm4b:s0+s4], $0x80, $0x38;
	[tilespmem:$0x1E080] =	vst v63  }
0x10e: {  	s12 =	sadd.s32 s13, s11;
	s11 =	simm.s32 $0x680  }
0x10f: {  	[tilespmem:s11], [sflag:$0xE] =	stream.linear.gather [hbm4b:s12+s4], $0x80, $0x38;
	[tilespmem:$0x1E080] =	vst v63  }
0x110: {  	_ =	swait.ge [sflag:s20], $0x2800  }
0x111: {  	[sflag:s20] =	ssyncset.done $0x0  }
0x112: {  	s17 =	simm.s32 $0xB;
	[sflag:s20] =	ssyncadd.s32 $0xFFFFD800  }
0x113: {  	_ =	swait.ge [sflag:s17], $0x80  }
0x114: {  	[sflag:s17] =	ssyncset.done $0x0  }
0x115: {  	s12 =	simm.s32 $0x5800;
	[sflag:s17] =	ssyncadd.s32 $0xFFFFFF80;
	s17 =	simm.s32 $0x500  }
0x116: {  	[spmem:s3] =	stream.indirect.scatter.add.f32 [tilespmem:s12], [sflag:$0x15], $0x80, s17, s30, $0xb8;
	[tilespmem:$0x1E080] =	vst v63  }
0x117: {  	_ =	swait.ge [sflag:s10], $0x2800  }
0x118: {  	[sflag:s10] =	ssyncset.done $0x0  }
0x119: {  	s22 =	simm.s32 $0x6;
	[sflag:s10] =	ssyncadd.s32 $0xFFFFD800  }
0x11a: {  	_ =	swait.ge [sflag:s22], $0x80  }
0x11b: {  	[sflag:s22] =	ssyncset.done $0x0  }
0x11c: {  	s31 =	rddreg [dreg:$0xf];
	[sflag:s22] =	ssyncadd.s32 $0xFFFFFF80  }
0x11d: {  	[tilespmem:s7], [sflag:$0x12] =	stream.indirect.gather [hbm4b:s1+s30], $0x80, s9, s30, $0xb8;
	[tilespmem:$0x1E080] =	vst v63  }
0x11e: {  	s22 =	rddreg [dreg:$0xe];
	s0 =	sadd.s32 s13, s31;
	s9 =	simm.s32 $0x300  }
0x11f: {  	[tilespmem:s9], [sflag:$0x7] =	stream.linear.gather [hbm4b:s0+s4], $0x80, $0x38;
	[tilespmem:$0x1E080] =	vst v63  }
0x120: {  	s31 =	simm.s32 $0x700;
	s29 =	sadd.s32 s13, s22  }
0x121: {  	[tilespmem:s31], [sflag:$0xF] =	stream.linear.gather [hbm4b:s29+s4], $0x80, $0x38;
	[tilespmem:$0x1E080] =	vst v63  }
0x122: {  	_ =	swait.ge [sflag:s24], $0x2800  }
0x123: {  	[sflag:s24] =	ssyncset.done $0x0  }
0x124: {  	s22 =	simm.s32 $0xC;
	[sflag:s24] =	ssyncadd.s32 $0xFFFFD800  }
0x125: {  	_ =	swait.ge [sflag:s22], $0x80  }
0x126: {  	[sflag:s22] =	ssyncset.done $0x0  }
0x127: {  	[sflag:s22] =	ssyncadd.s32 $0xFFFFFF80  }
0x128: {  	[spmem:s3] =	stream.indirect.scatter.add.f32 [tilespmem:s19], [sflag:$0x15], $0x80, s5, s30, $0xb8;
	[tilespmem:$0x1E080] =	vst v63  }
0x129: {  	_ =	swait.ge [sflag:s10], $0x2800  }
0x12a: {  	[sflag:s10] =	ssyncset.done $0x0  }
0x12b: {  	s29 =	simm.s32 $0x7;
	[sflag:s10] =	ssyncadd.s32 $0xFFFFD800  }
0x12c: {  	_ =	swait.ge [sflag:s29], $0x80  }
0x12d: {  	[sflag:s29] =	ssyncset.done $0x0  }
0x12e: {  	s0 =	rddreg [dreg:$0xd];
	[sflag:s29] =	ssyncadd.s32 $0xFFFFFF80  }
0x12f: {  	[tilespmem:s12], [sflag:$0x13] =	stream.indirect.gather [hbm4b:s1+s30], $0x80, s9, s30, $0xb8;
	[tilespmem:$0x1E080] =	vst v63  }
0x130: {  	s5 =	simm.s32 $0x380;
	s22 =	rddreg [dreg:$0xc];
	s0 =	sadd.s32 s13, s0  }
0x131: {  	[tilespmem:s5], [sflag:$0x8] =	stream.linear.gather [hbm4b:s0+s4], $0x80, $0x38;
	[tilespmem:$0x1E080] =	vst v63  }
0x132: {  	s9 =	sadd.s32 s13, s22;
	s22 =	simm.s32 $0x780  }
0x133: {  	[tilespmem:s22], [sflag:$0x10] =	stream.linear.gather [hbm4b:s9+s4], $0x80, $0x38;
	[tilespmem:$0x1E080] =	vst v63  }
0x134: {  	_ =	swait.ge [sflag:s8], $0x2800  }
0x135: {  	[sflag:s8] =	ssyncset.done $0x0  }
0x136: {  	s29 =	simm.s32 $0xD;
	[sflag:s8] =	ssyncadd.s32 $0xFFFFD800  }
0x137: {  	_ =	swait.ge [sflag:s29], $0x80  }
0x138: {  	[sflag:s29] =	ssyncset.done $0x0  }
0x139: {  	[sflag:s29] =	ssyncadd.s32 $0xFFFFFF80  }
0x13a: {  	[spmem:s3] =	stream.indirect.scatter.add.f32 [tilespmem:s2], [sflag:$0x15], $0x80, s18, s30, $0xb8;
	[tilespmem:$0x1E080] =	vst v63  }
0x13b: {  	_ =	swait.ge [sflag:s10], $0x2800  }
0x13c: {  	[sflag:s10] =	ssyncset.done $0x0  }
0x13d: {  	[sflag:s10] =	ssyncadd.s32 $0xFFFFD800  }
0x13e: {  	_ =	swait.ge [sflag:s23], $0x80  }
0x13f: {  	[sflag:s23] =	ssyncset.done $0x0  }
0x140: {  	s9 =	rddreg [dreg:$0xb];
	[sflag:s23] =	ssyncadd.s32 $0xFFFFFF80  }
0x141: {  	[tilespmem:s19], [sflag:$0x14] =	stream.indirect.gather [hbm4b:s1+s30], $0x80, s5, s30, $0xb8;
	[tilespmem:$0x1E080] =	vst v63  }
0x142: {  	s18 =	rddreg [dreg:$0xa];
	s0 =	sadd.s32 s13, s9  }
0x143: {  	[tilespmem:s4], [sflag:$0x1] =	stream.linear.gather [hbm4b:s0+s4], $0x80, $0x38;
	[tilespmem:$0x1E080] =	vst v63  }
0x144: {  	s5 =	sadd.s32 s13, s18  }
0x145: {  	[tilespmem:s6], [sflag:$0x9] =	stream.linear.gather [hbm4b:s5+s4], $0x80, $0x38;
	[tilespmem:$0x1E080] =	vst v63  }
0x146: {  	_ =	swait.ge [sflag:s15], $0x2800  }
0x147: {  	[sflag:s15] =	ssyncset.done $0x0  }
0x148: {  	[sflag:s15] =	ssyncadd.s32 $0xFFFFD800  }
0x149: {  	_ =	swait.ge [sflag:s26], $0x80  }
0x14a: {  	[sflag:s26] =	ssyncset.done $0x0  }
0x14b: {  	[sflag:s26] =	ssyncadd.s32 $0xFFFFFF80  }
0x14c: {  	[spmem:s3] =	stream.indirect.scatter.add.f32 [tilespmem:s7], [sflag:$0x15], $0x80, s11, s30, $0xb8;
	[tilespmem:$0x1E080] =	vst v63  }
0x14d: {  	_ =	swait.ge [sflag:s10], $0x2800  }
0x14e: {  	[sflag:s10] =	ssyncset.done $0x0  }
0x14f: {  	s11 =	simm.s32 $0x1;
	[sflag:s10] =	ssyncadd.s32 $0xFFFFD800  }
0x150: {  	_ =	swait.ge [sflag:s11], $0x80  }
0x151: {  	[sflag:s11] =	ssyncset.done $0x0  }
0x152: {  	s18 =	rddreg [dreg:$0x9];
	[sflag:s11] =	ssyncadd.s32 $0xFFFFFF80  }
0x153: {  	[tilespmem:s2], [sflag:$0x11] =	stream.indirect.gather [hbm4b:s1+s30], $0x80, s4, s30, $0xb8;
	[tilespmem:$0x1E080] =	vst v63  }
0x154: {  	s6 =	rddreg [dreg:$0x8];
	s0 =	sadd.s32 s13, s18;
	s11 =	simm.s32 $0x80  }
0x155: {  	[tilespmem:s11], [sflag:$0x2] =	stream.linear.gather [hbm4b:s0+s4], $0x80, $0x38;
	[tilespmem:$0x1E080] =	vst v63  }
0x156: {  	s18 =	sadd.s32 s13, s6  }
0x157: {  	[tilespmem:s16], [sflag:$0xA] =	stream.linear.gather [hbm4b:s18+s4], $0x80, $0x38;
	[tilespmem:$0x1E080] =	vst v63  }
0x158: {  	_ =	swait.ge [sflag:s20], $0x2800  }
0x159: {  	[sflag:s20] =	ssyncset.done $0x0  }
0x15a: {  	[sflag:s20] =	ssyncadd.s32 $0xFFFFD800  }
0x15b: {  	_ =	swait.ge [sflag:s14], $0x80  }
0x15c: {  	[sflag:s14] =	ssyncset.done $0x0  }
0x15d: {  	[sflag:s14] =	ssyncadd.s32 $0xFFFFFF80  }
0x15e: {  	[spmem:s3] =	stream.indirect.scatter.add.f32 [tilespmem:s12], [sflag:$0x15], $0x80, s31, s30, $0xb8;
	[tilespmem:$0x1E080] =	vst v63  }
0x15f: {  	_ =	swait.ge [sflag:s10], $0x2800  }
0x160: {  	[sflag:s10] =	ssyncset.done $0x0  }
0x161: {  	s29 =	simm.s32 $0x2;
	[sflag:s10] =	ssyncadd.s32 $0xFFFFD800  }
0x162: {  	_ =	swait.ge [sflag:s29], $0x80  }
0x163: {  	[sflag:s29] =	ssyncset.done $0x0  }
0x164: {  	s31 =	rddreg [dreg:$0x7];
	[sflag:s29] =	ssyncadd.s32 $0xFFFFFF80  }
0x165: {  	[tilespmem:s7], [sflag:$0x12] =	stream.indirect.gather [hbm4b:s1+s30], $0x80, s11, s30, $0xb8;
	[tilespmem:$0x1E080] =	vst v63  }
0x166: {  	s16 =	simm.s32 $0x100;
	s5 =	rddreg [dreg:$0x6];
	s0 =	sadd.s32 s13, s31  }
0x167: {  	[tilespmem:s16], [sflag:$0x3] =	stream.linear.gather [hbm4b:s0+s4], $0x80, $0x38;
	[tilespmem:$0x1E080] =	vst v63  }
0x168: {  	s11 =	sadd.s32 s13, s5  }
0x169: {  	[tilespmem:s17], [sflag:$0xB] =	stream.linear.gather [hbm4b:s11+s4], $0x80, $0x38;
	[tilespmem:$0x1E080] =	vst v63  }
0x16a: {  	_ =	swait.ge [sflag:s24], $0x2800  }
0x16b: {  	[sflag:s24] =	ssyncset.done $0x0  }
0x16c: {  	[sflag:s24] =	ssyncadd.s32 $0xFFFFD800  }
0x16d: {  	_ =	swait.ge [sflag:s25], $0x80  }
0x16e: {  	[sflag:s25] =	ssyncset.done $0x0  }
0x16f: {  	[sflag:s25] =	ssyncadd.s32 $0xFFFFFF80  }
0x170: {  	[spmem:s3] =	stream.indirect.scatter.add.f32 [tilespmem:s19], [sflag:$0x15], $0x80, s22, s30, $0xb8;
	[tilespmem:$0x1E080] =	vst v63  }
0x171: {  	p1 =	sne.s32 s28, $0x700;
	_ =	swait.ge [sflag:s10], $0x2800  }
0x172: {  	s28 =	sadd.s32 $0x80, s28;
	s9 =	simm.s32 $0x400;
	[sflag:s10] =	ssyncset.done $0x0  }
0x173: {  	s6 =	simm.s32 $0x480;
	s19 =	simm.s32 $0x3;
	[sflag:s10] =	ssyncadd.s32 $0xFFFFD800  }
0x174: {  	s18 =	simm.s32 $0x3000;
	s5 =	simm.s32 $0x500;
	_ =	swait.ge [sflag:s19], $0x80  }
.Ltmp0:
0x175: {  	[sflag:s19] =	ssyncset.done $0x0;
	s22 =	rddreg [dreg:$0x5];
	(pc) =	sbr.rel @p1 .LBB2_2-.Ltmp0, $4  }
0x176: {  	s7 =	simm.s32 $0x5800;
	s31 =	rddreg [dreg:$0x4];
	[sflag:s19] =	ssyncadd.s32 $0xFFFFFF80  }
0x177: {  	[tilespmem:s12], [sflag:$0x13] =	stream.indirect.gather [hbm4b:s1+s30], $0x80, s16, s30, $0xb8;
	[tilespmem:$0x1E080] =	vst v63  }
0x178: {  	s17 =	simm.s32 $0x180;
	s0 =	sadd.s32 s13, s22;
	s13 =	sadd.s32 s13, s31  }
0x179: {  	[tilespmem:s21], [sflag:$0x4] =	stream.linear.gather [hbm4b:s0+s4], $0x80, $0x38;
	[tilespmem:$0x1E080] =	vst v63  }
0x17a: {  	s11 =	simm.s32 $0x580  }
0x17b: {  	[tilespmem:s11], [sflag:$0xC] =	stream.linear.gather [hbm4b:s13+s4], $0x80, $0x38;
	[tilespmem:$0x1E080] =	vst v63  }
0x17c: {  	_ =	swait.ge [sflag:s8], $0x2800  }
0x17d: {  	[sflag:s8] =	ssyncset.done $0x0  }
0x17e: {  	s0 =	simm.s32 $0x9;
	[sflag:s8] =	ssyncadd.s32 $0xFFFFD800  }
0x17f: {  	_ =	swait.ge [sflag:s0], $0x80  }
0x180: {  	[sflag:s0] =	ssyncset.done $0x0  }
0x181: {  	s2 =	simm.s32 $0x800;
	[sflag:s0] =	ssyncadd.s32 $0xFFFFFF80  }
0x182: {  	[spmem:s3] =	stream.indirect.scatter.add.f32 [tilespmem:s2], [sflag:$0x15], $0x80, s9, s30, $0xb8;
	[tilespmem:$0x1E080] =	vst v63  }
0x183: {  	_ =	swait.ge [sflag:s10], $0x2800  }
0x184: {  	[sflag:s10] =	ssyncset.done $0x0  }
0x185: {  	s12 =	simm.s32 $0x4;
	[sflag:s10] =	ssyncadd.s32 $0xFFFFD800  }
0x186: {  	_ =	swait.ge [sflag:s12], $0x80  }
0x187: {  	[sflag:s12] =	ssyncset.done $0x0  }
0x188: {  	s13 =	rddreg [dreg:$0x1f];
	[sflag:s12] =	ssyncadd.s32 $0xFFFFFF80;
	s12 =	simm.s32 $0x8000  }
0x189: {  	[tilespmem:s12], [sflag:$0x14] =	stream.indirect.gather [hbm4b:s1+s30], $0x80, s17, s30, $0xb8;
	[tilespmem:$0x1E080] =	vst v63  }
0x18a: {  	s14 =	simm.s32 $0x200;
	s17 =	sld [smem:$0x7FA]  }
0x18b: {  	[tilespmem:s14], [sflag:$0x5] =	stream.linear.gather [hbm4b:s13+s4], $0x80, $0x38;
	[tilespmem:$0x1E080] =	vst v63  }
0x18c: {  	s19 =	simm.s32 $0x600  }
0x18d: {  	[tilespmem:s19], [sflag:$0xD] =	stream.linear.gather [hbm4b:s17+s4], $0x80, $0x38;
	[tilespmem:$0x1E080] =	vst v63  }
0x18e: {  	_ =	swait.ge [sflag:s15], $0x2800  }
0x18f: {  	[sflag:s15] =	ssyncset.done $0x0  }
0x190: {  	s21 =	simm.s32 $0xA;
	[sflag:s15] =	ssyncadd.s32 $0xFFFFD800  }
0x191: {  	_ =	swait.ge [sflag:s21], $0x80  }
0x192: {  	[sflag:s21] =	ssyncset.done $0x0  }
0x193: {  	[sflag:s21] =	ssyncadd.s32 $0xFFFFFF80  }
0x194: {  	[spmem:s3] =	stream.indirect.scatter.add.f32 [tilespmem:s18], [sflag:$0x15], $0x80, s6, s30, $0xb8;
	[tilespmem:$0x1E080] =	vst v63  }
0x195: {  	_ =	swait.ge [sflag:s10], $0x2800  }
0x196: {  	[sflag:s10] =	ssyncset.done $0x0  }
0x197: {  	s22 =	simm.s32 $0x5;
	[sflag:s10] =	ssyncadd.s32 $0xFFFFD800  }
0x198: {  	_ =	swait.ge [sflag:s22], $0x80  }
0x199: {  	[sflag:s22] =	ssyncset.done $0x0  }
0x19a: {  	[sflag:s22] =	ssyncadd.s32 $0xFFFFFF80  }
0x19b: {  	[tilespmem:s2], [sflag:$0x11] =	stream.indirect.gather [hbm4b:s1+s30], $0x80, s14, s30, $0xb8;
	[tilespmem:$0x1E080] =	vst v63  }
0x19c: {  	_ =	swait.ge [sflag:s20], $0x2800  }
0x19d: {  	[sflag:s20] =	ssyncset.done $0x0  }
0x19e: {  	s23 =	simm.s32 $0xB;
	[sflag:s20] =	ssyncadd.s32 $0xFFFFD800  }
0x19f: {  	_ =	swait.ge [sflag:s23], $0x80  }
0x1a0: {  	[sflag:s23] =	ssyncset.done $0x0  }
0x1a1: {  	[sflag:s23] =	ssyncadd.s32 $0xFFFFFF80  }
0x1a2: {  	[spmem:s3] =	stream.indirect.scatter.add.f32 [tilespmem:s7], [sflag:$0x15], $0x80, s5, s30, $0xb8;
	[tilespmem:$0x1E080] =	vst v63  }
0x1a3: {  	_ =	swait.ge [sflag:s10], $0x2800  }
0x1a4: {  	[sflag:s10] =	ssyncset.done $0x0  }
0x1a5: {  	[sflag:s10] =	ssyncadd.s32 $0xFFFFD800  }
0x1a6: {  	_ =	swait.ge [sflag:s24], $0x2800  }
0x1a7: {  	[sflag:s24] =	ssyncset.done $0x0  }
0x1a8: {  	s25 =	simm.s32 $0xC;
	[sflag:s24] =	ssyncadd.s32 $0xFFFFD800  }
0x1a9: {  	_ =	swait.ge [sflag:s25], $0x80  }
0x1aa: {  	[sflag:s25] =	ssyncset.done $0x0  }
0x1ab: {  	[sflag:s25] =	ssyncadd.s32 $0xFFFFFF80  }
0x1ac: {  	[spmem:s3] =	stream.indirect.scatter.add.f32 [tilespmem:s12], [sflag:$0x15], $0x80, s11, s30, $0xb8;
	[tilespmem:$0x1E080] =	vst v63  }
0x1ad: {  	_ =	swait.ge [sflag:s10], $0x2800  }
0x1ae: {  	[sflag:s10] =	ssyncset.done $0x0  }
0x1af: {  	[sflag:s10] =	ssyncadd.s32 $0xFFFFD800  }
0x1b0: {  	_ =	swait.ge [sflag:s8], $0x2800  }
0x1b1: {  	[sflag:s8] =	ssyncset.done $0x0  }
0x1b2: {  	s28 =	simm.s32 $0xD;
	[sflag:s8] =	ssyncadd.s32 $0xFFFFD800  }
0x1b3: {  	_ =	swait.ge [sflag:s28], $0x80  }
0x1b4: {  	[sflag:s28] =	ssyncset.done $0x0  }
0x1b5: {  	[sflag:s28] =	ssyncadd.s32 $0xFFFFFF80  }
0x1b6: {  	[spmem:s3] =	stream.indirect.scatter.add.f32 [tilespmem:s2], [sflag:$0x15], $0x80, s19, s30, $0xb8;
	[tilespmem:$0x1E080] =	vst v63  }
0x1b7: {  	_ =	swait.ge [sflag:s10], $0x2800  }
0x1b8: {  	[sflag:s10] =	ssyncset.done $0x0  }
0x1b9: {  	[sflag:s10] =	ssyncadd.s32 $0xFFFFD800  }
0x1ba: {  	[bflag:$0x0] =	sbarrier.arrive $0xFFFF  }
0x1bb: {  	s13 =	sld [smem:$0x7FC]  }
0x1bc: {  	s5 =	sld [smem:$0x7F7];
	_ =	sdelay $0x1  }
0x1bd: {  	s0 =	simm.s32 @p0 $0x1FD5  }
0x1be: {  	[hbm:s13], [sflag:s0] =	dma.local @p0 [spmem:s5], $0x1900  }
0x1bf: {  	s0 =	simm.s32 @p0 $0x15  }
0x1c0: {  	_ =	swait.ge @p0 [sflag:s0], $0x1900  }
0x1c1: {  	s5 =	sld [smem:$0x7F8]  }
0x1c2: {  	[sflag:s0] =	ssyncset.done @p0 $0x0;
	s6 =	sld [smem:$0x7F9]  }
0x1c3: {  	[sflag:s0] =	ssyncadd.s32 @p0 $0xFFFFE700;
	s0 =	sld [smem:$0x7FB];
	_ =	sdelay $0x2  }
0x1c4: {  	[hbm:s0], [sflag:s5] =	dma.local @!p0 [spmem:s6], $0x2800  }
0x1c5: {  	s0 =	simm.s32 @!p0 $0x15  }
0x1c6: {  	_ =	swait.ge @!p0 [sflag:s0], $0x2800  }
0x1c7: {  	s29 =	sld [smem:$0x7F6]  }
0x1c8: {  	s31 =	sld [smem:$0x7FD];
	_ =	sdelay $0x1  }
0x1c9: {  	s5 =	sadd.s32 $0x1, s29  }
0x1ca: {  	p1 =	sne.s32 s5, s31  }
.Ltmp1:
0x1cb: {  	_ = 	snop;
	(pc) =	sbr.rel @p1 .LBB2_1-.Ltmp1, $3  }
0x1cc: {  	_ =	sdelay $0x1  }
0x1cd: {  	s9 =	simm.s32 $0x80;
	s14 =	simm.s32 $0x3;
	[sflag:s0] =	ssyncset.done @!p0 $0x0  }
0x1ce: {  	s25 =	simm.s32 $0x2;
	s13 =	simm.s32 $0x1;
	[sflag:s0] =	ssyncadd.s32 @!p0 $0xFFFFD800  }
0x1cf: {  	_ =	sfence.sel $0x180000  }
0x1d0: {  	[bflag:$0x0] =	sbarrier.arrive $0xFFFF  }
0x1d1: {  	_ =	strace $0x9000004A  }
0x1d2: {  	s0 =	stileid.u32;
	[bflag:$0x2] =	sbarrier.arrive $0xFFFF  }
0x1d3: {  	p0 =	sne.s32 s0, $0x0;
	s0 =	rddreg [dreg:$0x3]  }
0x1d4: {  	s0 =	sadd.s32 @!p0 $0x100000, s0  }
0x1d5: {  	[sflag:s0] =	ssyncadd.tile.s32 @!p0 $0x1;
	_ =	shalt  }
.Lfunc_end2:
_tile_overlayer_lowered:
.L_overlay_start_2:
0x1d6: {  	(tag) =	ssettag $0x2  }
0x1d7: {  	s0 =	rddreg [dreg:$0x0];
	s2 =	stileid.u32  }
0x1d8: {  	s1 =	rddreg [dreg:$0x1];
	p0 =	sne.s32 s2, $0x0  }
0x1d9: {  	s3 =	rddreg [dreg:$0x2];
	[bflag:$0x3] =	sbarrier.arrive $0xFFFF;
	s2 =	simm.s32 @!p0 $0x1C15  }
0x1da: {  	[timem:s3], [sflag:s2] =	dma.local @!p0 [hbm:s0], s1  }
0x1db: {  	s0 =	simm.s32 @!p0 $0x15  }
0x1dc: {  	_ =	swait.ge @!p0 [sflag:s0], s1  }
0x1dd: {  	s1 =	ssub.s32 @!p0 $0x0, s1;
	[sflag:s0] =	ssyncset.done @!p0 $0x0  }
0x1de: {  	[sflag:s0] =	ssyncadd.s32 @!p0 s1  }
0x1df: {  	[bflag:$0x3] =	sbarrier.arrive $0xFFFF  }
0x1e0: {  	_ =	shalt  }

// kernel: kernel.15.cloned.1.call-start
scs
__scs_entry_jumppad:
0x0: {  	(pc) =	sbr.rel $0x88, $3  }
0x1: {  	(tag) =	ssettag $0x0;
	lr =	simm.s32 $0x1  }
0x2: {  	[smem:$0x3F96] =	sst lr;
	_ =	strace $0xD0000000  }
0x3: {  	_ = 	snop  }
0x4: {  	_ = 	snop  }
0x5: {  	_ = 	snop  }
0x6: {  	_ = 	snop  }
0x7: {  	_ = 	snop  }
__scs_overlays_trampoline_lowered:
0x8: {  	[smem:$0x3FA5] =	sst s0  }
0x9: {  	[smem:$0x3FA6] =	sst s1  }
0xa: {  	[smem:$0x3FA7] =	sst s2  }
0xb: {  	[smem:$0x3FA8] =	sst s3  }
0xc: {  	[smem:$0x3FA9] =	sst s4  }
0xd: {  	[smem:$0x3FAA] =	sst s5  }
0xe: {  	[smem:$0x3FAB] =	sst s6  }
0xf: {  	[smem:$0x3FAC] =	sst s7  }
0x10: {  	[smem:$0x3FAD] =	sst s8  }
0x11: {  	[smem:$0x3FAE] =	sst s9;
	s0 =	simm.s32 @!p0 $0x0  }
0x12: {  	s1 =	sld [smem:$0x3F94];
	s0 =	simm.s32 @p0 $0x1  }
0x13: {  	[smem:$0x3FAF] =	sst s0;
	s0 =	simm.s32 @!p1 $0x0  }
0x14: {  	s2 =	sld [smem:$0x3F93];
	s0 =	simm.s32 @p1 $0x1  }
0x15: {  	[smem:$0x3FB0] =	sst s0;
	s0 =	simm.s32 @!p2 $0x0  }
0x16: {  	s3 =	sld [smem:$0x3FDB];
	s0 =	simm.s32 @p2 $0x1  }
0x17: {  	s4 =	simm.s32 $0x1BF5;
	[smem:$0x3FB2] =	sst s0  }
0x18: {  	s0 =	sld [smem:$0x3F95];
	_ =	swait.ge [sflag:s4], $0x0  }
0x19: {  	s7 =	sld [smem:$0x3F96]  }
0x1a: {  	s8 =	sadd.s32 $0xFFFFE003, lr  }
0x1b: {  	s9 =	sadd.s32 $0xFFFFFEF7, lr;
	s5 =	simm.s32 $0xFFFFFFFF;
	p2 =	slt.u32 s8, $0xFFFFF086  }
0x1c: {  	p1 =	slt.u32 s9, $0xF7A;
	s5 =	simm.s32 @!p2 $0x0  }
0x1d: {  	s5 =	simm.s32 @p1 $0x1;
	p0 =	seq.s32 s7, s2  }
0x1e: {  	s7 =	smul.u32 @!p0 $0xF7A, s2;
	p2 =	seq.s32 @!p0 s5, $0x0  }
0x1f: {  	s9 =	smul.u32 $0xF7A, s1;
	s8 =	simm.s32 @!p0 $0x1BF5;
	p2 =	por !p2, p0  }
0x20: {  	[sflag:s8] =	ssyncset.s32 @!p0 $0xFFFFF086;
	s6 =	sadd.s32 @!p0 s3, s7;
	s7 =	simm.s32 @!p0 $0x108  }
0x21: {  	s3 =	sadd.s32 s3, s9;
	s6 =	sadd.s32 @!p0 $0x88, s6;
	s7 =	simm.s32 @p2 $0x1082  }
0x22: {  	[simem:s7], [sflag:s8] =	dma.local @!p0 [hbm:s6], $0xF7A  }
0x23: {  	s9 =	sor.u32 $0xD0000000, s2;
	s6 =	simm.s32 $0x108;
	_ =	swait.ge @!p0 [sflag:s8], $0x0  }
0x24: {  	s3 =	sadd.s32 $0x88, s3;
	s6 =	simm.s32 @!p1 $0x1082;
	[sflag:s4] =	ssyncset.s32 $0xFFFFF086  }
0x25: {  	[simem:s6], [sflag:s4] =	dma.local [hbm:s3], $0xF7A  }
0x26: {  	[smem:$0x3F96] =	sst s1;
	(tag) =	ssettag s2;
	_ =	strace s9  }
0x27: {  	s1 =	sld [smem:$0x3FA6]  }
0x28: {  	s2 =	sld [smem:$0x3FA7]  }
0x29: {  	s4 =	sld [smem:$0x3FA9]  }
0x2a: {  	p0 =	seq.s32 s5, $0x0;
	s5 =	sld [smem:$0x3FAA]  }
0x2b: {  	s6 =	sld [smem:$0x3FAB]  }
0x2c: {  	s7 =	sld [smem:$0x3FAC]  }
0x2d: {  	s3 =	simm.s32 $0x108;
	s8 =	sld [smem:$0x3FAD]  }
0x2e: {  	s3 =	simm.s32 @!p0 $0x1082;
	s9 =	sld [smem:$0x3FAE]  }
0x2f: {  	lr =	sadd.s32 s0, s3;
	s0 =	sld [smem:$0x3FA5]  }
0x30: {  	s3 =	sld [smem:$0x3FA8]  }
0x31: {  	[smem:$0x3FB1] =	sst s10  }
0x32: {  	s10 =	sld [smem:$0x3FAF];
	_ =	sdelay $0x3  }
0x33: {  	p0 =	seq.s32 s10, $0x1;
	s10 =	sld [smem:$0x3FB1];
	_ =	sdelay $0x3  }
0x34: {  	[smem:$0x3FB1] =	sst s10  }
0x35: {  	s10 =	sld [smem:$0x3FB0];
	_ =	sdelay $0x3  }
0x36: {  	p1 =	seq.s32 s10, $0x1;
	s10 =	sld [smem:$0x3FB1];
	_ =	sdelay $0x3  }
0x37: {  	[smem:$0x3FB1] =	sst s10  }
0x38: {  	s10 =	sld [smem:$0x3FB2]  }
0x39: {  	_ = 	snop;
	(pc) =	sbr.ind lr, $3  }
0x3a: {  	_ = 	snop  }
0x3b: {  	_ = 	snop  }
0x3c: {  	p2 =	seq.s32 s10, $0x1;
	s10 =	sld [smem:$0x3FB1]  }
0x3d: {  	_ =	shalt  }
0x3e: {  	_ =	shalt  }
0x3f: {  	_ =	shalt  }
0x40: {  	_ =	shalt  }
0x41: {  	_ =	shalt  }
0x42: {  	_ =	shalt  }
0x43: {  	_ =	shalt  }
0x44: {  	_ =	shalt  }
0x45: {  	_ =	shalt  }
0x46: {  	_ =	shalt  }
0x47: {  	_ =	shalt  }
0x48: {  	_ =	shalt  }
0x49: {  	_ =	shalt  }
0x4a: {  	_ =	shalt  }
0x4b: {  	_ =	shalt  }
0x4c: {  	_ =	shalt  }
0x4d: {  	_ =	shalt  }
0x4e: {  	_ =	shalt  }
0x4f: {  	_ =	shalt  }
0x50: {  	_ =	shalt  }
0x51: {  	_ =	shalt  }
0x52: {  	_ =	shalt  }
0x53: {  	_ =	shalt  }
0x54: {  	_ =	shalt  }
0x55: {  	_ =	shalt  }
0x56: {  	_ =	shalt  }
0x57: {  	_ =	shalt  }
0x58: {  	_ =	shalt  }
0x59: {  	_ =	shalt  }
0x5a: {  	_ =	shalt  }
0x5b: {  	_ =	shalt  }
0x5c: {  	_ =	shalt  }
0x5d: {  	_ =	shalt  }
0x5e: {  	_ =	shalt  }
0x5f: {  	_ =	shalt  }
0x60: {  	_ =	shalt  }
0x61: {  	_ =	shalt  }
0x62: {  	_ =	shalt  }
0x63: {  	_ =	shalt  }
0x64: {  	_ =	shalt  }
0x65: {  	_ =	shalt  }
0x66: {  	_ =	shalt  }
0x67: {  	_ =	shalt  }
0x68: {  	_ =	shalt  }
0x69: {  	_ =	shalt  }
0x6a: {  	_ =	shalt  }
0x6b: {  	_ =	shalt  }
0x6c: {  	_ =	shalt  }
0x6d: {  	_ =	shalt  }
0x6e: {  	_ =	shalt  }
0x6f: {  	_ =	shalt  }
0x70: {  	_ =	shalt  }
0x71: {  	_ =	shalt  }
0x72: {  	_ =	shalt  }
0x73: {  	_ =	shalt  }
0x74: {  	_ =	shalt  }
0x75: {  	_ =	shalt  }
0x76: {  	_ =	shalt  }
0x77: {  	_ =	shalt  }
0x78: {  	_ =	shalt  }
0x79: {  	_ =	shalt  }
0x7a: {  	_ =	shalt  }
0x7b: {  	_ =	shalt  }
0x7c: {  	_ =	shalt  }
0x7d: {  	_ =	shalt  }
0x7e: {  	_ =	shalt  }
0x7f: {  	_ =	shalt  }
0x80: {  	_ =	shalt  }
0x81: {  	_ =	shalt  }
0x82: {  	_ =	shalt  }
0x83: {  	_ =	shalt  }
0x84: {  	_ =	shalt  }
0x85: {  	_ =	shalt  }
0x86: {  	_ =	shalt  }
0x87: {  	_ =	shalt  }
.Lfunc_end0:
.L_simem_size_0:
called_computation.2_lowered:
.L_overlay_start_0:
0x88: {  	s2 =	sld [smem:$0x3FD9]  }
0x89: {  	s3 =	sld [smem:$0x3FFE];
	_ =	sdelay $0x1  }
0x8a: {  	s1 =	srdreg.scid  }
0x8b: {  	s0 =	sand.u32 $0x1, s1  }
0x8c: {  	s17 =	sshll.u32 s0, $0xA;
	s2 =	sadd.s32 s3, s2  }
0x8d: {  	s2 =	sadd.s32 s2, s17  }
0x8e: {  	[smem:$0x3FBD] =	sst s2  }
0x8f: {  	_ = 	snop  }
0x90: {  	s2 =	sld [smem:$0x3FD0];
	(tm) =	ssettm $0x1  }
0x91: {  	s18 =	sld [smem:$0x3FFB];
	_ =	sdelay $0x3  }
0x92: {  	_ =	strace s18  }
0x93: {  	s3 =	sld [smem:$0x3FFC];
	_ =	sdelay $0x3  }
0x94: {  	_ =	strace s3  }
0x95: {  	s3 =	sld [smem:$0x3FFD];
	_ =	sdelay $0x3  }
0x96: {  	_ =	strace s3  }
0x97: {  	_ =	strace $0x8FFFFFFF  }
0x98: {  	s19 =	sld [smem:$0x3FDB];
	_ =	sdelay $0x1  }
0x99: {  	s4 =	simm.s32 $_scs_section_size  }
0x9a: {  	s5 =	simm.s32 $_size__tile_overlayer_lowered;
	s6 =	simm.s32 $_tile_overlayer_lowered  }
0x9b: {  	s22 =	simm.s32 $0x1BFF;
	s21 =	sshll.u32 s6, $0x1;
	s3 =	sadd.s32 s4, s19  }
0x9c: {  	s7 =	simm.s32 $0x0;
	s20 =	sshll.u32 s5, $0x1;
	s5 =	sadd.s32 s21, s3  }
0x9d: {  	[timem:s7], [sflag:s22] =	dma.local [hbm:s5], s20  }
0x9e: {  	_ =	swait.ge [sflag:s22], s20  }
0x9f: {  	s4 =	ssub.s32 $0x0, s20;
	[sflag:s22] =	ssyncset.done $0x0  }
0xa0: {  	[sflag:s22] =	ssyncadd.s32 s4;
	_ =	sdelay $0x1  }
0xa1: {  	s23 =	simm.s32 $0x1B8B  }
0xa2: {  	_ =	swait.ge [sflag:s23], $0x1  }
0xa3: {  	[sflag:s23] =	ssyncset.done $0x0  }
0xa4: {  	s25 =	simm.s32 $0x1B8E;
	s24 =	sld [smem:$0x3FFE];
	[sflag:s23] =	ssyncadd.s32 $0xFFFFFFFF  }
0xa5: {  	s26 =	simm.s32 $execute0_lowered;
	[smem:$0x3FD2] =	sst s25  }
0xa6: {  	s5 =	sshll.u32 s26, $0x1;
	_ =	strace $0x8000004C;
	[dreg:$0x1] =	wrdreg $0xFFFFFFFF  }
0xa7: {  	s28 =	simm.s32 $_size_execute0_lowered;
	s3 =	sadd.s32 s3, s5;
	[dreg:$0x0] =	wrdreg $0x0  }
0xa8: {  	s5 =	sshll.u32 s28, $0x1;
	[dreg:$0x2] =	wrdreg s3  }
0xa9: {  	[dreg:$0x3] =	wrdreg s5  }
0xaa: {  	[dreg:$0x4] =	wrdreg $0xC0  }
0xab: {  	_ =	task [dreg:s7], $0x5FFFF  }
0xac: {  	[dreg:$0x1] =	wrdreg $0xFFFFFFFF  }
0xad: {  	[dreg:$0x0] =	wrdreg $0x60  }
0xae: {  	[dreg:$0x2] =	wrdreg s2  }
0xaf: {  	[dreg:$0x3] =	wrdreg s24  }
0xb0: {  	[dreg:$0x4] =	wrdreg $0xA8000  }
0xb1: {  	[dreg:$0x5] =	wrdreg $0x9  }
0xb2: {  	_ =	task.clear_ibuf [dreg:s7], $0x6FFFF;
	_ =	strace $0x9000004C  }
0xb3: {  	s29 =	simm.s32 $0x9;
	_ =	strace $0x8000004E  }
0xb4: {  	_ =	swait.ge [sflag:s29], $0x1  }
0xb5: {  	[sflag:s29] =	ssyncadd.s32 $0xFFFFFFFF  }
0xb6: {  	_ =	strace $0x9000004E  }
0xb7: {  	_ =	sfence  }
0xb8: {  	s30 =	sld [smem:$0x0];
	_ =	sdelay $0x2  }
0xb9: {  	s31 =	sshll.u32 s1, $0xD;
	s1 =	sshrl.u32 s1, $0x2  }
0xba: {  	s3 =	sand.u32 $0x4000, s31;
	s1 =	sadd.s32 s1, s30  }
0xbb: {  	s0 =	sor.u32 s3, s0;
	s1 =	sshll.u32 s1, $0x11  }
0xbc: {  	s0 =	sor.u32 s1, s0  }
0xbd: {  	s0 =	sadd.s32 $0x8F2B, s0  }
0xbe: {  	[sflag:s0] =	ssyncadd.remote.s32 $0x1  }
0xbf: {  	_ =	sfence.sel $0xFFFF  }
0xc0: {  	[dreg:$0x0] =	wrdreg $0xFFFFFFFF;
	(pc) =	sbr.abs _section_cstart, $3  }
0xc1: {  	[dreg:$0x1] =	wrdreg $0xFFFFFFFF  }
0xc2: {  	_ =	task.clear_ibuf [dreg:s7], $0x2FFFF;
	_ =	strace $0x9FFFFFFF  }
0xc3: {  	(tm) =	ssettm $0x7FFFFFFF  }
tec
execute0_lowered:
.L_overlay_start_1:
0x0: {  	(tag) =	ssettag $0x1  }
0x1: {  	s1 =	rddreg [dreg:$0x0]  }
0x2: {  	s6 =	rddreg [dreg:$0x1]  }
0x3: {  	s3 =	rddreg [dreg:$0x2]  }
0x4: {  	s0 =	srdreg.scid;
	s15 =	stileid.u32  }
0x5: {  	s4 =	simm.s32 $0x0;
	s30 =	simm.s32 $0x50;
	s5 =	sand.u32 $0x1, s0  }
0x6: {  	s23 =	sshll.u32 s15, $0x1;
	[smem:$0x7FF] =	sst s4;
	s26 =	smul.u32 $0xFA, s15  }
0x7: {  	s0 =	sadd.s32 $0x2400, s6;
	s2 =	sadd.s32 $0x11E00, s6;
	s28 =	smul.u32 $0x7D, s5  }
0x8: {  	s24 =	sadd.s32 $0x21800, s6;
	s7 =	sor.u32 s5, s23;
	s23 =	smul.u32 $0x500, s15  }
0x9: {  	p0 =	seq.s32 s15, $0xF;
	s25 =	ssub.s32 $0x2, s5;
	s8 =	smul.u32 $0x3E80, s7  }
0xa: {  	_ =	strace $0x8000004D;
	s9 =	smul.u32 $0x280, s7;
	s10 =	sshrl.u32 s25, $0x1  }
0xb: {  	s7 =	sadd.s32 $0x24000, s6;
	s6 =	ssub.s32 s25, s10;
	s25 =	smul.u32 $0x280, s5  }
0xc: {  	[dreg:$0x14] =	wrdreg s24;
	s10 =	sadd.s32 s28, s26;
	s26 =	smul.u32 $0x50000, s15  }
0xd: {  	s11 =	sand.u32 $0x7FC00, s8;
	s9 =	sand.u32 $0x380, s9;
	s8 =	sshrl.u32 s8, $0x3  }
0xe: {  	s9 =	sor.u32 s9, s11;
	s29 =	sadd.s32 $0x10, s8;
	s13 =	sadd.s32 $0x20, s8  }
0xf: {  	s17 =	sadd.s32 $0x30, s8;
	s8 =	sadd.s32 $0x7C0, s8;
	s31 =	sadd.s32 s0, s29  }
0x10: {  	s9 =	sshrl.u32 s9, $0x3;
	s14 =	sadd.s32 s0, s13;
	[dreg:$0x17] =	wrdreg s31  }
0x11: {  	s16 =	sadd.s32 s2, s13;
	s13 =	sadd.s32 s0, s17;
	[dreg:$0x19] =	wrdreg s14  }
0x12: {  	s11 =	sadd.s32 s2, s17;
	s17 =	smul.u32 $0x27100, s5;
	[dreg:$0x1a] =	wrdreg s16  }
0x13: {  	s5 =	smul.u32 $0x138800, s5;
	s12 =	sadd.s32 s0, s9;
	[dreg:$0x1b] =	wrdreg s13  }
0x14: {  	s9 =	sadd.s32 s2, s9;
	[dreg:$0x1c] =	wrdreg s11;
	s14 =	smul.u32 $0x2800, s15  }
0x15: {  	s11 =	sshrl.u32 s26, $0x2;
	s26 =	sadd.s32 s0, s8;
	[dreg:$0x15] =	wrdreg s12  }
0x16: {  	s8 =	sadd.s32 s2, s8;
	s15 =	simm.s32 $0x12;
	[dreg:$0x16] =	wrdreg s9  }
0x17: {  	s9 =	sadd.s32 s2, s29;
	s12 =	sadd.s32 s25, s23;
	[dreg:$0x1f] =	wrdreg s26  }
0x18: {  	s11 =	sadd.s32 s11, s3;
	[smem:$0x7FA] =	sst s8;
	s5 =	sshrl.u32 s5, $0x3  }
0x19: {  	s8 =	simm.s32 $0x11;
	s26 =	simm.s32 $0xE;
	[dreg:$0x18] =	wrdreg s9  }
0x1a: {  	s9 =	sshll.u32 s10, $0x4;
	s10 =	sshll.u32 s10, $0x7;
	s5 =	sadd.s32 s7, s5  }
0x1b: {  	[dreg:$0x1d] =	wrdreg s11;
	s18 =	sadd.s32 $0xB0, s9;
	s5 =	sadd.s32 $0x25800, s5  }
0x1c: {  	s12 =	sand.u32 $0x380, s12;
	s19 =	sadd.s32 s18, s2;
	[smem:$0x7FC] =	sst s5  }
0x1d: {  	s21 =	sadd.s32 $0xA0, s9;
	s20 =	sadd.s32 s18, s0;
	[dreg:$0x4] =	wrdreg s19  }
0x1e: {  	s10 =	sadd.s32 $0x400, s10;
	s22 =	sadd.s32 s21, s2;
	[dreg:$0x5] =	wrdreg s20  }
0x1f: {  	s28 =	sadd.s32 $0x90, s9;
	s24 =	sadd.s32 s21, s0;
	[dreg:$0x6] =	wrdreg s22  }
0x20: {  	s16 =	sadd.s32 $0x70, s9;
	s29 =	sadd.s32 s28, s2;
	[dreg:$0x7] =	wrdreg s24  }
0x21: {  	s23 =	sadd.s32 $0x50, s9;
	s31 =	sadd.s32 s28, s0;
	[dreg:$0x8] =	wrdreg s29  }
0x22: {  	s10 =	sand.u32 $0x1FFC00, s10;
	s18 =	sadd.s32 s16, s2;
	[dreg:$0x9] =	wrdreg s31  }
0x23: {  	s25 =	sadd.s32 s23, s2;
	s5 =	simm.s32 $0x0;
	[dreg:$0xc] =	wrdreg s18  }
0x24: {  	s10 =	sor.u32 s12, s10;
	s19 =	sadd.s32 s16, s0;
	[dreg:$0x10] =	wrdreg s25  }
0x25: {  	s20 =	sadd.s32 $0x60, s9;
	s24 =	sadd.s32 $0x12C000, s3;
	[dreg:$0xd] =	wrdreg s19  }
0x26: {  	s12 =	sadd.s32 s14, s17;
	s29 =	sadd.s32 s23, s0;
	[dreg:$0x1e] =	wrdreg s24  }
0x27: {  	s9 =	sadd.s32 $0x40, s9;
	s31 =	smax.u32 s6, $0x1;
	[dreg:$0x11] =	wrdreg s29  }
0x28: {  	s16 =	simm.s32 $0x100;
	s21 =	sadd.s32 s20, s2;
	[smem:$0x7FD] =	sst s31  }
0x29: {  	s25 =	simm.s32 $0x2;
	s22 =	sadd.s32 s20, s0;
	[dreg:$0xe] =	wrdreg s21  }
0x2a: {  	s10 =	sshrl.u32 s10, $0x3;
	s28 =	sadd.s32 s7, s12;
	[dreg:$0xf] =	wrdreg s22  }
0x2b: {  	s14 =	simm.s32 $0x3;
	s13 =	sadd.s32 s10, s2;
	[smem:$0x7FB] =	sst s28  }
0x2c: {  	s20 =	simm.s32 $0x13;
	s10 =	sadd.s32 s10, s0;
	[dreg:$0xa] =	wrdreg s13  }
0x2d: {  	s24 =	simm.s32 $0x14;
	s2 =	sadd.s32 s9, s2;
	[dreg:$0xb] =	wrdreg s10  }
0x2e: {  	s0 =	sadd.s32 s9, s0;
	s9 =	simm.s32 $0x80;
	[dreg:$0x12] =	wrdreg s2  }
0x2f: {  	[dreg:$0x13] =	wrdreg s0;
	s13 =	simm.s32 $0x1;
	s10 =	simm.s32 $0x15  }
.LBB2_1:
0x30: {  	[smem:$0x7F6] =	sst s5  }
0x31: {  	s0 =	rddreg [dreg:$0x15]  }
0x32: {  	[tilespmem:s4], [sflag:$0x1] =	stream.linear.gather [hbm4b:s0+s4], $0x80, $0x38;
	[tilespmem:$0x1E080] =	vst v63  }
0x33: {  	s11 =	rddreg [dreg:$0x16];
	s6 =	simm.s32 $0x400  }
0x34: {  	[tilespmem:s6], [sflag:$0x9] =	stream.linear.gather [hbm4b:s11+s4], $0x80, $0x38;
	[tilespmem:$0x1E080] =	vst v63  }
0x35: {  	s12 =	rddreg [dreg:$0x17]  }
0x36: {  	[tilespmem:s9], [sflag:$0x2] =	stream.linear.gather [hbm4b:s12+s4], $0x80, $0x38;
	[tilespmem:$0x1E080] =	vst v63  }
0x37: {  	s17 =	rddreg [dreg:$0x18];
	s11 =	simm.s32 $0x480  }
0x38: {  	[tilespmem:s11], [sflag:$0xA] =	stream.linear.gather [hbm4b:s17+s4], $0x80, $0x38;
	[tilespmem:$0x1E080] =	vst v63  }
0x39: {  	s18 =	rddreg [dreg:$0x19]  }
0x3a: {  	[tilespmem:s16], [sflag:$0x3] =	stream.linear.gather [hbm4b:s18+s4], $0x80, $0x38;
	[tilespmem:$0x1E080] =	vst v63  }
0x3b: {  	s19 =	rddreg [dreg:$0x1a];
	s17 =	simm.s32 $0x500  }
0x3c: {  	[tilespmem:s17], [sflag:$0xB] =	stream.linear.gather [hbm4b:s19+s4], $0x80, $0x38;
	[tilespmem:$0x1E080] =	vst v63  }
0x3d: {  	s21 =	rddreg [dreg:$0x1b];
	s2 =	simm.s32 $0x180  }
0x3e: {  	[tilespmem:s2], [sflag:$0x4] =	stream.linear.gather [hbm4b:s21+s4], $0x80, $0x38;
	[tilespmem:$0x1E080] =	vst v63  }
0x3f: {  	s22 =	rddreg [dreg:$0x1c];
	s21 =	simm.s32 $0x580  }
0x40: {  	[tilespmem:s21], [sflag:$0xC] =	stream.linear.gather [hbm4b:s22+s4], $0x80, $0x38;
	[tilespmem:$0x1E080] =	vst v63  }
0x41: {  	_ =	swait.ge [sflag:s13], $0x80  }
0x42: {  	[sflag:s13] =	ssyncset.done $0x0  }
0x43: {  	s2 =	simm.s32 $0x800;
	[sflag:s13] =	ssyncadd.s32 $0xFFFFFF80  }
0x44: {  	[tilespmem:s2], [sflag:$0x11] =	stream.indirect.gather [hbm4b:s1+s30], $0x80, s4, s30, $0xb8;
	[tilespmem:$0x1E080] =	vst v63  }
0x45: {  	_ =	swait.ge [sflag:s25], $0x80  }
0x46: {  	[sflag:s25] =	ssyncset.done $0x0  }
0x47: {  	s7 =	simm.s32 $0x3000;
	[sflag:s25] =	ssyncadd.s32 $0xFFFFFF80  }
0x48: {  	[tilespmem:s7], [sflag:$0x12] =	stream.indirect.gather [hbm4b:s1+s30], $0x80, s9, s30, $0xb8;
	[tilespmem:$0x1E080] =	vst v63  }
0x49: {  	_ =	swait.ge [sflag:s14], $0x80  }
0x4a: {  	s12 =	simm.s32 $0x5800;
	[sflag:s14] =	ssyncset.done $0x0;
	s0 =	rddreg [dreg:$0x1e]  }
0x4b: {  	s29 =	rddreg [dreg:$0x14];
	[sflag:s14] =	ssyncadd.s32 $0xFFFFFF80;
	s0 =	sshrl.u32 @p0 s0, $0x3  }
0x4c: {  	[tilespmem:s12], [sflag:$0x13] =	stream.indirect.gather [hbm4b:s1+s30], $0x80, s16, s30, $0xb8;
	[tilespmem:$0x1E080] =	vst v63  }
0x4d: {  	s13 =	simm.s32 @p0 $0x1FD5;
	[smem:$0x7F7] =	sst s0  }
0x4e: {  	[spmem:s0], [sflag:s13] =	dma.local @p0 [hbm:s29], $0x1900  }
0x4f: {  	s13 =	simm.s32 @p0 $0x15  }
0x50: {  	s0 =	stileid.u32;
	_ =	swait.ge @p0 [sflag:s13], $0x1900  }
0x51: {  	s28 =	sshll.u32 @!p0 s0, $0x6;
	[sflag:s13] =	ssyncset.done @p0 $0x0  }
0x52: {  	s0 =	rddreg [dreg:$0x1d];
	[sflag:s13] =	ssyncadd.s32 @p0 $0xFFFFE700;
	s13 =	sor.u32 @!p0 $0x1C15, s28  }
0x53: {  	s0 =	sshrl.u32 @!p0 s0, $0x3;
	[smem:$0x7F8] =	sst s13  }
0x54: {  	[smem:$0x7F9] =	sst s0  }
0x55: {  	[spmem:s0], [sflag:s13] =	dma.local @!p0 [hbm:s29], $0x2800  }
0x56: {  	s13 =	simm.s32 @!p0 $0x15  }
0x57: {  	_ =	swait.ge @!p0 [sflag:s13], $0x2800  }
0x58: {  	[sflag:s13] =	ssyncset.done @!p0 $0x0  }
0x59: {  	[sflag:s13] =	ssyncadd.s32 @!p0 $0xFFFFD800  }
0x5a: {  	[bflag:$0x0] =	sbarrier.arrive $0xFFFF  }
0x5b: {  	_ =	swait.ge [sflag:s8], $0x2800  }
0x5c: {  	[sflag:s8] =	ssyncset.done $0x0  }
0x5d: {  	s23 =	simm.s32 $0x9;
	[sflag:s8] =	ssyncadd.s32 $0xFFFFD800  }
0x5e: {  	_ =	swait.ge [sflag:s23], $0x80  }
0x5f: {  	[sflag:s23] =	ssyncset.done $0x0  }
0x60: {  	[sflag:s23] =	ssyncadd.s32 $0xFFFFFF80  }
0x61: {  	[spmem:s3] =	stream.indirect.scatter.add.f32 [tilespmem:s2], [sflag:$0x15], $0x80, s6, s30, $0xb8;
	[tilespmem:$0x1E080] =	vst v63  }
0x62: {  	_ =	swait.ge [sflag:s10], $0x2800  }
0x63: {  	[sflag:s10] =	ssyncset.done $0x0  }
0x64: {  	s29 =	simm.s32 $0x4;
	[sflag:s10] =	ssyncadd.s32 $0xFFFFD800  }
0x65: {  	_ =	swait.ge [sflag:s29], $0x80  }
0x66: {  	s18 =	simm.s32 $0x180;
	[sflag:s29] =	ssyncset.done $0x0  }
0x67: {  	s19 =	simm.s32 $0x8000;
	s31 =	rddreg [dreg:$0x13];
	[sflag:s29] =	ssyncadd.s32 $0xFFFFFF80  }
0x68: {  	[tilespmem:s19], [sflag:$0x14] =	stream.indirect.gather [hbm4b:s1+s30], $0x80, s18, s30, $0xb8;
	[tilespmem:$0x1E080] =	vst v63  }
0x69: {  	s22 =	simm.s32 $0x200;
	s28 =	rddreg [dreg:$0x12];
	s13 =	sadd.s32 $0x0, s31  }
0x6a: {  	[tilespmem:s22], [sflag:$0x5] =	stream.linear.gather [hbm4b:s13+s4], $0x80, $0x38;
	[tilespmem:$0x1E080] =	vst v63  }
0x6b: {  	s23 =	sadd.s32 $0x0, s28;
	s18 =	simm.s32 $0x600  }
0x6c: {  	[tilespmem:s18], [sflag:$0xD] =	stream.linear.gather [hbm4b:s23+s4], $0x80, $0x38;
	[tilespmem:$0x1E080] =	vst v63  }
0x6d: {  	_ =	swait.ge [sflag:s15], $0x2800  }
0x6e: {  	[sflag:s15] =	ssyncset.done $0x0  }
0x6f: {  	s29 =	simm.s32 $0xA;
	[sflag:s15] =	ssyncadd.s32 $0xFFFFD800  }
0x70: {  	_ =	swait.ge [sflag:s29], $0x80  }
0x71: {  	[sflag:s29] =	ssyncset.done $0x0  }
0x72: {  	[sflag:s29] =	ssyncadd.s32 $0xFFFFFF80  }
0x73: {  	[spmem:s3] =	stream.indirect.scatter.add.f32 [tilespmem:s7], [sflag:$0x15], $0x80, s11, s30, $0xb8;
	[tilespmem:$0x1E080] =	vst v63  }
0x74: {  	_ =	swait.ge [sflag:s10], $0x2800  }
0x75: {  	[sflag:s10] =	ssyncset.done $0x0  }
0x76: {  	s28 =	simm.s32 $0x5;
	[sflag:s10] =	ssyncadd.s32 $0xFFFFD800  }
0x77: {  	_ =	swait.ge [sflag:s28], $0x80  }
0x78: {  	[sflag:s28] =	ssyncset.done $0x0  }
0x79: {  	s31 =	rddreg [dreg:$0x11];
	[sflag:s28] =	ssyncadd.s32 $0xFFFFFF80  }
0x7a: {  	[tilespmem:s2], [sflag:$0x11] =	stream.indirect.gather [hbm4b:s1+s30], $0x80, s22, s30, $0xb8;
	[tilespmem:$0x1E080] =	vst v63  }
0x7b: {  	s28 =	rddreg [dreg:$0x10];
	s13 =	sadd.s32 $0x0, s31;
	s22 =	simm.s32 $0x280  }
0x7c: {  	[tilespmem:s22], [sflag:$0x6] =	stream.linear.gather [hbm4b:s13+s4], $0x80, $0x38;
	[tilespmem:$0x1E080] =	vst v63  }
0x7d: {  	s29 =	simm.s32 $0x680;
	s0 =	sadd.s32 $0x0, s28  }
0x7e: {  	[tilespmem:s29], [sflag:$0xE] =	stream.linear.gather [hbm4b:s0+s4], $0x80, $0x38;
	[tilespmem:$0x1E080] =	vst v63  }
0x7f: {  	_ =	swait.ge [sflag:s20], $0x2800  }
0x80: {  	[sflag:s20] =	ssyncset.done $0x0  }
0x81: {  	s13 =	simm.s32 $0xB;
	[sflag:s20] =	ssyncadd.s32 $0xFFFFD800  }
0x82: {  	_ =	swait.ge [sflag:s13], $0x80  }
0x83: {  	[sflag:s13] =	ssyncset.done $0x0  }
0x84: {  	[sflag:s13] =	ssyncadd.s32 $0xFFFFFF80  }
0x85: {  	[spmem:s3] =	stream.indirect.scatter.add.f32 [tilespmem:s12], [sflag:$0x15], $0x80, s17, s30, $0xb8;
	[tilespmem:$0x1E080] =	vst v63  }
0x86: {  	_ =	swait.ge [sflag:s10], $0x2800  }
0x87: {  	[sflag:s10] =	ssyncset.done $0x0  }
0x88: {  	s23 =	simm.s32 $0x6;
	[sflag:s10] =	ssyncadd.s32 $0xFFFFD800  }
0x89: {  	_ =	swait.ge [sflag:s23], $0x80  }
0x8a: {  	[sflag:s23] =	ssyncset.done $0x0  }
0x8b: {  	s31 =	rddreg [dreg:$0xf];
	[sflag:s23] =	ssyncadd.s32 $0xFFFFFF80  }
0x8c: {  	[tilespmem:s7], [sflag:$0x12] =	stream.indirect.gather [hbm4b:s1+s30], $0x80, s22, s30, $0xb8;
	[tilespmem:$0x1E080] =	vst v63  }
0x8d: {  	s28 =	rddreg [dreg:$0xe];
	s13 =	sadd.s32 $0x0, s31;
	s23 =	simm.s32 $0x300  }
0x8e: {  	[tilespmem:s23], [sflag:$0x7] =	stream.linear.gather [hbm4b:s13+s4], $0x80, $0x38;
	[tilespmem:$0x1E080] =	vst v63  }
0x8f: {  	s0 =	sadd.s32 $0x0, s28;
	s31 =	simm.s32 $0x700  }
0x90: {  	[tilespmem:s31], [sflag:$0xF] =	stream.linear.gather [hbm4b:s0+s4], $0x80, $0x38;
	[tilespmem:$0x1E080] =	vst v63  }
0x91: {  	_ =	swait.ge [sflag:s24], $0x2800  }
0x92: {  	[sflag:s24] =	ssyncset.done $0x0  }
0x93: {  	s13 =	simm.s32 $0xC;
	[sflag:s24] =	ssyncadd.s32 $0xFFFFD800  }
0x94: {  	_ =	swait.ge [sflag:s13], $0x80  }
0x95: {  	[sflag:s13] =	ssyncset.done $0x0  }
0x96: {  	[sflag:s13] =	ssyncadd.s32 $0xFFFFFF80  }
0x97: {  	[spmem:s3] =	stream.indirect.scatter.add.f32 [tilespmem:s19], [sflag:$0x15], $0x80, s21, s30, $0xb8;
	[tilespmem:$0x1E080] =	vst v63  }
0x98: {  	_ =	swait.ge [sflag:s10], $0x2800  }
0x99: {  	[sflag:s10] =	ssyncset.done $0x0  }
0x9a: {  	s21 =	simm.s32 $0x7;
	[sflag:s10] =	ssyncadd.s32 $0xFFFFD800  }
0x9b: {  	_ =	swait.ge [sflag:s21], $0x80  }
0x9c: {  	[sflag:s21] =	ssyncset.done $0x0  }
0x9d: {  	s22 =	rddreg [dreg:$0xd];
	[sflag:s21] =	ssyncadd.s32 $0xFFFFFF80  }
0x9e: {  	[tilespmem:s12], [sflag:$0x13] =	stream.indirect.gather [hbm4b:s1+s30], $0x80, s23, s30, $0xb8;
	[tilespmem:$0x1E080] =	vst v63  }
0x9f: {  	s28 =	rddreg [dreg:$0xc];
	s13 =	sadd.s32 $0x0, s22;
	s21 =	simm.s32 $0x380  }
0xa0: {  	[tilespmem:s21], [sflag:$0x8] =	stream.linear.gather [hbm4b:s13+s4], $0x80, $0x38;
	[tilespmem:$0x1E080] =	vst v63  }
0xa1: {  	s0 =	sadd.s32 $0x0, s28;
	s22 =	simm.s32 $0x780  }
0xa2: {  	[tilespmem:s22], [sflag:$0x10] =	stream.linear.gather [hbm4b:s0+s4], $0x80, $0x38;
	[tilespmem:$0x1E080] =	vst v63  }
0xa3: {  	_ =	swait.ge [sflag:s8], $0x2800  }
0xa4: {  	[sflag:s8] =	ssyncset.done $0x0  }
0xa5: {  	s13 =	simm.s32 $0xD;
	[sflag:s8] =	ssyncadd.s32 $0xFFFFD800  }
0xa6: {  	_ =	swait.ge [sflag:s13], $0x80  }
0xa7: {  	[sflag:s13] =	ssyncset.done $0x0  }
0xa8: {  	[sflag:s13] =	ssyncadd.s32 $0xFFFFFF80  }
0xa9: {  	[spmem:s3] =	stream.indirect.scatter.add.f32 [tilespmem:s2], [sflag:$0x15], $0x80, s18, s30, $0xb8;
	[tilespmem:$0x1E080] =	vst v63  }
0xaa: {  	_ =	swait.ge [sflag:s10], $0x2800  }
0xab: {  	[sflag:s10] =	ssyncset.done $0x0  }
0xac: {  	s23 =	simm.s32 $0x8;
	[sflag:s10] =	ssyncadd.s32 $0xFFFFD800  }
0xad: {  	_ =	swait.ge [sflag:s23], $0x80  }
0xae: {  	[sflag:s23] =	ssyncset.done $0x0  }
0xaf: {  	s18 =	rddreg [dreg:$0xb];
	[sflag:s23] =	ssyncadd.s32 $0xFFFFFF80  }
0xb0: {  	[tilespmem:s19], [sflag:$0x14] =	stream.indirect.gather [hbm4b:s1+s30], $0x80, s21, s30, $0xb8;
	[tilespmem:$0x1E080] =	vst v63  }
0xb1: {  	s28 =	rddreg [dreg:$0xa];
	s13 =	sadd.s32 $0x0, s18  }
0xb2: {  	[tilespmem:s4], [sflag:$0x1] =	stream.linear.gather [hbm4b:s13+s4], $0x80, $0x38;
	[tilespmem:$0x1E080] =	vst v63  }
0xb3: {  	s0 =	sadd.s32 $0x0, s28  }
0xb4: {  	[tilespmem:s6], [sflag:$0x9] =	stream.linear.gather [hbm4b:s0+s4], $0x80, $0x38;
	[tilespmem:$0x1E080] =	vst v63  }
0xb5: {  	_ =	swait.ge [sflag:s15], $0x2800  }
0xb6: {  	[sflag:s15] =	ssyncset.done $0x0  }
0xb7: {  	[sflag:s15] =	ssyncadd.s32 $0xFFFFD800  }
0xb8: {  	_ =	swait.ge [sflag:s26], $0x80  }
0xb9: {  	[sflag:s26] =	ssyncset.done $0x0  }
0xba: {  	[sflag:s26] =	ssyncadd.s32 $0xFFFFFF80  }
0xbb: {  	[spmem:s3] =	stream.indirect.scatter.add.f32 [tilespmem:s7], [sflag:$0x15], $0x80, s29, s30, $0xb8;
	[tilespmem:$0x1E080] =	vst v63  }
0xbc: {  	_ =	swait.ge [sflag:s10], $0x2800  }
0xbd: {  	[sflag:s10] =	ssyncset.done $0x0  }
0xbe: {  	s14 =	simm.s32 $0x1;
	[sflag:s10] =	ssyncadd.s32 $0xFFFFD800  }
0xbf: {  	_ =	swait.ge [sflag:s14], $0x80  }
0xc0: {  	[sflag:s14] =	ssyncset.done $0x0  }
0xc1: {  	s6 =	rddreg [dreg:$0x9];
	[sflag:s14] =	ssyncadd.s32 $0xFFFFFF80  }
0xc2: {  	[tilespmem:s2], [sflag:$0x11] =	stream.indirect.gather [hbm4b:s1+s30], $0x80, s4, s30, $0xb8;
	[tilespmem:$0x1E080] =	vst v63  }
0xc3: {  	s28 =	rddreg [dreg:$0x8];
	s13 =	sadd.s32 $0x0, s6  }
0xc4: {  	[tilespmem:s9], [sflag:$0x2] =	stream.linear.gather [hbm4b:s13+s4], $0x80, $0x38;
	[tilespmem:$0x1E080] =	vst v63  }
0xc5: {  	s14 =	sadd.s32 $0x0, s28  }
0xc6: {  	[tilespmem:s11], [sflag:$0xA] =	stream.linear.gather [hbm4b:s14+s4], $0x80, $0x38;
	[tilespmem:$0x1E080] =	vst v63  }
0xc7: {  	_ =	swait.ge [sflag:s20], $0x2800  }
0xc8: {  	[sflag:s20] =	ssyncset.done $0x0  }
0xc9: {  	s14 =	simm.s32 $0xF;
	[sflag:s20] =	ssyncadd.s32 $0xFFFFD800  }
0xca: {  	_ =	swait.ge [sflag:s14], $0x80  }
0xcb: {  	[sflag:s14] =	ssyncset.done $0x0  }
0xcc: {  	[sflag:s14] =	ssyncadd.s32 $0xFFFFFF80  }
0xcd: {  	[spmem:s3] =	stream.indirect.scatter.add.f32 [tilespmem:s12], [sflag:$0x15], $0x80, s31, s30, $0xb8;
	[tilespmem:$0x1E080] =	vst v63  }
0xce: {  	_ =	swait.ge [sflag:s10], $0x2800  }
0xcf: {  	[sflag:s10] =	ssyncset.done $0x0  }
0xd0: {  	s25 =	simm.s32 $0x2;
	[sflag:s10] =	ssyncadd.s32 $0xFFFFD800  }
0xd1: {  	_ =	swait.ge [sflag:s25], $0x80  }
0xd2: {  	[sflag:s25] =	ssyncset.done $0x0  }
0xd3: {  	s18 =	rddreg [dreg:$0x7];
	[sflag:s25] =	ssyncadd.s32 $0xFFFFFF80  }
0xd4: {  	[tilespmem:s7], [sflag:$0x12] =	stream.indirect.gather [hbm4b:s1+s30], $0x80, s9, s30, $0xb8;
	[tilespmem:$0x1E080] =	vst v63  }
0xd5: {  	s28 =	rddreg [dreg:$0x6];
	s13 =	sadd.s32 $0x0, s18  }
0xd6: {  	[tilespmem:s16], [sflag:$0x3] =	stream.linear.gather [hbm4b:s13+s4], $0x80, $0x38;
	[tilespmem:$0x1E080] =	vst v63  }
0xd7: {  	s21 =	sadd.s32 $0x0, s28  }
0xd8: {  	[tilespmem:s17], [sflag:$0xB] =	stream.linear.gather [hbm4b:s21+s4], $0x80, $0x38;
	[tilespmem:$0x1E080] =	vst v63  }
0xd9: {  	_ =	swait.ge [sflag:s24], $0x2800  }
0xda: {  	[sflag:s24] =	ssyncset.done $0x0  }
0xdb: {  	s25 =	simm.s32 $0x10;
	[sflag:s24] =	ssyncadd.s32 $0xFFFFD800  }
0xdc: {  	_ =	swait.ge [sflag:s25], $0x80  }
0xdd: {  	[sflag:s25] =	ssyncset.done $0x0  }
0xde: {  	[sflag:s25] =	ssyncadd.s32 $0xFFFFFF80  }
0xdf: {  	[spmem:s3] =	stream.indirect.scatter.add.f32 [tilespmem:s19], [sflag:$0x15], $0x80, s22, s30, $0xb8;
	[tilespmem:$0x1E080] =	vst v63  }
0xe0: {  	_ =	swait.ge [sflag:s10], $0x2800  }
0xe1: {  	[sflag:s10] =	ssyncset.done $0x0  }
0xe2: {  	s5 =	simm.s32 $0x3;
	[sflag:s10] =	ssyncadd.s32 $0xFFFFD800  }
0xe3: {  	_ =	swait.ge [sflag:s5], $0x80  }
0xe4: {  	[sflag:s5] =	ssyncset.done $0x0  }
0xe5: {  	s22 =	rddreg [dreg:$0x5];
	[sflag:s5] =	ssyncadd.s32 $0xFFFFFF80  }
0xe6: {  	[tilespmem:s12], [sflag:$0x13] =	stream.indirect.gather [hbm4b:s1+s30], $0x80, s16, s30, $0xb8;
	[tilespmem:$0x1E080] =	vst v63  }
0xe7: {  	s31 =	simm.s32 $0x180;
	s29 =	rddreg [dreg:$0x4];
	s13 =	sadd.s32 $0x0, s22  }
0xe8: {  	[tilespmem:s31], [sflag:$0x4] =	stream.linear.gather [hbm4b:s13+s4], $0x80, $0x38;
	[tilespmem:$0x1E080] =	vst v63  }
0xe9: {  	s28 =	simm.s32 $0x80;
	s13 =	sadd.s32 $0x0, s29  }
.LBB2_2:
0xea: {  	s5 =	simm.s32 $0x580  }
0xeb: {  	[tilespmem:s5], [sflag:$0xC] =	stream.linear.gather [hbm4b:s13+s4], $0x80, $0x38;
	[tilespmem:$0x1E080] =	vst v63  }
0xec: {  	_ =	swait.ge [sflag:s8], $0x2800  }
0xed: {  	[sflag:s8] =	ssyncset.done $0x0  }
0xee: {  	s0 =	simm.s32 $0x9;
	[sflag:s8] =	ssyncadd.s32 $0xFFFFD800  }
0xef: {  	_ =	swait.ge [sflag:s0], $0x80  }
0xf0: {  	[sflag:s0] =	ssyncset.done $0x0  }
0xf1: {  	s6 =	simm.s32 $0x400;
	s2 =	simm.s32 $0x800;
	[sflag:s0] =	ssyncadd.s32 $0xFFFFFF80  }
0xf2: {  	[spmem:s3] =	stream.indirect.scatter.add.f32 [tilespmem:s2], [sflag:$0x15], $0x80, s6, s30, $0xb8;
	[tilespmem:$0x1E080] =	vst v63  }
0xf3: {  	_ =	swait.ge [sflag:s10], $0x2800  }
0xf4: {  	[sflag:s10] =	ssyncset.done $0x0  }
0xf5: {  	s21 =	simm.s32 $0x4;
	[sflag:s10] =	ssyncadd.s32 $0xFFFFD800  }
0xf6: {  	_ =	swait.ge [sflag:s21], $0x80  }
0xf7: {  	s19 =	simm.s32 $0x8000;
	s13 =	smov.u32 s28;
	[sflag:s21] =	ssyncset.done $0x0  }
0xf8: {  	s29 =	rddreg [dreg:$0x13];
	[sflag:s21] =	ssyncadd.s32 $0xFFFFFF80;
	s21 =	simm.s32 $0x180  }
0xf9: {  	[tilespmem:s19], [sflag:$0x14] =	stream.indirect.gather [hbm4b:s1+s30], $0x80, s21, s30, $0xb8;
	[tilespmem:$0x1E080] =	vst v63  }
0xfa: {  	s9 =	simm.s32 $0x200;
	s22 =	rddreg [dreg:$0x12];
	s29 =	sadd.s32 s13, s29  }
0xfb: {  	[tilespmem:s9], [sflag:$0x5] =	stream.linear.gather [hbm4b:s29+s4], $0x80, $0x38;
	[tilespmem:$0x1E080] =	vst v63  }
0xfc: {  	s18 =	simm.s32 $0x600;
	s0 =	sadd.s32 s13, s22  }
0xfd: {  	[tilespmem:s18], [sflag:$0xD] =	stream.linear.gather [hbm4b:s0+s4], $0x80, $0x38;
	[tilespmem:$0x1E080] =	vst v63  }
0xfe: {  	_ =	swait.ge [sflag:s15], $0x2800  }
0xff: {  	[sflag:s15] =	ssyncset.done $0x0  }
0x100: {  	s29 =	simm.s32 $0xA;
	[sflag:s15] =	ssyncadd.s32 $0xFFFFD800  }
0x101: {  	_ =	swait.ge [sflag:s29], $0x80  }
0x102: {  	[sflag:s29] =	ssyncset.done $0x0  }
0x103: {  	s16 =	simm.s32 $0x480;
	s7 =	simm.s32 $0x3000;
	[sflag:s29] =	ssyncadd.s32 $0xFFFFFF80  }
0x104: {  	[spmem:s3] =	stream.indirect.scatter.add.f32 [tilespmem:s7], [sflag:$0x15], $0x80, s16, s30, $0xb8;
	[tilespmem:$0x1E080] =	vst v63  }
0x105: {  	_ =	swait.ge [sflag:s10], $0x2800  }
0x106: {  	[sflag:s10] =	ssyncset.done $0x0  }
0x107: {  	s17 =	simm.s32 $0x5;
	[sflag:s10] =	ssyncadd.s32 $0xFFFFD800  }
0x108: {  	_ =	swait.ge [sflag:s17], $0x80  }
0x109: {  	[sflag:s17] =	ssyncset.done $0x0  }
0x10a: {  	s31 =	rddreg [dreg:$0x11];
	[sflag:s17] =	ssyncadd.s32 $0xFFFFFF80  }
0x10b: {  	[tilespmem:s2], [sflag:$0x11] =	stream.indirect.gather [hbm4b:s1+s30], $0x80, s9, s30, $0xb8;
	[tilespmem:$0x1E080] =	vst v63  }
0x10c: {  	s11 =	rddreg [dreg:$0x10];
	s0 =	sadd.s32 s13, s31;
	s9 =	simm.s32 $0x280  }
0x10d: {  	[tilespmem:s9], [sflag:$0x6] =	stream.linear.gather [hbm4b:s0+s4], $0x80, $0x38;
	[tilespmem:$0x1E080] =	vst v63  }
0x10e: {  	s12 =	sadd.s32 s13, s11;
	s11 =	simm.s32 $0x680  }
0x10f: {  	[tilespmem:s11], [sflag:$0xE] =	stream.linear.gather [hbm4b:s12+s4], $0x80, $0x38;
	[tilespmem:$0x1E080] =	vst v63  }
0x110: {  	_ =	swait.ge [sflag:s20], $0x2800  }
0x111: {  	[sflag:s20] =	ssyncset.done $0x0  }
0x112: {  	s17 =	simm.s32 $0xB;
	[sflag:s20] =	ssyncadd.s32 $0xFFFFD800  }
0x113: {  	_ =	swait.ge [sflag:s17], $0x80  }
0x114: {  	[sflag:s17] =	ssyncset.done $0x0  }
0x115: {  	s12 =	simm.s32 $0x5800;
	[sflag:s17] =	ssyncadd.s32 $0xFFFFFF80;
	s17 =	simm.s32 $0x500  }
0x116: {  	[spmem:s3] =	stream.indirect.scatter.add.f32 [tilespmem:s12], [sflag:$0x15], $0x80, s17, s30, $0xb8;
	[tilespmem:$0x1E080] =	vst v63  }
0x117: {  	_ =	swait.ge [sflag:s10], $0x2800  }
0x118: {  	[sflag:s10] =	ssyncset.done $0x0  }
0x119: {  	s22 =	simm.s32 $0x6;
	[sflag:s10] =	ssyncadd.s32 $0xFFFFD800  }
0x11a: {  	_ =	swait.ge [sflag:s22], $0x80  }
0x11b: {  	[sflag:s22] =	ssyncset.done $0x0  }
0x11c: {  	s31 =	rddreg [dreg:$0xf];
	[sflag:s22] =	ssyncadd.s32 $0xFFFFFF80  }
0x11d: {  	[tilespmem:s7], [sflag:$0x12] =	stream.indirect.gather [hbm4b:s1+s30], $0x80, s9, s30, $0xb8;
	[tilespmem:$0x1E080] =	vst v63  }
0x11e: {  	s22 =	rddreg [dreg:$0xe];
	s0 =	sadd.s32 s13, s31;
	s9 =	simm.s32 $0x300  }
0x11f: {  	[tilespmem:s9], [sflag:$0x7] =	stream.linear.gather [hbm4b:s0+s4], $0x80, $0x38;
	[tilespmem:$0x1E080] =	vst v63  }
0x120: {  	s31 =	simm.s32 $0x700;
	s29 =	sadd.s32 s13, s22  }
0x121: {  	[tilespmem:s31], [sflag:$0xF] =	stream.linear.gather [hbm4b:s29+s4], $0x80, $0x38;
	[tilespmem:$0x1E080] =	vst v63  }
0x122: {  	_ =	swait.ge [sflag:s24], $0x2800  }
0x123: {  	[sflag:s24] =	ssyncset.done $0x0  }
0x124: {  	s22 =	simm.s32 $0xC;
	[sflag:s24] =	ssyncadd.s32 $0xFFFFD800  }
0x125: {  	_ =	swait.ge [sflag:s22], $0x80  }
0x126: {  	[sflag:s22] =	ssyncset.done $0x0  }
0x127: {  	[sflag:s22] =	ssyncadd.s32 $0xFFFFFF80  }
0x128: {  	[spmem:s3] =	stream.indirect.scatter.add.f32 [tilespmem:s19], [sflag:$0x15], $0x80, s5, s30, $0xb8;
	[tilespmem:$0x1E080] =	vst v63  }
0x129: {  	_ =	swait.ge [sflag:s10], $0x2800  }
0x12a: {  	[sflag:s10] =	ssyncset.done $0x0  }
0x12b: {  	s29 =	simm.s32 $0x7;
	[sflag:s10] =	ssyncadd.s32 $0xFFFFD800  }
0x12c: {  	_ =	swait.ge [sflag:s29], $0x80  }
0x12d: {  	[sflag:s29] =	ssyncset.done $0x0  }
0x12e: {  	s0 =	rddreg [dreg:$0xd];
	[sflag:s29] =	ssyncadd.s32 $0xFFFFFF80  }
0x12f: {  	[tilespmem:s12], [sflag:$0x13] =	stream.indirect.gather [hbm4b:s1+s30], $0x80, s9, s30, $0xb8;
	[tilespmem:$0x1E080] =	vst v63  }
0x130: {  	s5 =	simm.s32 $0x380;
	s22 =	rddreg [dreg:$0xc];
	s0 =	sadd.s32 s13, s0  }
0x131: {  	[tilespmem:s5], [sflag:$0x8] =	stream.linear.gather [hbm4b:s0+s4], $0x80, $0x38;
	[tilespmem:$0x1E080] =	vst v63  }
0x132: {  	s9 =	sadd.s32 s13, s22;
	s22 =	simm.s32 $0x780  }
0x133: {  	[tilespmem:s22], [sflag:$0x10] =	stream.linear.gather [hbm4b:s9+s4], $0x80, $0x38;
	[tilespmem:$0x1E080] =	vst v63  }
0x134: {  	_ =	swait.ge [sflag:s8], $0x2800  }
0x135: {  	[sflag:s8] =	ssyncset.done $0x0  }
0x136: {  	s29 =	simm.s32 $0xD;
	[sflag:s8] =	ssyncadd.s32 $0xFFFFD800  }
0x137: {  	_ =	swait.ge [sflag:s29], $0x80  }
0x138: {  	[sflag:s29] =	ssyncset.done $0x0  }
0x139: {  	[sflag:s29] =	ssyncadd.s32 $0xFFFFFF80  }
0x13a: {  	[spmem:s3] =	stream.indirect.scatter.add.f32 [tilespmem:s2], [sflag:$0x15], $0x80, s18, s30, $0xb8;
	[tilespmem:$0x1E080] =	vst v63  }
0x13b: {  	_ =	swait.ge [sflag:s10], $0x2800  }
0x13c: {  	[sflag:s10] =	ssyncset.done $0x0  }
0x13d: {  	[sflag:s10] =	ssyncadd.s32 $0xFFFFD800  }
0x13e: {  	_ =	swait.ge [sflag:s23], $0x80  }
0x13f: {  	[sflag:s23] =	ssyncset.done $0x0  }
0x140: {  	s9 =	rddreg [dreg:$0xb];
	[sflag:s23] =	ssyncadd.s32 $0xFFFFFF80  }
0x141: {  	[tilespmem:s19], [sflag:$0x14] =	stream.indirect.gather [hbm4b:s1+s30], $0x80, s5, s30, $0xb8;
	[tilespmem:$0x1E080] =	vst v63  }
0x142: {  	s18 =	rddreg [dreg:$0xa];
	s0 =	sadd.s32 s13, s9  }
0x143: {  	[tilespmem:s4], [sflag:$0x1] =	stream.linear.gather [hbm4b:s0+s4], $0x80, $0x38;
	[tilespmem:$0x1E080] =	vst v63  }
0x144: {  	s5 =	sadd.s32 s13, s18  }
0x145: {  	[tilespmem:s6], [sflag:$0x9] =	stream.linear.gather [hbm4b:s5+s4], $0x80, $0x38;
	[tilespmem:$0x1E080] =	vst v63  }
0x146: {  	_ =	swait.ge [sflag:s15], $0x2800  }
0x147: {  	[sflag:s15] =	ssyncset.done $0x0  }
0x148: {  	[sflag:s15] =	ssyncadd.s32 $0xFFFFD800  }
0x149: {  	_ =	swait.ge [sflag:s26], $0x80  }
0x14a: {  	[sflag:s26] =	ssyncset.done $0x0  }
0x14b: {  	[sflag:s26] =	ssyncadd.s32 $0xFFFFFF80  }
0x14c: {  	[spmem:s3] =	stream.indirect.scatter.add.f32 [tilespmem:s7], [sflag:$0x15], $0x80, s11, s30, $0xb8;
	[tilespmem:$0x1E080] =	vst v63  }
0x14d: {  	_ =	swait.ge [sflag:s10], $0x2800  }
0x14e: {  	[sflag:s10] =	ssyncset.done $0x0  }
0x14f: {  	s11 =	simm.s32 $0x1;
	[sflag:s10] =	ssyncadd.s32 $0xFFFFD800  }
0x150: {  	_ =	swait.ge [sflag:s11], $0x80  }
0x151: {  	[sflag:s11] =	ssyncset.done $0x0  }
0x152: {  	s18 =	rddreg [dreg:$0x9];
	[sflag:s11] =	ssyncadd.s32 $0xFFFFFF80  }
0x153: {  	[tilespmem:s2], [sflag:$0x11] =	stream.indirect.gather [hbm4b:s1+s30], $0x80, s4, s30, $0xb8;
	[tilespmem:$0x1E080] =	vst v63  }
0x154: {  	s6 =	rddreg [dreg:$0x8];
	s0 =	sadd.s32 s13, s18;
	s11 =	simm.s32 $0x80  }
0x155: {  	[tilespmem:s11], [sflag:$0x2] =	stream.linear.gather [hbm4b:s0+s4], $0x80, $0x38;
	[tilespmem:$0x1E080] =	vst v63  }
0x156: {  	s18 =	sadd.s32 s13, s6  }
0x157: {  	[tilespmem:s16], [sflag:$0xA] =	stream.linear.gather [hbm4b:s18+s4], $0x80, $0x38;
	[tilespmem:$0x1E080] =	vst v63  }
0x158: {  	_ =	swait.ge [sflag:s20], $0x2800  }
0x159: {  	[sflag:s20] =	ssyncset.done $0x0  }
0x15a: {  	[sflag:s20] =	ssyncadd.s32 $0xFFFFD800  }
0x15b: {  	_ =	swait.ge [sflag:s14], $0x80  }
0x15c: {  	[sflag:s14] =	ssyncset.done $0x0  }
0x15d: {  	[sflag:s14] =	ssyncadd.s32 $0xFFFFFF80  }
0x15e: {  	[spmem:s3] =	stream.indirect.scatter.add.f32 [tilespmem:s12], [sflag:$0x15], $0x80, s31, s30, $0xb8;
	[tilespmem:$0x1E080] =	vst v63  }
0x15f: {  	_ =	swait.ge [sflag:s10], $0x2800  }
0x160: {  	[sflag:s10] =	ssyncset.done $0x0  }
0x161: {  	s29 =	simm.s32 $0x2;
	[sflag:s10] =	ssyncadd.s32 $0xFFFFD800  }
0x162: {  	_ =	swait.ge [sflag:s29], $0x80  }
0x163: {  	[sflag:s29] =	ssyncset.done $0x0  }
0x164: {  	s31 =	rddreg [dreg:$0x7];
	[sflag:s29] =	ssyncadd.s32 $0xFFFFFF80  }
0x165: {  	[tilespmem:s7], [sflag:$0x12] =	stream.indirect.gather [hbm4b:s1+s30], $0x80, s11, s30, $0xb8;
	[tilespmem:$0x1E080] =	vst v63  }
0x166: {  	s16 =	simm.s32 $0x100;
	s5 =	rddreg [dreg:$0x6];
	s0 =	sadd.s32 s13, s31  }
0x167: {  	[tilespmem:s16], [sflag:$0x3] =	stream.linear.gather [hbm4b:s0+s4], $0x80, $0x38;
	[tilespmem:$0x1E080] =	vst v63  }
0x168: {  	s11 =	sadd.s32 s13, s5  }
0x169: {  	[tilespmem:s17], [sflag:$0xB] =	stream.linear.gather [hbm4b:s11+s4], $0x80, $0x38;
	[tilespmem:$0x1E080] =	vst v63  }
0x16a: {  	_ =	swait.ge [sflag:s24], $0x2800  }
0x16b: {  	[sflag:s24] =	ssyncset.done $0x0  }
0x16c: {  	[sflag:s24] =	ssyncadd.s32 $0xFFFFD800  }
0x16d: {  	_ =	swait.ge [sflag:s25], $0x80  }
0x16e: {  	[sflag:s25] =	ssyncset.done $0x0  }
0x16f: {  	[sflag:s25] =	ssyncadd.s32 $0xFFFFFF80  }
0x170: {  	[spmem:s3] =	stream.indirect.scatter.add.f32 [tilespmem:s19], [sflag:$0x15], $0x80, s22, s30, $0xb8;
	[tilespmem:$0x1E080] =	vst v63  }
0x171: {  	p1 =	sne.s32 s28, $0x700;
	_ =	swait.ge [sflag:s10], $0x2800  }
0x172: {  	s28 =	sadd.s32 $0x80, s28;
	s9 =	simm.s32 $0x400;
	[sflag:s10] =	ssyncset.done $0x0  }
0x173: {  	s6 =	simm.s32 $0x480;
	s19 =	simm.s32 $0x3;
	[sflag:s10] =	ssyncadd.s32 $0xFFFFD800  }
0x174: {  	s18 =	simm.s32 $0x3000;
	s5 =	simm.s32 $0x500;
	_ =	swait.ge [sflag:s19], $0x80  }
.Ltmp0:
0x175: {  	[sflag:s19] =	ssyncset.done $0x0;
	s22 =	rddreg [dreg:$0x5];
	(pc) =	sbr.rel @p1 .LBB2_2-.Ltmp0, $4  }
0x176: {  	s7 =	simm.s32 $0x5800;
	s31 =	rddreg [dreg:$0x4];
	[sflag:s19] =	ssyncadd.s32 $0xFFFFFF80  }
0x177: {  	[tilespmem:s12], [sflag:$0x13] =	stream.indirect.gather [hbm4b:s1+s30], $0x80, s16, s30, $0xb8;
	[tilespmem:$0x1E080] =	vst v63  }
0x178: {  	s17 =	simm.s32 $0x180;
	s0 =	sadd.s32 s13, s22;
	s13 =	sadd.s32 s13, s31  }
0x179: {  	[tilespmem:s21], [sflag:$0x4] =	stream.linear.gather [hbm4b:s0+s4], $0x80, $0x38;
	[tilespmem:$0x1E080] =	vst v63  }
0x17a: {  	s11 =	simm.s32 $0x580  }
0x17b: {  	[tilespmem:s11], [sflag:$0xC] =	stream.linear.gather [hbm4b:s13+s4], $0x80, $0x38;
	[tilespmem:$0x1E080] =	vst v63  }
0x17c: {  	_ =	swait.ge [sflag:s8], $0x2800  }
0x17d: {  	[sflag:s8] =	ssyncset.done $0x0  }
0x17e: {  	s0 =	simm.s32 $0x9;
	[sflag:s8] =	ssyncadd.s32 $0xFFFFD800  }
0x17f: {  	_ =	swait.ge [sflag:s0], $0x80  }
0x180: {  	[sflag:s0] =	ssyncset.done $0x0  }
0x181: {  	s2 =	simm.s32 $0x800;
	[sflag:s0] =	ssyncadd.s32 $0xFFFFFF80  }
0x182: {  	[spmem:s3] =	stream.indirect.scatter.add.f32 [tilespmem:s2], [sflag:$0x15], $0x80, s9, s30, $0xb8;
	[tilespmem:$0x1E080] =	vst v63  }
0x183: {  	_ =	swait.ge [sflag:s10], $0x2800  }
0x184: {  	[sflag:s10] =	ssyncset.done $0x0  }
0x185: {  	s12 =	simm.s32 $0x4;
	[sflag:s10] =	ssyncadd.s32 $0xFFFFD800  }
0x186: {  	_ =	swait.ge [sflag:s12], $0x80  }
0x187: {  	[sflag:s12] =	ssyncset.done $0x0  }
0x188: {  	s13 =	rddreg [dreg:$0x1f];
	[sflag:s12] =	ssyncadd.s32 $0xFFFFFF80;
	s12 =	simm.s32 $0x8000  }
0x189: {  	[tilespmem:s12], [sflag:$0x14] =	stream.indirect.gather [hbm4b:s1+s30], $0x80, s17, s30, $0xb8;
	[tilespmem:$0x1E080] =	vst v63  }
0x18a: {  	s14 =	simm.s32 $0x200;
	s17 =	sld [smem:$0x7FA]  }
0x18b: {  	[tilespmem:s14], [sflag:$0x5] =	stream.linear.gather [hbm4b:s13+s4], $0x80, $0x38;
	[tilespmem:$0x1E080] =	vst v63  }
0x18c: {  	s19 =	simm.s32 $0x600  }
0x18d: {  	[tilespmem:s19], [sflag:$0xD] =	stream.linear.gather [hbm4b:s17+s4], $0x80, $0x38;
	[tilespmem:$0x1E080] =	vst v63  }
0x18e: {  	_ =	swait.ge [sflag:s15], $0x2800  }
0x18f: {  	[sflag:s15] =	ssyncset.done $0x0  }
0x190: {  	s21 =	simm.s32 $0xA;
	[sflag:s15] =	ssyncadd.s32 $0xFFFFD800  }
0x191: {  	_ =	swait.ge [sflag:s21], $0x80  }
0x192: {  	[sflag:s21] =	ssyncset.done $0x0  }
0x193: {  	[sflag:s21] =	ssyncadd.s32 $0xFFFFFF80  }
0x194: {  	[spmem:s3] =	stream.indirect.scatter.add.f32 [tilespmem:s18], [sflag:$0x15], $0x80, s6, s30, $0xb8;
	[tilespmem:$0x1E080] =	vst v63  }
0x195: {  	_ =	swait.ge [sflag:s10], $0x2800  }
0x196: {  	[sflag:s10] =	ssyncset.done $0x0  }
0x197: {  	s22 =	simm.s32 $0x5;
	[sflag:s10] =	ssyncadd.s32 $0xFFFFD800  }
0x198: {  	_ =	swait.ge [sflag:s22], $0x80  }
0x199: {  	[sflag:s22] =	ssyncset.done $0x0  }
0x19a: {  	[sflag:s22] =	ssyncadd.s32 $0xFFFFFF80  }
0x19b: {  	[tilespmem:s2], [sflag:$0x11] =	stream.indirect.gather [hbm4b:s1+s30], $0x80, s14, s30, $0xb8;
	[tilespmem:$0x1E080] =	vst v63  }
0x19c: {  	_ =	swait.ge [sflag:s20], $0x2800  }
0x19d: {  	[sflag:s20] =	ssyncset.done $0x0  }
0x19e: {  	s23 =	simm.s32 $0xB;
	[sflag:s20] =	ssyncadd.s32 $0xFFFFD800  }
0x19f: {  	_ =	swait.ge [sflag:s23], $0x80  }
0x1a0: {  	[sflag:s23] =	ssyncset.done $0x0  }
0x1a1: {  	[sflag:s23] =	ssyncadd.s32 $0xFFFFFF80  }
0x1a2: {  	[spmem:s3] =	stream.indirect.scatter.add.f32 [tilespmem:s7], [sflag:$0x15], $0x80, s5, s30, $0xb8;
	[tilespmem:$0x1E080] =	vst v63  }
0x1a3: {  	_ =	swait.ge [sflag:s10], $0x2800  }
0x1a4: {  	[sflag:s10] =	ssyncset.done $0x0  }
0x1a5: {  	[sflag:s10] =	ssyncadd.s32 $0xFFFFD800  }
0x1a6: {  	_ =	swait.ge [sflag:s24], $0x2800  }
0x1a7: {  	[sflag:s24] =	ssyncset.done $0x0  }
0x1a8: {  	s25 =	simm.s32 $0xC;
	[sflag:s24] =	ssyncadd.s32 $0xFFFFD800  }
0x1a9: {  	_ =	swait.ge [sflag:s25], $0x80  }
0x1aa: {  	[sflag:s25] =	ssyncset.done $0x0  }
0x1ab: {  	[sflag:s25] =	ssyncadd.s32 $0xFFFFFF80  }
0x1ac: {  	[spmem:s3] =	stream.indirect.scatter.add.f32 [tilespmem:s12], [sflag:$0x15], $0x80, s11, s30, $0xb8;
	[tilespmem:$0x1E080] =	vst v63  }
0x1ad: {  	_ =	swait.ge [sflag:s10], $0x2800  }
0x1ae: {  	[sflag:s10] =	ssyncset.done $0x0  }
0x1af: {  	[sflag:s10] =	ssyncadd.s32 $0xFFFFD800  }
0x1b0: {  	_ =	swait.ge [sflag:s8], $0x2800  }
0x1b1: {  	[sflag:s8] =	ssyncset.done $0x0  }
0x1b2: {  	s28 =	simm.s32 $0xD;
	[sflag:s8] =	ssyncadd.s32 $0xFFFFD800  }
0x1b3: {  	_ =	swait.ge [sflag:s28], $0x80  }
0x1b4: {  	[sflag:s28] =	ssyncset.done $0x0  }
0x1b5: {  	[sflag:s28] =	ssyncadd.s32 $0xFFFFFF80  }
0x1b6: {  	[spmem:s3] =	stream.indirect.scatter.add.f32 [tilespmem:s2], [sflag:$0x15], $0x80, s19, s30, $0xb8;
	[tilespmem:$0x1E080] =	vst v63  }
0x1b7: {  	_ =	swait.ge [sflag:s10], $0x2800  }
0x1b8: {  	[sflag:s10] =	ssyncset.done $0x0  }
0x1b9: {  	[sflag:s10] =	ssyncadd.s32 $0xFFFFD800  }
0x1ba: {  	[bflag:$0x0] =	sbarrier.arrive $0xFFFF  }
0x1bb: {  	s13 =	sld [smem:$0x7FC]  }
0x1bc: {  	s5 =	sld [smem:$0x7F7];
	_ =	sdelay $0x1  }
0x1bd: {  	s0 =	simm.s32 @p0 $0x1FD5  }
0x1be: {  	[hbm:s13], [sflag:s0] =	dma.local @p0 [spmem:s5], $0x1900  }
0x1bf: {  	s0 =	simm.s32 @p0 $0x15  }
0x1c0: {  	_ =	swait.ge @p0 [sflag:s0], $0x1900  }
0x1c1: {  	s5 =	sld [smem:$0x7F8]  }
0x1c2: {  	[sflag:s0] =	ssyncset.done @p0 $0x0;
	s6 =	sld [smem:$0x7F9]  }
0x1c3: {  	[sflag:s0] =	ssyncadd.s32 @p0 $0xFFFFE700;
	s0 =	sld [smem:$0x7FB];
	_ =	sdelay $0x2  }
0x1c4: {  	[hbm:s0], [sflag:s5] =	dma.local @!p0 [spmem:s6], $0x2800  }
0x1c5: {  	s0 =	simm.s32 @!p0 $0x15  }
0x1c6: {  	_ =	swait.ge @!p0 [sflag:s0], $0x2800  }
0x1c7: {  	s29 =	sld [smem:$0x7F6]  }
0x1c8: {  	s31 =	sld [smem:$0x7FD];
	_ =	sdelay $0x1  }
0x1c9: {  	s5 =	sadd.s32 $0x1, s29  }
0x1ca: {  	p1 =	sne.s32 s5, s31  }
.Ltmp1:
0x1cb: {  	_ = 	snop;
	(pc) =	sbr.rel @p1 .LBB2_1-.Ltmp1, $3  }
0x1cc: {  	_ =	sdelay $0x1  }
0x1cd: {  	s9 =	simm.s32 $0x80;
	s14 =	simm.s32 $0x3;
	[sflag:s0] =	ssyncset.done @!p0 $0x0  }
0x1ce: {  	s25 =	simm.s32 $0x2;
	s13 =	simm.s32 $0x1;
	[sflag:s0] =	ssyncadd.s32 @!p0 $0xFFFFD800  }
0x1cf: {  	_ =	sfence.sel $0x180000  }
0x1d0: {  	[bflag:$0x0] =	sbarrier.arrive $0xFFFF  }
0x1d1: {  	_ =	strace $0x9000004D  }
0x1d2: {  	s0 =	stileid.u32;
	[bflag:$0x2] =	sbarrier.arrive $0xFFFF  }
0x1d3: {  	p0 =	sne.s32 s0, $0x0;
	s0 =	rddreg [dreg:$0x3]  }
0x1d4: {  	s0 =	sadd.s32 @!p0 $0x100000, s0  }
0x1d5: {  	[sflag:s0] =	ssyncadd.tile.s32 @!p0 $0x1;
	_ =	shalt  }
.Lfunc_end2:
_tile_overlayer_lowered:
.L_overlay_start_2:
0x1d6: {  	(tag) =	ssettag $0x2  }
0x1d7: {  	s0 =	rddreg [dreg:$0x0];
	s2 =	stileid.u32  }
0x1d8: {  	s1 =	rddreg [dreg:$0x1];
	p0 =	sne.s32 s2, $0x0  }
0x1d9: {  	s3 =	rddreg [dreg:$0x2];
	[bflag:$0x3] =	sbarrier.arrive $0xFFFF;
	s2 =	simm.s32 @!p0 $0x1C15  }
0x1da: {  	[timem:s3], [sflag:s2] =	dma.local @!p0 [hbm:s0], s1  }
0x1db: {  	s0 =	simm.s32 @!p0 $0x15  }
0x1dc: {  	_ =	swait.ge @!p0 [sflag:s0], s1  }
0x1dd: {  	s1 =	ssub.s32 @!p0 $0x0, s1;
	[sflag:s0] =	ssyncset.done @!p0 $0x0  }
0x1de: {  	[sflag:s0] =	ssyncadd.s32 @!p0 s1  }
0x1df: {  	[bflag:$0x3] =	sbarrier.arrive $0xFFFF  }
0x1e0: {  	_ =	shalt  }

// kernel: kernel.9.cloned.1.call-start
scs
__scs_entry_jumppad:
0x0: {  	(pc) =	sbr.rel $0x88, $3  }
0x1: {  	(tag) =	ssettag $0x0;
	lr =	simm.s32 $0x1  }
0x2: {  	[smem:$0x3F96] =	sst lr;
	_ =	strace $0xD0000000  }
0x3: {  	_ = 	snop  }
0x4: {  	_ = 	snop  }
0x5: {  	_ = 	snop  }
0x6: {  	_ = 	snop  }
0x7: {  	_ = 	snop  }
__scs_overlays_trampoline_lowered:
0x8: {  	[smem:$0x3FA5] =	sst s0  }
0x9: {  	[smem:$0x3FA6] =	sst s1  }
0xa: {  	[smem:$0x3FA7] =	sst s2  }
0xb: {  	[smem:$0x3FA8] =	sst s3  }
0xc: {  	[smem:$0x3FA9] =	sst s4  }
0xd: {  	[smem:$0x3FAA] =	sst s5  }
0xe: {  	[smem:$0x3FAB] =	sst s6  }
0xf: {  	[smem:$0x3FAC] =	sst s7  }
0x10: {  	[smem:$0x3FAD] =	sst s8  }
0x11: {  	[smem:$0x3FAE] =	sst s9;
	s0 =	simm.s32 @!p0 $0x0  }
0x12: {  	s1 =	sld [smem:$0x3F94];
	s0 =	simm.s32 @p0 $0x1  }
0x13: {  	[smem:$0x3FAF] =	sst s0;
	s0 =	simm.s32 @!p1 $0x0  }
0x14: {  	s2 =	sld [smem:$0x3F93];
	s0 =	simm.s32 @p1 $0x1  }
0x15: {  	[smem:$0x3FB0] =	sst s0;
	s0 =	simm.s32 @!p2 $0x0  }
0x16: {  	s3 =	sld [smem:$0x3FDB];
	s0 =	simm.s32 @p2 $0x1  }
0x17: {  	s4 =	simm.s32 $0x1BF5;
	[smem:$0x3FB2] =	sst s0  }
0x18: {  	s0 =	sld [smem:$0x3F95];
	_ =	swait.ge [sflag:s4], $0x0  }
0x19: {  	s7 =	sld [smem:$0x3F96]  }
0x1a: {  	s8 =	sadd.s32 $0xFFFFE003, lr  }
0x1b: {  	s9 =	sadd.s32 $0xFFFFFEF7, lr;
	s5 =	simm.s32 $0xFFFFFFFF;
	p2 =	slt.u32 s8, $0xFFFFF086  }
0x1c: {  	p1 =	slt.u32 s9, $0xF7A;
	s5 =	simm.s32 @!p2 $0x0  }
0x1d: {  	s5 =	simm.s32 @p1 $0x1;
	p0 =	seq.s32 s7, s2  }
0x1e: {  	s7 =	smul.u32 @!p0 $0xF7A, s2;
	p2 =	seq.s32 @!p0 s5, $0x0  }
0x1f: {  	s9 =	smul.u32 $0xF7A, s1;
	s8 =	simm.s32 @!p0 $0x1BF5;
	p2 =	por !p2, p0  }
0x20: {  	[sflag:s8] =	ssyncset.s32 @!p0 $0xFFFFF086;
	s6 =	sadd.s32 @!p0 s3, s7;
	s7 =	simm.s32 @!p0 $0x108  }
0x21: {  	s3 =	sadd.s32 s3, s9;
	s6 =	sadd.s32 @!p0 $0x88, s6;
	s7 =	simm.s32 @p2 $0x1082  }
0x22: {  	[simem:s7], [sflag:s8] =	dma.local @!p0 [hbm:s6], $0xF7A  }
0x23: {  	s9 =	sor.u32 $0xD0000000, s2;
	s6 =	simm.s32 $0x108;
	_ =	swait.ge @!p0 [sflag:s8], $0x0  }
0x24: {  	s3 =	sadd.s32 $0x88, s3;
	s6 =	simm.s32 @!p1 $0x1082;
	[sflag:s4] =	ssyncset.s32 $0xFFFFF086  }
0x25: {  	[simem:s6], [sflag:s4] =	dma.local [hbm:s3], $0xF7A  }
0x26: {  	[smem:$0x3F96] =	sst s1;
	(tag) =	ssettag s2;
	_ =	strace s9  }
0x27: {  	s1 =	sld [smem:$0x3FA6]  }
0x28: {  	s2 =	sld [smem:$0x3FA7]  }
0x29: {  	s4 =	sld [smem:$0x3FA9]  }
0x2a: {  	p0 =	seq.s32 s5, $0x0;
	s5 =	sld [smem:$0x3FAA]  }
0x2b: {  	s6 =	sld [smem:$0x3FAB]  }
0x2c: {  	s7 =	sld [smem:$0x3FAC]  }
0x2d: {  	s3 =	simm.s32 $0x108;
	s8 =	sld [smem:$0x3FAD]  }
0x2e: {  	s3 =	simm.s32 @!p0 $0x1082;
	s9 =	sld [smem:$0x3FAE]  }
0x2f: {  	lr =	sadd.s32 s0, s3;
	s0 =	sld [smem:$0x3FA5]  }
0x30: {  	s3 =	sld [smem:$0x3FA8]  }
0x31: {  	[smem:$0x3FB1] =	sst s10  }
0x32: {  	s10 =	sld [smem:$0x3FAF];
	_ =	sdelay $0x3  }
0x33: {  	p0 =	seq.s32 s10, $0x1;
	s10 =	sld [smem:$0x3FB1];
	_ =	sdelay $0x3  }
0x34: {  	[smem:$0x3FB1] =	sst s10  }
0x35: {  	s10 =	sld [smem:$0x3FB0];
	_ =	sdelay $0x3  }
0x36: {  	p1 =	seq.s32 s10, $0x1;
	s10 =	sld [smem:$0x3FB1];
	_ =	sdelay $0x3  }
0x37: {  	[smem:$0x3FB1] =	sst s10  }
0x38: {  	s10 =	sld [smem:$0x3FB2]  }
0x39: {  	_ = 	snop;
	(pc) =	sbr.ind lr, $3  }
0x3a: {  	_ = 	snop  }
0x3b: {  	_ = 	snop  }
0x3c: {  	p2 =	seq.s32 s10, $0x1;
	s10 =	sld [smem:$0x3FB1]  }
0x3d: {  	_ =	shalt  }
0x3e: {  	_ =	shalt  }
0x3f: {  	_ =	shalt  }
0x40: {  	_ =	shalt  }
0x41: {  	_ =	shalt  }
0x42: {  	_ =	shalt  }
0x43: {  	_ =	shalt  }
0x44: {  	_ =	shalt  }
0x45: {  	_ =	shalt  }
0x46: {  	_ =	shalt  }
0x47: {  	_ =	shalt  }
0x48: {  	_ =	shalt  }
0x49: {  	_ =	shalt  }
0x4a: {  	_ =	shalt  }
0x4b: {  	_ =	shalt  }
0x4c: {  	_ =	shalt  }
0x4d: {  	_ =	shalt  }
0x4e: {  	_ =	shalt  }
0x4f: {  	_ =	shalt  }
0x50: {  	_ =	shalt  }
0x51: {  	_ =	shalt  }
0x52: {  	_ =	shalt  }
0x53: {  	_ =	shalt  }
0x54: {  	_ =	shalt  }
0x55: {  	_ =	shalt  }
0x56: {  	_ =	shalt  }
0x57: {  	_ =	shalt  }
0x58: {  	_ =	shalt  }
0x59: {  	_ =	shalt  }
0x5a: {  	_ =	shalt  }
0x5b: {  	_ =	shalt  }
0x5c: {  	_ =	shalt  }
0x5d: {  	_ =	shalt  }
0x5e: {  	_ =	shalt  }
0x5f: {  	_ =	shalt  }
0x60: {  	_ =	shalt  }
0x61: {  	_ =	shalt  }
0x62: {  	_ =	shalt  }
0x63: {  	_ =	shalt  }
0x64: {  	_ =	shalt  }
0x65: {  	_ =	shalt  }
0x66: {  	_ =	shalt  }
0x67: {  	_ =	shalt  }
0x68: {  	_ =	shalt  }
0x69: {  	_ =	shalt  }
0x6a: {  	_ =	shalt  }
0x6b: {  	_ =	shalt  }
0x6c: {  	_ =	shalt  }
0x6d: {  	_ =	shalt  }
0x6e: {  	_ =	shalt  }
0x6f: {  	_ =	shalt  }
0x70: {  	_ =	shalt  }
0x71: {  	_ =	shalt  }
0x72: {  	_ =	shalt  }
0x73: {  	_ =	shalt  }
0x74: {  	_ =	shalt  }
0x75: {  	_ =	shalt  }
0x76: {  	_ =	shalt  }
0x77: {  	_ =	shalt  }
0x78: {  	_ =	shalt  }
0x79: {  	_ =	shalt  }
0x7a: {  	_ =	shalt  }
0x7b: {  	_ =	shalt  }
0x7c: {  	_ =	shalt  }
0x7d: {  	_ =	shalt  }
0x7e: {  	_ =	shalt  }
0x7f: {  	_ =	shalt  }
0x80: {  	_ =	shalt  }
0x81: {  	_ =	shalt  }
0x82: {  	_ =	shalt  }
0x83: {  	_ =	shalt  }
0x84: {  	_ =	shalt  }
0x85: {  	_ =	shalt  }
0x86: {  	_ =	shalt  }
0x87: {  	_ =	shalt  }
.Lfunc_end0:
.L_simem_size_0:
called_computation_lowered:
.L_overlay_start_0:
0x88: {  	s2 =	sld [smem:$0x3FD9]  }
0x89: {  	s3 =	sld [smem:$0x3FFE];
	_ =	sdelay $0x1  }
0x8a: {  	s1 =	srdreg.scid  }
0x8b: {  	s0 =	sand.u32 $0x1, s1  }
0x8c: {  	s17 =	sshll.u32 s0, $0xA;
	s2 =	sadd.s32 s3, s2  }
0x8d: {  	s2 =	sadd.s32 s2, s17  }
0x8e: {  	[smem:$0x3FBD] =	sst s2  }
0x8f: {  	_ = 	snop  }
0x90: {  	s2 =	sld [smem:$0x3FD0];
	(tm) =	ssettm $0x1  }
0x91: {  	s18 =	sld [smem:$0x3FFB];
	_ =	sdelay $0x3  }
0x92: {  	_ =	strace s18  }
0x93: {  	s3 =	sld [smem:$0x3FFC];
	_ =	sdelay $0x3  }
0x94: {  	_ =	strace s3  }
0x95: {  	s3 =	sld [smem:$0x3FFD];
	_ =	sdelay $0x3  }
0x96: {  	_ =	strace s3  }
0x97: {  	_ =	strace $0x8FFFFFFF  }
0x98: {  	s19 =	sld [smem:$0x3FDB];
	_ =	sdelay $0x1  }
0x99: {  	s4 =	simm.s32 $_scs_section_size  }
0x9a: {  	s5 =	simm.s32 $_size__tile_overlayer_lowered;
	s6 =	simm.s32 $_tile_overlayer_lowered  }
0x9b: {  	s22 =	simm.s32 $0x1BFF;
	s21 =	sshll.u32 s6, $0x1;
	s3 =	sadd.s32 s4, s19  }
0x9c: {  	s7 =	simm.s32 $0x0;
	s20 =	sshll.u32 s5, $0x1;
	s5 =	sadd.s32 s21, s3  }
0x9d: {  	[timem:s7], [sflag:s22] =	dma.local [hbm:s5], s20  }
0x9e: {  	_ =	swait.ge [sflag:s22], s20  }
0x9f: {  	s4 =	ssub.s32 $0x0, s20;
	[sflag:s22] =	ssyncset.done $0x0  }
0xa0: {  	[sflag:s22] =	ssyncadd.s32 s4;
	_ =	sdelay $0x1  }
0xa1: {  	s23 =	simm.s32 $0x1B8B  }
0xa2: {  	_ =	swait.ge [sflag:s23], $0x1  }
0xa3: {  	[sflag:s23] =	ssyncset.done $0x0  }
0xa4: {  	s25 =	simm.s32 $0x1B8E;
	s24 =	sld [smem:$0x3FFE];
	[sflag:s23] =	ssyncadd.s32 $0xFFFFFFFF  }
0xa5: {  	s26 =	simm.s32 $execute0_lowered;
	[smem:$0x3FD2] =	sst s25  }
0xa6: {  	s5 =	sshll.u32 s26, $0x1;
	_ =	strace $0x80000046;
	[dreg:$0x1] =	wrdreg $0xFFFFFFFF  }
0xa7: {  	s28 =	simm.s32 $_size_execute0_lowered;
	s3 =	sadd.s32 s3, s5;
	[dreg:$0x0] =	wrdreg $0x0  }
0xa8: {  	s5 =	sshll.u32 s28, $0x1;
	[dreg:$0x2] =	wrdreg s3  }
0xa9: {  	[dreg:$0x3] =	wrdreg s5  }
0xaa: {  	[dreg:$0x4] =	wrdreg $0xC0  }
0xab: {  	_ =	task [dreg:s7], $0x5FFFF  }
0xac: {  	[dreg:$0x1] =	wrdreg $0xFFFFFFFF  }
0xad: {  	[dreg:$0x0] =	wrdreg $0x60  }
0xae: {  	[dreg:$0x2] =	wrdreg s2  }
0xaf: {  	[dreg:$0x3] =	wrdreg s24  }
0xb0: {  	[dreg:$0x4] =	wrdreg $0xA8000  }
0xb1: {  	[dreg:$0x5] =	wrdreg $0x9  }
0xb2: {  	_ =	task.clear_ibuf [dreg:s7], $0x6FFFF;
	_ =	strace $0x90000046  }
0xb3: {  	s29 =	simm.s32 $0x9;
	_ =	strace $0x80000048  }
0xb4: {  	_ =	swait.ge [sflag:s29], $0x1  }
0xb5: {  	[sflag:s29] =	ssyncadd.s32 $0xFFFFFFFF  }
0xb6: {  	_ =	strace $0x90000048  }
0xb7: {  	_ =	sfence  }
0xb8: {  	s30 =	sld [smem:$0x0];
	_ =	sdelay $0x2  }
0xb9: {  	s31 =	sshll.u32 s1, $0xD;
	s1 =	sshrl.u32 s1, $0x2  }
0xba: {  	s3 =	sand.u32 $0x4000, s31;
	s1 =	sadd.s32 s1, s30  }
0xbb: {  	s0 =	sor.u32 s3, s0;
	s1 =	sshll.u32 s1, $0x11  }
0xbc: {  	s0 =	sor.u32 s1, s0  }
0xbd: {  	s0 =	sadd.s32 $0x8F2B, s0  }
0xbe: {  	[sflag:s0] =	ssyncadd.remote.s32 $0x1  }
0xbf: {  	_ =	sfence.sel $0xFFFF  }
0xc0: {  	[dreg:$0x0] =	wrdreg $0xFFFFFFFF;
	(pc) =	sbr.abs _section_cstart, $3  }
0xc1: {  	[dreg:$0x1] =	wrdreg $0xFFFFFFFF  }
0xc2: {  	_ =	task.clear_ibuf [dreg:s7], $0x2FFFF;
	_ =	strace $0x9FFFFFFF  }
0xc3: {  	(tm) =	ssettm $0x7FFFFFFF  }
tec
execute0_lowered:
.L_overlay_start_1:
0x0: {  	(tag) =	ssettag $0x1  }
0x1: {  	s1 =	rddreg [dreg:$0x0]  }
0x2: {  	s6 =	rddreg [dreg:$0x1]  }
0x3: {  	s3 =	rddreg [dreg:$0x2]  }
0x4: {  	s0 =	srdreg.scid;
	s15 =	stileid.u32  }
0x5: {  	s4 =	simm.s32 $0x0;
	s30 =	simm.s32 $0x50;
	s5 =	sand.u32 $0x1, s0  }
0x6: {  	s23 =	sshll.u32 s15, $0x1;
	[smem:$0x7FF] =	sst s4;
	s26 =	smul.u32 $0xFA, s15  }
0x7: {  	s0 =	sadd.s32 $0x2400, s6;
	s2 =	sadd.s32 $0x11E00, s6;
	s28 =	smul.u32 $0x7D, s5  }
0x8: {  	s24 =	sadd.s32 $0x21800, s6;
	s7 =	sor.u32 s5, s23;
	s23 =	smul.u32 $0x500, s15  }
0x9: {  	p0 =	seq.s32 s15, $0xF;
	s25 =	ssub.s32 $0x2, s5;
	s8 =	smul.u32 $0x3E80, s7  }
0xa: {  	_ =	strace $0x80000047;
	s9 =	smul.u32 $0x280, s7;
	s10 =	sshrl.u32 s25, $0x1  }
0xb: {  	s7 =	sadd.s32 $0x24000, s6;
	s6 =	ssub.s32 s25, s10;
	s25 =	smul.u32 $0x280, s5  }
0xc: {  	[dreg:$0x14] =	wrdreg s24;
	s10 =	sadd.s32 s28, s26;
	s26 =	smul.u32 $0x50000, s15  }
0xd: {  	s11 =	sand.u32 $0x7FC00, s8;
	s9 =	sand.u32 $0x380, s9;
	s8 =	sshrl.u32 s8, $0x3  }
0xe: {  	s9 =	sor.u32 s9, s11;
	s29 =	sadd.s32 $0x10, s8;
	s13 =	sadd.s32 $0x20, s8  }
0xf: {  	s17 =	sadd.s32 $0x30, s8;
	s8 =	sadd.s32 $0x7C0, s8;
	s31 =	sadd.s32 s0, s29  }
0x10: {  	s9 =	sshrl.u32 s9, $0x3;
	s14 =	sadd.s32 s0, s13;
	[dreg:$0x17] =	wrdreg s31  }
0x11: {  	s16 =	sadd.s32 s2, s13;
	s13 =	sadd.s32 s0, s17;
	[dreg:$0x19] =	wrdreg s14  }
0x12: {  	s11 =	sadd.s32 s2, s17;
	s17 =	smul.u32 $0x27100, s5;
	[dreg:$0x1a] =	wrdreg s16  }
0x13: {  	s5 =	smul.u32 $0x138800, s5;
	s12 =	sadd.s32 s0, s9;
	[dreg:$0x1b] =	wrdreg s13  }
0x14: {  	s9 =	sadd.s32 s2, s9;
	[dreg:$0x1c] =	wrdreg s11;
	s14 =	smul.u32 $0x2800, s15  }
0x15: {  	s11 =	sshrl.u32 s26, $0x2;
	s26 =	sadd.s32 s0, s8;
	[dreg:$0x15] =	wrdreg s12  }
0x16: {  	s8 =	sadd.s32 s2, s8;
	s15 =	simm.s32 $0x12;
	[dreg:$0x16] =	wrdreg s9  }
0x17: {  	s9 =	sadd.s32 s2, s29;
	s12 =	sadd.s32 s25, s23;
	[dreg:$0x1f] =	wrdreg s26  }
0x18: {  	s11 =	sadd.s32 s11, s3;
	[smem:$0x7FA] =	sst s8;
	s5 =	sshrl.u32 s5, $0x3  }
0x19: {  	s8 =	simm.s32 $0x11;
	s26 =	simm.s32 $0xE;
	[dreg:$0x18] =	wrdreg s9  }
0x1a: {  	s9 =	sshll.u32 s10, $0x4;
	s10 =	sshll.u32 s10, $0x7;
	s5 =	sadd.s32 s7, s5  }
0x1b: {  	[dreg:$0x1d] =	wrdreg s11;
	s18 =	sadd.s32 $0xB0, s9;
	s5 =	sadd.s32 $0x25800, s5  }
0x1c: {  	s12 =	sand.u32 $0x380, s12;
	s19 =	sadd.s32 s18, s2;
	[smem:$0x7FC] =	sst s5  }
0x1d: {  	s21 =	sadd.s32 $0xA0, s9;
	s20 =	sadd.s32 s18, s0;
	[dreg:$0x4] =	wrdreg s19  }
0x1e: {  	s10 =	sadd.s32 $0x400, s10;
	s22 =	sadd.s32 s21, s2;
	[dreg:$0x5] =	wrdreg s20  }
0x1f: {  	s28 =	sadd.s32 $0x90, s9;
	s24 =	sadd.s32 s21, s0;
	[dreg:$0x6] =	wrdreg s22  }
0x20: {  	s16 =	sadd.s32 $0x70, s9;
	s29 =	sadd.s32 s28, s2;
	[dreg:$0x7] =	wrdreg s24  }
0x21: {  	s23 =	sadd.s32 $0x50, s9;
	s31 =	sadd.s32 s28, s0;
	[dreg:$0x8] =	wrdreg s29  }
0x22: {  	s10 =	sand.u32 $0x1FFC00, s10;
	s18 =	sadd.s32 s16, s2;
	[dreg:$0x9] =	wrdreg s31  }
0x23: {  	s25 =	sadd.s32 s23, s2;
	s5 =	simm.s32 $0x0;
	[dreg:$0xc] =	wrdreg s18  }
0x24: {  	s10 =	sor.u32 s12, s10;
	s19 =	sadd.s32 s16, s0;
	[dreg:$0x10] =	wrdreg s25  }
0x25: {  	s20 =	sadd.s32 $0x60, s9;
	s24 =	sadd.s32 $0x12C000, s3;
	[dreg:$0xd] =	wrdreg s19  }
0x26: {  	s12 =	sadd.s32 s14, s17;
	s29 =	sadd.s32 s23, s0;
	[dreg:$0x1e] =	wrdreg s24  }
0x27: {  	s9 =	sadd.s32 $0x40, s9;
	s31 =	smax.u32 s6, $0x1;
	[dreg:$0x11] =	wrdreg s29  }
0x28: {  	s16 =	simm.s32 $0x100;
	s21 =	sadd.s32 s20, s2;
	[smem:$0x7FD] =	sst s31  }
0x29: {  	s25 =	simm.s32 $0x2;
	s22 =	sadd.s32 s20, s0;
	[dreg:$0xe] =	wrdreg s21  }
0x2a: {  	s10 =	sshrl.u32 s10, $0x3;
	s28 =	sadd.s32 s7, s12;
	[dreg:$0xf] =	wrdreg s22  }
0x2b: {  	s14 =	simm.s32 $0x3;
	s13 =	sadd.s32 s10, s2;
	[smem:$0x7FB] =	sst s28  }
0x2c: {  	s20 =	simm.s32 $0x13;
	s10 =	sadd.s32 s10, s0;
	[dreg:$0xa] =	wrdreg s13  }
0x2d: {  	s24 =	simm.s32 $0x14;
	s2 =	sadd.s32 s9, s2;
	[dreg:$0xb] =	wrdreg s10  }
0x2e: {  	s0 =	sadd.s32 s9, s0;
	s9 =	simm.s32 $0x80;
	[dreg:$0x12] =	wrdreg s2  }
0x2f: {  	[dreg:$0x13] =	wrdreg s0;
	s13 =	simm.s32 $0x1;
	s10 =	simm.s32 $0x15  }
.LBB2_1:
0x30: {  	[smem:$0x7F6] =	sst s5  }
0x31: {  	s0 =	rddreg [dreg:$0x15]  }
0x32: {  	[tilespmem:s4], [sflag:$0x1] =	stream.linear.gather [hbm4b:s0+s4], $0x80, $0x38;
	[tilespmem:$0x1E080] =	vst v63  }
0x33: {  	s11 =	rddreg [dreg:$0x16];
	s6 =	simm.s32 $0x400  }
0x34: {  	[tilespmem:s6], [sflag:$0x9] =	stream.linear.gather [hbm4b:s11+s4], $0x80, $0x38;
	[tilespmem:$0x1E080] =	vst v63  }
0x35: {  	s12 =	rddreg [dreg:$0x17]  }
0x36: {  	[tilespmem:s9], [sflag:$0x2] =	stream.linear.gather [hbm4b:s12+s4], $0x80, $0x38;
	[tilespmem:$0x1E080] =	vst v63  }
0x37: {  	s17 =	rddreg [dreg:$0x18];
	s11 =	simm.s32 $0x480  }
0x38: {  	[tilespmem:s11], [sflag:$0xA] =	stream.linear.gather [hbm4b:s17+s4], $0x80, $0x38;
	[tilespmem:$0x1E080] =	vst v63  }
0x39: {  	s18 =	rddreg [dreg:$0x19]  }
0x3a: {  	[tilespmem:s16], [sflag:$0x3] =	stream.linear.gather [hbm4b:s18+s4], $0x80, $0x38;
	[tilespmem:$0x1E080] =	vst v63  }
0x3b: {  	s19 =	rddreg [dreg:$0x1a];
	s17 =	simm.s32 $0x500  }
0x3c: {  	[tilespmem:s17], [sflag:$0xB] =	stream.linear.gather [hbm4b:s19+s4], $0x80, $0x38;
	[tilespmem:$0x1E080] =	vst v63  }
0x3d: {  	s21 =	rddreg [dreg:$0x1b];
	s2 =	simm.s32 $0x180  }
0x3e: {  	[tilespmem:s2], [sflag:$0x4] =	stream.linear.gather [hbm4b:s21+s4], $0x80, $0x38;
	[tilespmem:$0x1E080] =	vst v63  }
0x3f: {  	s22 =	rddreg [dreg:$0x1c];
	s21 =	simm.s32 $0x580  }
0x40: {  	[tilespmem:s21], [sflag:$0xC] =	stream.linear.gather [hbm4b:s22+s4], $0x80, $0x38;
	[tilespmem:$0x1E080] =	vst v63  }
0x41: {  	_ =	swait.ge [sflag:s13], $0x80  }
0x42: {  	[sflag:s13] =	ssyncset.done $0x0  }
0x43: {  	s2 =	simm.s32 $0x800;
	[sflag:s13] =	ssyncadd.s32 $0xFFFFFF80  }
0x44: {  	[tilespmem:s2], [sflag:$0x11] =	stream.indirect.gather [hbm4b:s1+s30], $0x80, s4, s30, $0xb8;
	[tilespmem:$0x1E080] =	vst v63  }
0x45: {  	_ =	swait.ge [sflag:s25], $0x80  }
0x46: {  	[sflag:s25] =	ssyncset.done $0x0  }
0x47: {  	s7 =	simm.s32 $0x3000;
	[sflag:s25] =	ssyncadd.s32 $0xFFFFFF80  }
0x48: {  	[tilespmem:s7], [sflag:$0x12] =	stream.indirect.gather [hbm4b:s1+s30], $0x80, s9, s30, $0xb8;
	[tilespmem:$0x1E080] =	vst v63  }
0x49: {  	_ =	swait.ge [sflag:s14], $0x80  }
0x4a: {  	s12 =	simm.s32 $0x5800;
	[sflag:s14] =	ssyncset.done $0x0;
	s0 =	rddreg [dreg:$0x1e]  }
0x4b: {  	s29 =	rddreg [dreg:$0x14];
	[sflag:s14] =	ssyncadd.s32 $0xFFFFFF80;
	s0 =	sshrl.u32 @p0 s0, $0x3  }
0x4c: {  	[tilespmem:s12], [sflag:$0x13] =	stream.indirect.gather [hbm4b:s1+s30], $0x80, s16, s30, $0xb8;
	[tilespmem:$0x1E080] =	vst v63  }
0x4d: {  	s13 =	simm.s32 @p0 $0x1FD5;
	[smem:$0x7F7] =	sst s0  }
0x4e: {  	[spmem:s0], [sflag:s13] =	dma.local @p0 [hbm:s29], $0x1900  }
0x4f: {  	s13 =	simm.s32 @p0 $0x15  }
0x50: {  	s0 =	stileid.u32;
	_ =	swait.ge @p0 [sflag:s13], $0x1900  }
0x51: {  	s28 =	sshll.u32 @!p0 s0, $0x6;
	[sflag:s13] =	ssyncset.done @p0 $0x0  }
0x52: {  	s0 =	rddreg [dreg:$0x1d];
	[sflag:s13] =	ssyncadd.s32 @p0 $0xFFFFE700;
	s13 =	sor.u32 @!p0 $0x1C15, s28  }
0x53: {  	s0 =	sshrl.u32 @!p0 s0, $0x3;
	[smem:$0x7F8] =	sst s13  }
0x54: {  	[smem:$0x7F9] =	sst s0  }
0x55: {  	[spmem:s0], [sflag:s13] =	dma.local @!p0 [hbm:s29], $0x2800  }
0x56: {  	s13 =	simm.s32 @!p0 $0x15  }
0x57: {  	_ =	swait.ge @!p0 [sflag:s13], $0x2800  }
0x58: {  	[sflag:s13] =	ssyncset.done @!p0 $0x0  }
0x59: {  	[sflag:s13] =	ssyncadd.s32 @!p0 $0xFFFFD800  }
0x5a: {  	[bflag:$0x0] =	sbarrier.arrive $0xFFFF  }
0x5b: {  	_ =	swait.ge [sflag:s8], $0x2800  }
0x5c: {  	[sflag:s8] =	ssyncset.done $0x0  }
0x5d: {  	s23 =	simm.s32 $0x9;
	[sflag:s8] =	ssyncadd.s32 $0xFFFFD800  }
0x5e: {  	_ =	swait.ge [sflag:s23], $0x80  }
0x5f: {  	[sflag:s23] =	ssyncset.done $0x0  }
0x60: {  	[sflag:s23] =	ssyncadd.s32 $0xFFFFFF80  }
0x61: {  	[spmem:s3] =	stream.indirect.scatter.add.f32 [tilespmem:s2], [sflag:$0x15], $0x80, s6, s30, $0xb8;
	[tilespmem:$0x1E080] =	vst v63  }
0x62: {  	_ =	swait.ge [sflag:s10], $0x2800  }
0x63: {  	[sflag:s10] =	ssyncset.done $0x0  }
0x64: {  	s29 =	simm.s32 $0x4;
	[sflag:s10] =	ssyncadd.s32 $0xFFFFD800  }
0x65: {  	_ =	swait.ge [sflag:s29], $0x80  }
0x66: {  	s18 =	simm.s32 $0x180;
	[sflag:s29] =	ssyncset.done $0x0  }
0x67: {  	s19 =	simm.s32 $0x8000;
	s31 =	rddreg [dreg:$0x13];
	[sflag:s29] =	ssyncadd.s32 $0xFFFFFF80  }
0x68: {  	[tilespmem:s19], [sflag:$0x14] =	stream.indirect.gather [hbm4b:s1+s30], $0x80, s18, s30, $0xb8;
	[tilespmem:$0x1E080] =	vst v63  }
0x69: {  	s22 =	simm.s32 $0x200;
	s28 =	rddreg [dreg:$0x12];
	s13 =	sadd.s32 $0x0, s31  }
0x6a: {  	[tilespmem:s22], [sflag:$0x5] =	stream.linear.gather [hbm4b:s13+s4], $0x80, $0x38;
	[tilespmem:$0x1E080] =	vst v63  }
0x6b: {  	s23 =	sadd.s32 $0x0, s28;
	s18 =	simm.s32 $0x600  }
0x6c: {  	[tilespmem:s18], [sflag:$0xD] =	stream.linear.gather [hbm4b:s23+s4], $0x80, $0x38;
	[tilespmem:$0x1E080] =	vst v63  }
0x6d: {  	_ =	swait.ge [sflag:s15], $0x2800  }
0x6e: {  	[sflag:s15] =	ssyncset.done $0x0  }
0x6f: {  	s29 =	simm.s32 $0xA;
	[sflag:s15] =	ssyncadd.s32 $0xFFFFD800  }
0x70: {  	_ =	swait.ge [sflag:s29], $0x80  }
0x71: {  	[sflag:s29] =	ssyncset.done $0x0  }
0x72: {  	[sflag:s29] =	ssyncadd.s32 $0xFFFFFF80  }
0x73: {  	[spmem:s3] =	stream.indirect.scatter.add.f32 [tilespmem:s7], [sflag:$0x15], $0x80, s11, s30, $0xb8;
	[tilespmem:$0x1E080] =	vst v63  }
0x74: {  	_ =	swait.ge [sflag:s10], $0x2800  }
0x75: {  	[sflag:s10] =	ssyncset.done $0x0  }
0x76: {  	s28 =	simm.s32 $0x5;
	[sflag:s10] =	ssyncadd.s32 $0xFFFFD800  }
0x77: {  	_ =	swait.ge [sflag:s28], $0x80  }
0x78: {  	[sflag:s28] =	ssyncset.done $0x0  }
0x79: {  	s31 =	rddreg [dreg:$0x11];
	[sflag:s28] =	ssyncadd.s32 $0xFFFFFF80  }
0x7a: {  	[tilespmem:s2], [sflag:$0x11] =	stream.indirect.gather [hbm4b:s1+s30], $0x80, s22, s30, $0xb8;
	[tilespmem:$0x1E080] =	vst v63  }
0x7b: {  	s28 =	rddreg [dreg:$0x10];
	s13 =	sadd.s32 $0x0, s31;
	s22 =	simm.s32 $0x280  }
0x7c: {  	[tilespmem:s22], [sflag:$0x6] =	stream.linear.gather [hbm4b:s13+s4], $0x80, $0x38;
	[tilespmem:$0x1E080] =	vst v63  }
0x7d: {  	s29 =	simm.s32 $0x680;
	s0 =	sadd.s32 $0x0, s28  }
0x7e: {  	[tilespmem:s29], [sflag:$0xE] =	stream.linear.gather [hbm4b:s0+s4], $0x80, $0x38;
	[tilespmem:$0x1E080] =	vst v63  }
0x7f: {  	_ =	swait.ge [sflag:s20], $0x2800  }
0x80: {  	[sflag:s20] =	ssyncset.done $0x0  }
0x81: {  	s13 =	simm.s32 $0xB;
	[sflag:s20] =	ssyncadd.s32 $0xFFFFD800  }
0x82: {  	_ =	swait.ge [sflag:s13], $0x80  }
0x83: {  	[sflag:s13] =	ssyncset.done $0x0  }
0x84: {  	[sflag:s13] =	ssyncadd.s32 $0xFFFFFF80  }
0x85: {  	[spmem:s3] =	stream.indirect.scatter.add.f32 [tilespmem:s12], [sflag:$0x15], $0x80, s17, s30, $0xb8;
	[tilespmem:$0x1E080] =	vst v63  }
0x86: {  	_ =	swait.ge [sflag:s10], $0x2800  }
0x87: {  	[sflag:s10] =	ssyncset.done $0x0  }
0x88: {  	s23 =	simm.s32 $0x6;
	[sflag:s10] =	ssyncadd.s32 $0xFFFFD800  }
0x89: {  	_ =	swait.ge [sflag:s23], $0x80  }
0x8a: {  	[sflag:s23] =	ssyncset.done $0x0  }
0x8b: {  	s31 =	rddreg [dreg:$0xf];
	[sflag:s23] =	ssyncadd.s32 $0xFFFFFF80  }
0x8c: {  	[tilespmem:s7], [sflag:$0x12] =	stream.indirect.gather [hbm4b:s1+s30], $0x80, s22, s30, $0xb8;
	[tilespmem:$0x1E080] =	vst v63  }
0x8d: {  	s28 =	rddreg [dreg:$0xe];
	s13 =	sadd.s32 $0x0, s31;
	s23 =	simm.s32 $0x300  }
0x8e: {  	[tilespmem:s23], [sflag:$0x7] =	stream.linear.gather [hbm4b:s13+s4], $0x80, $0x38;
	[tilespmem:$0x1E080] =	vst v63  }
0x8f: {  	s0 =	sadd.s32 $0x0, s28;
	s31 =	simm.s32 $0x700  }
0x90: {  	[tilespmem:s31], [sflag:$0xF] =	stream.linear.gather [hbm4b:s0+s4], $0x80, $0x38;
	[tilespmem:$0x1E080] =	vst v63  }
0x91: {  	_ =	swait.ge [sflag:s24], $0x2800  }
0x92: {  	[sflag:s24] =	ssyncset.done $0x0  }
0x93: {  	s13 =	simm.s32 $0xC;
	[sflag:s24] =	ssyncadd.s32 $0xFFFFD800  }
0x94: {  	_ =	swait.ge [sflag:s13], $0x80  }
0x95: {  	[sflag:s13] =	ssyncset.done $0x0  }
0x96: {  	[sflag:s13] =	ssyncadd.s32 $0xFFFFFF80  }
0x97: {  	[spmem:s3] =	stream.indirect.scatter.add.f32 [tilespmem:s19], [sflag:$0x15], $0x80, s21, s30, $0xb8;
	[tilespmem:$0x1E080] =	vst v63  }
0x98: {  	_ =	swait.ge [sflag:s10], $0x2800  }
0x99: {  	[sflag:s10] =	ssyncset.done $0x0  }
0x9a: {  	s21 =	simm.s32 $0x7;
	[sflag:s10] =	ssyncadd.s32 $0xFFFFD800  }
0x9b: {  	_ =	swait.ge [sflag:s21], $0x80  }
0x9c: {  	[sflag:s21] =	ssyncset.done $0x0  }
0x9d: {  	s22 =	rddreg [dreg:$0xd];
	[sflag:s21] =	ssyncadd.s32 $0xFFFFFF80  }
0x9e: {  	[tilespmem:s12], [sflag:$0x13] =	stream.indirect.gather [hbm4b:s1+s30], $0x80, s23, s30, $0xb8;
	[tilespmem:$0x1E080] =	vst v63  }
0x9f: {  	s28 =	rddreg [dreg:$0xc];
	s13 =	sadd.s32 $0x0, s22;
	s21 =	simm.s32 $0x380  }
0xa0: {  	[tilespmem:s21], [sflag:$0x8] =	stream.linear.gather [hbm4b:s13+s4], $0x80, $0x38;
	[tilespmem:$0x1E080] =	vst v63  }
0xa1: {  	s0 =	sadd.s32 $0x0, s28;
	s22 =	simm.s32 $0x780  }
0xa2: {  	[tilespmem:s22], [sflag:$0x10] =	stream.linear.gather [hbm4b:s0+s4], $0x80, $0x38;
	[tilespmem:$0x1E080] =	vst v63  }
0xa3: {  	_ =	swait.ge [sflag:s8], $0x2800  }
0xa4: {  	[sflag:s8] =	ssyncset.done $0x0  }
0xa5: {  	s13 =	simm.s32 $0xD;
	[sflag:s8] =	ssyncadd.s32 $0xFFFFD800  }
0xa6: {  	_ =	swait.ge [sflag:s13], $0x80  }
0xa7: {  	[sflag:s13] =	ssyncset.done $0x0  }
0xa8: {  	[sflag:s13] =	ssyncadd.s32 $0xFFFFFF80  }
0xa9: {  	[spmem:s3] =	stream.indirect.scatter.add.f32 [tilespmem:s2], [sflag:$0x15], $0x80, s18, s30, $0xb8;
	[tilespmem:$0x1E080] =	vst v63  }
0xaa: {  	_ =	swait.ge [sflag:s10], $0x2800  }
0xab: {  	[sflag:s10] =	ssyncset.done $0x0  }
0xac: {  	s23 =	simm.s32 $0x8;
	[sflag:s10] =	ssyncadd.s32 $0xFFFFD800  }
0xad: {  	_ =	swait.ge [sflag:s23], $0x80  }
0xae: {  	[sflag:s23] =	ssyncset.done $0x0  }
0xaf: {  	s18 =	rddreg [dreg:$0xb];
	[sflag:s23] =	ssyncadd.s32 $0xFFFFFF80  }
0xb0: {  	[tilespmem:s19], [sflag:$0x14] =	stream.indirect.gather [hbm4b:s1+s30], $0x80, s21, s30, $0xb8;
	[tilespmem:$0x1E080] =	vst v63  }
0xb1: {  	s28 =	rddreg [dreg:$0xa];
	s13 =	sadd.s32 $0x0, s18  }
0xb2: {  	[tilespmem:s4], [sflag:$0x1] =	stream.linear.gather [hbm4b:s13+s4], $0x80, $0x38;
	[tilespmem:$0x1E080] =	vst v63  }
0xb3: {  	s0 =	sadd.s32 $0x0, s28  }
0xb4: {  	[tilespmem:s6], [sflag:$0x9] =	stream.linear.gather [hbm4b:s0+s4], $0x80, $0x38;
	[tilespmem:$0x1E080] =	vst v63  }
0xb5: {  	_ =	swait.ge [sflag:s15], $0x2800  }
0xb6: {  	[sflag:s15] =	ssyncset.done $0x0  }
0xb7: {  	[sflag:s15] =	ssyncadd.s32 $0xFFFFD800  }
0xb8: {  	_ =	swait.ge [sflag:s26], $0x80  }
0xb9: {  	[sflag:s26] =	ssyncset.done $0x0  }
0xba: {  	[sflag:s26] =	ssyncadd.s32 $0xFFFFFF80  }
0xbb: {  	[spmem:s3] =	stream.indirect.scatter.add.f32 [tilespmem:s7], [sflag:$0x15], $0x80, s29, s30, $0xb8;
	[tilespmem:$0x1E080] =	vst v63  }
0xbc: {  	_ =	swait.ge [sflag:s10], $0x2800  }
0xbd: {  	[sflag:s10] =	ssyncset.done $0x0  }
0xbe: {  	s14 =	simm.s32 $0x1;
	[sflag:s10] =	ssyncadd.s32 $0xFFFFD800  }
0xbf: {  	_ =	swait.ge [sflag:s14], $0x80  }
0xc0: {  	[sflag:s14] =	ssyncset.done $0x0  }
0xc1: {  	s6 =	rddreg [dreg:$0x9];
	[sflag:s14] =	ssyncadd.s32 $0xFFFFFF80  }
0xc2: {  	[tilespmem:s2], [sflag:$0x11] =	stream.indirect.gather [hbm4b:s1+s30], $0x80, s4, s30, $0xb8;
	[tilespmem:$0x1E080] =	vst v63  }
0xc3: {  	s28 =	rddreg [dreg:$0x8];
	s13 =	sadd.s32 $0x0, s6  }
0xc4: {  	[tilespmem:s9], [sflag:$0x2] =	stream.linear.gather [hbm4b:s13+s4], $0x80, $0x38;
	[tilespmem:$0x1E080] =	vst v63  }
0xc5: {  	s14 =	sadd.s32 $0x0, s28  }
0xc6: {  	[tilespmem:s11], [sflag:$0xA] =	stream.linear.gather [hbm4b:s14+s4], $0x80, $0x38;
	[tilespmem:$0x1E080] =	vst v63  }
0xc7: {  	_ =	swait.ge [sflag:s20], $0x2800  }
0xc8: {  	[sflag:s20] =	ssyncset.done $0x0  }
0xc9: {  	s14 =	simm.s32 $0xF;
	[sflag:s20] =	ssyncadd.s32 $0xFFFFD800  }
0xca: {  	_ =	swait.ge [sflag:s14], $0x80  }
0xcb: {  	[sflag:s14] =	ssyncset.done $0x0  }
0xcc: {  	[sflag:s14] =	ssyncadd.s32 $0xFFFFFF80  }
0xcd: {  	[spmem:s3] =	stream.indirect.scatter.add.f32 [tilespmem:s12], [sflag:$0x15], $0x80, s31, s30, $0xb8;
	[tilespmem:$0x1E080] =	vst v63  }
0xce: {  	_ =	swait.ge [sflag:s10], $0x2800  }
0xcf: {  	[sflag:s10] =	ssyncset.done $0x0  }
0xd0: {  	s25 =	simm.s32 $0x2;
	[sflag:s10] =	ssyncadd.s32 $0xFFFFD800  }
0xd1: {  	_ =	swait.ge [sflag:s25], $0x80  }
0xd2: {  	[sflag:s25] =	ssyncset.done $0x0  }
0xd3: {  	s18 =	rddreg [dreg:$0x7];
	[sflag:s25] =	ssyncadd.s32 $0xFFFFFF80  }
0xd4: {  	[tilespmem:s7], [sflag:$0x12] =	stream.indirect.gather [hbm4b:s1+s30], $0x80, s9, s30, $0xb8;
	[tilespmem:$0x1E080] =	vst v63  }
0xd5: {  	s28 =	rddreg [dreg:$0x6];
	s13 =	sadd.s32 $0x0, s18  }
0xd6: {  	[tilespmem:s16], [sflag:$0x3] =	stream.linear.gather [hbm4b:s13+s4], $0x80, $0x38;
	[tilespmem:$0x1E080] =	vst v63  }
0xd7: {  	s21 =	sadd.s32 $0x0, s28  }
0xd8: {  	[tilespmem:s17], [sflag:$0xB] =	stream.linear.gather [hbm4b:s21+s4], $0x80, $0x38;
	[tilespmem:$0x1E080] =	vst v63  }
0xd9: {  	_ =	swait.ge [sflag:s24], $0x2800  }
0xda: {  	[sflag:s24] =	ssyncset.done $0x0  }
0xdb: {  	s25 =	simm.s32 $0x10;
	[sflag:s24] =	ssyncadd.s32 $0xFFFFD800  }
0xdc: {  	_ =	swait.ge [sflag:s25], $0x80  }
0xdd: {  	[sflag:s25] =	ssyncset.done $0x0  }
0xde: {  	[sflag:s25] =	ssyncadd.s32 $0xFFFFFF80  }
0xdf: {  	[spmem:s3] =	stream.indirect.scatter.add.f32 [tilespmem:s19], [sflag:$0x15], $0x80, s22, s30, $0xb8;
	[tilespmem:$0x1E080] =	vst v63  }
0xe0: {  	_ =	swait.ge [sflag:s10], $0x2800  }
0xe1: {  	[sflag:s10] =	ssyncset.done $0x0  }
0xe2: {  	s5 =	simm.s32 $0x3;
	[sflag:s10] =	ssyncadd.s32 $0xFFFFD800  }
0xe3: {  	_ =	swait.ge [sflag:s5], $0x80  }
0xe4: {  	[sflag:s5] =	ssyncset.done $0x0  }
0xe5: {  	s22 =	rddreg [dreg:$0x5];
	[sflag:s5] =	ssyncadd.s32 $0xFFFFFF80  }
0xe6: {  	[tilespmem:s12], [sflag:$0x13] =	stream.indirect.gather [hbm4b:s1+s30], $0x80, s16, s30, $0xb8;
	[tilespmem:$0x1E080] =	vst v63  }
0xe7: {  	s31 =	simm.s32 $0x180;
	s29 =	rddreg [dreg:$0x4];
	s13 =	sadd.s32 $0x0, s22  }
0xe8: {  	[tilespmem:s31], [sflag:$0x4] =	stream.linear.gather [hbm4b:s13+s4], $0x80, $0x38;
	[tilespmem:$0x1E080] =	vst v63  }
0xe9: {  	s28 =	simm.s32 $0x80;
	s13 =	sadd.s32 $0x0, s29  }
.LBB2_2:
0xea: {  	s5 =	simm.s32 $0x580  }
0xeb: {  	[tilespmem:s5], [sflag:$0xC] =	stream.linear.gather [hbm4b:s13+s4], $0x80, $0x38;
	[tilespmem:$0x1E080] =	vst v63  }
0xec: {  	_ =	swait.ge [sflag:s8], $0x2800  }
0xed: {  	[sflag:s8] =	ssyncset.done $0x0  }
0xee: {  	s0 =	simm.s32 $0x9;
	[sflag:s8] =	ssyncadd.s32 $0xFFFFD800  }
0xef: {  	_ =	swait.ge [sflag:s0], $0x80  }
0xf0: {  	[sflag:s0] =	ssyncset.done $0x0  }
0xf1: {  	s6 =	simm.s32 $0x400;
	s2 =	simm.s32 $0x800;
	[sflag:s0] =	ssyncadd.s32 $0xFFFFFF80  }
0xf2: {  	[spmem:s3] =	stream.indirect.scatter.add.f32 [tilespmem:s2], [sflag:$0x15], $0x80, s6, s30, $0xb8;
	[tilespmem:$0x1E080] =	vst v63  }
0xf3: {  	_ =	swait.ge [sflag:s10], $0x2800  }
0xf4: {  	[sflag:s10] =	ssyncset.done $0x0  }
0xf5: {  	s21 =	simm.s32 $0x4;
	[sflag:s10] =	ssyncadd.s32 $0xFFFFD800  }
0xf6: {  	_ =	swait.ge [sflag:s21], $0x80  }
0xf7: {  	s19 =	simm.s32 $0x8000;
	s13 =	smov.u32 s28;
	[sflag:s21] =	ssyncset.done $0x0  }
0xf8: {  	s29 =	rddreg [dreg:$0x13];
	[sflag:s21] =	ssyncadd.s32 $0xFFFFFF80;
	s21 =	simm.s32 $0x180  }
0xf9: {  	[tilespmem:s19], [sflag:$0x14] =	stream.indirect.gather [hbm4b:s1+s30], $0x80, s21, s30, $0xb8;
	[tilespmem:$0x1E080] =	vst v63  }
0xfa: {  	s9 =	simm.s32 $0x200;
	s22 =	rddreg [dreg:$0x12];
	s29 =	sadd.s32 s13, s29  }
0xfb: {  	[tilespmem:s9], [sflag:$0x5] =	stream.linear.gather [hbm4b:s29+s4], $0x80, $0x38;
	[tilespmem:$0x1E080] =	vst v63  }
0xfc: {  	s18 =	simm.s32 $0x600;
	s0 =	sadd.s32 s13, s22  }
0xfd: {  	[tilespmem:s18], [sflag:$0xD] =	stream.linear.gather [hbm4b:s0+s4], $0x80, $0x38;
	[tilespmem:$0x1E080] =	vst v63  }
0xfe: {  	_ =	swait.ge [sflag:s15], $0x2800  }
0xff: {  	[sflag:s15] =	ssyncset.done $0x0  }
0x100: {  	s29 =	simm.s32 $0xA;
	[sflag:s15] =	ssyncadd.s32 $0xFFFFD800  }
0x101: {  	_ =	swait.ge [sflag:s29], $0x80  }
0x102: {  	[sflag:s29] =	ssyncset.done $0x0  }
0x103: {  	s16 =	simm.s32 $0x480;
	s7 =	simm.s32 $0x3000;
	[sflag:s29] =	ssyncadd.s32 $0xFFFFFF80  }
0x104: {  	[spmem:s3] =	stream.indirect.scatter.add.f32 [tilespmem:s7], [sflag:$0x15], $0x80, s16, s30, $0xb8;
	[tilespmem:$0x1E080] =	vst v63  }
0x105: {  	_ =	swait.ge [sflag:s10], $0x2800  }
0x106: {  	[sflag:s10] =	ssyncset.done $0x0  }
0x107: {  	s17 =	simm.s32 $0x5;
	[sflag:s10] =	ssyncadd.s32 $0xFFFFD800  }
0x108: {  	_ =	swait.ge [sflag:s17], $0x80  }
0x109: {  	[sflag:s17] =	ssyncset.done $0x0  }
0x10a: {  	s31 =	rddreg [dreg:$0x11];
	[sflag:s17] =	ssyncadd.s32 $0xFFFFFF80  }
0x10b: {  	[tilespmem:s2], [sflag:$0x11] =	stream.indirect.gather [hbm4b:s1+s30], $0x80, s9, s30, $0xb8;
	[tilespmem:$0x1E080] =	vst v63  }
0x10c: {  	s11 =	rddreg [dreg:$0x10];
	s0 =	sadd.s32 s13, s31;
	s9 =	simm.s32 $0x280  }
0x10d: {  	[tilespmem:s9], [sflag:$0x6] =	stream.linear.gather [hbm4b:s0+s4], $0x80, $0x38;
	[tilespmem:$0x1E080] =	vst v63  }
0x10e: {  	s12 =	sadd.s32 s13, s11;
	s11 =	simm.s32 $0x680  }
0x10f: {  	[tilespmem:s11], [sflag:$0xE] =	stream.linear.gather [hbm4b:s12+s4], $0x80, $0x38;
	[tilespmem:$0x1E080] =	vst v63  }
0x110: {  	_ =	swait.ge [sflag:s20], $0x2800  }
0x111: {  	[sflag:s20] =	ssyncset.done $0x0  }
0x112: {  	s17 =	simm.s32 $0xB;
	[sflag:s20] =	ssyncadd.s32 $0xFFFFD800  }
0x113: {  	_ =	swait.ge [sflag:s17], $0x80  }
0x114: {  	[sflag:s17] =	ssyncset.done $0x0  }
0x115: {  	s12 =	simm.s32 $0x5800;
	[sflag:s17] =	ssyncadd.s32 $0xFFFFFF80;
	s17 =	simm.s32 $0x500  }
0x116: {  	[spmem:s3] =	stream.indirect.scatter.add.f32 [tilespmem:s12], [sflag:$0x15], $0x80, s17, s30, $0xb8;
	[tilespmem:$0x1E080] =	vst v63  }
0x117: {  	_ =	swait.ge [sflag:s10], $0x2800  }
0x118: {  	[sflag:s10] =	ssyncset.done $0x0  }
0x119: {  	s22 =	simm.s32 $0x6;
	[sflag:s10] =	ssyncadd.s32 $0xFFFFD800  }
0x11a: {  	_ =	swait.ge [sflag:s22], $0x80  }
0x11b: {  	[sflag:s22] =	ssyncset.done $0x0  }
0x11c: {  	s31 =	rddreg [dreg:$0xf];
	[sflag:s22] =	ssyncadd.s32 $0xFFFFFF80  }
0x11d: {  	[tilespmem:s7], [sflag:$0x12] =	stream.indirect.gather [hbm4b:s1+s30], $0x80, s9, s30, $0xb8;
	[tilespmem:$0x1E080] =	vst v63  }
0x11e: {  	s22 =	rddreg [dreg:$0xe];
	s0 =	sadd.s32 s13, s31;
	s9 =	simm.s32 $0x300  }
0x11f: {  	[tilespmem:s9], [sflag:$0x7] =	stream.linear.gather [hbm4b:s0+s4], $0x80, $0x38;
	[tilespmem:$0x1E080] =	vst v63  }
0x120: {  	s31 =	simm.s32 $0x700;
	s29 =	sadd.s32 s13, s22  }
0x121: {  	[tilespmem:s31], [sflag:$0xF] =	stream.linear.gather [hbm4b:s29+s4], $0x80, $0x38;
	[tilespmem:$0x1E080] =	vst v63  }
0x122: {  	_ =	swait.ge [sflag:s24], $0x2800  }
0x123: {  	[sflag:s24] =	ssyncset.done $0x0  }
0x124: {  	s22 =	simm.s32 $0xC;
	[sflag:s24] =	ssyncadd.s32 $0xFFFFD800  }
0x125: {  	_ =	swait.ge [sflag:s22], $0x80  }
0x126: {  	[sflag:s22] =	ssyncset.done $0x0  }
0x127: {  	[sflag:s22] =	ssyncadd.s32 $0xFFFFFF80  }
0x128: {  	[spmem:s3] =	stream.indirect.scatter.add.f32 [tilespmem:s19], [sflag:$0x15], $0x80, s5, s30, $0xb8;
	[tilespmem:$0x1E080] =	vst v63  }
0x129: {  	_ =	swait.ge [sflag:s10], $0x2800  }
0x12a: {  	[sflag:s10] =	ssyncset.done $0x0  }
0x12b: {  	s29 =	simm.s32 $0x7;
	[sflag:s10] =	ssyncadd.s32 $0xFFFFD800  }
0x12c: {  	_ =	swait.ge [sflag:s29], $0x80  }
0x12d: {  	[sflag:s29] =	ssyncset.done $0x0  }
0x12e: {  	s0 =	rddreg [dreg:$0xd];
	[sflag:s29] =	ssyncadd.s32 $0xFFFFFF80  }
0x12f: {  	[tilespmem:s12], [sflag:$0x13] =	stream.indirect.gather [hbm4b:s1+s30], $0x80, s9, s30, $0xb8;
	[tilespmem:$0x1E080] =	vst v63  }
0x130: {  	s5 =	simm.s32 $0x380;
	s22 =	rddreg [dreg:$0xc];
	s0 =	sadd.s32 s13, s0  }
0x131: {  	[tilespmem:s5], [sflag:$0x8] =	stream.linear.gather [hbm4b:s0+s4], $0x80, $0x38;
	[tilespmem:$0x1E080] =	vst v63  }
0x132: {  	s9 =	sadd.s32 s13, s22;
	s22 =	simm.s32 $0x780  }
0x133: {  	[tilespmem:s22], [sflag:$0x10] =	stream.linear.gather [hbm4b:s9+s4], $0x80, $0x38;
	[tilespmem:$0x1E080] =	vst v63  }
0x134: {  	_ =	swait.ge [sflag:s8], $0x2800  }
0x135: {  	[sflag:s8] =	ssyncset.done $0x0  }
0x136: {  	s29 =	simm.s32 $0xD;
	[sflag:s8] =	ssyncadd.s32 $0xFFFFD800  }
0x137: {  	_ =	swait.ge [sflag:s29], $0x80  }
0x138: {  	[sflag:s29] =	ssyncset.done $0x0  }
0x139: {  	[sflag:s29] =	ssyncadd.s32 $0xFFFFFF80  }
0x13a: {  	[spmem:s3] =	stream.indirect.scatter.add.f32 [tilespmem:s2], [sflag:$0x15], $0x80, s18, s30, $0xb8;
	[tilespmem:$0x1E080] =	vst v63  }
0x13b: {  	_ =	swait.ge [sflag:s10], $0x2800  }
0x13c: {  	[sflag:s10] =	ssyncset.done $0x0  }
0x13d: {  	[sflag:s10] =	ssyncadd.s32 $0xFFFFD800  }
0x13e: {  	_ =	swait.ge [sflag:s23], $0x80  }
0x13f: {  	[sflag:s23] =	ssyncset.done $0x0  }
0x140: {  	s9 =	rddreg [dreg:$0xb];
	[sflag:s23] =	ssyncadd.s32 $0xFFFFFF80  }
0x141: {  	[tilespmem:s19], [sflag:$0x14] =	stream.indirect.gather [hbm4b:s1+s30], $0x80, s5, s30, $0xb8;
	[tilespmem:$0x1E080] =	vst v63  }
0x142: {  	s18 =	rddreg [dreg:$0xa];
	s0 =	sadd.s32 s13, s9  }
0x143: {  	[tilespmem:s4], [sflag:$0x1] =	stream.linear.gather [hbm4b:s0+s4], $0x80, $0x38;
	[tilespmem:$0x1E080] =	vst v63  }
0x144: {  	s5 =	sadd.s32 s13, s18  }
0x145: {  	[tilespmem:s6], [sflag:$0x9] =	stream.linear.gather [hbm4b:s5+s4], $0x80, $0x38;
	[tilespmem:$0x1E080] =	vst v63  }
0x146: {  	_ =	swait.ge [sflag:s15], $0x2800  }
0x147: {  	[sflag:s15] =	ssyncset.done $0x0  }
0x148: {  	[sflag:s15] =	ssyncadd.s32 $0xFFFFD800  }
0x149: {  	_ =	swait.ge [sflag:s26], $0x80  }
0x14a: {  	[sflag:s26] =	ssyncset.done $0x0  }
0x14b: {  	[sflag:s26] =	ssyncadd.s32 $0xFFFFFF80  }
0x14c: {  	[spmem:s3] =	stream.indirect.scatter.add.f32 [tilespmem:s7], [sflag:$0x15], $0x80, s11, s30, $0xb8;
	[tilespmem:$0x1E080] =	vst v63  }
0x14d: {  	_ =	swait.ge [sflag:s10], $0x2800  }
0x14e: {  	[sflag:s10] =	ssyncset.done $0x0  }
0x14f: {  	s11 =	simm.s32 $0x1;
	[sflag:s10] =	ssyncadd.s32 $0xFFFFD800  }
0x150: {  	_ =	swait.ge [sflag:s11], $0x80  }
0x151: {  	[sflag:s11] =	ssyncset.done $0x0  }
0x152: {  	s18 =	rddreg [dreg:$0x9];
	[sflag:s11] =	ssyncadd.s32 $0xFFFFFF80  }
0x153: {  	[tilespmem:s2], [sflag:$0x11] =	stream.indirect.gather [hbm4b:s1+s30], $0x80, s4, s30, $0xb8;
	[tilespmem:$0x1E080] =	vst v63  }
0x154: {  	s6 =	rddreg [dreg:$0x8];
	s0 =	sadd.s32 s13, s18;
	s11 =	simm.s32 $0x80  }
0x155: {  	[tilespmem:s11], [sflag:$0x2] =	stream.linear.gather [hbm4b:s0+s4], $0x80, $0x38;
	[tilespmem:$0x1E080] =	vst v63  }
0x156: {  	s18 =	sadd.s32 s13, s6  }
0x157: {  	[tilespmem:s16], [sflag:$0xA] =	stream.linear.gather [hbm4b:s18+s4], $0x80, $0x38;
	[tilespmem:$0x1E080] =	vst v63  }
0x158: {  	_ =	swait.ge [sflag:s20], $0x2800  }
0x159: {  	[sflag:s20] =	ssyncset.done $0x0  }
0x15a: {  	[sflag:s20] =	ssyncadd.s32 $0xFFFFD800  }
0x15b: {  	_ =	swait.ge [sflag:s14], $0x80  }
0x15c: {  	[sflag:s14] =	ssyncset.done $0x0  }
0x15d: {  	[sflag:s14] =	ssyncadd.s32 $0xFFFFFF80  }
0x15e: {  	[spmem:s3] =	stream.indirect.scatter.add.f32 [tilespmem:s12], [sflag:$0x15], $0x80, s31, s30, $0xb8;
	[tilespmem:$0x1E080] =	vst v63  }
0x15f: {  	_ =	swait.ge [sflag:s10], $0x2800  }
0x160: {  	[sflag:s10] =	ssyncset.done $0x0  }
0x161: {  	s29 =	simm.s32 $0x2;
	[sflag:s10] =	ssyncadd.s32 $0xFFFFD800  }
0x162: {  	_ =	swait.ge [sflag:s29], $0x80  }
0x163: {  	[sflag:s29] =	ssyncset.done $0x0  }
0x164: {  	s31 =	rddreg [dreg:$0x7];
	[sflag:s29] =	ssyncadd.s32 $0xFFFFFF80  }
0x165: {  	[tilespmem:s7], [sflag:$0x12] =	stream.indirect.gather [hbm4b:s1+s30], $0x80, s11, s30, $0xb8;
	[tilespmem:$0x1E080] =	vst v63  }
0x166: {  	s16 =	simm.s32 $0x100;
	s5 =	rddreg [dreg:$0x6];
	s0 =	sadd.s32 s13, s31  }
0x167: {  	[tilespmem:s16], [sflag:$0x3] =	stream.linear.gather [hbm4b:s0+s4], $0x80, $0x38;
	[tilespmem:$0x1E080] =	vst v63  }
0x168: {  	s11 =	sadd.s32 s13, s5  }
0x169: {  	[tilespmem:s17], [sflag:$0xB] =	stream.linear.gather [hbm4b:s11+s4], $0x80, $0x38;
	[tilespmem:$0x1E080] =	vst v63  }
0x16a: {  	_ =	swait.ge [sflag:s24], $0x2800  }
0x16b: {  	[sflag:s24] =	ssyncset.done $0x0  }
0x16c: {  	[sflag:s24] =	ssyncadd.s32 $0xFFFFD800  }
0x16d: {  	_ =	swait.ge [sflag:s25], $0x80  }
0x16e: {  	[sflag:s25] =	ssyncset.done $0x0  }
0x16f: {  	[sflag:s25] =	ssyncadd.s32 $0xFFFFFF80  }
0x170: {  	[spmem:s3] =	stream.indirect.scatter.add.f32 [tilespmem:s19], [sflag:$0x15], $0x80, s22, s30, $0xb8;
	[tilespmem:$0x1E080] =	vst v63  }
0x171: {  	p1 =	sne.s32 s28, $0x700;
	_ =	swait.ge [sflag:s10], $0x2800  }
0x172: {  	s28 =	sadd.s32 $0x80, s28;
	s9 =	simm.s32 $0x400;
	[sflag:s10] =	ssyncset.done $0x0  }
0x173: {  	s6 =	simm.s32 $0x480;
	s19 =	simm.s32 $0x3;
	[sflag:s10] =	ssyncadd.s32 $0xFFFFD800  }
0x174: {  	s18 =	simm.s32 $0x3000;
	s5 =	simm.s32 $0x500;
	_ =	swait.ge [sflag:s19], $0x80  }
.Ltmp0:
0x175: {  	[sflag:s19] =	ssyncset.done $0x0;
	s22 =	rddreg [dreg:$0x5];
	(pc) =	sbr.rel @p1 .LBB2_2-.Ltmp0, $4  }
0x176: {  	s7 =	simm.s32 $0x5800;
	s31 =	rddreg [dreg:$0x4];
	[sflag:s19] =	ssyncadd.s32 $0xFFFFFF80  }
0x177: {  	[tilespmem:s12], [sflag:$0x13] =	stream.indirect.gather [hbm4b:s1+s30], $0x80, s16, s30, $0xb8;
	[tilespmem:$0x1E080] =	vst v63  }
0x178: {  	s17 =	simm.s32 $0x180;
	s0 =	sadd.s32 s13, s22;
	s13 =	sadd.s32 s13, s31  }
0x179: {  	[tilespmem:s21], [sflag:$0x4] =	stream.linear.gather [hbm4b:s0+s4], $0x80, $0x38;
	[tilespmem:$0x1E080] =	vst v63  }
0x17a: {  	s11 =	simm.s32 $0x580  }
0x17b: {  	[tilespmem:s11], [sflag:$0xC] =	stream.linear.gather [hbm4b:s13+s4], $0x80, $0x38;
	[tilespmem:$0x1E080] =	vst v63  }
0x17c: {  	_ =	swait.ge [sflag:s8], $0x2800  }
0x17d: {  	[sflag:s8] =	ssyncset.done $0x0  }
0x17e: {  	s0 =	simm.s32 $0x9;
	[sflag:s8] =	ssyncadd.s32 $0xFFFFD800  }
0x17f: {  	_ =	swait.ge [sflag:s0], $0x80  }
0x180: {  	[sflag:s0] =	ssyncset.done $0x0  }
0x181: {  	s2 =	simm.s32 $0x800;
	[sflag:s0] =	ssyncadd.s32 $0xFFFFFF80  }
0x182: {  	[spmem:s3] =	stream.indirect.scatter.add.f32 [tilespmem:s2], [sflag:$0x15], $0x80, s9, s30, $0xb8;
	[tilespmem:$0x1E080] =	vst v63  }
0x183: {  	_ =	swait.ge [sflag:s10], $0x2800  }
0x184: {  	[sflag:s10] =	ssyncset.done $0x0  }
0x185: {  	s12 =	simm.s32 $0x4;
	[sflag:s10] =	ssyncadd.s32 $0xFFFFD800  }
0x186: {  	_ =	swait.ge [sflag:s12], $0x80  }
0x187: {  	[sflag:s12] =	ssyncset.done $0x0  }
0x188: {  	s13 =	rddreg [dreg:$0x1f];
	[sflag:s12] =	ssyncadd.s32 $0xFFFFFF80;
	s12 =	simm.s32 $0x8000  }
0x189: {  	[tilespmem:s12], [sflag:$0x14] =	stream.indirect.gather [hbm4b:s1+s30], $0x80, s17, s30, $0xb8;
	[tilespmem:$0x1E080] =	vst v63  }
0x18a: {  	s14 =	simm.s32 $0x200;
	s17 =	sld [smem:$0x7FA]  }
0x18b: {  	[tilespmem:s14], [sflag:$0x5] =	stream.linear.gather [hbm4b:s13+s4], $0x80, $0x38;
	[tilespmem:$0x1E080] =	vst v63  }
0x18c: {  	s19 =	simm.s32 $0x600  }
0x18d: {  	[tilespmem:s19], [sflag:$0xD] =	stream.linear.gather [hbm4b:s17+s4], $0x80, $0x38;
	[tilespmem:$0x1E080] =	vst v63  }
0x18e: {  	_ =	swait.ge [sflag:s15], $0x2800  }
0x18f: {  	[sflag:s15] =	ssyncset.done $0x0  }
0x190: {  	s21 =	simm.s32 $0xA;
	[sflag:s15] =	ssyncadd.s32 $0xFFFFD800  }
0x191: {  	_ =	swait.ge [sflag:s21], $0x80  }
0x192: {  	[sflag:s21] =	ssyncset.done $0x0  }
0x193: {  	[sflag:s21] =	ssyncadd.s32 $0xFFFFFF80  }
0x194: {  	[spmem:s3] =	stream.indirect.scatter.add.f32 [tilespmem:s18], [sflag:$0x15], $0x80, s6, s30, $0xb8;
	[tilespmem:$0x1E080] =	vst v63  }
0x195: {  	_ =	swait.ge [sflag:s10], $0x2800  }
0x196: {  	[sflag:s10] =	ssyncset.done $0x0  }
0x197: {  	s22 =	simm.s32 $0x5;
	[sflag:s10] =	ssyncadd.s32 $0xFFFFD800  }
0x198: {  	_ =	swait.ge [sflag:s22], $0x80  }
0x199: {  	[sflag:s22] =	ssyncset.done $0x0  }
0x19a: {  	[sflag:s22] =	ssyncadd.s32 $0xFFFFFF80  }
0x19b: {  	[tilespmem:s2], [sflag:$0x11] =	stream.indirect.gather [hbm4b:s1+s30], $0x80, s14, s30, $0xb8;
	[tilespmem:$0x1E080] =	vst v63  }
0x19c: {  	_ =	swait.ge [sflag:s20], $0x2800  }
0x19d: {  	[sflag:s20] =	ssyncset.done $0x0  }
0x19e: {  	s23 =	simm.s32 $0xB;
	[sflag:s20] =	ssyncadd.s32 $0xFFFFD800  }
0x19f: {  	_ =	swait.ge [sflag:s23], $0x80  }
0x1a0: {  	[sflag:s23] =	ssyncset.done $0x0  }
0x1a1: {  	[sflag:s23] =	ssyncadd.s32 $0xFFFFFF80  }
0x1a2: {  	[spmem:s3] =	stream.indirect.scatter.add.f32 [tilespmem:s7], [sflag:$0x15], $0x80, s5, s30, $0xb8;
	[tilespmem:$0x1E080] =	vst v63  }
0x1a3: {  	_ =	swait.ge [sflag:s10], $0x2800  }
0x1a4: {  	[sflag:s10] =	ssyncset.done $0x0  }
0x1a5: {  	[sflag:s10] =	ssyncadd.s32 $0xFFFFD800  }
0x1a6: {  	_ =	swait.ge [sflag:s24], $0x2800  }
0x1a7: {  	[sflag:s24] =	ssyncset.done $0x0  }
0x1a8: {  	s25 =	simm.s32 $0xC;
	[sflag:s24] =	ssyncadd.s32 $0xFFFFD800  }
0x1a9: {  	_ =	swait.ge [sflag:s25], $0x80  }
0x1aa: {  	[sflag:s25] =	ssyncset.done $0x0  }
0x1ab: {  	[sflag:s25] =	ssyncadd.s32 $0xFFFFFF80  }
0x1ac: {  	[spmem:s3] =	stream.indirect.scatter.add.f32 [tilespmem:s12], [sflag:$0x15], $0x80, s11, s30, $0xb8;
	[tilespmem:$0x1E080] =	vst v63  }
0x1ad: {  	_ =	swait.ge [sflag:s10], $0x2800  }
0x1ae: {  	[sflag:s10] =	ssyncset.done $0x0  }
0x1af: {  	[sflag:s10] =	ssyncadd.s32 $0xFFFFD800  }
0x1b0: {  	_ =	swait.ge [sflag:s8], $0x2800  }
0x1b1: {  	[sflag:s8] =	ssyncset.done $0x0  }
0x1b2: {  	s28 =	simm.s32 $0xD;
	[sflag:s8] =	ssyncadd.s32 $0xFFFFD800  }
0x1b3: {  	_ =	swait.ge [sflag:s28], $0x80  }
0x1b4: {  	[sflag:s28] =	ssyncset.done $0x0  }
0x1b5: {  	[sflag:s28] =	ssyncadd.s32 $0xFFFFFF80  }
0x1b6: {  	[spmem:s3] =	stream.indirect.scatter.add.f32 [tilespmem:s2], [sflag:$0x15], $0x80, s19, s30, $0xb8;
	[tilespmem:$0x1E080] =	vst v63  }
0x1b7: {  	_ =	swait.ge [sflag:s10], $0x2800  }
0x1b8: {  	[sflag:s10] =	ssyncset.done $0x0  }
0x1b9: {  	[sflag:s10] =	ssyncadd.s32 $0xFFFFD800  }
0x1ba: {  	[bflag:$0x0] =	sbarrier.arrive $0xFFFF  }
0x1bb: {  	s13 =	sld [smem:$0x7FC]  }
0x1bc: {  	s5 =	sld [smem:$0x7F7];
	_ =	sdelay $0x1  }
0x1bd: {  	s0 =	simm.s32 @p0 $0x1FD5  }
0x1be: {  	[hbm:s13], [sflag:s0] =	dma.local @p0 [spmem:s5], $0x1900  }
0x1bf: {  	s0 =	simm.s32 @p0 $0x15  }
0x1c0: {  	_ =	swait.ge @p0 [sflag:s0], $0x1900  }
0x1c1: {  	s5 =	sld [smem:$0x7F8]  }
0x1c2: {  	[sflag:s0] =	ssyncset.done @p0 $0x0;
	s6 =	sld [smem:$0x7F9]  }
0x1c3: {  	[sflag:s0] =	ssyncadd.s32 @p0 $0xFFFFE700;
	s0 =	sld [smem:$0x7FB];
	_ =	sdelay $0x2  }
0x1c4: {  	[hbm:s0], [sflag:s5] =	dma.local @!p0 [spmem:s6], $0x2800  }
0x1c5: {  	s0 =	simm.s32 @!p0 $0x15  }
0x1c6: {  	_ =	swait.ge @!p0 [sflag:s0], $0x2800  }
0x1c7: {  	s29 =	sld [smem:$0x7F6]  }
0x1c8: {  	s31 =	sld [smem:$0x7FD];
	_ =	sdelay $0x1  }
0x1c9: {  	s5 =	sadd.s32 $0x1, s29  }
0x1ca: {  	p1 =	sne.s32 s5, s31  }
.Ltmp1:
0x1cb: {  	_ = 	snop;
	(pc) =	sbr.rel @p1 .LBB2_1-.Ltmp1, $3  }
0x1cc: {  	_ =	sdelay $0x1  }
0x1cd: {  	s9 =	simm.s32 $0x80;
	s14 =	simm.s32 $0x3;
	[sflag:s0] =	ssyncset.done @!p0 $0x0  }
0x1ce: {  	s25 =	simm.s32 $0x2;
	s13 =	simm.s32 $0x1;
	[sflag:s0] =	ssyncadd.s32 @!p0 $0xFFFFD800  }
0x1cf: {  	_ =	sfence.sel $0x180000  }
0x1d0: {  	[bflag:$0x0] =	sbarrier.arrive $0xFFFF  }
0x1d1: {  	_ =	strace $0x90000047  }
0x1d2: {  	s0 =	stileid.u32;
	[bflag:$0x2] =	sbarrier.arrive $0xFFFF  }
0x1d3: {  	p0 =	sne.s32 s0, $0x0;
	s0 =	rddreg [dreg:$0x3]  }
0x1d4: {  	s0 =	sadd.s32 @!p0 $0x100000, s0  }
0x1d5: {  	[sflag:s0] =	ssyncadd.tile.s32 @!p0 $0x1;
	_ =	shalt  }
.Lfunc_end2:
_tile_overlayer_lowered:
.L_overlay_start_2:
0x1d6: {  	(tag) =	ssettag $0x2  }
0x1d7: {  	s0 =	rddreg [dreg:$0x0];
	s2 =	stileid.u32  }
0x1d8: {  	s1 =	rddreg [dreg:$0x1];
	p0 =	sne.s32 s2, $0x0  }
0x1d9: {  	s3 =	rddreg [dreg:$0x2];
	[bflag:$0x3] =	sbarrier.arrive $0xFFFF;
	s2 =	simm.s32 @!p0 $0x1C15  }
0x1da: {  	[timem:s3], [sflag:s2] =	dma.local @!p0 [hbm:s0], s1  }
0x1db: {  	s0 =	simm.s32 @!p0 $0x15  }
0x1dc: {  	_ =	swait.ge @!p0 [sflag:s0], s1  }
0x1dd: {  	s1 =	ssub.s32 @!p0 $0x0, s1;
	[sflag:s0] =	ssyncset.done @!p0 $0x0  }
0x1de: {  	[sflag:s0] =	ssyncadd.s32 @!p0 s1  }
0x1df: {  	[bflag:$0x3] =	sbarrier.arrive $0xFFFF  }
0x1e0: {  	_ =	shalt  }

</sc_bundles>
